<compile_context>
chip_gen: v7x
topology: tpu7x:2x2x1
jax: 0.10.2.dev20260603
libtpu: 0.0.44.dev20260713+nightly
codegen_flags: <defaults>
</compile_context>

<pallas_src>
import functools

import jax
import jax.numpy as jnp
from jax import lax
from jax.experimental import pallas as pl
from jax.experimental.pallas import tpu as pltpu
from jax.experimental.pallas import tpu_sc as plsc

N = 10000
NPAD = 10240
E = 320000
D = 128
NC = 2
NS = 16
NW = NC * NS
EPW = E // NW
K = 80
G = EPW // K
RPT = NPAD // NS
BS = 1024
LP = 56
SPW = BS // NW
ZERO_ROW = 10200
BR = 1024

_mesh = plsc.VectorSubcoreMesh(core_axis_name="c", subcore_axis_name="s",
                               num_cores=NC, num_subcores=NS)


def _wid():
    return lax.axis_index("s") * NC + lax.axis_index("c")


def _fill_rows(ref, nrows, width, value):
    vecs = width // 16
    val = jnp.full((16,), value, jnp.float32)

    def body(i, _):
        r = i // vecs
        c = i % vecs
        ref[r, pl.ds(c * 16, 16)] = val
        return 0

    lax.fori_loop(0, nrows * vecs, body, 0)


DW = 128


@functools.partial(
    pl.kernel,
    out_type=jax.ShapeDtypeStruct((NC, NPAD, DW), jnp.float32),
    mesh=_mesh,
    scratch_types=[
        pltpu.VMEM((G, K), jnp.int32),
        pltpu.VMEM((K, DW), jnp.float32),
        pltpu.VMEM_SHARED((NPAD, DW), jnp.float32),
    ],
)
def _deg_kernel(dst_hbm, degp_hbm, dbig, ones_v, acc):
    cid = lax.axis_index("c")
    sid = lax.axis_index("s")
    wid = _wid()

    _fill_rows(ones_v, K, DW, 0.0)
    for j in range(RPT // K):
        pltpu.sync_copy(ones_v, acc.at[pl.ds(sid * RPT + j * K, K)])
    plsc.subcore_barrier()
    _fill_rows(ones_v, K, DW, 1.0)
    pltpu.sync_copy(dst_hbm.at[wid], dbig)

    def body(g, _):
        pltpu.sync_copy(ones_v, acc.at[dbig.at[g]], add=True)
        return 0

    lax.fori_loop(0, G, body, 0)
    plsc.subcore_barrier()
    pltpu.sync_copy(acc.at[pl.ds(sid * RPT, RPT)],
                    degp_hbm.at[cid, pl.ds(sid * RPT, RPT)])


@functools.partial(
    pl.kernel,
    out_type=jax.ShapeDtypeStruct((NC, NPAD, D), jnp.float32),
    mesh=_mesh,
    scratch_types=[
        pltpu.VMEM((K,), jnp.int32),
        pltpu.VMEM((K,), jnp.int32),
        pltpu.VMEM((G, K), jnp.int32),
        pltpu.VMEM((K, D), jnp.float32),
        pltpu.VMEM((K, D), jnp.float32),
        pltpu.VMEM_SHARED((NPAD, D), jnp.float32),
        pltpu.SemaphoreType.DMA,
        pltpu.SemaphoreType.DMA,
    ],
)
def _edge_kernel(src_hbm, dst_hbm, u_hbm, accp_hbm,
                 sA, sB, dbig, rA, rB, acc, semA, semB):
    cid = lax.axis_index("c")
    sid = lax.axis_index("s")
    wid = _wid()

    _fill_rows(rA, K, D, 0.0)
    for j in range(RPT // K):
        pltpu.sync_copy(rA.at[pl.ds(0, K)],
                        acc.at[pl.ds(sid * RPT + j * K, K)])
    plsc.subcore_barrier()
    pltpu.sync_copy(dst_hbm.at[wid], dbig)

    def start(s, sbuf, rbuf, sem):
        pltpu.sync_copy(src_hbm.at[wid, s], sbuf)
        pltpu.async_copy(u_hbm.at[sbuf], rbuf, sem)

    def finish(s, sbuf, rbuf, sem):
        pltpu.make_async_copy(u_hbm.at[sbuf], rbuf, sem).wait()
        pltpu.sync_copy(rbuf, acc.at[dbig.at[s]], add=True)

    start(0, sA, rA, semA)

    def body(i, _):
        gB = 2 * i + 1

        @pl.when(gB < G)
        def _():
            start(gB, sB, rB, semB)

        finish(2 * i, sA, rA, semA)

        @pl.when(2 * i + 2 < G)
        def _():
            start(2 * i + 2, sA, rA, semA)

        @pl.when(gB < G)
        def _():
            finish(gB, sB, rB, semB)

        return 0

    lax.fori_loop(0, (G + 1) // 2, body, 0)
    plsc.subcore_barrier()
    pltpu.sync_copy(acc.at[pl.ds(sid * RPT, RPT)],
                    accp_hbm.at[cid, pl.ds(sid * RPT, RPT)])


SI = BS * LP

SPS = 2
SK = SPS * LP
SIPW = SI // NW
SG = SIPW // SK
VPR = D // 16


@functools.partial(
    pl.kernel,
    out_type=jax.ShapeDtypeStruct((BS, D), jnp.float32),
    mesh=_mesh,
    scratch_types=[
        pltpu.VMEM((SG, SK), jnp.int32),
        pltpu.VMEM((SK, D), jnp.float32),
        pltpu.VMEM((SK, D), jnp.float32),
        pltpu.VMEM((SPW, D), jnp.float32),
        pltpu.SemaphoreType.DMA,
        pltpu.SemaphoreType.DMA,
    ],
)
def _sent_kernel(sidx_hbm, h2_hbm, out_hbm, ibig, rA, rB, res, semA, semB):
    wid = _wid()
    obase = wid * SPW
    pltpu.sync_copy(sidx_hbm.at[wid], ibig)

    def start(s, rbuf, sem):
        pltpu.async_copy(h2_hbm.at[ibig.at[s]], rbuf, sem)

    def finish(s, rbuf, sem):
        pltpu.make_async_copy(h2_hbm.at[ibig.at[s]], rbuf, sem).wait()
        for j in range(SPS):
            def body(r, carry):
                return tuple(carry[c] + rbuf[j * LP + r, pl.ds(c * 16, 16)]
                             for c in range(VPR))
            acc = lax.fori_loop(
                0, 50, body,
                tuple(jnp.zeros((16,), jnp.float32) for _ in range(VPR)))
            for c in range(VPR):
                res[s * SPS + j, pl.ds(c * 16, 16)] = acc[c]

    start(0, rA, semA)

    def body(i, _):
        sB = 2 * i + 1

        @pl.when(sB < SG)
        def _():
            start(sB, rB, semB)

        finish(2 * i, rA, semA)

        @pl.when(2 * i + 2 < SG)
        def _():
            start(2 * i + 2, rA, semA)

        @pl.when(sB < SG)
        def _():
            finish(sB, rB, semB)

        return 0

    lax.fori_loop(0, (SG + 1) // 2, body, 0)
    pltpu.sync_copy(res, out_hbm.at[pl.ds(obase, SPW)])


def _dinv_block(degp, i):
    deg = 1.0 + jnp.sum(degp, axis=0)[:, :1]
    dinv = lax.rsqrt(deg)
    rid = i * BR + lax.broadcasted_iota(jnp.int32, (BR, 1), 0)
    return jnp.where(rid < N, dinv, 0.0)


def _tc1_body(degp_ref, x_ref, u_ref):
    dinv = _dinv_block(degp_ref[...], pl.program_id(0))
    u_ref[...] = x_ref[...] * dinv


def _tc2_body(degp_ref, accp_ref, u1_ref, w1_ref, b1_ref, w2_ref, u2_ref):
    dinv = _dinv_block(degp_ref[...], pl.program_id(0))
    px = (accp_ref[0] + accp_ref[1] + u1_ref[...]) * dinv
    h1 = jax.nn.relu(
        jnp.dot(px, w1_ref[...], preferred_element_type=jnp.float32)
        + b1_ref[...])
    g = jnp.dot(h1, w2_ref[...], preferred_element_type=jnp.float32)
    u2_ref[...] = g * dinv


def _tc3_body(degp_ref, accp_ref, u2_ref, h2_ref):
    dinv = _dinv_block(degp_ref[...], pl.program_id(0))
    h2_ref[...] = (accp_ref[0] + accp_ref[1] + u2_ref[...]) * dinv


def _tc4_body(sent_ref, b2_ref, wf1_ref, bf1_ref, wf2_ref, bf2_ref,
              wf3_ref, bf3_ref, out_ref):
    s = sent_ref[...] + 50.0 * b2_ref[...]
    o1 = jax.nn.relu(
        jnp.dot(s, wf1_ref[...], preferred_element_type=jnp.float32)
        + bf1_ref[...])
    o2 = jax.nn.relu(
        jnp.dot(o1, wf2_ref[...], preferred_element_type=jnp.float32)
        + bf2_ref[...])
    out_ref[...] = (
        jnp.dot(o2, wf3_ref[...], preferred_element_type=jnp.float32)
        + bf3_ref[...])


def _row_grid_call(body, in_specs_extra, out_width, *args):
    grid = (NPAD // BR,)
    degp_spec = pl.BlockSpec((NC, BR, DW), lambda i: (0, i, 0))
    return pl.pallas_call(
        body,
        grid=grid,
        in_specs=[degp_spec] + in_specs_extra,
        out_specs=pl.BlockSpec((BR, out_width), lambda i: (i, 0)),
        out_shape=jax.ShapeDtypeStruct((NPAD, out_width), jnp.float32),
    )(*args)


_ROWS = pl.BlockSpec((BR, D), lambda i: (i, 0))
_ACCP = pl.BlockSpec((NC, BR, D), lambda i: (0, i, 0))


def _full(shape):
    return pl.BlockSpec(shape, lambda i: tuple(0 for _ in shape))


def kernel(sentence, x, edge_index, W1, b1, W2, b2,
           Wf1, bf1, Wf2, bf2, Wf3, bf3):
    f32 = jnp.float32
    src = edge_index[0].reshape(NW, G, K)
    dst = edge_index[1].reshape(NW, G, K)
    xp = jnp.zeros((NPAD, D), f32).at[:N].set(x)

    degp = _deg_kernel(dst)
    u1 = _row_grid_call(_tc1_body, [_ROWS], D, degp, xp)
    accp1 = _edge_kernel(src, dst, u1)
    u2 = _row_grid_call(
        _tc2_body,
        [_ACCP, _ROWS, _full((D, 256)), _full((1, 256)), _full((256, D))],
        D, degp, accp1, u1, W1, b1.reshape(1, -1), W2)
    accp2 = _edge_kernel(src, dst, u2)
    h2 = _row_grid_call(_tc3_body, [_ACCP, _ROWS], D,
                        degp, accp2, u2)

    padv = (N + jnp.arange(SI, dtype=jnp.int32) % (NPAD - N)).reshape(BS, LP)
    real = jnp.pad(sentence.astype(jnp.int32),
                   ((0, 0), (0, LP - sentence.shape[1])))
    sentp = jnp.where(jnp.arange(LP) < sentence.shape[1], real,
                      padv).reshape(NW, SG, SK)
    sent = _sent_kernel(sentp, h2)

    wf3p = jnp.zeros((D, 128), f32).at[:, :2].set(Wf3)
    bf3p = jnp.zeros((1, 128), f32).at[0, :2].set(bf3)
    outp = pl.pallas_call(
        _tc4_body,
        grid=(1,),
        in_specs=[_full((BS, D)), _full((1, D)), _full((D, 256)),
                  _full((1, 256)), _full((256, D)), _full((1, D)),
                  _full((D, 128)), _full((1, 128))],
        out_specs=_full((BS, 128)),
        out_shape=jax.ShapeDtypeStruct((BS, 128), f32),
    )(sent, b2.reshape(1, -1), Wf1, bf1.reshape(1, -1), Wf2,
      bf2.reshape(1, -1), wf3p, bf3p)
    return outp[:, :2]

# --- scband reference (transcript-rebuilt; emitter-appended) ---
"""Pipeline reference for scband-gcn-20426864460528 (READ-ONLY COPY).

The authoritative reference and input builder live on the scoring server;
editing this copy changes nothing except your own understanding.
"""

import jax, jax.numpy as jnp
import numpy as np

N_NODES = 10000
N_EDGES = 320000
IN_FEATS = 128
HIDDEN = 256
B = 1024
L = 50


def gcn_conv(x, edge_index, W, b):
    # GCNConv: h = D^{-1/2} (A + I) D^{-1/2} (x W) + b
    n = x.shape[0]
    loop = jnp.arange(n, dtype=edge_index.dtype)
    src = jnp.concatenate([edge_index[0], loop])
    dst = jnp.concatenate([edge_index[1], loop])
    h = x @ W
    ones = jnp.ones(src.shape[0], dtype=x.dtype)
    deg = jax.ops.segment_sum(ones, dst, num_segments=n)
    dinv = jnp.where(deg > 0, jax.lax.rsqrt(jnp.maximum(deg, 1e-12)), 0.0)
    norm = dinv[src] * dinv[dst]
    msgs = h[src] * norm[:, None]
    out = jax.ops.segment_sum(msgs, dst, num_segments=n)
    return out + b


def setup_inputs(seed: int = 0) -> dict:
    key = jax.random.key(seed)
    ks = jax.random.split(key, 16)
    x = jax.random.normal(ks[0], (N_NODES, IN_FEATS), dtype=jnp.float32)
    edge_index = jax.random.randint(ks[1], (2, N_EDGES), 0, N_NODES, dtype=jnp.int32)
    sentence = jax.random.randint(ks[2], (B, L), 0, N_NODES, dtype=jnp.int32)

    def glorot(k, fan_in, fan_out):
        lim = float(np.sqrt(6.0 / (fan_in + fan_out)))
        return jax.random.uniform(k, (fan_in, fan_out), dtype=jnp.float32, minval=-lim, maxval=lim)

    W1 = glorot(ks[3], IN_FEATS, HIDDEN)
    b1 = jnp.zeros((HIDDEN,), dtype=jnp.float32)
    W2 = glorot(ks[4], HIDDEN, IN_FEATS)
    b2 = jnp.zeros((IN_FEATS,), dtype=jnp.float32)
    Wf1 = glorot(ks[5], IN_FEATS, 256)
    bf1 = jnp.zeros((256,), dtype=jnp.float32)
    Wf2 = glorot(ks[6], 256, 128)
    bf2 = jnp.zeros((128,), dtype=jnp.float32)
    Wf3 = glorot(ks[7], 128, 2)
    bf3 = jnp.zeros((2,), dtype=jnp.float32)
    return {"sentence": sentence, "x": x, "edge_index": edge_index,
            "W1": W1, "b1": b1, "W2": W2, "b2": b2,
            "Wf1": Wf1, "bf1": bf1, "Wf2": Wf2, "bf2": bf2,
            "Wf3": Wf3, "bf3": bf3}


def reference(sentence, x, edge_index, W1, b1, W2, b2, Wf1, bf1, Wf2, bf2, Wf3, bf3):
    # dropout layers are identity in eval mode (training=False)
    h = jax.nn.relu(gcn_conv(x, edge_index, W1, b1))
    h = gcn_conv(h, edge_index, W2, b2)
    sent_emd = h[sentence]              # [B, L, in_feats] gather
    sent_emd = jnp.sum(sent_emd, axis=1)  # [B, in_feats]
    h1 = jax.nn.relu(sent_emd @ Wf1 + bf1)
    h2 = jax.nn.relu(h1 @ Wf2 + bf2)
    h3 = h2 @ Wf3 + bf3
    return h3

if __name__ == "__main__":
    import jax
    _d = setup_inputs()
    print(jax.jit(kernel)(*tuple(_d.values())))

</pallas_src>

<mosaic_0001>
#map = affine_map<(d0, d1) -> (0, 0, 0)>
#map1 = affine_map<(d0, d1) -> (0, 0)>
module attributes {stable_mosaic.version = 14 : i64} {
  func.func @_edge_kernel(%arg0: i32, %arg1: i32, %arg2: memref<32x125x80xi32, #tpu.memory_space<hbm>>, %arg3: memref<32x125x80xi32, #tpu.memory_space<hbm>>, %arg4: memref<10240x128xf32, #tpu.memory_space<hbm>>, %arg5: memref<2x10240x128xf32, #tpu.memory_space<hbm>>, %arg6: memref<80xi32, #tpu.memory_space<vmem>>, %arg7: memref<80xi32, #tpu.memory_space<vmem>>, %arg8: memref<125x80xi32, #tpu.memory_space<vmem>>, %arg9: memref<80x128xf32, #tpu.memory_space<vmem>>, %arg10: memref<80x128xf32, #tpu.memory_space<vmem>>, %arg11: memref<10240x128xf32, #tpu.memory_space<vmem_shared>>, %arg12: memref<!tpu.dma_semaphore, #tpu.memory_space<semaphore_mem>>, %arg13: memref<!tpu.dma_semaphore, #tpu.memory_space<semaphore_mem>>) attributes {dimension_semantics = [#tpu.dimension_semantics<core_parallel>, #tpu.dimension_semantics<subcore_parallel>], iteration_bounds = array<i64: 2, 16>, scalar_prefetch = 0 : i64, scratch_operands = 8 : i64, tpu.core_type = #tpu.core_type<sc_vector_subcore>, window_params = [{transform_indices = #map}, {transform_indices = #map}, {transform_indices = #map1}, {transform_indices = #map}]} {
    %mul3A = arith.constant 2 : i32
    %mul3A_0 = arith.muli %arg1, %mul3A : i32
    %add3A = arith.addi %mul3A_0, %arg0 : i32
    %broadcast_in_dim3A = arith.constant 0.000000e+00 : f32
    %broadcast_in_dim3A_1 = vector.broadcast %broadcast_in_dim3A : f32 to vector<16xf32>
    %scan3A = arith.constant 0 : i32
    %scan3A_2 = arith.constant 0 : i32
    %scan3A_3 = arith.constant 640 : i32
    %scan3A_4 = arith.addi %scan3A_2, %scan3A_3 : i32
    %scan3A_5 = arith.constant 1 : i32
    %scan3A_6 = scf.for %scan3A_54 = %scan3A_2 to %scan3A_4 step %scan3A_5 iter_args(%scan3A_55 = %scan3A) -> (i32)  : i32 {
      %jit3A = arith.constant 8 : i32
      %div3A = arith.divsi %scan3A_54, %jit3A : i32
      %sign3A = arith.constant 0 : i32
      %sign3A_56 = arith.cmpi sgt, %scan3A_54, %sign3A : i32
      %sign3A_57 = arith.extui %sign3A_56 : i1 to i32
      %sign3A_58 = arith.constant 0 : i32
      %sign3A_59 = arith.cmpi slt, %scan3A_54, %sign3A_58 : i32
      %sign3A_60 = arith.extui %sign3A_59 : i1 to i32
      %sign3A_61 = arith.subi %sign3A_57, %sign3A_60 : i32
      %sign3A_62 = arith.constant 0 : i32
      %sign3A_63 = arith.cmpi sgt, %jit3A, %sign3A_62 : i32
      %sign3A_64 = arith.extui %sign3A_63 : i1 to i32
      %sign3A_65 = arith.constant 0 : i32
      %sign3A_66 = arith.cmpi slt, %jit3A, %sign3A_65 : i32
      %sign3A_67 = arith.extui %sign3A_66 : i1 to i32
      %sign3A_68 = arith.subi %sign3A_64, %sign3A_67 : i32
      %ne3A = arith.cmpi ne, %sign3A_61, %sign3A_68 : i32
      %rem3A = arith.remsi %scan3A_54, %jit3A : i32
      %ne3A_69 = arith.constant 0 : i32
      %ne3A_70 = arith.cmpi ne, %rem3A, %ne3A_69 : i32
      %and3A = arith.andi %ne3A, %ne3A_70 : i1
      %sub3A = arith.constant 1 : i32
      %sub3A_71 = arith.subi %div3A, %sub3A : i32
      %select_n3A = arith.select %and3A, %sub3A_71, %div3A : i32
      %jit3A_72 = arith.constant 8 : i32
      %eq3A = arith.constant 0 : i32
      %eq3A_73 = arith.cmpi eq, %jit3A_72, %eq3A : i32
      %jit3A_74 = arith.constant 1 : i32
      %select_n3A_75 = arith.select %eq3A_73, %jit3A_74, %jit3A_72 : i32
      %rem3A_76 = arith.remsi %scan3A_54, %select_n3A_75 : i32
      %ne3A_77 = arith.constant 0 : i32
      %ne3A_78 = arith.cmpi ne, %rem3A_76, %ne3A_77 : i32
      %lt3A = arith.constant 0 : i32
      %lt3A_79 = arith.cmpi slt, %rem3A_76, %lt3A : i32
      %lt3A_80 = arith.constant 0 : i32
      %lt3A_81 = arith.cmpi slt, %select_n3A_75, %lt3A_80 : i32
      %ne3A_82 = arith.xori %lt3A_79, %lt3A_81 : i1
      %and3A_83 = arith.andi %ne3A_82, %ne3A_78 : i1
      %add3A_84 = arith.addi %rem3A_76, %select_n3A_75 : i32
      %select_n3A_85 = arith.select %and3A_83, %add3A_84, %rem3A_76 : i32
      %mul3A_86 = arith.constant 16 : i32
      %mul3A_87 = arith.muli %select_n3A_85, %mul3A_86 : i32
      %swap3A = arith.index_cast %select_n3A : i32 to index
      %swap3A_88 = arith.index_cast %mul3A_87 : i32 to index
      %swap3A_89 = tpu.vector_load %arg9[%swap3A, %swap3A_88] {strides = array<i32>} : memref<80x128xf32, #tpu.memory_space<vmem>>, vector<1x16xf32>,
      %swap3A_90 = vector.shape_cast %swap3A_89 : vector<1x16xf32> to vector<16xf32>
      %swap3A_91 = vector.shape_cast %broadcast_in_dim3A_1 : vector<16xf32> to vector<1x16xf32>
      tpu.vector_store %arg9[%swap3A, %swap3A_88], %swap3A_91 {strides = array<i32>} : memref<80x128xf32, #tpu.memory_space<vmem>>, vector<1x16xf32>,
      %scan3A_92 = arith.constant 0 : i32
      scf.yield %scan3A_92 : i32
    }
    %scan3A_7 = arith.constant 640 : i32
    %mul3A_8 = arith.constant 640 : i32
    %mul3A_9 = arith.muli %arg1, %mul3A_8 : i32
    %add3A_10 = arith.constant 0 : i32
    %add3A_11 = arith.addi %mul3A_9, %add3A_10 : i32
    "tpu.region"() ({
      %run_scoped3A_54 = tpu.sem_alloc : memref<!tpu.dma_semaphore, #tpu.memory_space<semaphore_mem>>
      %dma_start3A_55 = arith.constant 0 : i32
      %dma_start3A_56 = arith.constant 0 : i32
      %dma_start3A_57 = tpu.memref_slice %arg9[%dma_start3A_55, %dma_start3A_56] : memref<80x128xf32, #tpu.memory_space<vmem>> -> memref<80x128xf32, #tpu.memory_space<vmem>>
      %dma_start3A_58 = arith.constant 0 : i32
      %dma_start3A_59 = tpu.memref_slice %arg11[%add3A_11, %dma_start3A_58] : memref<10240x128xf32, #tpu.memory_space<vmem_shared>> -> memref<80x128xf32, #tpu.memory_space<vmem_shared>>
      %dma_start3A_60 = arith.constant 0 : i32
      %dma_start3A_61 = tpu.memref_slice %arg11[%add3A_11, %dma_start3A_60] : memref<10240x128xf32, #tpu.memory_space<vmem_shared>> -> memref<80x128xf32, #tpu.memory_space<vmem_shared>>
      %dma_start3A_62 = arith.constant 0 : i32
      %dma_start3A_63 = arith.constant 0 : i32
      %dma_start3A_64 = tpu.memref_slice %arg9[%dma_start3A_62, %dma_start3A_63] : memref<80x128xf32, #tpu.memory_space<vmem>> -> memref<80x128xf32, #tpu.memory_space<vmem>>
      tpu.enqueue_dma source(%dma_start3A_64 : memref<80x128xf32, #tpu.memory_space<vmem>>) target(%dma_start3A_61 : memref<80x128xf32, #tpu.memory_space<vmem_shared>>) target_semaphore(%run_scoped3A_54 : memref<!tpu.dma_semaphore, #tpu.memory_space<semaphore_mem>>)
      %dma_wait3A = arith.constant 0 : i32
      %dma_wait3A_65 = arith.constant 0 : i32
      %dma_wait3A_66 = tpu.memref_slice %arg9[%dma_wait3A, %dma_wait3A_65] : memref<80x128xf32, #tpu.memory_space<vmem>> -> memref<80x128xf32, #tpu.memory_space<vmem>>
      %dma_wait3A_67 = arith.constant 0 : i32
      %dma_wait3A_68 = tpu.memref_slice %arg11[%add3A_11, %dma_wait3A_67] : memref<10240x128xf32, #tpu.memory_space<vmem_shared>> -> memref<80x128xf32, #tpu.memory_space<vmem_shared>>
      %dma_wait3A_69 = arith.constant 0 : i32
      %dma_wait3A_70 = tpu.memref_slice %arg11[%add3A_11, %dma_wait3A_69] : memref<10240x128xf32, #tpu.memory_space<vmem_shared>> -> memref<80x128xf32, #tpu.memory_space<vmem_shared>>
      %dma_wait3A_71 = arith.constant 0 : i32
      %dma_wait3A_72 = arith.constant 0 : i32
      %dma_wait3A_73 = tpu.memref_slice %arg9[%dma_wait3A_71, %dma_wait3A_72] : memref<80x128xf32, #tpu.memory_space<vmem>> -> memref<80x128xf32, #tpu.memory_space<vmem>>
      tpu.wait_dma2 semaphore(%run_scoped3A_54 : memref<!tpu.dma_semaphore, #tpu.memory_space<semaphore_mem>>) src(%dma_wait3A_73 : memref<80x128xf32, #tpu.memory_space<vmem>>) dst(%dma_wait3A_70 : memref<80x128xf32, #tpu.memory_space<vmem_shared>>)
      tpu.yield
    }) : () -> ()
    %mul3A_12 = arith.constant 640 : i32
    %mul3A_13 = arith.muli %arg1, %mul3A_12 : i32
    %add3A_14 = arith.constant 80 : i32
    %add3A_15 = arith.addi %mul3A_13, %add3A_14 : i32
    "tpu.region"() ({
      %run_scoped3A_54 = tpu.sem_alloc : memref<!tpu.dma_semaphore, #tpu.memory_space<semaphore_mem>>
      %dma_start3A_55 = arith.constant 0 : i32
      %dma_start3A_56 = arith.constant 0 : i32
      %dma_start3A_57 = tpu.memref_slice %arg9[%dma_start3A_55, %dma_start3A_56] : memref<80x128xf32, #tpu.memory_space<vmem>> -> memref<80x128xf32, #tpu.memory_space<vmem>>
      %dma_start3A_58 = arith.constant 0 : i32
      %dma_start3A_59 = tpu.memref_slice %arg11[%add3A_15, %dma_start3A_58] : memref<10240x128xf32, #tpu.memory_space<vmem_shared>> -> memref<80x128xf32, #tpu.memory_space<vmem_shared>>
      %dma_start3A_60 = arith.constant 0 : i32
      %dma_start3A_61 = tpu.memref_slice %arg11[%add3A_15, %dma_start3A_60] : memref<10240x128xf32, #tpu.memory_space<vmem_shared>> -> memref<80x128xf32, #tpu.memory_space<vmem_shared>>
      %dma_start3A_62 = arith.constant 0 : i32
      %dma_start3A_63 = arith.constant 0 : i32
      %dma_start3A_64 = tpu.memref_slice %arg9[%dma_start3A_62, %dma_start3A_63] : memref<80x128xf32, #tpu.memory_space<vmem>> -> memref<80x128xf32, #tpu.memory_space<vmem>>
      tpu.enqueue_dma source(%dma_start3A_64 : memref<80x128xf32, #tpu.memory_space<vmem>>) target(%dma_start3A_61 : memref<80x128xf32, #tpu.memory_space<vmem_shared>>) target_semaphore(%run_scoped3A_54 : memref<!tpu.dma_semaphore, #tpu.memory_space<semaphore_mem>>)
      %dma_wait3A = arith.constant 0 : i32
      %dma_wait3A_65 = arith.constant 0 : i32
      %dma_wait3A_66 = tpu.memref_slice %arg9[%dma_wait3A, %dma_wait3A_65] : memref<80x128xf32, #tpu.memory_space<vmem>> -> memref<80x128xf32, #tpu.memory_space<vmem>>
      %dma_wait3A_67 = arith.constant 0 : i32
      %dma_wait3A_68 = tpu.memref_slice %arg11[%add3A_15, %dma_wait3A_67] : memref<10240x128xf32, #tpu.memory_space<vmem_shared>> -> memref<80x128xf32, #tpu.memory_space<vmem_shared>>
      %dma_wait3A_69 = arith.constant 0 : i32
      %dma_wait3A_70 = tpu.memref_slice %arg11[%add3A_15, %dma_wait3A_69] : memref<10240x128xf32, #tpu.memory_space<vmem_shared>> -> memref<80x128xf32, #tpu.memory_space<vmem_shared>>
      %dma_wait3A_71 = arith.constant 0 : i32
      %dma_wait3A_72 = arith.constant 0 : i32
      %dma_wait3A_73 = tpu.memref_slice %arg9[%dma_wait3A_71, %dma_wait3A_72] : memref<80x128xf32, #tpu.memory_space<vmem>> -> memref<80x128xf32, #tpu.memory_space<vmem>>
      tpu.wait_dma2 semaphore(%run_scoped3A_54 : memref<!tpu.dma_semaphore, #tpu.memory_space<semaphore_mem>>) src(%dma_wait3A_73 : memref<80x128xf32, #tpu.memory_space<vmem>>) dst(%dma_wait3A_70 : memref<80x128xf32, #tpu.memory_space<vmem_shared>>)
      tpu.yield
    }) : () -> ()
    %mul3A_16 = arith.constant 640 : i32
    %mul3A_17 = arith.muli %arg1, %mul3A_16 : i32
    %add3A_18 = arith.constant 160 : i32
    %add3A_19 = arith.addi %mul3A_17, %add3A_18 : i32
    "tpu.region"() ({
      %run_scoped3A_54 = tpu.sem_alloc : memref<!tpu.dma_semaphore, #tpu.memory_space<semaphore_mem>>
      %dma_start3A_55 = arith.constant 0 : i32
      %dma_start3A_56 = arith.constant 0 : i32
      %dma_start3A_57 = tpu.memref_slice %arg9[%dma_start3A_55, %dma_start3A_56] : memref<80x128xf32, #tpu.memory_space<vmem>> -> memref<80x128xf32, #tpu.memory_space<vmem>>
      %dma_start3A_58 = arith.constant 0 : i32
      %dma_start3A_59 = tpu.memref_slice %arg11[%add3A_19, %dma_start3A_58] : memref<10240x128xf32, #tpu.memory_space<vmem_shared>> -> memref<80x128xf32, #tpu.memory_space<vmem_shared>>
      %dma_start3A_60 = arith.constant 0 : i32
      %dma_start3A_61 = tpu.memref_slice %arg11[%add3A_19, %dma_start3A_60] : memref<10240x128xf32, #tpu.memory_space<vmem_shared>> -> memref<80x128xf32, #tpu.memory_space<vmem_shared>>
      %dma_start3A_62 = arith.constant 0 : i32
      %dma_start3A_63 = arith.constant 0 : i32
      %dma_start3A_64 = tpu.memref_slice %arg9[%dma_start3A_62, %dma_start3A_63] : memref<80x128xf32, #tpu.memory_space<vmem>> -> memref<80x128xf32, #tpu.memory_space<vmem>>
      tpu.enqueue_dma source(%dma_start3A_64 : memref<80x128xf32, #tpu.memory_space<vmem>>) target(%dma_start3A_61 : memref<80x128xf32, #tpu.memory_space<vmem_shared>>) target_semaphore(%run_scoped3A_54 : memref<!tpu.dma_semaphore, #tpu.memory_space<semaphore_mem>>)
      %dma_wait3A = arith.constant 0 : i32
      %dma_wait3A_65 = arith.constant 0 : i32
      %dma_wait3A_66 = tpu.memref_slice %arg9[%dma_wait3A, %dma_wait3A_65] : memref<80x128xf32, #tpu.memory_space<vmem>> -> memref<80x128xf32, #tpu.memory_space<vmem>>
      %dma_wait3A_67 = arith.constant 0 : i32
      %dma_wait3A_68 = tpu.memref_slice %arg11[%add3A_19, %dma_wait3A_67] : memref<10240x128xf32, #tpu.memory_space<vmem_shared>> -> memref<80x128xf32, #tpu.memory_space<vmem_shared>>
      %dma_wait3A_69 = arith.constant 0 : i32
      %dma_wait3A_70 = tpu.memref_slice %arg11[%add3A_19, %dma_wait3A_69] : memref<10240x128xf32, #tpu.memory_space<vmem_shared>> -> memref<80x128xf32, #tpu.memory_space<vmem_shared>>
      %dma_wait3A_71 = arith.constant 0 : i32
      %dma_wait3A_72 = arith.constant 0 : i32
      %dma_wait3A_73 = tpu.memref_slice %arg9[%dma_wait3A_71, %dma_wait3A_72] : memref<80x128xf32, #tpu.memory_space<vmem>> -> memref<80x128xf32, #tpu.memory_space<vmem>>
      tpu.wait_dma2 semaphore(%run_scoped3A_54 : memref<!tpu.dma_semaphore, #tpu.memory_space<semaphore_mem>>) src(%dma_wait3A_73 : memref<80x128xf32, #tpu.memory_space<vmem>>) dst(%dma_wait3A_70 : memref<80x128xf32, #tpu.memory_space<vmem_shared>>)
      tpu.yield
    }) : () -> ()
    %mul3A_20 = arith.constant 640 : i32
    %mul3A_21 = arith.muli %arg1, %mul3A_20 : i32
    %add3A_22 = arith.constant 240 : i32
    %add3A_23 = arith.addi %mul3A_21, %add3A_22 : i32
    "tpu.region"() ({
      %run_scoped3A_54 = tpu.sem_alloc : memref<!tpu.dma_semaphore, #tpu.memory_space<semaphore_mem>>
      %dma_start3A_55 = arith.constant 0 : i32
      %dma_start3A_56 = arith.constant 0 : i32
      %dma_start3A_57 = tpu.memref_slice %arg9[%dma_start3A_55, %dma_start3A_56] : memref<80x128xf32, #tpu.memory_space<vmem>> -> memref<80x128xf32, #tpu.memory_space<vmem>>
      %dma_start3A_58 = arith.constant 0 : i32
      %dma_start3A_59 = tpu.memref_slice %arg11[%add3A_23, %dma_start3A_58] : memref<10240x128xf32, #tpu.memory_space<vmem_shared>> -> memref<80x128xf32, #tpu.memory_space<vmem_shared>>
      %dma_start3A_60 = arith.constant 0 : i32
      %dma_start3A_61 = tpu.memref_slice %arg11[%add3A_23, %dma_start3A_60] : memref<10240x128xf32, #tpu.memory_space<vmem_shared>> -> memref<80x128xf32, #tpu.memory_space<vmem_shared>>
      %dma_start3A_62 = arith.constant 0 : i32
      %dma_start3A_63 = arith.constant 0 : i32
      %dma_start3A_64 = tpu.memref_slice %arg9[%dma_start3A_62, %dma_start3A_63] : memref<80x128xf32, #tpu.memory_space<vmem>> -> memref<80x128xf32, #tpu.memory_space<vmem>>
      tpu.enqueue_dma source(%dma_start3A_64 : memref<80x128xf32, #tpu.memory_space<vmem>>) target(%dma_start3A_61 : memref<80x128xf32, #tpu.memory_space<vmem_shared>>) target_semaphore(%run_scoped3A_54 : memref<!tpu.dma_semaphore, #tpu.memory_space<semaphore_mem>>)
      %dma_wait3A = arith.constant 0 : i32
      %dma_wait3A_65 = arith.constant 0 : i32
      %dma_wait3A_66 = tpu.memref_slice %arg9[%dma_wait3A, %dma_wait3A_65] : memref<80x128xf32, #tpu.memory_space<vmem>> -> memref<80x128xf32, #tpu.memory_space<vmem>>
      %dma_wait3A_67 = arith.constant 0 : i32
      %dma_wait3A_68 = tpu.memref_slice %arg11[%add3A_23, %dma_wait3A_67] : memref<10240x128xf32, #tpu.memory_space<vmem_shared>> -> memref<80x128xf32, #tpu.memory_space<vmem_shared>>
      %dma_wait3A_69 = arith.constant 0 : i32
      %dma_wait3A_70 = tpu.memref_slice %arg11[%add3A_23, %dma_wait3A_69] : memref<10240x128xf32, #tpu.memory_space<vmem_shared>> -> memref<80x128xf32, #tpu.memory_space<vmem_shared>>
      %dma_wait3A_71 = arith.constant 0 : i32
      %dma_wait3A_72 = arith.constant 0 : i32
      %dma_wait3A_73 = tpu.memref_slice %arg9[%dma_wait3A_71, %dma_wait3A_72] : memref<80x128xf32, #tpu.memory_space<vmem>> -> memref<80x128xf32, #tpu.memory_space<vmem>>
      tpu.wait_dma2 semaphore(%run_scoped3A_54 : memref<!tpu.dma_semaphore, #tpu.memory_space<semaphore_mem>>) src(%dma_wait3A_73 : memref<80x128xf32, #tpu.memory_space<vmem>>) dst(%dma_wait3A_70 : memref<80x128xf32, #tpu.memory_space<vmem_shared>>)
      tpu.yield
    }) : () -> ()
    %mul3A_24 = arith.constant 640 : i32
    %mul3A_25 = arith.muli %arg1, %mul3A_24 : i32
    %add3A_26 = arith.constant 320 : i32
    %add3A_27 = arith.addi %mul3A_25, %add3A_26 : i32
    "tpu.region"() ({
      %run_scoped3A_54 = tpu.sem_alloc : memref<!tpu.dma_semaphore, #tpu.memory_space<semaphore_mem>>
      %dma_start3A_55 = arith.constant 0 : i32
      %dma_start3A_56 = arith.constant 0 : i32
      %dma_start3A_57 = tpu.memref_slice %arg9[%dma_start3A_55, %dma_start3A_56] : memref<80x128xf32, #tpu.memory_space<vmem>> -> memref<80x128xf32, #tpu.memory_space<vmem>>
      %dma_start3A_58 = arith.constant 0 : i32
      %dma_start3A_59 = tpu.memref_slice %arg11[%add3A_27, %dma_start3A_58] : memref<10240x128xf32, #tpu.memory_space<vmem_shared>> -> memref<80x128xf32, #tpu.memory_space<vmem_shared>>
      %dma_start3A_60 = arith.constant 0 : i32
      %dma_start3A_61 = tpu.memref_slice %arg11[%add3A_27, %dma_start3A_60] : memref<10240x128xf32, #tpu.memory_space<vmem_shared>> -> memref<80x128xf32, #tpu.memory_space<vmem_shared>>
      %dma_start3A_62 = arith.constant 0 : i32
      %dma_start3A_63 = arith.constant 0 : i32
      %dma_start3A_64 = tpu.memref_slice %arg9[%dma_start3A_62, %dma_start3A_63] : memref<80x128xf32, #tpu.memory_space<vmem>> -> memref<80x128xf32, #tpu.memory_space<vmem>>
      tpu.enqueue_dma source(%dma_start3A_64 : memref<80x128xf32, #tpu.memory_space<vmem>>) target(%dma_start3A_61 : memref<80x128xf32, #tpu.memory_space<vmem_shared>>) target_semaphore(%run_scoped3A_54 : memref<!tpu.dma_semaphore, #tpu.memory_space<semaphore_mem>>)
      %dma_wait3A = arith.constant 0 : i32
      %dma_wait3A_65 = arith.constant 0 : i32
      %dma_wait3A_66 = tpu.memref_slice %arg9[%dma_wait3A, %dma_wait3A_65] : memref<80x128xf32, #tpu.memory_space<vmem>> -> memref<80x128xf32, #tpu.memory_space<vmem>>
      %dma_wait3A_67 = arith.constant 0 : i32
      %dma_wait3A_68 = tpu.memref_slice %arg11[%add3A_27, %dma_wait3A_67] : memref<10240x128xf32, #tpu.memory_space<vmem_shared>> -> memref<80x128xf32, #tpu.memory_space<vmem_shared>>
      %dma_wait3A_69 = arith.constant 0 : i32
      %dma_wait3A_70 = tpu.memref_slice %arg11[%add3A_27, %dma_wait3A_69] : memref<10240x128xf32, #tpu.memory_space<vmem_shared>> -> memref<80x128xf32, #tpu.memory_space<vmem_shared>>
      %dma_wait3A_71 = arith.constant 0 : i32
      %dma_wait3A_72 = arith.constant 0 : i32
      %dma_wait3A_73 = tpu.memref_slice %arg9[%dma_wait3A_71, %dma_wait3A_72] : memref<80x128xf32, #tpu.memory_space<vmem>> -> memref<80x128xf32, #tpu.memory_space<vmem>>
      tpu.wait_dma2 semaphore(%run_scoped3A_54 : memref<!tpu.dma_semaphore, #tpu.memory_space<semaphore_mem>>) src(%dma_wait3A_73 : memref<80x128xf32, #tpu.memory_space<vmem>>) dst(%dma_wait3A_70 : memref<80x128xf32, #tpu.memory_space<vmem_shared>>)
      tpu.yield
    }) : () -> ()
    %mul3A_28 = arith.constant 640 : i32
    %mul3A_29 = arith.muli %arg1, %mul3A_28 : i32
    %add3A_30 = arith.constant 400 : i32
    %add3A_31 = arith.addi %mul3A_29, %add3A_30 : i32
    "tpu.region"() ({
      %run_scoped3A_54 = tpu.sem_alloc : memref<!tpu.dma_semaphore, #tpu.memory_space<semaphore_mem>>
      %dma_start3A_55 = arith.constant 0 : i32
      %dma_start3A_56 = arith.constant 0 : i32
      %dma_start3A_57 = tpu.memref_slice %arg9[%dma_start3A_55, %dma_start3A_56] : memref<80x128xf32, #tpu.memory_space<vmem>> -> memref<80x128xf32, #tpu.memory_space<vmem>>
      %dma_start3A_58 = arith.constant 0 : i32
      %dma_start3A_59 = tpu.memref_slice %arg11[%add3A_31, %dma_start3A_58] : memref<10240x128xf32, #tpu.memory_space<vmem_shared>> -> memref<80x128xf32, #tpu.memory_space<vmem_shared>>
      %dma_start3A_60 = arith.constant 0 : i32
      %dma_start3A_61 = tpu.memref_slice %arg11[%add3A_31, %dma_start3A_60] : memref<10240x128xf32, #tpu.memory_space<vmem_shared>> -> memref<80x128xf32, #tpu.memory_space<vmem_shared>>
      %dma_start3A_62 = arith.constant 0 : i32
      %dma_start3A_63 = arith.constant 0 : i32
      %dma_start3A_64 = tpu.memref_slice %arg9[%dma_start3A_62, %dma_start3A_63] : memref<80x128xf32, #tpu.memory_space<vmem>> -> memref<80x128xf32, #tpu.memory_space<vmem>>
      tpu.enqueue_dma source(%dma_start3A_64 : memref<80x128xf32, #tpu.memory_space<vmem>>) target(%dma_start3A_61 : memref<80x128xf32, #tpu.memory_space<vmem_shared>>) target_semaphore(%run_scoped3A_54 : memref<!tpu.dma_semaphore, #tpu.memory_space<semaphore_mem>>)
      %dma_wait3A = arith.constant 0 : i32
      %dma_wait3A_65 = arith.constant 0 : i32
      %dma_wait3A_66 = tpu.memref_slice %arg9[%dma_wait3A, %dma_wait3A_65] : memref<80x128xf32, #tpu.memory_space<vmem>> -> memref<80x128xf32, #tpu.memory_space<vmem>>
      %dma_wait3A_67 = arith.constant 0 : i32
      %dma_wait3A_68 = tpu.memref_slice %arg11[%add3A_31, %dma_wait3A_67] : memref<10240x128xf32, #tpu.memory_space<vmem_shared>> -> memref<80x128xf32, #tpu.memory_space<vmem_shared>>
      %dma_wait3A_69 = arith.constant 0 : i32
      %dma_wait3A_70 = tpu.memref_slice %arg11[%add3A_31, %dma_wait3A_69] : memref<10240x128xf32, #tpu.memory_space<vmem_shared>> -> memref<80x128xf32, #tpu.memory_space<vmem_shared>>
      %dma_wait3A_71 = arith.constant 0 : i32
      %dma_wait3A_72 = arith.constant 0 : i32
      %dma_wait3A_73 = tpu.memref_slice %arg9[%dma_wait3A_71, %dma_wait3A_72] : memref<80x128xf32, #tpu.memory_space<vmem>> -> memref<80x128xf32, #tpu.memory_space<vmem>>
      tpu.wait_dma2 semaphore(%run_scoped3A_54 : memref<!tpu.dma_semaphore, #tpu.memory_space<semaphore_mem>>) src(%dma_wait3A_73 : memref<80x128xf32, #tpu.memory_space<vmem>>) dst(%dma_wait3A_70 : memref<80x128xf32, #tpu.memory_space<vmem_shared>>)
      tpu.yield
    }) : () -> ()
    %mul3A_32 = arith.constant 640 : i32
    %mul3A_33 = arith.muli %arg1, %mul3A_32 : i32
    %add3A_34 = arith.constant 480 : i32
    %add3A_35 = arith.addi %mul3A_33, %add3A_34 : i32
    "tpu.region"() ({
      %run_scoped3A_54 = tpu.sem_alloc : memref<!tpu.dma_semaphore, #tpu.memory_space<semaphore_mem>>
      %dma_start3A_55 = arith.constant 0 : i32
      %dma_start3A_56 = arith.constant 0 : i32
      %dma_start3A_57 = tpu.memref_slice %arg9[%dma_start3A_55, %dma_start3A_56] : memref<80x128xf32, #tpu.memory_space<vmem>> -> memref<80x128xf32, #tpu.memory_space<vmem>>
      %dma_start3A_58 = arith.constant 0 : i32
      %dma_start3A_59 = tpu.memref_slice %arg11[%add3A_35, %dma_start3A_58] : memref<10240x128xf32, #tpu.memory_space<vmem_shared>> -> memref<80x128xf32, #tpu.memory_space<vmem_shared>>
      %dma_start3A_60 = arith.constant 0 : i32
      %dma_start3A_61 = tpu.memref_slice %arg11[%add3A_35, %dma_start3A_60] : memref<10240x128xf32, #tpu.memory_space<vmem_shared>> -> memref<80x128xf32, #tpu.memory_space<vmem_shared>>
      %dma_start3A_62 = arith.constant 0 : i32
      %dma_start3A_63 = arith.constant 0 : i32
      %dma_start3A_64 = tpu.memref_slice %arg9[%dma_start3A_62, %dma_start3A_63] : memref<80x128xf32, #tpu.memory_space<vmem>> -> memref<80x128xf32, #tpu.memory_space<vmem>>
      tpu.enqueue_dma source(%dma_start3A_64 : memref<80x128xf32, #tpu.memory_space<vmem>>) target(%dma_start3A_61 : memref<80x128xf32, #tpu.memory_space<vmem_shared>>) target_semaphore(%run_scoped3A_54 : memref<!tpu.dma_semaphore, #tpu.memory_space<semaphore_mem>>)
      %dma_wait3A = arith.constant 0 : i32
      %dma_wait3A_65 = arith.constant 0 : i32
      %dma_wait3A_66 = tpu.memref_slice %arg9[%dma_wait3A, %dma_wait3A_65] : memref<80x128xf32, #tpu.memory_space<vmem>> -> memref<80x128xf32, #tpu.memory_space<vmem>>
      %dma_wait3A_67 = arith.constant 0 : i32
      %dma_wait3A_68 = tpu.memref_slice %arg11[%add3A_35, %dma_wait3A_67] : memref<10240x128xf32, #tpu.memory_space<vmem_shared>> -> memref<80x128xf32, #tpu.memory_space<vmem_shared>>
      %dma_wait3A_69 = arith.constant 0 : i32
      %dma_wait3A_70 = tpu.memref_slice %arg11[%add3A_35, %dma_wait3A_69] : memref<10240x128xf32, #tpu.memory_space<vmem_shared>> -> memref<80x128xf32, #tpu.memory_space<vmem_shared>>
      %dma_wait3A_71 = arith.constant 0 : i32
      %dma_wait3A_72 = arith.constant 0 : i32
      %dma_wait3A_73 = tpu.memref_slice %arg9[%dma_wait3A_71, %dma_wait3A_72] : memref<80x128xf32, #tpu.memory_space<vmem>> -> memref<80x128xf32, #tpu.memory_space<vmem>>
      tpu.wait_dma2 semaphore(%run_scoped3A_54 : memref<!tpu.dma_semaphore, #tpu.memory_space<semaphore_mem>>) src(%dma_wait3A_73 : memref<80x128xf32, #tpu.memory_space<vmem>>) dst(%dma_wait3A_70 : memref<80x128xf32, #tpu.memory_space<vmem_shared>>)
      tpu.yield
    }) : () -> ()
    %mul3A_36 = arith.constant 640 : i32
    %mul3A_37 = arith.muli %arg1, %mul3A_36 : i32
    %add3A_38 = arith.constant 560 : i32
    %add3A_39 = arith.addi %mul3A_37, %add3A_38 : i32
    "tpu.region"() ({
      %run_scoped3A_54 = tpu.sem_alloc : memref<!tpu.dma_semaphore, #tpu.memory_space<semaphore_mem>>
      %dma_start3A_55 = arith.constant 0 : i32
      %dma_start3A_56 = arith.constant 0 : i32
      %dma_start3A_57 = tpu.memref_slice %arg9[%dma_start3A_55, %dma_start3A_56] : memref<80x128xf32, #tpu.memory_space<vmem>> -> memref<80x128xf32, #tpu.memory_space<vmem>>
      %dma_start3A_58 = arith.constant 0 : i32
      %dma_start3A_59 = tpu.memref_slice %arg11[%add3A_39, %dma_start3A_58] : memref<10240x128xf32, #tpu.memory_space<vmem_shared>> -> memref<80x128xf32, #tpu.memory_space<vmem_shared>>
      %dma_start3A_60 = arith.constant 0 : i32
      %dma_start3A_61 = tpu.memref_slice %arg11[%add3A_39, %dma_start3A_60] : memref<10240x128xf32, #tpu.memory_space<vmem_shared>> -> memref<80x128xf32, #tpu.memory_space<vmem_shared>>
      %dma_start3A_62 = arith.constant 0 : i32
      %dma_start3A_63 = arith.constant 0 : i32
      %dma_start3A_64 = tpu.memref_slice %arg9[%dma_start3A_62, %dma_start3A_63] : memref<80x128xf32, #tpu.memory_space<vmem>> -> memref<80x128xf32, #tpu.memory_space<vmem>>
      tpu.enqueue_dma source(%dma_start3A_64 : memref<80x128xf32, #tpu.memory_space<vmem>>) target(%dma_start3A_61 : memref<80x128xf32, #tpu.memory_space<vmem_shared>>) target_semaphore(%run_scoped3A_54 : memref<!tpu.dma_semaphore, #tpu.memory_space<semaphore_mem>>)
      %dma_wait3A = arith.constant 0 : i32
      %dma_wait3A_65 = arith.constant 0 : i32
      %dma_wait3A_66 = tpu.memref_slice %arg9[%dma_wait3A, %dma_wait3A_65] : memref<80x128xf32, #tpu.memory_space<vmem>> -> memref<80x128xf32, #tpu.memory_space<vmem>>
      %dma_wait3A_67 = arith.constant 0 : i32
      %dma_wait3A_68 = tpu.memref_slice %arg11[%add3A_39, %dma_wait3A_67] : memref<10240x128xf32, #tpu.memory_space<vmem_shared>> -> memref<80x128xf32, #tpu.memory_space<vmem_shared>>
      %dma_wait3A_69 = arith.constant 0 : i32
      %dma_wait3A_70 = tpu.memref_slice %arg11[%add3A_39, %dma_wait3A_69] : memref<10240x128xf32, #tpu.memory_space<vmem_shared>> -> memref<80x128xf32, #tpu.memory_space<vmem_shared>>
      %dma_wait3A_71 = arith.constant 0 : i32
      %dma_wait3A_72 = arith.constant 0 : i32
      %dma_wait3A_73 = tpu.memref_slice %arg9[%dma_wait3A_71, %dma_wait3A_72] : memref<80x128xf32, #tpu.memory_space<vmem>> -> memref<80x128xf32, #tpu.memory_space<vmem>>
      tpu.wait_dma2 semaphore(%run_scoped3A_54 : memref<!tpu.dma_semaphore, #tpu.memory_space<semaphore_mem>>) src(%dma_wait3A_73 : memref<80x128xf32, #tpu.memory_space<vmem>>) dst(%dma_wait3A_70 : memref<80x128xf32, #tpu.memory_space<vmem_shared>>)
      tpu.yield
    }) : () -> ()
    %barrier3A = arith.constant 0 : index
    tpu.barrier barrier_id(%barrier3A)
    "tpu.region"() ({
      %run_scoped3A_54 = tpu.sem_alloc : memref<!tpu.dma_semaphore, #tpu.memory_space<semaphore_mem>>
      %dma_start3A_55 = arith.constant 0 : i32
      %dma_start3A_56 = arith.constant 0 : i32
      %dma_start3A_57 = tpu.memref_slice %arg3[%add3A, %dma_start3A_55, %dma_start3A_56] : memref<32x125x80xi32, #tpu.memory_space<hbm>> -> memref<1x125x80xi32, #tpu.memory_space<hbm>>
      %dma_start3A_58 = tpu.memref_squeeze %dma_start3A_57 : memref<1x125x80xi32, #tpu.memory_space<hbm>> -> memref<125x80xi32, #tpu.memory_space<hbm>>
      %dma_start3A_59 = arith.constant 0 : i32
      %dma_start3A_60 = arith.constant 0 : i32
      %dma_start3A_61 = tpu.memref_slice %arg3[%add3A, %dma_start3A_59, %dma_start3A_60] : memref<32x125x80xi32, #tpu.memory_space<hbm>> -> memref<1x125x80xi32, #tpu.memory_space<hbm>>
      %dma_start3A_62 = tpu.memref_squeeze %dma_start3A_61 : memref<1x125x80xi32, #tpu.memory_space<hbm>> -> memref<125x80xi32, #tpu.memory_space<hbm>>
      tpu.enqueue_dma source(%dma_start3A_62 : memref<125x80xi32, #tpu.memory_space<hbm>>) target(%arg8 : memref<125x80xi32, #tpu.memory_space<vmem>>) target_semaphore(%run_scoped3A_54 : memref<!tpu.dma_semaphore, #tpu.memory_space<semaphore_mem>>)
      %dma_wait3A = arith.constant 0 : i32
      %dma_wait3A_63 = arith.constant 0 : i32
      %dma_wait3A_64 = tpu.memref_slice %arg3[%add3A, %dma_wait3A, %dma_wait3A_63] : memref<32x125x80xi32, #tpu.memory_space<hbm>> -> memref<1x125x80xi32, #tpu.memory_space<hbm>>
      %dma_wait3A_65 = tpu.memref_squeeze %dma_wait3A_64 : memref<1x125x80xi32, #tpu.memory_space<hbm>> -> memref<125x80xi32, #tpu.memory_space<hbm>>
      %dma_wait3A_66 = arith.constant 0 : i32
      %dma_wait3A_67 = arith.constant 0 : i32
      %dma_wait3A_68 = tpu.memref_slice %arg3[%add3A, %dma_wait3A_66, %dma_wait3A_67] : memref<32x125x80xi32, #tpu.memory_space<hbm>> -> memref<1x125x80xi32, #tpu.memory_space<hbm>>
      %dma_wait3A_69 = tpu.memref_squeeze %dma_wait3A_68 : memref<1x125x80xi32, #tpu.memory_space<hbm>> -> memref<125x80xi32, #tpu.memory_space<hbm>>
      tpu.wait_dma2 semaphore(%run_scoped3A_54 : memref<!tpu.dma_semaphore, #tpu.memory_space<semaphore_mem>>) src(%dma_wait3A_69 : memref<125x80xi32, #tpu.memory_space<hbm>>) dst(%arg8 : memref<125x80xi32, #tpu.memory_space<vmem>>)
      tpu.yield
    }) : () -> ()
    %run_scoped3A = arith.constant 0 : i32
    "tpu.region"() ({
      %run_scoped3A_54 = tpu.sem_alloc : memref<!tpu.dma_semaphore, #tpu.memory_space<semaphore_mem>>
      %dma_start3A_55 = arith.constant 0 : i32
      %dma_start3A_56 = tpu.memref_slice %arg2[%add3A, %run_scoped3A, %dma_start3A_55] : memref<32x125x80xi32, #tpu.memory_space<hbm>> -> memref<1x1x80xi32, #tpu.memory_space<hbm>>
      %dma_start3A_57 = tpu.memref_squeeze %dma_start3A_56 : memref<1x1x80xi32, #tpu.memory_space<hbm>> -> memref<80xi32, #tpu.memory_space<hbm>>
      %dma_start3A_58 = arith.constant 0 : i32
      %dma_start3A_59 = tpu.memref_slice %arg2[%add3A, %run_scoped3A, %dma_start3A_58] : memref<32x125x80xi32, #tpu.memory_space<hbm>> -> memref<1x1x80xi32, #tpu.memory_space<hbm>>
      %dma_start3A_60 = tpu.memref_squeeze %dma_start3A_59 : memref<1x1x80xi32, #tpu.memory_space<hbm>> -> memref<80xi32, #tpu.memory_space<hbm>>
      tpu.enqueue_dma source(%dma_start3A_60 : memref<80xi32, #tpu.memory_space<hbm>>) target(%arg6 : memref<80xi32, #tpu.memory_space<vmem>>) target_semaphore(%run_scoped3A_54 : memref<!tpu.dma_semaphore, #tpu.memory_space<semaphore_mem>>)
      %dma_wait3A = arith.constant 0 : i32
      %dma_wait3A_61 = tpu.memref_slice %arg2[%add3A, %run_scoped3A, %dma_wait3A] : memref<32x125x80xi32, #tpu.memory_space<hbm>> -> memref<1x1x80xi32, #tpu.memory_space<hbm>>
      %dma_wait3A_62 = tpu.memref_squeeze %dma_wait3A_61 : memref<1x1x80xi32, #tpu.memory_space<hbm>> -> memref<80xi32, #tpu.memory_space<hbm>>
      %dma_wait3A_63 = arith.constant 0 : i32
      %dma_wait3A_64 = tpu.memref_slice %arg2[%add3A, %run_scoped3A, %dma_wait3A_63] : memref<32x125x80xi32, #tpu.memory_space<hbm>> -> memref<1x1x80xi32, #tpu.memory_space<hbm>>
      %dma_wait3A_65 = tpu.memref_squeeze %dma_wait3A_64 : memref<1x1x80xi32, #tpu.memory_space<hbm>> -> memref<80xi32, #tpu.memory_space<hbm>>
      tpu.wait_dma2 semaphore(%run_scoped3A_54 : memref<!tpu.dma_semaphore, #tpu.memory_space<semaphore_mem>>) src(%dma_wait3A_65 : memref<80xi32, #tpu.memory_space<hbm>>) dst(%arg6 : memref<80xi32, #tpu.memory_space<vmem>>)
      tpu.yield
    }) : () -> ()
    %dma_start3A = arith.constant 0 : i32
    %dma_start3A_40 = arith.constant 0 : i32
    %dma_start3A_41 = tpu.memref_slice %arg4[%dma_start3A, %dma_start3A_40] : memref<10240x128xf32, #tpu.memory_space<hbm>> -> memref<10240x128xf32, #tpu.memory_space<hbm>>
    tpu.enqueue_indirect_dma source(%dma_start3A_41 : memref<10240x128xf32, #tpu.memory_space<hbm>>) target(%arg9 : memref<80x128xf32, #tpu.memory_space<vmem>>) offsets(%arg6 : memref<80xi32, #tpu.memory_space<vmem>>) semaphore(%arg12 : memref<!tpu.dma_semaphore, #tpu.memory_space<semaphore_mem>>)
    %scan3A_42 = arith.constant 0 : i32
    %scan3A_43 = arith.constant 0 : i32
    %scan3A_44 = arith.constant 63 : i32
    %scan3A_45 = arith.addi %scan3A_43, %scan3A_44 : i32
    %scan3A_46 = arith.constant 1 : i32
    %scan3A_47 = scf.for %scan3A_54 = %scan3A_43 to %scan3A_45 step %scan3A_46 iter_args(%scan3A_55 = %scan3A_42) -> (i32)  : i32 {
      %mul3A_56 = arith.constant 2 : i32
      %mul3A_57 = arith.muli %mul3A_56, %scan3A_54 : i32
      %add3A_58 = arith.constant 1 : i32
      %add3A_59 = arith.addi %mul3A_57, %add3A_58 : i32
      %lt3A = arith.constant 125 : i32
      %lt3A_60 = arith.cmpi slt, %add3A_59, %lt3A : i32
      %convert_element_type3A = arith.extui %lt3A_60 : i1 to i32
      %cond3A = arith.constant 0 : i32
      %cond3A_61 = arith.cmpi ne, %convert_element_type3A, %cond3A : i32
      scf.if %cond3A_61 {
        "tpu.region"() ({
          %run_scoped3A_84 = tpu.sem_alloc : memref<!tpu.dma_semaphore, #tpu.memory_space<semaphore_mem>>
          %dma_start3A_85 = arith.constant 0 : i32
          %dma_start3A_86 = tpu.memref_slice %arg2[%add3A, %add3A_59, %dma_start3A_85] : memref<32x125x80xi32, #tpu.memory_space<hbm>> -> memref<1x1x80xi32, #tpu.memory_space<hbm>>
          %dma_start3A_87 = tpu.memref_squeeze %dma_start3A_86 : memref<1x1x80xi32, #tpu.memory_space<hbm>> -> memref<80xi32, #tpu.memory_space<hbm>>
          %dma_start3A_88 = arith.constant 0 : i32
          %dma_start3A_89 = tpu.memref_slice %arg2[%add3A, %add3A_59, %dma_start3A_88] : memref<32x125x80xi32, #tpu.memory_space<hbm>> -> memref<1x1x80xi32, #tpu.memory_space<hbm>>
          %dma_start3A_90 = tpu.memref_squeeze %dma_start3A_89 : memref<1x1x80xi32, #tpu.memory_space<hbm>> -> memref<80xi32, #tpu.memory_space<hbm>>
          tpu.enqueue_dma source(%dma_start3A_90 : memref<80xi32, #tpu.memory_space<hbm>>) target(%arg7 : memref<80xi32, #tpu.memory_space<vmem>>) target_semaphore(%run_scoped3A_84 : memref<!tpu.dma_semaphore, #tpu.memory_space<semaphore_mem>>)
          %dma_wait3A_91 = arith.constant 0 : i32
          %dma_wait3A_92 = tpu.memref_slice %arg2[%add3A, %add3A_59, %dma_wait3A_91] : memref<32x125x80xi32, #tpu.memory_space<hbm>> -> memref<1x1x80xi32, #tpu.memory_space<hbm>>
          %dma_wait3A_93 = tpu.memref_squeeze %dma_wait3A_92 : memref<1x1x80xi32, #tpu.memory_space<hbm>> -> memref<80xi32, #tpu.memory_space<hbm>>
          %dma_wait3A_94 = arith.constant 0 : i32
          %dma_wait3A_95 = tpu.memref_slice %arg2[%add3A, %add3A_59, %dma_wait3A_94] : memref<32x125x80xi32, #tpu.memory_space<hbm>> -> memref<1x1x80xi32, #tpu.memory_space<hbm>>
          %dma_wait3A_96 = tpu.memref_squeeze %dma_wait3A_95 : memref<1x1x80xi32, #tpu.memory_space<hbm>> -> memref<80xi32, #tpu.memory_space<hbm>>
          tpu.wait_dma2 semaphore(%run_scoped3A_84 : memref<!tpu.dma_semaphore, #tpu.memory_space<semaphore_mem>>) src(%dma_wait3A_96 : memref<80xi32, #tpu.memory_space<hbm>>) dst(%arg7 : memref<80xi32, #tpu.memory_space<vmem>>)
          tpu.yield
        }) : () -> ()
        %dma_start3A_81 = arith.constant 0 : i32
        %dma_start3A_82 = arith.constant 0 : i32
        %dma_start3A_83 = tpu.memref_slice %arg4[%dma_start3A_81, %dma_start3A_82] : memref<10240x128xf32, #tpu.memory_space<hbm>> -> memref<10240x128xf32, #tpu.memory_space<hbm>>
        tpu.enqueue_indirect_dma source(%dma_start3A_83 : memref<10240x128xf32, #tpu.memory_space<hbm>>) target(%arg10 : memref<80x128xf32, #tpu.memory_space<vmem>>) offsets(%arg7 : memref<80xi32, #tpu.memory_space<vmem>>) semaphore(%arg13 : memref<!tpu.dma_semaphore, #tpu.memory_space<semaphore_mem>>)
      } else {
      }
      %mul3A_62 = arith.constant 2 : i32
      %mul3A_63 = arith.muli %mul3A_62, %scan3A_54 : i32
      %dma_wait3A = arith.constant 0 : i32
      %dma_wait3A_64 = arith.constant 0 : i32
      %dma_wait3A_65 = tpu.memref_slice %arg4[%dma_wait3A, %dma_wait3A_64] : memref<10240x128xf32, #tpu.memory_space<hbm>> -> memref<10240x128xf32, #tpu.memory_space<hbm>>
      tpu.wait_indirect_dma semaphore(%arg12 : memref<!tpu.dma_semaphore, #tpu.memory_space<semaphore_mem>>) src(%dma_wait3A_65 : memref<10240x128xf32, #tpu.memory_space<hbm>>) dst(%arg9 : memref<80x128xf32, #tpu.memory_space<vmem>>)
      "tpu.region"() ({
        %run_scoped3A_81 = tpu.sem_alloc : memref<!tpu.dma_semaphore, #tpu.memory_space<semaphore_mem>>
        %dma_start3A_82 = arith.constant 0 : i32
        %dma_start3A_83 = tpu.memref_slice %arg8[%mul3A_63, %dma_start3A_82] : memref<125x80xi32, #tpu.memory_space<vmem>> -> memref<1x80xi32, #tpu.memory_space<vmem>>
        %dma_start3A_84 = tpu.memref_squeeze %dma_start3A_83 : memref<1x80xi32, #tpu.memory_space<vmem>> -> memref<80xi32, #tpu.memory_space<vmem>>
        %dma_start3A_85 = arith.constant 0 : i32
        %dma_start3A_86 = arith.constant 0 : i32
        %dma_start3A_87 = tpu.memref_slice %arg11[%dma_start3A_85, %dma_start3A_86] : memref<10240x128xf32, #tpu.memory_space<vmem_shared>> -> memref<10240x128xf32, #tpu.memory_space<vmem_shared>>
        tpu.enqueue_indirect_dma source(%arg9 : memref<80x128xf32, #tpu.memory_space<vmem>>) target(%dma_start3A_87 : memref<10240x128xf32, #tpu.memory_space<vmem_shared>>) offsets(%dma_start3A_84 : memref<80xi32, #tpu.memory_space<vmem>>) semaphore(%run_scoped3A_81 : memref<!tpu.dma_semaphore, #tpu.memory_space<semaphore_mem>>) {add = true}
        %dma_wait3A_88 = arith.constant 0 : i32
        %dma_wait3A_89 = tpu.memref_slice %arg8[%mul3A_63, %dma_wait3A_88] : memref<125x80xi32, #tpu.memory_space<vmem>> -> memref<1x80xi32, #tpu.memory_space<vmem>>
        %dma_wait3A_90 = tpu.memref_squeeze %dma_wait3A_89 : memref<1x80xi32, #tpu.memory_space<vmem>> -> memref<80xi32, #tpu.memory_space<vmem>>
        %dma_wait3A_91 = arith.constant 0 : i32
        %dma_wait3A_92 = arith.constant 0 : i32
        %dma_wait3A_93 = tpu.memref_slice %arg11[%dma_wait3A_91, %dma_wait3A_92] : memref<10240x128xf32, #tpu.memory_space<vmem_shared>> -> memref<10240x128xf32, #tpu.memory_space<vmem_shared>>
        tpu.wait_indirect_dma semaphore(%run_scoped3A_81 : memref<!tpu.dma_semaphore, #tpu.memory_space<semaphore_mem>>) src(%arg9 : memref<80x128xf32, #tpu.memory_space<vmem>>) dst(%dma_wait3A_93 : memref<10240x128xf32, #tpu.memory_space<vmem_shared>>)
        tpu.yield
      }) : () -> ()
      %mul3A_66 = arith.constant 2 : i32
      %mul3A_67 = arith.muli %mul3A_66, %scan3A_54 : i32
      %add3A_68 = arith.constant 2 : i32
      %add3A_69 = arith.addi %mul3A_67, %add3A_68 : i32
      %lt3A_70 = arith.constant 125 : i32
      %lt3A_71 = arith.cmpi slt, %add3A_69, %lt3A_70 : i32
      %convert_element_type3A_72 = arith.extui %lt3A_71 : i1 to i32
      %cond3A_73 = arith.constant 0 : i32
      %cond3A_74 = arith.cmpi ne, %convert_element_type3A_72, %cond3A_73 : i32
      scf.if %cond3A_74 {
        %mul3A_81 = arith.constant 2 : i32
        %mul3A_82 = arith.muli %mul3A_81, %scan3A_54 : i32
        %add3A_83 = arith.constant 2 : i32
        %add3A_84 = arith.addi %mul3A_82, %add3A_83 : i32
        "tpu.region"() ({
          %run_scoped3A_88 = tpu.sem_alloc : memref<!tpu.dma_semaphore, #tpu.memory_space<semaphore_mem>>
          %dma_start3A_89 = arith.constant 0 : i32
          %dma_start3A_90 = tpu.memref_slice %arg2[%add3A, %add3A_84, %dma_start3A_89] : memref<32x125x80xi32, #tpu.memory_space<hbm>> -> memref<1x1x80xi32, #tpu.memory_space<hbm>>
          %dma_start3A_91 = tpu.memref_squeeze %dma_start3A_90 : memref<1x1x80xi32, #tpu.memory_space<hbm>> -> memref<80xi32, #tpu.memory_space<hbm>>
          %dma_start3A_92 = arith.constant 0 : i32
          %dma_start3A_93 = tpu.memref_slice %arg2[%add3A, %add3A_84, %dma_start3A_92] : memref<32x125x80xi32, #tpu.memory_space<hbm>> -> memref<1x1x80xi32, #tpu.memory_space<hbm>>
          %dma_start3A_94 = tpu.memref_squeeze %dma_start3A_93 : memref<1x1x80xi32, #tpu.memory_space<hbm>> -> memref<80xi32, #tpu.memory_space<hbm>>
          tpu.enqueue_dma source(%dma_start3A_94 : memref<80xi32, #tpu.memory_space<hbm>>) target(%arg6 : memref<80xi32, #tpu.memory_space<vmem>>) target_semaphore(%run_scoped3A_88 : memref<!tpu.dma_semaphore, #tpu.memory_space<semaphore_mem>>)
          %dma_wait3A_95 = arith.constant 0 : i32
          %dma_wait3A_96 = tpu.memref_slice %arg2[%add3A, %add3A_84, %dma_wait3A_95] : memref<32x125x80xi32, #tpu.memory_space<hbm>> -> memref<1x1x80xi32, #tpu.memory_space<hbm>>
          %dma_wait3A_97 = tpu.memref_squeeze %dma_wait3A_96 : memref<1x1x80xi32, #tpu.memory_space<hbm>> -> memref<80xi32, #tpu.memory_space<hbm>>
          %dma_wait3A_98 = arith.constant 0 : i32
          %dma_wait3A_99 = tpu.memref_slice %arg2[%add3A, %add3A_84, %dma_wait3A_98] : memref<32x125x80xi32, #tpu.memory_space<hbm>> -> memref<1x1x80xi32, #tpu.memory_space<hbm>>
          %dma_wait3A_100 = tpu.memref_squeeze %dma_wait3A_99 : memref<1x1x80xi32, #tpu.memory_space<hbm>> -> memref<80xi32, #tpu.memory_space<hbm>>
          tpu.wait_dma2 semaphore(%run_scoped3A_88 : memref<!tpu.dma_semaphore, #tpu.memory_space<semaphore_mem>>) src(%dma_wait3A_100 : memref<80xi32, #tpu.memory_space<hbm>>) dst(%arg6 : memref<80xi32, #tpu.memory_space<vmem>>)
          tpu.yield
        }) : () -> ()
        %dma_start3A_85 = arith.constant 0 : i32
        %dma_start3A_86 = arith.constant 0 : i32
        %dma_start3A_87 = tpu.memref_slice %arg4[%dma_start3A_85, %dma_start3A_86] : memref<10240x128xf32, #tpu.memory_space<hbm>> -> memref<10240x128xf32, #tpu.memory_space<hbm>>
        tpu.enqueue_indirect_dma source(%dma_start3A_87 : memref<10240x128xf32, #tpu.memory_space<hbm>>) target(%arg9 : memref<80x128xf32, #tpu.memory_space<vmem>>) offsets(%arg6 : memref<80xi32, #tpu.memory_space<vmem>>) semaphore(%arg12 : memref<!tpu.dma_semaphore, #tpu.memory_space<semaphore_mem>>)
      } else {
      }
      %lt3A_75 = arith.constant 125 : i32
      %lt3A_76 = arith.cmpi slt, %add3A_59, %lt3A_75 : i32
      %convert_element_type3A_77 = arith.extui %lt3A_76 : i1 to i32
      %cond3A_78 = arith.constant 0 : i32
      %cond3A_79 = arith.cmpi ne, %convert_element_type3A_77, %cond3A_78 : i32
      scf.if %cond3A_79 {
        %dma_wait3A_81 = arith.constant 0 : i32
        %dma_wait3A_82 = arith.constant 0 : i32
        %dma_wait3A_83 = tpu.memref_slice %arg4[%dma_wait3A_81, %dma_wait3A_82] : memref<10240x128xf32, #tpu.memory_space<hbm>> -> memref<10240x128xf32, #tpu.memory_space<hbm>>
        tpu.wait_indirect_dma semaphore(%arg13 : memref<!tpu.dma_semaphore, #tpu.memory_space<semaphore_mem>>) src(%dma_wait3A_83 : memref<10240x128xf32, #tpu.memory_space<hbm>>) dst(%arg10 : memref<80x128xf32, #tpu.memory_space<vmem>>)
        "tpu.region"() ({
          %run_scoped3A_84 = tpu.sem_alloc : memref<!tpu.dma_semaphore, #tpu.memory_space<semaphore_mem>>
          %dma_start3A_85 = arith.constant 0 : i32
          %dma_start3A_86 = tpu.memref_slice %arg8[%add3A_59, %dma_start3A_85] : memref<125x80xi32, #tpu.memory_space<vmem>> -> memref<1x80xi32, #tpu.memory_space<vmem>>
          %dma_start3A_87 = tpu.memref_squeeze %dma_start3A_86 : memref<1x80xi32, #tpu.memory_space<vmem>> -> memref<80xi32, #tpu.memory_space<vmem>>
          %dma_start3A_88 = arith.constant 0 : i32
          %dma_start3A_89 = arith.constant 0 : i32
          %dma_start3A_90 = tpu.memref_slice %arg11[%dma_start3A_88, %dma_start3A_89] : memref<10240x128xf32, #tpu.memory_space<vmem_shared>> -> memref<10240x128xf32, #tpu.memory_space<vmem_shared>>
          tpu.enqueue_indirect_dma source(%arg10 : memref<80x128xf32, #tpu.memory_space<vmem>>) target(%dma_start3A_90 : memref<10240x128xf32, #tpu.memory_space<vmem_shared>>) offsets(%dma_start3A_87 : memref<80xi32, #tpu.memory_space<vmem>>) semaphore(%run_scoped3A_84 : memref<!tpu.dma_semaphore, #tpu.memory_space<semaphore_mem>>) {add = true}
          %dma_wait3A_91 = arith.constant 0 : i32
          %dma_wait3A_92 = tpu.memref_slice %arg8[%add3A_59, %dma_wait3A_91] : memref<125x80xi32, #tpu.memory_space<vmem>> -> memref<1x80xi32, #tpu.memory_space<vmem>>
          %dma_wait3A_93 = tpu.memref_squeeze %dma_wait3A_92 : memref<1x80xi32, #tpu.memory_space<vmem>> -> memref<80xi32, #tpu.memory_space<vmem>>
          %dma_wait3A_94 = arith.constant 0 : i32
          %dma_wait3A_95 = arith.constant 0 : i32
          %dma_wait3A_96 = tpu.memref_slice %arg11[%dma_wait3A_94, %dma_wait3A_95] : memref<10240x128xf32, #tpu.memory_space<vmem_shared>> -> memref<10240x128xf32, #tpu.memory_space<vmem_shared>>
          tpu.wait_indirect_dma semaphore(%run_scoped3A_84 : memref<!tpu.dma_semaphore, #tpu.memory_space<semaphore_mem>>) src(%arg10 : memref<80x128xf32, #tpu.memory_space<vmem>>) dst(%dma_wait3A_96 : memref<10240x128xf32, #tpu.memory_space<vmem_shared>>)
          tpu.yield
        }) : () -> ()
      } else {
      }
      %scan3A_80 = arith.constant 0 : i32
      scf.yield %scan3A_80 : i32
    }
    %scan3A_48 = arith.constant 63 : i32
    %barrier3A_49 = arith.constant 0 : index
    tpu.barrier barrier_id(%barrier3A_49)
    %mul3A_50 = arith.constant 640 : i32
    %mul3A_51 = arith.muli %arg1, %mul3A_50 : i32
    %mul3A_52 = arith.constant 640 : i32
    %mul3A_53 = arith.muli %arg1, %mul3A_52 : i32
    "tpu.region"() ({
      %run_scoped3A_54 = tpu.sem_alloc : memref<!tpu.dma_semaphore, #tpu.memory_space<semaphore_mem>>
      %dma_start3A_55 = arith.constant 0 : i32
      %dma_start3A_56 = tpu.memref_slice %arg5[%arg0, %mul3A_53, %dma_start3A_55] : memref<2x10240x128xf32, #tpu.memory_space<hbm>> -> memref<1x640x128xf32, #tpu.memory_space<hbm>>
      %dma_start3A_57 = tpu.memref_squeeze %dma_start3A_56 : memref<1x640x128xf32, #tpu.memory_space<hbm>> -> memref<640x128xf32, #tpu.memory_space<hbm>>
      %dma_start3A_58 = arith.constant 0 : i32
      %dma_start3A_59 = tpu.memref_slice %arg11[%mul3A_51, %dma_start3A_58] : memref<10240x128xf32, #tpu.memory_space<vmem_shared>> -> memref<640x128xf32, #tpu.memory_space<vmem_shared>>
      tpu.enqueue_dma source(%dma_start3A_59 : memref<640x128xf32, #tpu.memory_space<vmem_shared>>) target(%dma_start3A_57 : memref<640x128xf32, #tpu.memory_space<hbm>>) target_semaphore(%run_scoped3A_54 : memref<!tpu.dma_semaphore, #tpu.memory_space<semaphore_mem>>)
      %dma_wait3A = arith.constant 0 : i32
      %dma_wait3A_60 = tpu.memref_slice %arg5[%arg0, %mul3A_53, %dma_wait3A] : memref<2x10240x128xf32, #tpu.memory_space<hbm>> -> memref<1x640x128xf32, #tpu.memory_space<hbm>>
      %dma_wait3A_61 = tpu.memref_squeeze %dma_wait3A_60 : memref<1x640x128xf32, #tpu.memory_space<hbm>> -> memref<640x128xf32, #tpu.memory_space<hbm>>
      %dma_wait3A_62 = arith.constant 0 : i32
      %dma_wait3A_63 = tpu.memref_slice %arg11[%mul3A_51, %dma_wait3A_62] : memref<10240x128xf32, #tpu.memory_space<vmem_shared>> -> memref<640x128xf32, #tpu.memory_space<vmem_shared>>
      tpu.wait_dma2 semaphore(%run_scoped3A_54 : memref<!tpu.dma_semaphore, #tpu.memory_space<semaphore_mem>>) src(%dma_wait3A_63 : memref<640x128xf32, #tpu.memory_space<vmem_shared>>) dst(%dma_wait3A_61 : memref<640x128xf32, #tpu.memory_space<hbm>>)
      tpu.yield
    }) : () -> ()
    return
  }
}

#map = affine_map<(d0, d1) -> (0, 0, 0)>
#map1 = affine_map<(d0, d1) -> (0, 0)>
module attributes {stable_mosaic.version = 14 : i64} {
  func.func @_sent_kernel(%arg0: i32, %arg1: i32, %arg2: memref<32x16x112xi32, #tpu.memory_space<hbm>>, %arg3: memref<10240x128xf32, #tpu.memory_space<hbm>>, %arg4: memref<1024x128xf32, #tpu.memory_space<hbm>>, %arg5: memref<16x112xi32, #tpu.memory_space<vmem>>, %arg6: memref<112x128xf32, #tpu.memory_space<vmem>>, %arg7: memref<112x128xf32, #tpu.memory_space<vmem>>, %arg8: memref<32x128xf32, #tpu.memory_space<vmem>>, %arg9: memref<!tpu.dma_semaphore, #tpu.memory_space<semaphore_mem>>, %arg10: memref<!tpu.dma_semaphore, #tpu.memory_space<semaphore_mem>>) attributes {dimension_semantics = [#tpu.dimension_semantics<core_parallel>, #tpu.dimension_semantics<subcore_parallel>], iteration_bounds = array<i64: 2, 16>, scalar_prefetch = 0 : i64, scratch_operands = 6 : i64, tpu.core_type = #tpu.core_type<sc_vector_subcore>, window_params = [{transform_indices = #map}, {transform_indices = #map1}, {transform_indices = #map1}]} {
    %mul3A = arith.constant 2 : i32
    %mul3A_0 = arith.muli %arg1, %mul3A : i32
    %add3A = arith.addi %mul3A_0, %arg0 : i32
    %mul3A_1 = arith.constant 32 : i32
    %mul3A_2 = arith.muli %add3A, %mul3A_1 : i32
    "tpu.region"() ({
      %run_scoped3A = tpu.sem_alloc : memref<!tpu.dma_semaphore, #tpu.memory_space<semaphore_mem>>
      %dma_start3A_15 = arith.constant 0 : i32
      %dma_start3A_16 = arith.constant 0 : i32
      %dma_start3A_17 = tpu.memref_slice %arg2[%add3A, %dma_start3A_15, %dma_start3A_16] : memref<32x16x112xi32, #tpu.memory_space<hbm>> -> memref<1x16x112xi32, #tpu.memory_space<hbm>>
      %dma_start3A_18 = tpu.memref_squeeze %dma_start3A_17 : memref<1x16x112xi32, #tpu.memory_space<hbm>> -> memref<16x112xi32, #tpu.memory_space<hbm>>
      %dma_start3A_19 = arith.constant 0 : i32
      %dma_start3A_20 = arith.constant 0 : i32
      %dma_start3A_21 = tpu.memref_slice %arg2[%add3A, %dma_start3A_19, %dma_start3A_20] : memref<32x16x112xi32, #tpu.memory_space<hbm>> -> memref<1x16x112xi32, #tpu.memory_space<hbm>>
      %dma_start3A_22 = tpu.memref_squeeze %dma_start3A_21 : memref<1x16x112xi32, #tpu.memory_space<hbm>> -> memref<16x112xi32, #tpu.memory_space<hbm>>
      tpu.enqueue_dma source(%dma_start3A_22 : memref<16x112xi32, #tpu.memory_space<hbm>>) target(%arg5 : memref<16x112xi32, #tpu.memory_space<vmem>>) target_semaphore(%run_scoped3A : memref<!tpu.dma_semaphore, #tpu.memory_space<semaphore_mem>>)
      %dma_wait3A = arith.constant 0 : i32
      %dma_wait3A_23 = arith.constant 0 : i32
      %dma_wait3A_24 = tpu.memref_slice %arg2[%add3A, %dma_wait3A, %dma_wait3A_23] : memref<32x16x112xi32, #tpu.memory_space<hbm>> -> memref<1x16x112xi32, #tpu.memory_space<hbm>>
      %dma_wait3A_25 = tpu.memref_squeeze %dma_wait3A_24 : memref<1x16x112xi32, #tpu.memory_space<hbm>> -> memref<16x112xi32, #tpu.memory_space<hbm>>
      %dma_wait3A_26 = arith.constant 0 : i32
      %dma_wait3A_27 = arith.constant 0 : i32
      %dma_wait3A_28 = tpu.memref_slice %arg2[%add3A, %dma_wait3A_26, %dma_wait3A_27] : memref<32x16x112xi32, #tpu.memory_space<hbm>> -> memref<1x16x112xi32, #tpu.memory_space<hbm>>
      %dma_wait3A_29 = tpu.memref_squeeze %dma_wait3A_28 : memref<1x16x112xi32, #tpu.memory_space<hbm>> -> memref<16x112xi32, #tpu.memory_space<hbm>>
      tpu.wait_dma2 semaphore(%run_scoped3A : memref<!tpu.dma_semaphore, #tpu.memory_space<semaphore_mem>>) src(%dma_wait3A_29 : memref<16x112xi32, #tpu.memory_space<hbm>>) dst(%arg5 : memref<16x112xi32, #tpu.memory_space<vmem>>)
      tpu.yield
    }) : () -> ()
    %dma_start3A = arith.constant 0 : i32
    %dma_start3A_3 = arith.constant 0 : i32
    %dma_start3A_4 = tpu.memref_slice %arg5[%dma_start3A, %dma_start3A_3] : memref<16x112xi32, #tpu.memory_space<vmem>> -> memref<1x112xi32, #tpu.memory_space<vmem>>
    %dma_start3A_5 = tpu.memref_squeeze %dma_start3A_4 : memref<1x112xi32, #tpu.memory_space<vmem>> -> memref<112xi32, #tpu.memory_space<vmem>>
    %dma_start3A_6 = arith.constant 0 : i32
    %dma_start3A_7 = arith.constant 0 : i32
    %dma_start3A_8 = tpu.memref_slice %arg3[%dma_start3A_6, %dma_start3A_7] : memref<10240x128xf32, #tpu.memory_space<hbm>> -> memref<10240x128xf32, #tpu.memory_space<hbm>>
    tpu.enqueue_indirect_dma source(%dma_start3A_8 : memref<10240x128xf32, #tpu.memory_space<hbm>>) target(%arg6 : memref<112x128xf32, #tpu.memory_space<vmem>>) offsets(%dma_start3A_5 : memref<112xi32, #tpu.memory_space<vmem>>) semaphore(%arg9 : memref<!tpu.dma_semaphore, #tpu.memory_space<semaphore_mem>>)
    %scan3A = arith.constant 0 : i32
    %scan3A_9 = arith.constant 0 : i32
    %scan3A_10 = arith.constant 8 : i32
    %scan3A_11 = arith.addi %scan3A_9, %scan3A_10 : i32
    %scan3A_12 = arith.constant 1 : i32
    %scan3A_13 = scf.for %scan3A_15 = %scan3A_9 to %scan3A_11 step %scan3A_12 iter_args(%scan3A_16 = %scan3A) -> (i32)  : i32 {
      %mul3A_17 = arith.constant 2 : i32
      %mul3A_18 = arith.muli %mul3A_17, %scan3A_15 : i32
      %add3A_19 = arith.constant 1 : i32
      %add3A_20 = arith.addi %mul3A_18, %add3A_19 : i32
      %lt3A = arith.constant 16 : i32
      %lt3A_21 = arith.cmpi slt, %add3A_20, %lt3A : i32
      %convert_element_type3A = arith.extui %lt3A_21 : i1 to i32
      %cond3A = arith.constant 0 : i32
      %cond3A_22 = arith.cmpi ne, %convert_element_type3A, %cond3A : i32
      scf.if %cond3A_22 {
        %dma_start3A_231 = arith.constant 0 : i32
        %dma_start3A_232 = tpu.memref_slice %arg5[%add3A_20, %dma_start3A_231] : memref<16x112xi32, #tpu.memory_space<vmem>> -> memref<1x112xi32, #tpu.memory_space<vmem>>
        %dma_start3A_233 = tpu.memref_squeeze %dma_start3A_232 : memref<1x112xi32, #tpu.memory_space<vmem>> -> memref<112xi32, #tpu.memory_space<vmem>>
        %dma_start3A_234 = arith.constant 0 : i32
        %dma_start3A_235 = arith.constant 0 : i32
        %dma_start3A_236 = tpu.memref_slice %arg3[%dma_start3A_234, %dma_start3A_235] : memref<10240x128xf32, #tpu.memory_space<hbm>> -> memref<10240x128xf32, #tpu.memory_space<hbm>>
        tpu.enqueue_indirect_dma source(%dma_start3A_236 : memref<10240x128xf32, #tpu.memory_space<hbm>>) target(%arg7 : memref<112x128xf32, #tpu.memory_space<vmem>>) offsets(%dma_start3A_233 : memref<112xi32, #tpu.memory_space<vmem>>) semaphore(%arg10 : memref<!tpu.dma_semaphore, #tpu.memory_space<semaphore_mem>>)
      } else {
      }
      %mul3A_23 = arith.constant 2 : i32
      %mul3A_24 = arith.muli %mul3A_23, %scan3A_15 : i32
      %dma_wait3A = arith.constant 0 : i32
      %dma_wait3A_25 = tpu.memref_slice %arg5[%mul3A_24, %dma_wait3A] : memref<16x112xi32, #tpu.memory_space<vmem>> -> memref<1x112xi32, #tpu.memory_space<vmem>>
      %dma_wait3A_26 = tpu.memref_squeeze %dma_wait3A_25 : memref<1x112xi32, #tpu.memory_space<vmem>> -> memref<112xi32, #tpu.memory_space<vmem>>
      %dma_wait3A_27 = arith.constant 0 : i32
      %dma_wait3A_28 = arith.constant 0 : i32
      %dma_wait3A_29 = tpu.memref_slice %arg3[%dma_wait3A_27, %dma_wait3A_28] : memref<10240x128xf32, #tpu.memory_space<hbm>> -> memref<10240x128xf32, #tpu.memory_space<hbm>>
      tpu.wait_indirect_dma semaphore(%arg9 : memref<!tpu.dma_semaphore, #tpu.memory_space<semaphore_mem>>) src(%dma_wait3A_29 : memref<10240x128xf32, #tpu.memory_space<hbm>>) dst(%arg6 : memref<112x128xf32, #tpu.memory_space<vmem>>)
      %broadcast_in_dim3A = arith.constant 0.000000e+00 : f32
      %broadcast_in_dim3A_30 = vector.broadcast %broadcast_in_dim3A : f32 to vector<16xf32>
      %broadcast_in_dim3A_31 = arith.constant 0.000000e+00 : f32
      %broadcast_in_dim3A_32 = vector.broadcast %broadcast_in_dim3A_31 : f32 to vector<16xf32>
      %broadcast_in_dim3A_33 = arith.constant 0.000000e+00 : f32
      %broadcast_in_dim3A_34 = vector.broadcast %broadcast_in_dim3A_33 : f32 to vector<16xf32>
      %broadcast_in_dim3A_35 = arith.constant 0.000000e+00 : f32
      %broadcast_in_dim3A_36 = vector.broadcast %broadcast_in_dim3A_35 : f32 to vector<16xf32>
      %broadcast_in_dim3A_37 = arith.constant 0.000000e+00 : f32
      %broadcast_in_dim3A_38 = vector.broadcast %broadcast_in_dim3A_37 : f32 to vector<16xf32>
      %broadcast_in_dim3A_39 = arith.constant 0.000000e+00 : f32
      %broadcast_in_dim3A_40 = vector.broadcast %broadcast_in_dim3A_39 : f32 to vector<16xf32>
      %broadcast_in_dim3A_41 = arith.constant 0.000000e+00 : f32
      %broadcast_in_dim3A_42 = vector.broadcast %broadcast_in_dim3A_41 : f32 to vector<16xf32>
      %broadcast_in_dim3A_43 = arith.constant 0.000000e+00 : f32
      %broadcast_in_dim3A_44 = vector.broadcast %broadcast_in_dim3A_43 : f32 to vector<16xf32>
      %scan3A_45 = arith.constant 0 : i32
      %scan3A_46 = arith.constant 50 : i32
      %scan3A_47 = arith.addi %scan3A_45, %scan3A_46 : i32
      %scan3A_48 = arith.constant 1 : i32
      %scan3A_49:8 = scf.for %scan3A_231 = %scan3A_45 to %scan3A_47 step %scan3A_48 iter_args(%scan3A_232 = %broadcast_in_dim3A_30, %scan3A_233 = %broadcast_in_dim3A_32, %scan3A_234 = %broadcast_in_dim3A_34, %scan3A_235 = %broadcast_in_dim3A_36, %scan3A_236 = %broadcast_in_dim3A_38, %scan3A_237 = %broadcast_in_dim3A_40, %scan3A_238 = %broadcast_in_dim3A_42, %scan3A_239 = %broadcast_in_dim3A_44) -> (vector<16xf32>, vector<16xf32>, vector<16xf32>, vector<16xf32>, vector<16xf32>, vector<16xf32>, vector<16xf32>, vector<16xf32>)  : i32 {
        %add3A_240 = arith.constant 0 : i32
        %add3A_241 = arith.addi %add3A_240, %scan3A_231 : i32
        %get3A = arith.index_cast %add3A_241 : i32 to index
        %get3A_242 = arith.constant 0 : index
        %get3A_243 = tpu.vector_load %arg6[%get3A, %get3A_242] {strides = array<i32>} : memref<112x128xf32, #tpu.memory_space<vmem>>, vector<1x16xf32>,
        %get3A_244 = vector.shape_cast %get3A_243 : vector<1x16xf32> to vector<16xf32>
        %add3A_245 = arith.addf %scan3A_232, %get3A_244 : vector<16xf32>
        %add3A_246 = arith.constant 0 : i32
        %add3A_247 = arith.addi %add3A_246, %scan3A_231 : i32
        %get3A_248 = arith.index_cast %add3A_247 : i32 to index
        %get3A_249 = arith.constant 16 : index
        %get3A_250 = tpu.vector_load %arg6[%get3A_248, %get3A_249] {strides = array<i32>} : memref<112x128xf32, #tpu.memory_space<vmem>>, vector<1x16xf32>,
        %get3A_251 = vector.shape_cast %get3A_250 : vector<1x16xf32> to vector<16xf32>
        %add3A_252 = arith.addf %scan3A_233, %get3A_251 : vector<16xf32>
        %add3A_253 = arith.constant 0 : i32
        %add3A_254 = arith.addi %add3A_253, %scan3A_231 : i32
        %get3A_255 = arith.index_cast %add3A_254 : i32 to index
        %get3A_256 = arith.constant 32 : index
        %get3A_257 = tpu.vector_load %arg6[%get3A_255, %get3A_256] {strides = array<i32>} : memref<112x128xf32, #tpu.memory_space<vmem>>, vector<1x16xf32>,
        %get3A_258 = vector.shape_cast %get3A_257 : vector<1x16xf32> to vector<16xf32>
        %add3A_259 = arith.addf %scan3A_234, %get3A_258 : vector<16xf32>
        %add3A_260 = arith.constant 0 : i32
        %add3A_261 = arith.addi %add3A_260, %scan3A_231 : i32
        %get3A_262 = arith.index_cast %add3A_261 : i32 to index
        %get3A_263 = arith.constant 48 : index
        %get3A_264 = tpu.vector_load %arg6[%get3A_262, %get3A_263] {strides = array<i32>} : memref<112x128xf32, #tpu.memory_space<vmem>>, vector<1x16xf32>,
        %get3A_265 = vector.shape_cast %get3A_264 : vector<1x16xf32> to vector<16xf32>
        %add3A_266 = arith.addf %scan3A_235, %get3A_265 : vector<16xf32>
        %add3A_267 = arith.constant 0 : i32
        %add3A_268 = arith.addi %add3A_267, %scan3A_231 : i32
        %get3A_269 = arith.index_cast %add3A_268 : i32 to index
        %get3A_270 = arith.constant 64 : index
        %get3A_271 = tpu.vector_load %arg6[%get3A_269, %get3A_270] {strides = array<i32>} : memref<112x128xf32, #tpu.memory_space<vmem>>, vector<1x16xf32>,
        %get3A_272 = vector.shape_cast %get3A_271 : vector<1x16xf32> to vector<16xf32>
        %add3A_273 = arith.addf %scan3A_236, %get3A_272 : vector<16xf32>
        %add3A_274 = arith.constant 0 : i32
        %add3A_275 = arith.addi %add3A_274, %scan3A_231 : i32
        %get3A_276 = arith.index_cast %add3A_275 : i32 to index
        %get3A_277 = arith.constant 80 : index
        %get3A_278 = tpu.vector_load %arg6[%get3A_276, %get3A_277] {strides = array<i32>} : memref<112x128xf32, #tpu.memory_space<vmem>>, vector<1x16xf32>,
        %get3A_279 = vector.shape_cast %get3A_278 : vector<1x16xf32> to vector<16xf32>
        %add3A_280 = arith.addf %scan3A_237, %get3A_279 : vector<16xf32>
        %add3A_281 = arith.constant 0 : i32
        %add3A_282 = arith.addi %add3A_281, %scan3A_231 : i32
        %get3A_283 = arith.index_cast %add3A_282 : i32 to index
        %get3A_284 = arith.constant 96 : index
        %get3A_285 = tpu.vector_load %arg6[%get3A_283, %get3A_284] {strides = array<i32>} : memref<112x128xf32, #tpu.memory_space<vmem>>, vector<1x16xf32>,
        %get3A_286 = vector.shape_cast %get3A_285 : vector<1x16xf32> to vector<16xf32>
        %add3A_287 = arith.addf %scan3A_238, %get3A_286 : vector<16xf32>
        %add3A_288 = arith.constant 0 : i32
        %add3A_289 = arith.addi %add3A_288, %scan3A_231 : i32
        %get3A_290 = arith.index_cast %add3A_289 : i32 to index
        %get3A_291 = arith.constant 112 : index
        %get3A_292 = tpu.vector_load %arg6[%get3A_290, %get3A_291] {strides = array<i32>} : memref<112x128xf32, #tpu.memory_space<vmem>>, vector<1x16xf32>,
        %get3A_293 = vector.shape_cast %get3A_292 : vector<1x16xf32> to vector<16xf32>
        %add3A_294 = arith.addf %scan3A_239, %get3A_293 : vector<16xf32>
        scf.yield %add3A_245, %add3A_252, %add3A_259, %add3A_266, %add3A_273, %add3A_280, %add3A_287, %add3A_294 : vector<16xf32>, vector<16xf32>, vector<16xf32>, vector<16xf32>, vector<16xf32>, vector<16xf32>, vector<16xf32>, vector<16xf32>
      }
      %scan3A_50 = arith.constant 50 : i32
      %mul3A_51 = arith.constant 2 : i32
      %mul3A_52 = arith.muli %mul3A_24, %mul3A_51 : i32
      %add3A_53 = arith.constant 0 : i32
      %add3A_54 = arith.addi %mul3A_52, %add3A_53 : i32
      %swap3A = arith.index_cast %add3A_54 : i32 to index
      %swap3A_55 = arith.constant 0 : index
      %swap3A_56 = tpu.vector_load %arg8[%swap3A, %swap3A_55] {strides = array<i32>} : memref<32x128xf32, #tpu.memory_space<vmem>>, vector<1x16xf32>,
      %swap3A_57 = vector.shape_cast %swap3A_56 : vector<1x16xf32> to vector<16xf32>
      %swap3A_58 = vector.shape_cast %scan3A_49#0 : vector<16xf32> to vector<1x16xf32>
      tpu.vector_store %arg8[%swap3A, %swap3A_55], %swap3A_58 {strides = array<i32>} : memref<32x128xf32, #tpu.memory_space<vmem>>, vector<1x16xf32>,
      %mul3A_59 = arith.constant 2 : i32
      %mul3A_60 = arith.muli %mul3A_24, %mul3A_59 : i32
      %add3A_61 = arith.constant 0 : i32
      %add3A_62 = arith.addi %mul3A_60, %add3A_61 : i32
      %swap3A_63 = arith.index_cast %add3A_62 : i32 to index
      %swap3A_64 = arith.constant 16 : index
      %swap3A_65 = tpu.vector_load %arg8[%swap3A_63, %swap3A_64] {strides = array<i32>} : memref<32x128xf32, #tpu.memory_space<vmem>>, vector<1x16xf32>,
      %swap3A_66 = vector.shape_cast %swap3A_65 : vector<1x16xf32> to vector<16xf32>
      %swap3A_67 = vector.shape_cast %scan3A_49#1 : vector<16xf32> to vector<1x16xf32>
      tpu.vector_store %arg8[%swap3A_63, %swap3A_64], %swap3A_67 {strides = array<i32>} : memref<32x128xf32, #tpu.memory_space<vmem>>, vector<1x16xf32>,
      %mul3A_68 = arith.constant 2 : i32
      %mul3A_69 = arith.muli %mul3A_24, %mul3A_68 : i32
      %add3A_70 = arith.constant 0 : i32
      %add3A_71 = arith.addi %mul3A_69, %add3A_70 : i32
      %swap3A_72 = arith.index_cast %add3A_71 : i32 to index
      %swap3A_73 = arith.constant 32 : index
      %swap3A_74 = tpu.vector_load %arg8[%swap3A_72, %swap3A_73] {strides = array<i32>} : memref<32x128xf32, #tpu.memory_space<vmem>>, vector<1x16xf32>,
      %swap3A_75 = vector.shape_cast %swap3A_74 : vector<1x16xf32> to vector<16xf32>
      %swap3A_76 = vector.shape_cast %scan3A_49#2 : vector<16xf32> to vector<1x16xf32>
      tpu.vector_store %arg8[%swap3A_72, %swap3A_73], %swap3A_76 {strides = array<i32>} : memref<32x128xf32, #tpu.memory_space<vmem>>, vector<1x16xf32>,
      %mul3A_77 = arith.constant 2 : i32
      %mul3A_78 = arith.muli %mul3A_24, %mul3A_77 : i32
      %add3A_79 = arith.constant 0 : i32
      %add3A_80 = arith.addi %mul3A_78, %add3A_79 : i32
      %swap3A_81 = arith.index_cast %add3A_80 : i32 to index
      %swap3A_82 = arith.constant 48 : index
      %swap3A_83 = tpu.vector_load %arg8[%swap3A_81, %swap3A_82] {strides = array<i32>} : memref<32x128xf32, #tpu.memory_space<vmem>>, vector<1x16xf32>,
      %swap3A_84 = vector.shape_cast %swap3A_83 : vector<1x16xf32> to vector<16xf32>
      %swap3A_85 = vector.shape_cast %scan3A_49#3 : vector<16xf32> to vector<1x16xf32>
      tpu.vector_store %arg8[%swap3A_81, %swap3A_82], %swap3A_85 {strides = array<i32>} : memref<32x128xf32, #tpu.memory_space<vmem>>, vector<1x16xf32>,
      %mul3A_86 = arith.constant 2 : i32
      %mul3A_87 = arith.muli %mul3A_24, %mul3A_86 : i32
      %add3A_88 = arith.constant 0 : i32
      %add3A_89 = arith.addi %mul3A_87, %add3A_88 : i32
      %swap3A_90 = arith.index_cast %add3A_89 : i32 to index
      %swap3A_91 = arith.constant 64 : index
      %swap3A_92 = tpu.vector_load %arg8[%swap3A_90, %swap3A_91] {strides = array<i32>} : memref<32x128xf32, #tpu.memory_space<vmem>>, vector<1x16xf32>,
      %swap3A_93 = vector.shape_cast %swap3A_92 : vector<1x16xf32> to vector<16xf32>
      %swap3A_94 = vector.shape_cast %scan3A_49#4 : vector<16xf32> to vector<1x16xf32>
      tpu.vector_store %arg8[%swap3A_90, %swap3A_91], %swap3A_94 {strides = array<i32>} : memref<32x128xf32, #tpu.memory_space<vmem>>, vector<1x16xf32>,
      %mul3A_95 = arith.constant 2 : i32
      %mul3A_96 = arith.muli %mul3A_24, %mul3A_95 : i32
      %add3A_97 = arith.constant 0 : i32
      %add3A_98 = arith.addi %mul3A_96, %add3A_97 : i32
      %swap3A_99 = arith.index_cast %add3A_98 : i32 to index
      %swap3A_100 = arith.constant 80 : index
      %swap3A_101 = tpu.vector_load %arg8[%swap3A_99, %swap3A_100] {strides = array<i32>} : memref<32x128xf32, #tpu.memory_space<vmem>>, vector<1x16xf32>,
      %swap3A_102 = vector.shape_cast %swap3A_101 : vector<1x16xf32> to vector<16xf32>
      %swap3A_103 = vector.shape_cast %scan3A_49#5 : vector<16xf32> to vector<1x16xf32>
      tpu.vector_store %arg8[%swap3A_99, %swap3A_100], %swap3A_103 {strides = array<i32>} : memref<32x128xf32, #tpu.memory_space<vmem>>, vector<1x16xf32>,
      %mul3A_104 = arith.constant 2 : i32
      %mul3A_105 = arith.muli %mul3A_24, %mul3A_104 : i32
      %add3A_106 = arith.constant 0 : i32
      %add3A_107 = arith.addi %mul3A_105, %add3A_106 : i32
      %swap3A_108 = arith.index_cast %add3A_107 : i32 to index
      %swap3A_109 = arith.constant 96 : index
      %swap3A_110 = tpu.vector_load %arg8[%swap3A_108, %swap3A_109] {strides = array<i32>} : memref<32x128xf32, #tpu.memory_space<vmem>>, vector<1x16xf32>,
      %swap3A_111 = vector.shape_cast %swap3A_110 : vector<1x16xf32> to vector<16xf32>
      %swap3A_112 = vector.shape_cast %scan3A_49#6 : vector<16xf32> to vector<1x16xf32>
      tpu.vector_store %arg8[%swap3A_108, %swap3A_109], %swap3A_112 {strides = array<i32>} : memref<32x128xf32, #tpu.memory_space<vmem>>, vector<1x16xf32>,
      %mul3A_113 = arith.constant 2 : i32
      %mul3A_114 = arith.muli %mul3A_24, %mul3A_113 : i32
      %add3A_115 = arith.constant 0 : i32
      %add3A_116 = arith.addi %mul3A_114, %add3A_115 : i32
      %swap3A_117 = arith.index_cast %add3A_116 : i32 to index
      %swap3A_118 = arith.constant 112 : index
      %swap3A_119 = tpu.vector_load %arg8[%swap3A_117, %swap3A_118] {strides = array<i32>} : memref<32x128xf32, #tpu.memory_space<vmem>>, vector<1x16xf32>,
      %swap3A_120 = vector.shape_cast %swap3A_119 : vector<1x16xf32> to vector<16xf32>
      %swap3A_121 = vector.shape_cast %scan3A_49#7 : vector<16xf32> to vector<1x16xf32>
      tpu.vector_store %arg8[%swap3A_117, %swap3A_118], %swap3A_121 {strides = array<i32>} : memref<32x128xf32, #tpu.memory_space<vmem>>, vector<1x16xf32>,
      %broadcast_in_dim3A_122 = arith.constant 0.000000e+00 : f32
      %broadcast_in_dim3A_123 = vector.broadcast %broadcast_in_dim3A_122 : f32 to vector<16xf32>
      %broadcast_in_dim3A_124 = arith.constant 0.000000e+00 : f32
      %broadcast_in_dim3A_125 = vector.broadcast %broadcast_in_dim3A_124 : f32 to vector<16xf32>
      %broadcast_in_dim3A_126 = arith.constant 0.000000e+00 : f32
      %broadcast_in_dim3A_127 = vector.broadcast %broadcast_in_dim3A_126 : f32 to vector<16xf32>
      %broadcast_in_dim3A_128 = arith.constant 0.000000e+00 : f32
      %broadcast_in_dim3A_129 = vector.broadcast %broadcast_in_dim3A_128 : f32 to vector<16xf32>
      %broadcast_in_dim3A_130 = arith.constant 0.000000e+00 : f32
      %broadcast_in_dim3A_131 = vector.broadcast %broadcast_in_dim3A_130 : f32 to vector<16xf32>
      %broadcast_in_dim3A_132 = arith.constant 0.000000e+00 : f32
      %broadcast_in_dim3A_133 = vector.broadcast %broadcast_in_dim3A_132 : f32 to vector<16xf32>
      %broadcast_in_dim3A_134 = arith.constant 0.000000e+00 : f32
      %broadcast_in_dim3A_135 = vector.broadcast %broadcast_in_dim3A_134 : f32 to vector<16xf32>
      %broadcast_in_dim3A_136 = arith.constant 0.000000e+00 : f32
      %broadcast_in_dim3A_137 = vector.broadcast %broadcast_in_dim3A_136 : f32 to vector<16xf32>
      %scan3A_138 = arith.constant 0 : i32
      %scan3A_139 = arith.constant 50 : i32
      %scan3A_140 = arith.addi %scan3A_138, %scan3A_139 : i32
      %scan3A_141 = arith.constant 1 : i32
      %scan3A_142:8 = scf.for %scan3A_231 = %scan3A_138 to %scan3A_140 step %scan3A_141 iter_args(%scan3A_232 = %broadcast_in_dim3A_123, %scan3A_233 = %broadcast_in_dim3A_125, %scan3A_234 = %broadcast_in_dim3A_127, %scan3A_235 = %broadcast_in_dim3A_129, %scan3A_236 = %broadcast_in_dim3A_131, %scan3A_237 = %broadcast_in_dim3A_133, %scan3A_238 = %broadcast_in_dim3A_135, %scan3A_239 = %broadcast_in_dim3A_137) -> (vector<16xf32>, vector<16xf32>, vector<16xf32>, vector<16xf32>, vector<16xf32>, vector<16xf32>, vector<16xf32>, vector<16xf32>)  : i32 {
        %add3A_240 = arith.constant 56 : i32
        %add3A_241 = arith.addi %add3A_240, %scan3A_231 : i32
        %get3A = arith.index_cast %add3A_241 : i32 to index
        %get3A_242 = arith.constant 0 : index
        %get3A_243 = tpu.vector_load %arg6[%get3A, %get3A_242] {strides = array<i32>} : memref<112x128xf32, #tpu.memory_space<vmem>>, vector<1x16xf32>,
        %get3A_244 = vector.shape_cast %get3A_243 : vector<1x16xf32> to vector<16xf32>
        %add3A_245 = arith.addf %scan3A_232, %get3A_244 : vector<16xf32>
        %add3A_246 = arith.constant 56 : i32
        %add3A_247 = arith.addi %add3A_246, %scan3A_231 : i32
        %get3A_248 = arith.index_cast %add3A_247 : i32 to index
        %get3A_249 = arith.constant 16 : index
        %get3A_250 = tpu.vector_load %arg6[%get3A_248, %get3A_249] {strides = array<i32>} : memref<112x128xf32, #tpu.memory_space<vmem>>, vector<1x16xf32>,
        %get3A_251 = vector.shape_cast %get3A_250 : vector<1x16xf32> to vector<16xf32>
        %add3A_252 = arith.addf %scan3A_233, %get3A_251 : vector<16xf32>
        %add3A_253 = arith.constant 56 : i32
        %add3A_254 = arith.addi %add3A_253, %scan3A_231 : i32
        %get3A_255 = arith.index_cast %add3A_254 : i32 to index
        %get3A_256 = arith.constant 32 : index
        %get3A_257 = tpu.vector_load %arg6[%get3A_255, %get3A_256] {strides = array<i32>} : memref<112x128xf32, #tpu.memory_space<vmem>>, vector<1x16xf32>,
        %get3A_258 = vector.shape_cast %get3A_257 : vector<1x16xf32> to vector<16xf32>
        %add3A_259 = arith.addf %scan3A_234, %get3A_258 : vector<16xf32>
        %add3A_260 = arith.constant 56 : i32
        %add3A_261 = arith.addi %add3A_260, %scan3A_231 : i32
        %get3A_262 = arith.index_cast %add3A_261 : i32 to index
        %get3A_263 = arith.constant 48 : index
        %get3A_264 = tpu.vector_load %arg6[%get3A_262, %get3A_263] {strides = array<i32>} : memref<112x128xf32, #tpu.memory_space<vmem>>, vector<1x16xf32>,
        %get3A_265 = vector.shape_cast %get3A_264 : vector<1x16xf32> to vector<16xf32>
        %add3A_266 = arith.addf %scan3A_235, %get3A_265 : vector<16xf32>
        %add3A_267 = arith.constant 56 : i32
        %add3A_268 = arith.addi %add3A_267, %scan3A_231 : i32
        %get3A_269 = arith.index_cast %add3A_268 : i32 to index
        %get3A_270 = arith.constant 64 : index
        %get3A_271 = tpu.vector_load %arg6[%get3A_269, %get3A_270] {strides = array<i32>} : memref<112x128xf32, #tpu.memory_space<vmem>>, vector<1x16xf32>,
        %get3A_272 = vector.shape_cast %get3A_271 : vector<1x16xf32> to vector<16xf32>
        %add3A_273 = arith.addf %scan3A_236, %get3A_272 : vector<16xf32>
        %add3A_274 = arith.constant 56 : i32
        %add3A_275 = arith.addi %add3A_274, %scan3A_231 : i32
        %get3A_276 = arith.index_cast %add3A_275 : i32 to index
        %get3A_277 = arith.constant 80 : index
        %get3A_278 = tpu.vector_load %arg6[%get3A_276, %get3A_277] {strides = array<i32>} : memref<112x128xf32, #tpu.memory_space<vmem>>, vector<1x16xf32>,
        %get3A_279 = vector.shape_cast %get3A_278 : vector<1x16xf32> to vector<16xf32>
        %add3A_280 = arith.addf %scan3A_237, %get3A_279 : vector<16xf32>
        %add3A_281 = arith.constant 56 : i32
        %add3A_282 = arith.addi %add3A_281, %scan3A_231 : i32
        %get3A_283 = arith.index_cast %add3A_282 : i32 to index
        %get3A_284 = arith.constant 96 : index
        %get3A_285 = tpu.vector_load %arg6[%get3A_283, %get3A_284] {strides = array<i32>} : memref<112x128xf32, #tpu.memory_space<vmem>>, vector<1x16xf32>,
        %get3A_286 = vector.shape_cast %get3A_285 : vector<1x16xf32> to vector<16xf32>
        %add3A_287 = arith.addf %scan3A_238, %get3A_286 : vector<16xf32>
        %add3A_288 = arith.constant 56 : i32
        %add3A_289 = arith.addi %add3A_288, %scan3A_231 : i32
        %get3A_290 = arith.index_cast %add3A_289 : i32 to index
        %get3A_291 = arith.constant 112 : index
        %get3A_292 = tpu.vector_load %arg6[%get3A_290, %get3A_291] {strides = array<i32>} : memref<112x128xf32, #tpu.memory_space<vmem>>, vector<1x16xf32>,
        %get3A_293 = vector.shape_cast %get3A_292 : vector<1x16xf32> to vector<16xf32>
        %add3A_294 = arith.addf %scan3A_239, %get3A_293 : vector<16xf32>
        scf.yield %add3A_245, %add3A_252, %add3A_259, %add3A_266, %add3A_273, %add3A_280, %add3A_287, %add3A_294 : vector<16xf32>, vector<16xf32>, vector<16xf32>, vector<16xf32>, vector<16xf32>, vector<16xf32>, vector<16xf32>, vector<16xf32>
      }
      %scan3A_143 = arith.constant 50 : i32
      %mul3A_144 = arith.constant 2 : i32
      %mul3A_145 = arith.muli %mul3A_24, %mul3A_144 : i32
      %add3A_146 = arith.constant 1 : i32
      %add3A_147 = arith.addi %mul3A_145, %add3A_146 : i32
      %swap3A_148 = arith.index_cast %add3A_147 : i32 to index
      %swap3A_149 = arith.constant 0 : index
      %swap3A_150 = tpu.vector_load %arg8[%swap3A_148, %swap3A_149] {strides = array<i32>} : memref<32x128xf32, #tpu.memory_space<vmem>>, vector<1x16xf32>,
      %swap3A_151 = vector.shape_cast %swap3A_150 : vector<1x16xf32> to vector<16xf32>
      %swap3A_152 = vector.shape_cast %scan3A_142#0 : vector<16xf32> to vector<1x16xf32>
      tpu.vector_store %arg8[%swap3A_148, %swap3A_149], %swap3A_152 {strides = array<i32>} : memref<32x128xf32, #tpu.memory_space<vmem>>, vector<1x16xf32>,
      %mul3A_153 = arith.constant 2 : i32
      %mul3A_154 = arith.muli %mul3A_24, %mul3A_153 : i32
      %add3A_155 = arith.constant 1 : i32
      %add3A_156 = arith.addi %mul3A_154, %add3A_155 : i32
      %swap3A_157 = arith.index_cast %add3A_156 : i32 to index
      %swap3A_158 = arith.constant 16 : index
      %swap3A_159 = tpu.vector_load %arg8[%swap3A_157, %swap3A_158] {strides = array<i32>} : memref<32x128xf32, #tpu.memory_space<vmem>>, vector<1x16xf32>,
      %swap3A_160 = vector.shape_cast %swap3A_159 : vector<1x16xf32> to vector<16xf32>
      %swap3A_161 = vector.shape_cast %scan3A_142#1 : vector<16xf32> to vector<1x16xf32>
      tpu.vector_store %arg8[%swap3A_157, %swap3A_158], %swap3A_161 {strides = array<i32>} : memref<32x128xf32, #tpu.memory_space<vmem>>, vector<1x16xf32>,
      %mul3A_162 = arith.constant 2 : i32
      %mul3A_163 = arith.muli %mul3A_24, %mul3A_162 : i32
      %add3A_164 = arith.constant 1 : i32
      %add3A_165 = arith.addi %mul3A_163, %add3A_164 : i32
      %swap3A_166 = arith.index_cast %add3A_165 : i32 to index
      %swap3A_167 = arith.constant 32 : index
      %swap3A_168 = tpu.vector_load %arg8[%swap3A_166, %swap3A_167] {strides = array<i32>} : memref<32x128xf32, #tpu.memory_space<vmem>>, vector<1x16xf32>,
      %swap3A_169 = vector.shape_cast %swap3A_168 : vector<1x16xf32> to vector<16xf32>
      %swap3A_170 = vector.shape_cast %scan3A_142#2 : vector<16xf32> to vector<1x16xf32>
      tpu.vector_store %arg8[%swap3A_166, %swap3A_167], %swap3A_170 {strides = array<i32>} : memref<32x128xf32, #tpu.memory_space<vmem>>, vector<1x16xf32>,
      %mul3A_171 = arith.constant 2 : i32
      %mul3A_172 = arith.muli %mul3A_24, %mul3A_171 : i32
      %add3A_173 = arith.constant 1 : i32
      %add3A_174 = arith.addi %mul3A_172, %add3A_173 : i32
      %swap3A_175 = arith.index_cast %add3A_174 : i32 to index
      %swap3A_176 = arith.constant 48 : index
      %swap3A_177 = tpu.vector_load %arg8[%swap3A_175, %swap3A_176] {strides = array<i32>} : memref<32x128xf32, #tpu.memory_space<vmem>>, vector<1x16xf32>,
      %swap3A_178 = vector.shape_cast %swap3A_177 : vector<1x16xf32> to vector<16xf32>
      %swap3A_179 = vector.shape_cast %scan3A_142#3 : vector<16xf32> to vector<1x16xf32>
      tpu.vector_store %arg8[%swap3A_175, %swap3A_176], %swap3A_179 {strides = array<i32>} : memref<32x128xf32, #tpu.memory_space<vmem>>, vector<1x16xf32>,
      %mul3A_180 = arith.constant 2 : i32
      %mul3A_181 = arith.muli %mul3A_24, %mul3A_180 : i32
      %add3A_182 = arith.constant 1 : i32
      %add3A_183 = arith.addi %mul3A_181, %add3A_182 : i32
      %swap3A_184 = arith.index_cast %add3A_183 : i32 to index
      %swap3A_185 = arith.constant 64 : index
      %swap3A_186 = tpu.vector_load %arg8[%swap3A_184, %swap3A_185] {strides = array<i32>} : memref<32x128xf32, #tpu.memory_space<vmem>>, vector<1x16xf32>,
      %swap3A_187 = vector.shape_cast %swap3A_186 : vector<1x16xf32> to vector<16xf32>
      %swap3A_188 = vector.shape_cast %scan3A_142#4 : vector<16xf32> to vector<1x16xf32>
      tpu.vector_store %arg8[%swap3A_184, %swap3A_185], %swap3A_188 {strides = array<i32>} : memref<32x128xf32, #tpu.memory_space<vmem>>, vector<1x16xf32>,
      %mul3A_189 = arith.constant 2 : i32
      %mul3A_190 = arith.muli %mul3A_24, %mul3A_189 : i32
      %add3A_191 = arith.constant 1 : i32
      %add3A_192 = arith.addi %mul3A_190, %add3A_191 : i32
      %swap3A_193 = arith.index_cast %add3A_192 : i32 to index
      %swap3A_194 = arith.constant 80 : index
      %swap3A_195 = tpu.vector_load %arg8[%swap3A_193, %swap3A_194] {strides = array<i32>} : memref<32x128xf32, #tpu.memory_space<vmem>>, vector<1x16xf32>,
      %swap3A_196 = vector.shape_cast %swap3A_195 : vector<1x16xf32> to vector<16xf32>
      %swap3A_197 = vector.shape_cast %scan3A_142#5 : vector<16xf32> to vector<1x16xf32>
      tpu.vector_store %arg8[%swap3A_193, %swap3A_194], %swap3A_197 {strides = array<i32>} : memref<32x128xf32, #tpu.memory_space<vmem>>, vector<1x16xf32>,
      %mul3A_198 = arith.constant 2 : i32
      %mul3A_199 = arith.muli %mul3A_24, %mul3A_198 : i32
      %add3A_200 = arith.constant 1 : i32
      %add3A_201 = arith.addi %mul3A_199, %add3A_200 : i32
      %swap3A_202 = arith.index_cast %add3A_201 : i32 to index
      %swap3A_203 = arith.constant 96 : index
      %swap3A_204 = tpu.vector_load %arg8[%swap3A_202, %swap3A_203] {strides = array<i32>} : memref<32x128xf32, #tpu.memory_space<vmem>>, vector<1x16xf32>,
      %swap3A_205 = vector.shape_cast %swap3A_204 : vector<1x16xf32> to vector<16xf32>
      %swap3A_206 = vector.shape_cast %scan3A_142#6 : vector<16xf32> to vector<1x16xf32>
      tpu.vector_store %arg8[%swap3A_202, %swap3A_203], %swap3A_206 {strides = array<i32>} : memref<32x128xf32, #tpu.memory_space<vmem>>, vector<1x16xf32>,
      %mul3A_207 = arith.constant 2 : i32
      %mul3A_208 = arith.muli %mul3A_24, %mul3A_207 : i32
      %add3A_209 = arith.constant 1 : i32
      %add3A_210 = arith.addi %mul3A_208, %add3A_209 : i32
      %swap3A_211 = arith.index_cast %add3A_210 : i32 to index
      %swap3A_212 = arith.constant 112 : index
      %swap3A_213 = tpu.vector_load %arg8[%swap3A_211, %swap3A_212] {strides = array<i32>} : memref<32x128xf32, #tpu.memory_space<vmem>>, vector<1x16xf32>,
      %swap3A_214 = vector.shape_cast %swap3A_213 : vector<1x16xf32> to vector<16xf32>
      %swap3A_215 = vector.shape_cast %scan3A_142#7 : vector<16xf32> to vector<1x16xf32>
      tpu.vector_store %arg8[%swap3A_211, %swap3A_212], %swap3A_215 {strides = array<i32>} : memref<32x128xf32, #tpu.memory_space<vmem>>, vector<1x16xf32>,
      %mul3A_216 = arith.constant 2 : i32
      %mul3A_217 = arith.muli %mul3A_216, %scan3A_15 : i32
      %add3A_218 = arith.constant 2 : i32
      %add3A_219 = arith.addi %mul3A_217, %add3A_218 : i32
      %lt3A_220 = arith.constant 16 : i32
      %lt3A_221 = arith.cmpi slt, %add3A_219, %lt3A_220 : i32
      %convert_element_type3A_222 = arith.extui %lt3A_221 : i1 to i32
      %cond3A_223 = arith.constant 0 : i32
      %cond3A_224 = arith.cmpi ne, %convert_element_type3A_222, %cond3A_223 : i32
      scf.if %cond3A_224 {
        %mul3A_231 = arith.constant 2 : i32
        %mul3A_232 = arith.muli %mul3A_231, %scan3A_15 : i32
        %add3A_233 = arith.constant 2 : i32
        %add3A_234 = arith.addi %mul3A_232, %add3A_233 : i32
        %dma_start3A_235 = arith.constant 0 : i32
        %dma_start3A_236 = tpu.memref_slice %arg5[%add3A_234, %dma_start3A_235] : memref<16x112xi32, #tpu.memory_space<vmem>> -> memref<1x112xi32, #tpu.memory_space<vmem>>
        %dma_start3A_237 = tpu.memref_squeeze %dma_start3A_236 : memref<1x112xi32, #tpu.memory_space<vmem>> -> memref<112xi32, #tpu.memory_space<vmem>>
        %dma_start3A_238 = arith.constant 0 : i32
        %dma_start3A_239 = arith.constant 0 : i32
        %dma_start3A_240 = tpu.memref_slice %arg3[%dma_start3A_238, %dma_start3A_239] : memref<10240x128xf32, #tpu.memory_space<hbm>> -> memref<10240x128xf32, #tpu.memory_space<hbm>>
        tpu.enqueue_indirect_dma source(%dma_start3A_240 : memref<10240x128xf32, #tpu.memory_space<hbm>>) target(%arg6 : memref<112x128xf32, #tpu.memory_space<vmem>>) offsets(%dma_start3A_237 : memref<112xi32, #tpu.memory_space<vmem>>) semaphore(%arg9 : memref<!tpu.dma_semaphore, #tpu.memory_space<semaphore_mem>>)
      } else {
      }
      %lt3A_225 = arith.constant 16 : i32
      %lt3A_226 = arith.cmpi slt, %add3A_20, %lt3A_225 : i32
      %convert_element_type3A_227 = arith.extui %lt3A_226 : i1 to i32
      %cond3A_228 = arith.constant 0 : i32
      %cond3A_229 = arith.cmpi ne, %convert_element_type3A_227, %cond3A_228 : i32
      scf.if %cond3A_229 {
        %dma_wait3A_231 = arith.constant 0 : i32
        %dma_wait3A_232 = tpu.memref_slice %arg5[%add3A_20, %dma_wait3A_231] : memref<16x112xi32, #tpu.memory_space<vmem>> -> memref<1x112xi32, #tpu.memory_space<vmem>>
        %dma_wait3A_233 = tpu.memref_squeeze %dma_wait3A_232 : memref<1x112xi32, #tpu.memory_space<vmem>> -> memref<112xi32, #tpu.memory_space<vmem>>
        %dma_wait3A_234 = arith.constant 0 : i32
        %dma_wait3A_235 = arith.constant 0 : i32
        %dma_wait3A_236 = tpu.memref_slice %arg3[%dma_wait3A_234, %dma_wait3A_235] : memref<10240x128xf32, #tpu.memory_space<hbm>> -> memref<10240x128xf32, #tpu.memory_space<hbm>>
        tpu.wait_indirect_dma semaphore(%arg10 : memref<!tpu.dma_semaphore, #tpu.memory_space<semaphore_mem>>) src(%dma_wait3A_236 : memref<10240x128xf32, #tpu.memory_space<hbm>>) dst(%arg7 : memref<112x128xf32, #tpu.memory_space<vmem>>)
        %broadcast_in_dim3A_237 = arith.constant 0.000000e+00 : f32
        %broadcast_in_dim3A_238 = vector.broadcast %broadcast_in_dim3A_237 : f32 to vector<16xf32>
        %broadcast_in_dim3A_239 = arith.constant 0.000000e+00 : f32
        %broadcast_in_dim3A_240 = vector.broadcast %broadcast_in_dim3A_239 : f32 to vector<16xf32>
        %broadcast_in_dim3A_241 = arith.constant 0.000000e+00 : f32
        %broadcast_in_dim3A_242 = vector.broadcast %broadcast_in_dim3A_241 : f32 to vector<16xf32>
        %broadcast_in_dim3A_243 = arith.constant 0.000000e+00 : f32
        %broadcast_in_dim3A_244 = vector.broadcast %broadcast_in_dim3A_243 : f32 to vector<16xf32>
        %broadcast_in_dim3A_245 = arith.constant 0.000000e+00 : f32
        %broadcast_in_dim3A_246 = vector.broadcast %broadcast_in_dim3A_245 : f32 to vector<16xf32>
        %broadcast_in_dim3A_247 = arith.constant 0.000000e+00 : f32
        %broadcast_in_dim3A_248 = vector.broadcast %broadcast_in_dim3A_247 : f32 to vector<16xf32>
        %broadcast_in_dim3A_249 = arith.constant 0.000000e+00 : f32
        %broadcast_in_dim3A_250 = vector.broadcast %broadcast_in_dim3A_249 : f32 to vector<16xf32>
        %broadcast_in_dim3A_251 = arith.constant 0.000000e+00 : f32
        %broadcast_in_dim3A_252 = vector.broadcast %broadcast_in_dim3A_251 : f32 to vector<16xf32>
        %scan3A_253 = arith.constant 0 : i32
        %scan3A_254 = arith.constant 50 : i32
        %scan3A_255 = arith.addi %scan3A_253, %scan3A_254 : i32
        %scan3A_256 = arith.constant 1 : i32
        %scan3A_257:8 = scf.for %scan3A_425 = %scan3A_253 to %scan3A_255 step %scan3A_256 iter_args(%scan3A_426 = %broadcast_in_dim3A_238, %scan3A_427 = %broadcast_in_dim3A_240, %scan3A_428 = %broadcast_in_dim3A_242, %scan3A_429 = %broadcast_in_dim3A_244, %scan3A_430 = %broadcast_in_dim3A_246, %scan3A_431 = %broadcast_in_dim3A_248, %scan3A_432 = %broadcast_in_dim3A_250, %scan3A_433 = %broadcast_in_dim3A_252) -> (vector<16xf32>, vector<16xf32>, vector<16xf32>, vector<16xf32>, vector<16xf32>, vector<16xf32>, vector<16xf32>, vector<16xf32>)  : i32 {
          %add3A_434 = arith.constant 0 : i32
          %add3A_435 = arith.addi %add3A_434, %scan3A_425 : i32
          %get3A = arith.index_cast %add3A_435 : i32 to index
          %get3A_436 = arith.constant 0 : index
          %get3A_437 = tpu.vector_load %arg7[%get3A, %get3A_436] {strides = array<i32>} : memref<112x128xf32, #tpu.memory_space<vmem>>, vector<1x16xf32>,
          %get3A_438 = vector.shape_cast %get3A_437 : vector<1x16xf32> to vector<16xf32>
          %add3A_439 = arith.addf %scan3A_426, %get3A_438 : vector<16xf32>
          %add3A_440 = arith.constant 0 : i32
          %add3A_441 = arith.addi %add3A_440, %scan3A_425 : i32
          %get3A_442 = arith.index_cast %add3A_441 : i32 to index
          %get3A_443 = arith.constant 16 : index
          %get3A_444 = tpu.vector_load %arg7[%get3A_442, %get3A_443] {strides = array<i32>} : memref<112x128xf32, #tpu.memory_space<vmem>>, vector<1x16xf32>,
          %get3A_445 = vector.shape_cast %get3A_444 : vector<1x16xf32> to vector<16xf32>
          %add3A_446 = arith.addf %scan3A_427, %get3A_445 : vector<16xf32>
          %add3A_447 = arith.constant 0 : i32
          %add3A_448 = arith.addi %add3A_447, %scan3A_425 : i32
          %get3A_449 = arith.index_cast %add3A_448 : i32 to index
          %get3A_450 = arith.constant 32 : index
          %get3A_451 = tpu.vector_load %arg7[%get3A_449, %get3A_450] {strides = array<i32>} : memref<112x128xf32, #tpu.memory_space<vmem>>, vector<1x16xf32>,
          %get3A_452 = vector.shape_cast %get3A_451 : vector<1x16xf32> to vector<16xf32>
          %add3A_453 = arith.addf %scan3A_428, %get3A_452 : vector<16xf32>
          %add3A_454 = arith.constant 0 : i32
          %add3A_455 = arith.addi %add3A_454, %scan3A_425 : i32
          %get3A_456 = arith.index_cast %add3A_455 : i32 to index
          %get3A_457 = arith.constant 48 : index
          %get3A_458 = tpu.vector_load %arg7[%get3A_456, %get3A_457] {strides = array<i32>} : memref<112x128xf32, #tpu.memory_space<vmem>>, vector<1x16xf32>,
          %get3A_459 = vector.shape_cast %get3A_458 : vector<1x16xf32> to vector<16xf32>
          %add3A_460 = arith.addf %scan3A_429, %get3A_459 : vector<16xf32>
          %add3A_461 = arith.constant 0 : i32
          %add3A_462 = arith.addi %add3A_461, %scan3A_425 : i32
          %get3A_463 = arith.index_cast %add3A_462 : i32 to index
          %get3A_464 = arith.constant 64 : index
          %get3A_465 = tpu.vector_load %arg7[%get3A_463, %get3A_464] {strides = array<i32>} : memref<112x128xf32, #tpu.memory_space<vmem>>, vector<1x16xf32>,
          %get3A_466 = vector.shape_cast %get3A_465 : vector<1x16xf32> to vector<16xf32>
          %add3A_467 = arith.addf %scan3A_430, %get3A_466 : vector<16xf32>
          %add3A_468 = arith.constant 0 : i32
          %add3A_469 = arith.addi %add3A_468, %scan3A_425 : i32
          %get3A_470 = arith.index_cast %add3A_469 : i32 to index
          %get3A_471 = arith.constant 80 : index
          %get3A_472 = tpu.vector_load %arg7[%get3A_470, %get3A_471] {strides = array<i32>} : memref<112x128xf32, #tpu.memory_space<vmem>>, vector<1x16xf32>,
          %get3A_473 = vector.shape_cast %get3A_472 : vector<1x16xf32> to vector<16xf32>
          %add3A_474 = arith.addf %scan3A_431, %get3A_473 : vector<16xf32>
          %add3A_475 = arith.constant 0 : i32
          %add3A_476 = arith.addi %add3A_475, %scan3A_425 : i32
          %get3A_477 = arith.index_cast %add3A_476 : i32 to index
          %get3A_478 = arith.constant 96 : index
          %get3A_479 = tpu.vector_load %arg7[%get3A_477, %get3A_478] {strides = array<i32>} : memref<112x128xf32, #tpu.memory_space<vmem>>, vector<1x16xf32>,
          %get3A_480 = vector.shape_cast %get3A_479 : vector<1x16xf32> to vector<16xf32>
          %add3A_481 = arith.addf %scan3A_432, %get3A_480 : vector<16xf32>
          %add3A_482 = arith.constant 0 : i32
          %add3A_483 = arith.addi %add3A_482, %scan3A_425 : i32
          %get3A_484 = arith.index_cast %add3A_483 : i32 to index
          %get3A_485 = arith.constant 112 : index
          %get3A_486 = tpu.vector_load %arg7[%get3A_484, %get3A_485] {strides = array<i32>} : memref<112x128xf32, #tpu.memory_space<vmem>>, vector<1x16xf32>,
          %get3A_487 = vector.shape_cast %get3A_486 : vector<1x16xf32> to vector<16xf32>
          %add3A_488 = arith.addf %scan3A_433, %get3A_487 : vector<16xf32>
          scf.yield %add3A_439, %add3A_446, %add3A_453, %add3A_460, %add3A_467, %add3A_474, %add3A_481, %add3A_488 : vector<16xf32>, vector<16xf32>, vector<16xf32>, vector<16xf32>, vector<16xf32>, vector<16xf32>, vector<16xf32>, vector<16xf32>
        }
        %scan3A_258 = arith.constant 50 : i32
        %mul3A_259 = arith.constant 2 : i32
        %mul3A_260 = arith.muli %add3A_20, %mul3A_259 : i32
        %add3A_261 = arith.constant 0 : i32
        %add3A_262 = arith.addi %mul3A_260, %add3A_261 : i32
        %swap3A_263 = arith.index_cast %add3A_262 : i32 to index
        %swap3A_264 = arith.constant 0 : index
        %swap3A_265 = tpu.vector_load %arg8[%swap3A_263, %swap3A_264] {strides = array<i32>} : memref<32x128xf32, #tpu.memory_space<vmem>>, vector<1x16xf32>,
        %swap3A_266 = vector.shape_cast %swap3A_265 : vector<1x16xf32> to vector<16xf32>
        %swap3A_267 = vector.shape_cast %scan3A_257#0 : vector<16xf32> to vector<1x16xf32>
        tpu.vector_store %arg8[%swap3A_263, %swap3A_264], %swap3A_267 {strides = array<i32>} : memref<32x128xf32, #tpu.memory_space<vmem>>, vector<1x16xf32>,
        %mul3A_268 = arith.constant 2 : i32
        %mul3A_269 = arith.muli %add3A_20, %mul3A_268 : i32
        %add3A_270 = arith.constant 0 : i32
        %add3A_271 = arith.addi %mul3A_269, %add3A_270 : i32
        %swap3A_272 = arith.index_cast %add3A_271 : i32 to index
        %swap3A_273 = arith.constant 16 : index
        %swap3A_274 = tpu.vector_load %arg8[%swap3A_272, %swap3A_273] {strides = array<i32>} : memref<32x128xf32, #tpu.memory_space<vmem>>, vector<1x16xf32>,
        %swap3A_275 = vector.shape_cast %swap3A_274 : vector<1x16xf32> to vector<16xf32>
        %swap3A_276 = vector.shape_cast %scan3A_257#1 : vector<16xf32> to vector<1x16xf32>
        tpu.vector_store %arg8[%swap3A_272, %swap3A_273], %swap3A_276 {strides = array<i32>} : memref<32x128xf32, #tpu.memory_space<vmem>>, vector<1x16xf32>,
        %mul3A_277 = arith.constant 2 : i32
        %mul3A_278 = arith.muli %add3A_20, %mul3A_277 : i32
        %add3A_279 = arith.constant 0 : i32
        %add3A_280 = arith.addi %mul3A_278, %add3A_279 : i32
        %swap3A_281 = arith.index_cast %add3A_280 : i32 to index
        %swap3A_282 = arith.constant 32 : index
        %swap3A_283 = tpu.vector_load %arg8[%swap3A_281, %swap3A_282] {strides = array<i32>} : memref<32x128xf32, #tpu.memory_space<vmem>>, vector<1x16xf32>,
        %swap3A_284 = vector.shape_cast %swap3A_283 : vector<1x16xf32> to vector<16xf32>
        %swap3A_285 = vector.shape_cast %scan3A_257#2 : vector<16xf32> to vector<1x16xf32>
        tpu.vector_store %arg8[%swap3A_281, %swap3A_282], %swap3A_285 {strides = array<i32>} : memref<32x128xf32, #tpu.memory_space<vmem>>, vector<1x16xf32>,
        %mul3A_286 = arith.constant 2 : i32
        %mul3A_287 = arith.muli %add3A_20, %mul3A_286 : i32
        %add3A_288 = arith.constant 0 : i32
        %add3A_289 = arith.addi %mul3A_287, %add3A_288 : i32
        %swap3A_290 = arith.index_cast %add3A_289 : i32 to index
        %swap3A_291 = arith.constant 48 : index
        %swap3A_292 = tpu.vector_load %arg8[%swap3A_290, %swap3A_291] {strides = array<i32>} : memref<32x128xf32, #tpu.memory_space<vmem>>, vector<1x16xf32>,
        %swap3A_293 = vector.shape_cast %swap3A_292 : vector<1x16xf32> to vector<16xf32>
        %swap3A_294 = vector.shape_cast %scan3A_257#3 : vector<16xf32> to vector<1x16xf32>
        tpu.vector_store %arg8[%swap3A_290, %swap3A_291], %swap3A_294 {strides = array<i32>} : memref<32x128xf32, #tpu.memory_space<vmem>>, vector<1x16xf32>,
        %mul3A_295 = arith.constant 2 : i32
        %mul3A_296 = arith.muli %add3A_20, %mul3A_295 : i32
        %add3A_297 = arith.constant 0 : i32
        %add3A_298 = arith.addi %mul3A_296, %add3A_297 : i32
        %swap3A_299 = arith.index_cast %add3A_298 : i32 to index
        %swap3A_300 = arith.constant 64 : index
        %swap3A_301 = tpu.vector_load %arg8[%swap3A_299, %swap3A_300] {strides = array<i32>} : memref<32x128xf32, #tpu.memory_space<vmem>>, vector<1x16xf32>,
        %swap3A_302 = vector.shape_cast %swap3A_301 : vector<1x16xf32> to vector<16xf32>
        %swap3A_303 = vector.shape_cast %scan3A_257#4 : vector<16xf32> to vector<1x16xf32>
        tpu.vector_store %arg8[%swap3A_299, %swap3A_300], %swap3A_303 {strides = array<i32>} : memref<32x128xf32, #tpu.memory_space<vmem>>, vector<1x16xf32>,
        %mul3A_304 = arith.constant 2 : i32
        %mul3A_305 = arith.muli %add3A_20, %mul3A_304 : i32
        %add3A_306 = arith.constant 0 : i32
        %add3A_307 = arith.addi %mul3A_305, %add3A_306 : i32
        %swap3A_308 = arith.index_cast %add3A_307 : i32 to index
        %swap3A_309 = arith.constant 80 : index
        %swap3A_310 = tpu.vector_load %arg8[%swap3A_308, %swap3A_309] {strides = array<i32>} : memref<32x128xf32, #tpu.memory_space<vmem>>, vector<1x16xf32>,
        %swap3A_311 = vector.shape_cast %swap3A_310 : vector<1x16xf32> to vector<16xf32>
        %swap3A_312 = vector.shape_cast %scan3A_257#5 : vector<16xf32> to vector<1x16xf32>
        tpu.vector_store %arg8[%swap3A_308, %swap3A_309], %swap3A_312 {strides = array<i32>} : memref<32x128xf32, #tpu.memory_space<vmem>>, vector<1x16xf32>,
        %mul3A_313 = arith.constant 2 : i32
        %mul3A_314 = arith.muli %add3A_20, %mul3A_313 : i32
        %add3A_315 = arith.constant 0 : i32
        %add3A_316 = arith.addi %mul3A_314, %add3A_315 : i32
        %swap3A_317 = arith.index_cast %add3A_316 : i32 to index
        %swap3A_318 = arith.constant 96 : index
        %swap3A_319 = tpu.vector_load %arg8[%swap3A_317, %swap3A_318] {strides = array<i32>} : memref<32x128xf32, #tpu.memory_space<vmem>>, vector<1x16xf32>,
        %swap3A_320 = vector.shape_cast %swap3A_319 : vector<1x16xf32> to vector<16xf32>
        %swap3A_321 = vector.shape_cast %scan3A_257#6 : vector<16xf32> to vector<1x16xf32>
        tpu.vector_store %arg8[%swap3A_317, %swap3A_318], %swap3A_321 {strides = array<i32>} : memref<32x128xf32, #tpu.memory_space<vmem>>, vector<1x16xf32>,
        %mul3A_322 = arith.constant 2 : i32
        %mul3A_323 = arith.muli %add3A_20, %mul3A_322 : i32
        %add3A_324 = arith.constant 0 : i32
        %add3A_325 = arith.addi %mul3A_323, %add3A_324 : i32
        %swap3A_326 = arith.index_cast %add3A_325 : i32 to index
        %swap3A_327 = arith.constant 112 : index
        %swap3A_328 = tpu.vector_load %arg8[%swap3A_326, %swap3A_327] {strides = array<i32>} : memref<32x128xf32, #tpu.memory_space<vmem>>, vector<1x16xf32>,
        %swap3A_329 = vector.shape_cast %swap3A_328 : vector<1x16xf32> to vector<16xf32>
        %swap3A_330 = vector.shape_cast %scan3A_257#7 : vector<16xf32> to vector<1x16xf32>
        tpu.vector_store %arg8[%swap3A_326, %swap3A_327], %swap3A_330 {strides = array<i32>} : memref<32x128xf32, #tpu.memory_space<vmem>>, vector<1x16xf32>,
        %broadcast_in_dim3A_331 = arith.constant 0.000000e+00 : f32
        %broadcast_in_dim3A_332 = vector.broadcast %broadcast_in_dim3A_331 : f32 to vector<16xf32>
        %broadcast_in_dim3A_333 = arith.constant 0.000000e+00 : f32
        %broadcast_in_dim3A_334 = vector.broadcast %broadcast_in_dim3A_333 : f32 to vector<16xf32>
        %broadcast_in_dim3A_335 = arith.constant 0.000000e+00 : f32
        %broadcast_in_dim3A_336 = vector.broadcast %broadcast_in_dim3A_335 : f32 to vector<16xf32>
        %broadcast_in_dim3A_337 = arith.constant 0.000000e+00 : f32
        %broadcast_in_dim3A_338 = vector.broadcast %broadcast_in_dim3A_337 : f32 to vector<16xf32>
        %broadcast_in_dim3A_339 = arith.constant 0.000000e+00 : f32
        %broadcast_in_dim3A_340 = vector.broadcast %broadcast_in_dim3A_339 : f32 to vector<16xf32>
        %broadcast_in_dim3A_341 = arith.constant 0.000000e+00 : f32
        %broadcast_in_dim3A_342 = vector.broadcast %broadcast_in_dim3A_341 : f32 to vector<16xf32>
        %broadcast_in_dim3A_343 = arith.constant 0.000000e+00 : f32
        %broadcast_in_dim3A_344 = vector.broadcast %broadcast_in_dim3A_343 : f32 to vector<16xf32>
        %broadcast_in_dim3A_345 = arith.constant 0.000000e+00 : f32
        %broadcast_in_dim3A_346 = vector.broadcast %broadcast_in_dim3A_345 : f32 to vector<16xf32>
        %scan3A_347 = arith.constant 0 : i32
        %scan3A_348 = arith.constant 50 : i32
        %scan3A_349 = arith.addi %scan3A_347, %scan3A_348 : i32
        %scan3A_350 = arith.constant 1 : i32
        %scan3A_351:8 = scf.for %scan3A_425 = %scan3A_347 to %scan3A_349 step %scan3A_350 iter_args(%scan3A_426 = %broadcast_in_dim3A_332, %scan3A_427 = %broadcast_in_dim3A_334, %scan3A_428 = %broadcast_in_dim3A_336, %scan3A_429 = %broadcast_in_dim3A_338, %scan3A_430 = %broadcast_in_dim3A_340, %scan3A_431 = %broadcast_in_dim3A_342, %scan3A_432 = %broadcast_in_dim3A_344, %scan3A_433 = %broadcast_in_dim3A_346) -> (vector<16xf32>, vector<16xf32>, vector<16xf32>, vector<16xf32>, vector<16xf32>, vector<16xf32>, vector<16xf32>, vector<16xf32>)  : i32 {
          %add3A_434 = arith.constant 56 : i32
          %add3A_435 = arith.addi %add3A_434, %scan3A_425 : i32
          %get3A = arith.index_cast %add3A_435 : i32 to index
          %get3A_436 = arith.constant 0 : index
          %get3A_437 = tpu.vector_load %arg7[%get3A, %get3A_436] {strides = array<i32>} : memref<112x128xf32, #tpu.memory_space<vmem>>, vector<1x16xf32>,
          %get3A_438 = vector.shape_cast %get3A_437 : vector<1x16xf32> to vector<16xf32>
          %add3A_439 = arith.addf %scan3A_426, %get3A_438 : vector<16xf32>
          %add3A_440 = arith.constant 56 : i32
          %add3A_441 = arith.addi %add3A_440, %scan3A_425 : i32
          %get3A_442 = arith.index_cast %add3A_441 : i32 to index
          %get3A_443 = arith.constant 16 : index
          %get3A_444 = tpu.vector_load %arg7[%get3A_442, %get3A_443] {strides = array<i32>} : memref<112x128xf32, #tpu.memory_space<vmem>>, vector<1x16xf32>,
          %get3A_445 = vector.shape_cast %get3A_444 : vector<1x16xf32> to vector<16xf32>
          %add3A_446 = arith.addf %scan3A_427, %get3A_445 : vector<16xf32>
          %add3A_447 = arith.constant 56 : i32
          %add3A_448 = arith.addi %add3A_447, %scan3A_425 : i32
          %get3A_449 = arith.index_cast %add3A_448 : i32 to index
          %get3A_450 = arith.constant 32 : index
          %get3A_451 = tpu.vector_load %arg7[%get3A_449, %get3A_450] {strides = array<i32>} : memref<112x128xf32, #tpu.memory_space<vmem>>, vector<1x16xf32>,
          %get3A_452 = vector.shape_cast %get3A_451 : vector<1x16xf32> to vector<16xf32>
          %add3A_453 = arith.addf %scan3A_428, %get3A_452 : vector<16xf32>
          %add3A_454 = arith.constant 56 : i32
          %add3A_455 = arith.addi %add3A_454, %scan3A_425 : i32
          %get3A_456 = arith.index_cast %add3A_455 : i32 to index
          %get3A_457 = arith.constant 48 : index
          %get3A_458 = tpu.vector_load %arg7[%get3A_456, %get3A_457] {strides = array<i32>} : memref<112x128xf32, #tpu.memory_space<vmem>>, vector<1x16xf32>,
          %get3A_459 = vector.shape_cast %get3A_458 : vector<1x16xf32> to vector<16xf32>
          %add3A_460 = arith.addf %scan3A_429, %get3A_459 : vector<16xf32>
          %add3A_461 = arith.constant 56 : i32
          %add3A_462 = arith.addi %add3A_461, %scan3A_425 : i32
          %get3A_463 = arith.index_cast %add3A_462 : i32 to index
          %get3A_464 = arith.constant 64 : index
          %get3A_465 = tpu.vector_load %arg7[%get3A_463, %get3A_464] {strides = array<i32>} : memref<112x128xf32, #tpu.memory_space<vmem>>, vector<1x16xf32>,
          %get3A_466 = vector.shape_cast %get3A_465 : vector<1x16xf32> to vector<16xf32>
          %add3A_467 = arith.addf %scan3A_430, %get3A_466 : vector<16xf32>
          %add3A_468 = arith.constant 56 : i32
          %add3A_469 = arith.addi %add3A_468, %scan3A_425 : i32
          %get3A_470 = arith.index_cast %add3A_469 : i32 to index
          %get3A_471 = arith.constant 80 : index
          %get3A_472 = tpu.vector_load %arg7[%get3A_470, %get3A_471] {strides = array<i32>} : memref<112x128xf32, #tpu.memory_space<vmem>>, vector<1x16xf32>,
          %get3A_473 = vector.shape_cast %get3A_472 : vector<1x16xf32> to vector<16xf32>
          %add3A_474 = arith.addf %scan3A_431, %get3A_473 : vector<16xf32>
          %add3A_475 = arith.constant 56 : i32
          %add3A_476 = arith.addi %add3A_475, %scan3A_425 : i32
          %get3A_477 = arith.index_cast %add3A_476 : i32 to index
          %get3A_478 = arith.constant 96 : index
          %get3A_479 = tpu.vector_load %arg7[%get3A_477, %get3A_478] {strides = array<i32>} : memref<112x128xf32, #tpu.memory_space<vmem>>, vector<1x16xf32>,
          %get3A_480 = vector.shape_cast %get3A_479 : vector<1x16xf32> to vector<16xf32>
          %add3A_481 = arith.addf %scan3A_432, %get3A_480 : vector<16xf32>
          %add3A_482 = arith.constant 56 : i32
          %add3A_483 = arith.addi %add3A_482, %scan3A_425 : i32
          %get3A_484 = arith.index_cast %add3A_483 : i32 to index
          %get3A_485 = arith.constant 112 : index
          %get3A_486 = tpu.vector_load %arg7[%get3A_484, %get3A_485] {strides = array<i32>} : memref<112x128xf32, #tpu.memory_space<vmem>>, vector<1x16xf32>,
          %get3A_487 = vector.shape_cast %get3A_486 : vector<1x16xf32> to vector<16xf32>
          %add3A_488 = arith.addf %scan3A_433, %get3A_487 : vector<16xf32>
          scf.yield %add3A_439, %add3A_446, %add3A_453, %add3A_460, %add3A_467, %add3A_474, %add3A_481, %add3A_488 : vector<16xf32>, vector<16xf32>, vector<16xf32>, vector<16xf32>, vector<16xf32>, vector<16xf32>, vector<16xf32>, vector<16xf32>
        }
        %scan3A_352 = arith.constant 50 : i32
        %mul3A_353 = arith.constant 2 : i32
        %mul3A_354 = arith.muli %add3A_20, %mul3A_353 : i32
        %add3A_355 = arith.constant 1 : i32
        %add3A_356 = arith.addi %mul3A_354, %add3A_355 : i32
        %swap3A_357 = arith.index_cast %add3A_356 : i32 to index
        %swap3A_358 = arith.constant 0 : index
        %swap3A_359 = tpu.vector_load %arg8[%swap3A_357, %swap3A_358] {strides = array<i32>} : memref<32x128xf32, #tpu.memory_space<vmem>>, vector<1x16xf32>,
        %swap3A_360 = vector.shape_cast %swap3A_359 : vector<1x16xf32> to vector<16xf32>
        %swap3A_361 = vector.shape_cast %scan3A_351#0 : vector<16xf32> to vector<1x16xf32>
        tpu.vector_store %arg8[%swap3A_357, %swap3A_358], %swap3A_361 {strides = array<i32>} : memref<32x128xf32, #tpu.memory_space<vmem>>, vector<1x16xf32>,
        %mul3A_362 = arith.constant 2 : i32
        %mul3A_363 = arith.muli %add3A_20, %mul3A_362 : i32
        %add3A_364 = arith.constant 1 : i32
        %add3A_365 = arith.addi %mul3A_363, %add3A_364 : i32
        %swap3A_366 = arith.index_cast %add3A_365 : i32 to index
        %swap3A_367 = arith.constant 16 : index
        %swap3A_368 = tpu.vector_load %arg8[%swap3A_366, %swap3A_367] {strides = array<i32>} : memref<32x128xf32, #tpu.memory_space<vmem>>, vector<1x16xf32>,
        %swap3A_369 = vector.shape_cast %swap3A_368 : vector<1x16xf32> to vector<16xf32>
        %swap3A_370 = vector.shape_cast %scan3A_351#1 : vector<16xf32> to vector<1x16xf32>
        tpu.vector_store %arg8[%swap3A_366, %swap3A_367], %swap3A_370 {strides = array<i32>} : memref<32x128xf32, #tpu.memory_space<vmem>>, vector<1x16xf32>,
        %mul3A_371 = arith.constant 2 : i32
        %mul3A_372 = arith.muli %add3A_20, %mul3A_371 : i32
        %add3A_373 = arith.constant 1 : i32
        %add3A_374 = arith.addi %mul3A_372, %add3A_373 : i32
        %swap3A_375 = arith.index_cast %add3A_374 : i32 to index
        %swap3A_376 = arith.constant 32 : index
        %swap3A_377 = tpu.vector_load %arg8[%swap3A_375, %swap3A_376] {strides = array<i32>} : memref<32x128xf32, #tpu.memory_space<vmem>>, vector<1x16xf32>,
        %swap3A_378 = vector.shape_cast %swap3A_377 : vector<1x16xf32> to vector<16xf32>
        %swap3A_379 = vector.shape_cast %scan3A_351#2 : vector<16xf32> to vector<1x16xf32>
        tpu.vector_store %arg8[%swap3A_375, %swap3A_376], %swap3A_379 {strides = array<i32>} : memref<32x128xf32, #tpu.memory_space<vmem>>, vector<1x16xf32>,
        %mul3A_380 = arith.constant 2 : i32
        %mul3A_381 = arith.muli %add3A_20, %mul3A_380 : i32
        %add3A_382 = arith.constant 1 : i32
        %add3A_383 = arith.addi %mul3A_381, %add3A_382 : i32
        %swap3A_384 = arith.index_cast %add3A_383 : i32 to index
        %swap3A_385 = arith.constant 48 : index
        %swap3A_386 = tpu.vector_load %arg8[%swap3A_384, %swap3A_385] {strides = array<i32>} : memref<32x128xf32, #tpu.memory_space<vmem>>, vector<1x16xf32>,
        %swap3A_387 = vector.shape_cast %swap3A_386 : vector<1x16xf32> to vector<16xf32>
        %swap3A_388 = vector.shape_cast %scan3A_351#3 : vector<16xf32> to vector<1x16xf32>
        tpu.vector_store %arg8[%swap3A_384, %swap3A_385], %swap3A_388 {strides = array<i32>} : memref<32x128xf32, #tpu.memory_space<vmem>>, vector<1x16xf32>,
        %mul3A_389 = arith.constant 2 : i32
        %mul3A_390 = arith.muli %add3A_20, %mul3A_389 : i32
        %add3A_391 = arith.constant 1 : i32
        %add3A_392 = arith.addi %mul3A_390, %add3A_391 : i32
        %swap3A_393 = arith.index_cast %add3A_392 : i32 to index
        %swap3A_394 = arith.constant 64 : index
        %swap3A_395 = tpu.vector_load %arg8[%swap3A_393, %swap3A_394] {strides = array<i32>} : memref<32x128xf32, #tpu.memory_space<vmem>>, vector<1x16xf32>,
        %swap3A_396 = vector.shape_cast %swap3A_395 : vector<1x16xf32> to vector<16xf32>
        %swap3A_397 = vector.shape_cast %scan3A_351#4 : vector<16xf32> to vector<1x16xf32>
        tpu.vector_store %arg8[%swap3A_393, %swap3A_394], %swap3A_397 {strides = array<i32>} : memref<32x128xf32, #tpu.memory_space<vmem>>, vector<1x16xf32>,
        %mul3A_398 = arith.constant 2 : i32
        %mul3A_399 = arith.muli %add3A_20, %mul3A_398 : i32
        %add3A_400 = arith.constant 1 : i32
        %add3A_401 = arith.addi %mul3A_399, %add3A_400 : i32
        %swap3A_402 = arith.index_cast %add3A_401 : i32 to index
        %swap3A_403 = arith.constant 80 : index
        %swap3A_404 = tpu.vector_load %arg8[%swap3A_402, %swap3A_403] {strides = array<i32>} : memref<32x128xf32, #tpu.memory_space<vmem>>, vector<1x16xf32>,
        %swap3A_405 = vector.shape_cast %swap3A_404 : vector<1x16xf32> to vector<16xf32>
        %swap3A_406 = vector.shape_cast %scan3A_351#5 : vector<16xf32> to vector<1x16xf32>
        tpu.vector_store %arg8[%swap3A_402, %swap3A_403], %swap3A_406 {strides = array<i32>} : memref<32x128xf32, #tpu.memory_space<vmem>>, vector<1x16xf32>,
        %mul3A_407 = arith.constant 2 : i32
        %mul3A_408 = arith.muli %add3A_20, %mul3A_407 : i32
        %add3A_409 = arith.constant 1 : i32
        %add3A_410 = arith.addi %mul3A_408, %add3A_409 : i32
        %swap3A_411 = arith.index_cast %add3A_410 : i32 to index
        %swap3A_412 = arith.constant 96 : index
        %swap3A_413 = tpu.vector_load %arg8[%swap3A_411, %swap3A_412] {strides = array<i32>} : memref<32x128xf32, #tpu.memory_space<vmem>>, vector<1x16xf32>,
        %swap3A_414 = vector.shape_cast %swap3A_413 : vector<1x16xf32> to vector<16xf32>
        %swap3A_415 = vector.shape_cast %scan3A_351#6 : vector<16xf32> to vector<1x16xf32>
        tpu.vector_store %arg8[%swap3A_411, %swap3A_412], %swap3A_415 {strides = array<i32>} : memref<32x128xf32, #tpu.memory_space<vmem>>, vector<1x16xf32>,
        %mul3A_416 = arith.constant 2 : i32
        %mul3A_417 = arith.muli %add3A_20, %mul3A_416 : i32
        %add3A_418 = arith.constant 1 : i32
        %add3A_419 = arith.addi %mul3A_417, %add3A_418 : i32
        %swap3A_420 = arith.index_cast %add3A_419 : i32 to index
        %swap3A_421 = arith.constant 112 : index
        %swap3A_422 = tpu.vector_load %arg8[%swap3A_420, %swap3A_421] {strides = array<i32>} : memref<32x128xf32, #tpu.memory_space<vmem>>, vector<1x16xf32>,
        %swap3A_423 = vector.shape_cast %swap3A_422 : vector<1x16xf32> to vector<16xf32>
        %swap3A_424 = vector.shape_cast %scan3A_351#7 : vector<16xf32> to vector<1x16xf32>
        tpu.vector_store %arg8[%swap3A_420, %swap3A_421], %swap3A_424 {strides = array<i32>} : memref<32x128xf32, #tpu.memory_space<vmem>>, vector<1x16xf32>,
      } else {
      }
      %scan3A_230 = arith.constant 0 : i32
      scf.yield %scan3A_230 : i32
    }
    %scan3A_14 = arith.constant 8 : i32
    "tpu.region"() ({
      %run_scoped3A = tpu.sem_alloc : memref<!tpu.dma_semaphore, #tpu.memory_space<semaphore_mem>>
      %dma_start3A_15 = arith.constant 0 : i32
      %dma_start3A_16 = tpu.memref_slice %arg4[%mul3A_2, %dma_start3A_15] : memref<1024x128xf32, #tpu.memory_space<hbm>> -> memref<32x128xf32, #tpu.memory_space<hbm>>
      %dma_start3A_17 = arith.constant 0 : i32
      %dma_start3A_18 = tpu.memref_slice %arg4[%mul3A_2, %dma_start3A_17] : memref<1024x128xf32, #tpu.memory_space<hbm>> -> memref<32x128xf32, #tpu.memory_space<hbm>>
      tpu.enqueue_dma source(%arg8 : memref<32x128xf32, #tpu.memory_space<vmem>>) target(%dma_start3A_18 : memref<32x128xf32, #tpu.memory_space<hbm>>) target_semaphore(%run_scoped3A : memref<!tpu.dma_semaphore, #tpu.memory_space<semaphore_mem>>)
      %dma_wait3A = arith.constant 0 : i32
      %dma_wait3A_19 = tpu.memref_slice %arg4[%mul3A_2, %dma_wait3A] : memref<1024x128xf32, #tpu.memory_space<hbm>> -> memref<32x128xf32, #tpu.memory_space<hbm>>
      %dma_wait3A_20 = arith.constant 0 : i32
      %dma_wait3A_21 = tpu.memref_slice %arg4[%mul3A_2, %dma_wait3A_20] : memref<1024x128xf32, #tpu.memory_space<hbm>> -> memref<32x128xf32, #tpu.memory_space<hbm>>
      tpu.wait_dma2 semaphore(%run_scoped3A : memref<!tpu.dma_semaphore, #tpu.memory_space<semaphore_mem>>) src(%arg8 : memref<32x128xf32, #tpu.memory_space<vmem>>) dst(%dma_wait3A_21 : memref<32x128xf32, #tpu.memory_space<hbm>>)
      tpu.yield
    }) : () -> ()
    return
  }
}

#map = affine_map<(d0, d1) -> (0, 0, 0)>
#map1 = affine_map<(d0, d1) -> (0, 0)>
module attributes {stable_mosaic.version = 14 : i64} {
  func.func @_edge_kernel(%arg0: i32, %arg1: i32, %arg2: memref<32x125x80xi32, #tpu.memory_space<hbm>>, %arg3: memref<32x125x80xi32, #tpu.memory_space<hbm>>, %arg4: memref<10240x128xf32, #tpu.memory_space<hbm>>, %arg5: memref<2x10240x128xf32, #tpu.memory_space<hbm>>, %arg6: memref<80xi32, #tpu.memory_space<vmem>>, %arg7: memref<80xi32, #tpu.memory_space<vmem>>, %arg8: memref<125x80xi32, #tpu.memory_space<vmem>>, %arg9: memref<80x128xf32, #tpu.memory_space<vmem>>, %arg10: memref<80x128xf32, #tpu.memory_space<vmem>>, %arg11: memref<10240x128xf32, #tpu.memory_space<vmem_shared>>, %arg12: memref<!tpu.dma_semaphore, #tpu.memory_space<semaphore_mem>>, %arg13: memref<!tpu.dma_semaphore, #tpu.memory_space<semaphore_mem>>) attributes {dimension_semantics = [#tpu.dimension_semantics<core_parallel>, #tpu.dimension_semantics<subcore_parallel>], iteration_bounds = array<i64: 2, 16>, scalar_prefetch = 0 : i64, scratch_operands = 8 : i64, tpu.core_type = #tpu.core_type<sc_vector_subcore>, window_params = [{transform_indices = #map}, {transform_indices = #map}, {transform_indices = #map1}, {transform_indices = #map}]} {
    %mul3A = arith.constant 2 : i32
    %mul3A_0 = arith.muli %arg1, %mul3A : i32
    %add3A = arith.addi %mul3A_0, %arg0 : i32
    %broadcast_in_dim3A = arith.constant 0.000000e+00 : f32
    %broadcast_in_dim3A_1 = vector.broadcast %broadcast_in_dim3A : f32 to vector<16xf32>
    %scan3A = arith.constant 0 : i32
    %scan3A_2 = arith.constant 0 : i32
    %scan3A_3 = arith.constant 640 : i32
    %scan3A_4 = arith.addi %scan3A_2, %scan3A_3 : i32
    %scan3A_5 = arith.constant 1 : i32
    %scan3A_6 = scf.for %scan3A_54 = %scan3A_2 to %scan3A_4 step %scan3A_5 iter_args(%scan3A_55 = %scan3A) -> (i32)  : i32 {
      %jit3A = arith.constant 8 : i32
      %div3A = arith.divsi %scan3A_54, %jit3A : i32
      %sign3A = arith.constant 0 : i32
      %sign3A_56 = arith.cmpi sgt, %scan3A_54, %sign3A : i32
      %sign3A_57 = arith.extui %sign3A_56 : i1 to i32
      %sign3A_58 = arith.constant 0 : i32
      %sign3A_59 = arith.cmpi slt, %scan3A_54, %sign3A_58 : i32
      %sign3A_60 = arith.extui %sign3A_59 : i1 to i32
      %sign3A_61 = arith.subi %sign3A_57, %sign3A_60 : i32
      %sign3A_62 = arith.constant 0 : i32
      %sign3A_63 = arith.cmpi sgt, %jit3A, %sign3A_62 : i32
      %sign3A_64 = arith.extui %sign3A_63 : i1 to i32
      %sign3A_65 = arith.constant 0 : i32
      %sign3A_66 = arith.cmpi slt, %jit3A, %sign3A_65 : i32
      %sign3A_67 = arith.extui %sign3A_66 : i1 to i32
      %sign3A_68 = arith.subi %sign3A_64, %sign3A_67 : i32
      %ne3A = arith.cmpi ne, %sign3A_61, %sign3A_68 : i32
      %rem3A = arith.remsi %scan3A_54, %jit3A : i32
      %ne3A_69 = arith.constant 0 : i32
      %ne3A_70 = arith.cmpi ne, %rem3A, %ne3A_69 : i32
      %and3A = arith.andi %ne3A, %ne3A_70 : i1
      %sub3A = arith.constant 1 : i32
      %sub3A_71 = arith.subi %div3A, %sub3A : i32
      %select_n3A = arith.select %and3A, %sub3A_71, %div3A : i32
      %jit3A_72 = arith.constant 8 : i32
      %eq3A = arith.constant 0 : i32
      %eq3A_73 = arith.cmpi eq, %jit3A_72, %eq3A : i32
      %jit3A_74 = arith.constant 1 : i32
      %select_n3A_75 = arith.select %eq3A_73, %jit3A_74, %jit3A_72 : i32
      %rem3A_76 = arith.remsi %scan3A_54, %select_n3A_75 : i32
      %ne3A_77 = arith.constant 0 : i32
      %ne3A_78 = arith.cmpi ne, %rem3A_76, %ne3A_77 : i32
      %lt3A = arith.constant 0 : i32
      %lt3A_79 = arith.cmpi slt, %rem3A_76, %lt3A : i32
      %lt3A_80 = arith.constant 0 : i32
      %lt3A_81 = arith.cmpi slt, %select_n3A_75, %lt3A_80 : i32
      %ne3A_82 = arith.xori %lt3A_79, %lt3A_81 : i1
      %and3A_83 = arith.andi %ne3A_82, %ne3A_78 : i1
      %add3A_84 = arith.addi %rem3A_76, %select_n3A_75 : i32
      %select_n3A_85 = arith.select %and3A_83, %add3A_84, %rem3A_76 : i32
      %mul3A_86 = arith.constant 16 : i32
      %mul3A_87 = arith.muli %select_n3A_85, %mul3A_86 : i32
      %swap3A = arith.index_cast %select_n3A : i32 to index
      %swap3A_88 = arith.index_cast %mul3A_87 : i32 to index
      %swap3A_89 = tpu.vector_load %arg9[%swap3A, %swap3A_88] {strides = array<i32>} : memref<80x128xf32, #tpu.memory_space<vmem>>, vector<1x16xf32>,
      %swap3A_90 = vector.shape_cast %swap3A_89 : vector<1x16xf32> to vector<16xf32>
      %swap3A_91 = vector.shape_cast %broadcast_in_dim3A_1 : vector<16xf32> to vector<1x16xf32>
      tpu.vector_store %arg9[%swap3A, %swap3A_88], %swap3A_91 {strides = array<i32>} : memref<80x128xf32, #tpu.memory_space<vmem>>, vector<1x16xf32>,
      %scan3A_92 = arith.constant 0 : i32
      scf.yield %scan3A_92 : i32
    }
    %scan3A_7 = arith.constant 640 : i32
    %mul3A_8 = arith.constant 640 : i32
    %mul3A_9 = arith.muli %arg1, %mul3A_8 : i32
    %add3A_10 = arith.constant 0 : i32
    %add3A_11 = arith.addi %mul3A_9, %add3A_10 : i32
    "tpu.region"() ({
      %run_scoped3A_54 = tpu.sem_alloc : memref<!tpu.dma_semaphore, #tpu.memory_space<semaphore_mem>>
      %dma_start3A_55 = arith.constant 0 : i32
      %dma_start3A_56 = arith.constant 0 : i32
      %dma_start3A_57 = tpu.memref_slice %arg9[%dma_start3A_55, %dma_start3A_56] : memref<80x128xf32, #tpu.memory_space<vmem>> -> memref<80x128xf32, #tpu.memory_space<vmem>>
      %dma_start3A_58 = arith.constant 0 : i32
      %dma_start3A_59 = tpu.memref_slice %arg11[%add3A_11, %dma_start3A_58] : memref<10240x128xf32, #tpu.memory_space<vmem_shared>> -> memref<80x128xf32, #tpu.memory_space<vmem_shared>>
      %dma_start3A_60 = arith.constant 0 : i32
      %dma_start3A_61 = tpu.memref_slice %arg11[%add3A_11, %dma_start3A_60] : memref<10240x128xf32, #tpu.memory_space<vmem_shared>> -> memref<80x128xf32, #tpu.memory_space<vmem_shared>>
      %dma_start3A_62 = arith.constant 0 : i32
      %dma_start3A_63 = arith.constant 0 : i32
      %dma_start3A_64 = tpu.memref_slice %arg9[%dma_start3A_62, %dma_start3A_63] : memref<80x128xf32, #tpu.memory_space<vmem>> -> memref<80x128xf32, #tpu.memory_space<vmem>>
      tpu.enqueue_dma source(%dma_start3A_64 : memref<80x128xf32, #tpu.memory_space<vmem>>) target(%dma_start3A_61 : memref<80x128xf32, #tpu.memory_space<vmem_shared>>) target_semaphore(%run_scoped3A_54 : memref<!tpu.dma_semaphore, #tpu.memory_space<semaphore_mem>>)
      %dma_wait3A = arith.constant 0 : i32
      %dma_wait3A_65 = arith.constant 0 : i32
      %dma_wait3A_66 = tpu.memref_slice %arg9[%dma_wait3A, %dma_wait3A_65] : memref<80x128xf32, #tpu.memory_space<vmem>> -> memref<80x128xf32, #tpu.memory_space<vmem>>
      %dma_wait3A_67 = arith.constant 0 : i32
      %dma_wait3A_68 = tpu.memref_slice %arg11[%add3A_11, %dma_wait3A_67] : memref<10240x128xf32, #tpu.memory_space<vmem_shared>> -> memref<80x128xf32, #tpu.memory_space<vmem_shared>>
      %dma_wait3A_69 = arith.constant 0 : i32
      %dma_wait3A_70 = tpu.memref_slice %arg11[%add3A_11, %dma_wait3A_69] : memref<10240x128xf32, #tpu.memory_space<vmem_shared>> -> memref<80x128xf32, #tpu.memory_space<vmem_shared>>
      %dma_wait3A_71 = arith.constant 0 : i32
      %dma_wait3A_72 = arith.constant 0 : i32
      %dma_wait3A_73 = tpu.memref_slice %arg9[%dma_wait3A_71, %dma_wait3A_72] : memref<80x128xf32, #tpu.memory_space<vmem>> -> memref<80x128xf32, #tpu.memory_space<vmem>>
      tpu.wait_dma2 semaphore(%run_scoped3A_54 : memref<!tpu.dma_semaphore, #tpu.memory_space<semaphore_mem>>) src(%dma_wait3A_73 : memref<80x128xf32, #tpu.memory_space<vmem>>) dst(%dma_wait3A_70 : memref<80x128xf32, #tpu.memory_space<vmem_shared>>)
      tpu.yield
    }) : () -> ()
    %mul3A_12 = arith.constant 640 : i32
    %mul3A_13 = arith.muli %arg1, %mul3A_12 : i32
    %add3A_14 = arith.constant 80 : i32
    %add3A_15 = arith.addi %mul3A_13, %add3A_14 : i32
    "tpu.region"() ({
      %run_scoped3A_54 = tpu.sem_alloc : memref<!tpu.dma_semaphore, #tpu.memory_space<semaphore_mem>>
      %dma_start3A_55 = arith.constant 0 : i32
      %dma_start3A_56 = arith.constant 0 : i32
      %dma_start3A_57 = tpu.memref_slice %arg9[%dma_start3A_55, %dma_start3A_56] : memref<80x128xf32, #tpu.memory_space<vmem>> -> memref<80x128xf32, #tpu.memory_space<vmem>>
      %dma_start3A_58 = arith.constant 0 : i32
      %dma_start3A_59 = tpu.memref_slice %arg11[%add3A_15, %dma_start3A_58] : memref<10240x128xf32, #tpu.memory_space<vmem_shared>> -> memref<80x128xf32, #tpu.memory_space<vmem_shared>>
      %dma_start3A_60 = arith.constant 0 : i32
      %dma_start3A_61 = tpu.memref_slice %arg11[%add3A_15, %dma_start3A_60] : memref<10240x128xf32, #tpu.memory_space<vmem_shared>> -> memref<80x128xf32, #tpu.memory_space<vmem_shared>>
      %dma_start3A_62 = arith.constant 0 : i32
      %dma_start3A_63 = arith.constant 0 : i32
      %dma_start3A_64 = tpu.memref_slice %arg9[%dma_start3A_62, %dma_start3A_63] : memref<80x128xf32, #tpu.memory_space<vmem>> -> memref<80x128xf32, #tpu.memory_space<vmem>>
      tpu.enqueue_dma source(%dma_start3A_64 : memref<80x128xf32, #tpu.memory_space<vmem>>) target(%dma_start3A_61 : memref<80x128xf32, #tpu.memory_space<vmem_shared>>) target_semaphore(%run_scoped3A_54 : memref<!tpu.dma_semaphore, #tpu.memory_space<semaphore_mem>>)
      %dma_wait3A = arith.constant 0 : i32
      %dma_wait3A_65 = arith.constant 0 : i32
      %dma_wait3A_66 = tpu.memref_slice %arg9[%dma_wait3A, %dma_wait3A_65] : memref<80x128xf32, #tpu.memory_space<vmem>> -> memref<80x128xf32, #tpu.memory_space<vmem>>
      %dma_wait3A_67 = arith.constant 0 : i32
      %dma_wait3A_68 = tpu.memref_slice %arg11[%add3A_15, %dma_wait3A_67] : memref<10240x128xf32, #tpu.memory_space<vmem_shared>> -> memref<80x128xf32, #tpu.memory_space<vmem_shared>>
      %dma_wait3A_69 = arith.constant 0 : i32
      %dma_wait3A_70 = tpu.memref_slice %arg11[%add3A_15, %dma_wait3A_69] : memref<10240x128xf32, #tpu.memory_space<vmem_shared>> -> memref<80x128xf32, #tpu.memory_space<vmem_shared>>
      %dma_wait3A_71 = arith.constant 0 : i32
      %dma_wait3A_72 = arith.constant 0 : i32
      %dma_wait3A_73 = tpu.memref_slice %arg9[%dma_wait3A_71, %dma_wait3A_72] : memref<80x128xf32, #tpu.memory_space<vmem>> -> memref<80x128xf32, #tpu.memory_space<vmem>>
      tpu.wait_dma2 semaphore(%run_scoped3A_54 : memref<!tpu.dma_semaphore, #tpu.memory_space<semaphore_mem>>) src(%dma_wait3A_73 : memref<80x128xf32, #tpu.memory_space<vmem>>) dst(%dma_wait3A_70 : memref<80x128xf32, #tpu.memory_space<vmem_shared>>)
      tpu.yield
    }) : () -> ()
    %mul3A_16 = arith.constant 640 : i32
    %mul3A_17 = arith.muli %arg1, %mul3A_16 : i32
    %add3A_18 = arith.constant 160 : i32
    %add3A_19 = arith.addi %mul3A_17, %add3A_18 : i32
    "tpu.region"() ({
      %run_scoped3A_54 = tpu.sem_alloc : memref<!tpu.dma_semaphore, #tpu.memory_space<semaphore_mem>>
      %dma_start3A_55 = arith.constant 0 : i32
      %dma_start3A_56 = arith.constant 0 : i32
      %dma_start3A_57 = tpu.memref_slice %arg9[%dma_start3A_55, %dma_start3A_56] : memref<80x128xf32, #tpu.memory_space<vmem>> -> memref<80x128xf32, #tpu.memory_space<vmem>>
      %dma_start3A_58 = arith.constant 0 : i32
      %dma_start3A_59 = tpu.memref_slice %arg11[%add3A_19, %dma_start3A_58] : memref<10240x128xf32, #tpu.memory_space<vmem_shared>> -> memref<80x128xf32, #tpu.memory_space<vmem_shared>>
      %dma_start3A_60 = arith.constant 0 : i32
      %dma_start3A_61 = tpu.memref_slice %arg11[%add3A_19, %dma_start3A_60] : memref<10240x128xf32, #tpu.memory_space<vmem_shared>> -> memref<80x128xf32, #tpu.memory_space<vmem_shared>>
      %dma_start3A_62 = arith.constant 0 : i32
      %dma_start3A_63 = arith.constant 0 : i32
      %dma_start3A_64 = tpu.memref_slice %arg9[%dma_start3A_62, %dma_start3A_63] : memref<80x128xf32, #tpu.memory_space<vmem>> -> memref<80x128xf32, #tpu.memory_space<vmem>>
      tpu.enqueue_dma source(%dma_start3A_64 : memref<80x128xf32, #tpu.memory_space<vmem>>) target(%dma_start3A_61 : memref<80x128xf32, #tpu.memory_space<vmem_shared>>) target_semaphore(%run_scoped3A_54 : memref<!tpu.dma_semaphore, #tpu.memory_space<semaphore_mem>>)
      %dma_wait3A = arith.constant 0 : i32
      %dma_wait3A_65 = arith.constant 0 : i32
      %dma_wait3A_66 = tpu.memref_slice %arg9[%dma_wait3A, %dma_wait3A_65] : memref<80x128xf32, #tpu.memory_space<vmem>> -> memref<80x128xf32, #tpu.memory_space<vmem>>
      %dma_wait3A_67 = arith.constant 0 : i32
      %dma_wait3A_68 = tpu.memref_slice %arg11[%add3A_19, %dma_wait3A_67] : memref<10240x128xf32, #tpu.memory_space<vmem_shared>> -> memref<80x128xf32, #tpu.memory_space<vmem_shared>>
      %dma_wait3A_69 = arith.constant 0 : i32
      %dma_wait3A_70 = tpu.memref_slice %arg11[%add3A_19, %dma_wait3A_69] : memref<10240x128xf32, #tpu.memory_space<vmem_shared>> -> memref<80x128xf32, #tpu.memory_space<vmem_shared>>
      %dma_wait3A_71 = arith.constant 0 : i32
      %dma_wait3A_72 = arith.constant 0 : i32
      %dma_wait3A_73 = tpu.memref_slice %arg9[%dma_wait3A_71, %dma_wait3A_72] : memref<80x128xf32, #tpu.memory_space<vmem>> -> memref<80x128xf32, #tpu.memory_space<vmem>>
      tpu.wait_dma2 semaphore(%run_scoped3A_54 : memref<!tpu.dma_semaphore, #tpu.memory_space<semaphore_mem>>) src(%dma_wait3A_73 : memref<80x128xf32, #tpu.memory_space<vmem>>) dst(%dma_wait3A_70 : memref<80x128xf32, #tpu.memory_space<vmem_shared>>)
      tpu.yield
    }) : () -> ()
    %mul3A_20 = arith.constant 640 : i32
    %mul3A_21 = arith.muli %arg1, %mul3A_20 : i32
    %add3A_22 = arith.constant 240 : i32
    %add3A_23 = arith.addi %mul3A_21, %add3A_22 : i32
    "tpu.region"() ({
      %run_scoped3A_54 = tpu.sem_alloc : memref<!tpu.dma_semaphore, #tpu.memory_space<semaphore_mem>>
      %dma_start3A_55 = arith.constant 0 : i32
      %dma_start3A_56 = arith.constant 0 : i32
      %dma_start3A_57 = tpu.memref_slice %arg9[%dma_start3A_55, %dma_start3A_56] : memref<80x128xf32, #tpu.memory_space<vmem>> -> memref<80x128xf32, #tpu.memory_space<vmem>>
      %dma_start3A_58 = arith.constant 0 : i32
      %dma_start3A_59 = tpu.memref_slice %arg11[%add3A_23, %dma_start3A_58] : memref<10240x128xf32, #tpu.memory_space<vmem_shared>> -> memref<80x128xf32, #tpu.memory_space<vmem_shared>>
      %dma_start3A_60 = arith.constant 0 : i32
      %dma_start3A_61 = tpu.memref_slice %arg11[%add3A_23, %dma_start3A_60] : memref<10240x128xf32, #tpu.memory_space<vmem_shared>> -> memref<80x128xf32, #tpu.memory_space<vmem_shared>>
      %dma_start3A_62 = arith.constant 0 : i32
      %dma_start3A_63 = arith.constant 0 : i32
      %dma_start3A_64 = tpu.memref_slice %arg9[%dma_start3A_62, %dma_start3A_63] : memref<80x128xf32, #tpu.memory_space<vmem>> -> memref<80x128xf32, #tpu.memory_space<vmem>>
      tpu.enqueue_dma source(%dma_start3A_64 : memref<80x128xf32, #tpu.memory_space<vmem>>) target(%dma_start3A_61 : memref<80x128xf32, #tpu.memory_space<vmem_shared>>) target_semaphore(%run_scoped3A_54 : memref<!tpu.dma_semaphore, #tpu.memory_space<semaphore_mem>>)
      %dma_wait3A = arith.constant 0 : i32
      %dma_wait3A_65 = arith.constant 0 : i32
      %dma_wait3A_66 = tpu.memref_slice %arg9[%dma_wait3A, %dma_wait3A_65] : memref<80x128xf32, #tpu.memory_space<vmem>> -> memref<80x128xf32, #tpu.memory_space<vmem>>
      %dma_wait3A_67 = arith.constant 0 : i32
      %dma_wait3A_68 = tpu.memref_slice %arg11[%add3A_23, %dma_wait3A_67] : memref<10240x128xf32, #tpu.memory_space<vmem_shared>> -> memref<80x128xf32, #tpu.memory_space<vmem_shared>>
      %dma_wait3A_69 = arith.constant 0 : i32
      %dma_wait3A_70 = tpu.memref_slice %arg11[%add3A_23, %dma_wait3A_69] : memref<10240x128xf32, #tpu.memory_space<vmem_shared>> -> memref<80x128xf32, #tpu.memory_space<vmem_shared>>
      %dma_wait3A_71 = arith.constant 0 : i32
      %dma_wait3A_72 = arith.constant 0 : i32
      %dma_wait3A_73 = tpu.memref_slice %arg9[%dma_wait3A_71, %dma_wait3A_72] : memref<80x128xf32, #tpu.memory_space<vmem>> -> memref<80x128xf32, #tpu.memory_space<vmem>>
      tpu.wait_dma2 semaphore(%run_scoped3A_54 : memref<!tpu.dma_semaphore, #tpu.memory_space<semaphore_mem>>) src(%dma_wait3A_73 : memref<80x128xf32, #tpu.memory_space<vmem>>) dst(%dma_wait3A_70 : memref<80x128xf32, #tpu.memory_space<vmem_shared>>)
      tpu.yield
    }) : () -> ()
    %mul3A_24 = arith.constant 640 : i32
    %mul3A_25 = arith.muli %arg1, %mul3A_24 : i32
    %add3A_26 = arith.constant 320 : i32
    %add3A_27 = arith.addi %mul3A_25, %add3A_26 : i32
    "tpu.region"() ({
      %run_scoped3A_54 = tpu.sem_alloc : memref<!tpu.dma_semaphore, #tpu.memory_space<semaphore_mem>>
      %dma_start3A_55 = arith.constant 0 : i32
      %dma_start3A_56 = arith.constant 0 : i32
      %dma_start3A_57 = tpu.memref_slice %arg9[%dma_start3A_55, %dma_start3A_56] : memref<80x128xf32, #tpu.memory_space<vmem>> -> memref<80x128xf32, #tpu.memory_space<vmem>>
      %dma_start3A_58 = arith.constant 0 : i32
      %dma_start3A_59 = tpu.memref_slice %arg11[%add3A_27, %dma_start3A_58] : memref<10240x128xf32, #tpu.memory_space<vmem_shared>> -> memref<80x128xf32, #tpu.memory_space<vmem_shared>>
      %dma_start3A_60 = arith.constant 0 : i32
      %dma_start3A_61 = tpu.memref_slice %arg11[%add3A_27, %dma_start3A_60] : memref<10240x128xf32, #tpu.memory_space<vmem_shared>> -> memref<80x128xf32, #tpu.memory_space<vmem_shared>>
      %dma_start3A_62 = arith.constant 0 : i32
      %dma_start3A_63 = arith.constant 0 : i32
      %dma_start3A_64 = tpu.memref_slice %arg9[%dma_start3A_62, %dma_start3A_63] : memref<80x128xf32, #tpu.memory_space<vmem>> -> memref<80x128xf32, #tpu.memory_space<vmem>>
      tpu.enqueue_dma source(%dma_start3A_64 : memref<80x128xf32, #tpu.memory_space<vmem>>) target(%dma_start3A_61 : memref<80x128xf32, #tpu.memory_space<vmem_shared>>) target_semaphore(%run_scoped3A_54 : memref<!tpu.dma_semaphore, #tpu.memory_space<semaphore_mem>>)
      %dma_wait3A = arith.constant 0 : i32
      %dma_wait3A_65 = arith.constant 0 : i32
      %dma_wait3A_66 = tpu.memref_slice %arg9[%dma_wait3A, %dma_wait3A_65] : memref<80x128xf32, #tpu.memory_space<vmem>> -> memref<80x128xf32, #tpu.memory_space<vmem>>
      %dma_wait3A_67 = arith.constant 0 : i32
      %dma_wait3A_68 = tpu.memref_slice %arg11[%add3A_27, %dma_wait3A_67] : memref<10240x128xf32, #tpu.memory_space<vmem_shared>> -> memref<80x128xf32, #tpu.memory_space<vmem_shared>>
      %dma_wait3A_69 = arith.constant 0 : i32
      %dma_wait3A_70 = tpu.memref_slice %arg11[%add3A_27, %dma_wait3A_69] : memref<10240x128xf32, #tpu.memory_space<vmem_shared>> -> memref<80x128xf32, #tpu.memory_space<vmem_shared>>
      %dma_wait3A_71 = arith.constant 0 : i32
      %dma_wait3A_72 = arith.constant 0 : i32
      %dma_wait3A_73 = tpu.memref_slice %arg9[%dma_wait3A_71, %dma_wait3A_72] : memref<80x128xf32, #tpu.memory_space<vmem>> -> memref<80x128xf32, #tpu.memory_space<vmem>>
      tpu.wait_dma2 semaphore(%run_scoped3A_54 : memref<!tpu.dma_semaphore, #tpu.memory_space<semaphore_mem>>) src(%dma_wait3A_73 : memref<80x128xf32, #tpu.memory_space<vmem>>) dst(%dma_wait3A_70 : memref<80x128xf32, #tpu.memory_space<vmem_shared>>)
      tpu.yield
    }) : () -> ()
    %mul3A_28 = arith.constant 640 : i32
    %mul3A_29 = arith.muli %arg1, %mul3A_28 : i32
    %add3A_30 = arith.constant 400 : i32
    %add3A_31 = arith.addi %mul3A_29, %add3A_30 : i32
    "tpu.region"() ({
      %run_scoped3A_54 = tpu.sem_alloc : memref<!tpu.dma_semaphore, #tpu.memory_space<semaphore_mem>>
      %dma_start3A_55 = arith.constant 0 : i32
      %dma_start3A_56 = arith.constant 0 : i32
      %dma_start3A_57 = tpu.memref_slice %arg9[%dma_start3A_55, %dma_start3A_56] : memref<80x128xf32, #tpu.memory_space<vmem>> -> memref<80x128xf32, #tpu.memory_space<vmem>>
      %dma_start3A_58 = arith.constant 0 : i32
      %dma_start3A_59 = tpu.memref_slice %arg11[%add3A_31, %dma_start3A_58] : memref<10240x128xf32, #tpu.memory_space<vmem_shared>> -> memref<80x128xf32, #tpu.memory_space<vmem_shared>>
      %dma_start3A_60 = arith.constant 0 : i32
      %dma_start3A_61 = tpu.memref_slice %arg11[%add3A_31, %dma_start3A_60] : memref<10240x128xf32, #tpu.memory_space<vmem_shared>> -> memref<80x128xf32, #tpu.memory_space<vmem_shared>>
      %dma_start3A_62 = arith.constant 0 : i32
      %dma_start3A_63 = arith.constant 0 : i32
      %dma_start3A_64 = tpu.memref_slice %arg9[%dma_start3A_62, %dma_start3A_63] : memref<80x128xf32, #tpu.memory_space<vmem>> -> memref<80x128xf32, #tpu.memory_space<vmem>>
      tpu.enqueue_dma source(%dma_start3A_64 : memref<80x128xf32, #tpu.memory_space<vmem>>) target(%dma_start3A_61 : memref<80x128xf32, #tpu.memory_space<vmem_shared>>) target_semaphore(%run_scoped3A_54 : memref<!tpu.dma_semaphore, #tpu.memory_space<semaphore_mem>>)
      %dma_wait3A = arith.constant 0 : i32
      %dma_wait3A_65 = arith.constant 0 : i32
      %dma_wait3A_66 = tpu.memref_slice %arg9[%dma_wait3A, %dma_wait3A_65] : memref<80x128xf32, #tpu.memory_space<vmem>> -> memref<80x128xf32, #tpu.memory_space<vmem>>
      %dma_wait3A_67 = arith.constant 0 : i32
      %dma_wait3A_68 = tpu.memref_slice %arg11[%add3A_31, %dma_wait3A_67] : memref<10240x128xf32, #tpu.memory_space<vmem_shared>> -> memref<80x128xf32, #tpu.memory_space<vmem_shared>>
      %dma_wait3A_69 = arith.constant 0 : i32
      %dma_wait3A_70 = tpu.memref_slice %arg11[%add3A_31, %dma_wait3A_69] : memref<10240x128xf32, #tpu.memory_space<vmem_shared>> -> memref<80x128xf32, #tpu.memory_space<vmem_shared>>
      %dma_wait3A_71 = arith.constant 0 : i32
      %dma_wait3A_72 = arith.constant 0 : i32
      %dma_wait3A_73 = tpu.memref_slice %arg9[%dma_wait3A_71, %dma_wait3A_72] : memref<80x128xf32, #tpu.memory_space<vmem>> -> memref<80x128xf32, #tpu.memory_space<vmem>>
      tpu.wait_dma2 semaphore(%run_scoped3A_54 : memref<!tpu.dma_semaphore, #tpu.memory_space<semaphore_mem>>) src(%dma_wait3A_73 : memref<80x128xf32, #tpu.memory_space<vmem>>) dst(%dma_wait3A_70 : memref<80x128xf32, #tpu.memory_space<vmem_shared>>)
      tpu.yield
    }) : () -> ()
    %mul3A_32 = arith.constant 640 : i32
    %mul3A_33 = arith.muli %arg1, %mul3A_32 : i32
    %add3A_34 = arith.constant 480 : i32
    %add3A_35 = arith.addi %mul3A_33, %add3A_34 : i32
    "tpu.region"() ({
      %run_scoped3A_54 = tpu.sem_alloc : memref<!tpu.dma_semaphore, #tpu.memory_space<semaphore_mem>>
      %dma_start3A_55 = arith.constant 0 : i32
      %dma_start3A_56 = arith.constant 0 : i32
      %dma_start3A_57 = tpu.memref_slice %arg9[%dma_start3A_55, %dma_start3A_56] : memref<80x128xf32, #tpu.memory_space<vmem>> -> memref<80x128xf32, #tpu.memory_space<vmem>>
      %dma_start3A_58 = arith.constant 0 : i32
      %dma_start3A_59 = tpu.memref_slice %arg11[%add3A_35, %dma_start3A_58] : memref<10240x128xf32, #tpu.memory_space<vmem_shared>> -> memref<80x128xf32, #tpu.memory_space<vmem_shared>>
      %dma_start3A_60 = arith.constant 0 : i32
      %dma_start3A_61 = tpu.memref_slice %arg11[%add3A_35, %dma_start3A_60] : memref<10240x128xf32, #tpu.memory_space<vmem_shared>> -> memref<80x128xf32, #tpu.memory_space<vmem_shared>>
      %dma_start3A_62 = arith.constant 0 : i32
      %dma_start3A_63 = arith.constant 0 : i32
      %dma_start3A_64 = tpu.memref_slice %arg9[%dma_start3A_62, %dma_start3A_63] : memref<80x128xf32, #tpu.memory_space<vmem>> -> memref<80x128xf32, #tpu.memory_space<vmem>>
      tpu.enqueue_dma source(%dma_start3A_64 : memref<80x128xf32, #tpu.memory_space<vmem>>) target(%dma_start3A_61 : memref<80x128xf32, #tpu.memory_space<vmem_shared>>) target_semaphore(%run_scoped3A_54 : memref<!tpu.dma_semaphore, #tpu.memory_space<semaphore_mem>>)
      %dma_wait3A = arith.constant 0 : i32
      %dma_wait3A_65 = arith.constant 0 : i32
      %dma_wait3A_66 = tpu.memref_slice %arg9[%dma_wait3A, %dma_wait3A_65] : memref<80x128xf32, #tpu.memory_space<vmem>> -> memref<80x128xf32, #tpu.memory_space<vmem>>
      %dma_wait3A_67 = arith.constant 0 : i32
      %dma_wait3A_68 = tpu.memref_slice %arg11[%add3A_35, %dma_wait3A_67] : memref<10240x128xf32, #tpu.memory_space<vmem_shared>> -> memref<80x128xf32, #tpu.memory_space<vmem_shared>>
      %dma_wait3A_69 = arith.constant 0 : i32
      %dma_wait3A_70 = tpu.memref_slice %arg11[%add3A_35, %dma_wait3A_69] : memref<10240x128xf32, #tpu.memory_space<vmem_shared>> -> memref<80x128xf32, #tpu.memory_space<vmem_shared>>
      %dma_wait3A_71 = arith.constant 0 : i32
      %dma_wait3A_72 = arith.constant 0 : i32
      %dma_wait3A_73 = tpu.memref_slice %arg9[%dma_wait3A_71, %dma_wait3A_72] : memref<80x128xf32, #tpu.memory_space<vmem>> -> memref<80x128xf32, #tpu.memory_space<vmem>>
      tpu.wait_dma2 semaphore(%run_scoped3A_54 : memref<!tpu.dma_semaphore, #tpu.memory_space<semaphore_mem>>) src(%dma_wait3A_73 : memref<80x128xf32, #tpu.memory_space<vmem>>) dst(%dma_wait3A_70 : memref<80x128xf32, #tpu.memory_space<vmem_shared>>)
      tpu.yield
    }) : () -> ()
    %mul3A_36 = arith.constant 640 : i32
    %mul3A_37 = arith.muli %arg1, %mul3A_36 : i32
    %add3A_38 = arith.constant 560 : i32
    %add3A_39 = arith.addi %mul3A_37, %add3A_38 : i32
    "tpu.region"() ({
      %run_scoped3A_54 = tpu.sem_alloc : memref<!tpu.dma_semaphore, #tpu.memory_space<semaphore_mem>>
      %dma_start3A_55 = arith.constant 0 : i32
      %dma_start3A_56 = arith.constant 0 : i32
      %dma_start3A_57 = tpu.memref_slice %arg9[%dma_start3A_55, %dma_start3A_56] : memref<80x128xf32, #tpu.memory_space<vmem>> -> memref<80x128xf32, #tpu.memory_space<vmem>>
      %dma_start3A_58 = arith.constant 0 : i32
      %dma_start3A_59 = tpu.memref_slice %arg11[%add3A_39, %dma_start3A_58] : memref<10240x128xf32, #tpu.memory_space<vmem_shared>> -> memref<80x128xf32, #tpu.memory_space<vmem_shared>>
      %dma_start3A_60 = arith.constant 0 : i32
      %dma_start3A_61 = tpu.memref_slice %arg11[%add3A_39, %dma_start3A_60] : memref<10240x128xf32, #tpu.memory_space<vmem_shared>> -> memref<80x128xf32, #tpu.memory_space<vmem_shared>>
      %dma_start3A_62 = arith.constant 0 : i32
      %dma_start3A_63 = arith.constant 0 : i32
      %dma_start3A_64 = tpu.memref_slice %arg9[%dma_start3A_62, %dma_start3A_63] : memref<80x128xf32, #tpu.memory_space<vmem>> -> memref<80x128xf32, #tpu.memory_space<vmem>>
      tpu.enqueue_dma source(%dma_start3A_64 : memref<80x128xf32, #tpu.memory_space<vmem>>) target(%dma_start3A_61 : memref<80x128xf32, #tpu.memory_space<vmem_shared>>) target_semaphore(%run_scoped3A_54 : memref<!tpu.dma_semaphore, #tpu.memory_space<semaphore_mem>>)
      %dma_wait3A = arith.constant 0 : i32
      %dma_wait3A_65 = arith.constant 0 : i32
      %dma_wait3A_66 = tpu.memref_slice %arg9[%dma_wait3A, %dma_wait3A_65] : memref<80x128xf32, #tpu.memory_space<vmem>> -> memref<80x128xf32, #tpu.memory_space<vmem>>
      %dma_wait3A_67 = arith.constant 0 : i32
      %dma_wait3A_68 = tpu.memref_slice %arg11[%add3A_39, %dma_wait3A_67] : memref<10240x128xf32, #tpu.memory_space<vmem_shared>> -> memref<80x128xf32, #tpu.memory_space<vmem_shared>>
      %dma_wait3A_69 = arith.constant 0 : i32
      %dma_wait3A_70 = tpu.memref_slice %arg11[%add3A_39, %dma_wait3A_69] : memref<10240x128xf32, #tpu.memory_space<vmem_shared>> -> memref<80x128xf32, #tpu.memory_space<vmem_shared>>
      %dma_wait3A_71 = arith.constant 0 : i32
      %dma_wait3A_72 = arith.constant 0 : i32
      %dma_wait3A_73 = tpu.memref_slice %arg9[%dma_wait3A_71, %dma_wait3A_72] : memref<80x128xf32, #tpu.memory_space<vmem>> -> memref<80x128xf32, #tpu.memory_space<vmem>>
      tpu.wait_dma2 semaphore(%run_scoped3A_54 : memref<!tpu.dma_semaphore, #tpu.memory_space<semaphore_mem>>) src(%dma_wait3A_73 : memref<80x128xf32, #tpu.memory_space<vmem>>) dst(%dma_wait3A_70 : memref<80x128xf32, #tpu.memory_space<vmem_shared>>)
      tpu.yield
    }) : () -> ()
    %barrier3A = arith.constant 0 : index
    tpu.barrier barrier_id(%barrier3A)
    "tpu.region"() ({
      %run_scoped3A_54 = tpu.sem_alloc : memref<!tpu.dma_semaphore, #tpu.memory_space<semaphore_mem>>
      %dma_start3A_55 = arith.constant 0 : i32
      %dma_start3A_56 = arith.constant 0 : i32
      %dma_start3A_57 = tpu.memref_slice %arg3[%add3A, %dma_start3A_55, %dma_start3A_56] : memref<32x125x80xi32, #tpu.memory_space<hbm>> -> memref<1x125x80xi32, #tpu.memory_space<hbm>>
      %dma_start3A_58 = tpu.memref_squeeze %dma_start3A_57 : memref<1x125x80xi32, #tpu.memory_space<hbm>> -> memref<125x80xi32, #tpu.memory_space<hbm>>
      %dma_start3A_59 = arith.constant 0 : i32
      %dma_start3A_60 = arith.constant 0 : i32
      %dma_start3A_61 = tpu.memref_slice %arg3[%add3A, %dma_start3A_59, %dma_start3A_60] : memref<32x125x80xi32, #tpu.memory_space<hbm>> -> memref<1x125x80xi32, #tpu.memory_space<hbm>>
      %dma_start3A_62 = tpu.memref_squeeze %dma_start3A_61 : memref<1x125x80xi32, #tpu.memory_space<hbm>> -> memref<125x80xi32, #tpu.memory_space<hbm>>
      tpu.enqueue_dma source(%dma_start3A_62 : memref<125x80xi32, #tpu.memory_space<hbm>>) target(%arg8 : memref<125x80xi32, #tpu.memory_space<vmem>>) target_semaphore(%run_scoped3A_54 : memref<!tpu.dma_semaphore, #tpu.memory_space<semaphore_mem>>)
      %dma_wait3A = arith.constant 0 : i32
      %dma_wait3A_63 = arith.constant 0 : i32
      %dma_wait3A_64 = tpu.memref_slice %arg3[%add3A, %dma_wait3A, %dma_wait3A_63] : memref<32x125x80xi32, #tpu.memory_space<hbm>> -> memref<1x125x80xi32, #tpu.memory_space<hbm>>
      %dma_wait3A_65 = tpu.memref_squeeze %dma_wait3A_64 : memref<1x125x80xi32, #tpu.memory_space<hbm>> -> memref<125x80xi32, #tpu.memory_space<hbm>>
      %dma_wait3A_66 = arith.constant 0 : i32
      %dma_wait3A_67 = arith.constant 0 : i32
      %dma_wait3A_68 = tpu.memref_slice %arg3[%add3A, %dma_wait3A_66, %dma_wait3A_67] : memref<32x125x80xi32, #tpu.memory_space<hbm>> -> memref<1x125x80xi32, #tpu.memory_space<hbm>>
      %dma_wait3A_69 = tpu.memref_squeeze %dma_wait3A_68 : memref<1x125x80xi32, #tpu.memory_space<hbm>> -> memref<125x80xi32, #tpu.memory_space<hbm>>
      tpu.wait_dma2 semaphore(%run_scoped3A_54 : memref<!tpu.dma_semaphore, #tpu.memory_space<semaphore_mem>>) src(%dma_wait3A_69 : memref<125x80xi32, #tpu.memory_space<hbm>>) dst(%arg8 : memref<125x80xi32, #tpu.memory_space<vmem>>)
      tpu.yield
    }) : () -> ()
    %run_scoped3A = arith.constant 0 : i32
    "tpu.region"() ({
      %run_scoped3A_54 = tpu.sem_alloc : memref<!tpu.dma_semaphore, #tpu.memory_space<semaphore_mem>>
      %dma_start3A_55 = arith.constant 0 : i32
      %dma_start3A_56 = tpu.memref_slice %arg2[%add3A, %run_scoped3A, %dma_start3A_55] : memref<32x125x80xi32, #tpu.memory_space<hbm>> -> memref<1x1x80xi32, #tpu.memory_space<hbm>>
      %dma_start3A_57 = tpu.memref_squeeze %dma_start3A_56 : memref<1x1x80xi32, #tpu.memory_space<hbm>> -> memref<80xi32, #tpu.memory_space<hbm>>
      %dma_start3A_58 = arith.constant 0 : i32
      %dma_start3A_59 = tpu.memref_slice %arg2[%add3A, %run_scoped3A, %dma_start3A_58] : memref<32x125x80xi32, #tpu.memory_space<hbm>> -> memref<1x1x80xi32, #tpu.memory_space<hbm>>
      %dma_start3A_60 = tpu.memref_squeeze %dma_start3A_59 : memref<1x1x80xi32, #tpu.memory_space<hbm>> -> memref<80xi32, #tpu.memory_space<hbm>>
      tpu.enqueue_dma source(%dma_start3A_60 : memref<80xi32, #tpu.memory_space<hbm>>) target(%arg6 : memref<80xi32, #tpu.memory_space<vmem>>) target_semaphore(%run_scoped3A_54 : memref<!tpu.dma_semaphore, #tpu.memory_space<semaphore_mem>>)
      %dma_wait3A = arith.constant 0 : i32
      %dma_wait3A_61 = tpu.memref_slice %arg2[%add3A, %run_scoped3A, %dma_wait3A] : memref<32x125x80xi32, #tpu.memory_space<hbm>> -> memref<1x1x80xi32, #tpu.memory_space<hbm>>
      %dma_wait3A_62 = tpu.memref_squeeze %dma_wait3A_61 : memref<1x1x80xi32, #tpu.memory_space<hbm>> -> memref<80xi32, #tpu.memory_space<hbm>>
      %dma_wait3A_63 = arith.constant 0 : i32
      %dma_wait3A_64 = tpu.memref_slice %arg2[%add3A, %run_scoped3A, %dma_wait3A_63] : memref<32x125x80xi32, #tpu.memory_space<hbm>> -> memref<1x1x80xi32, #tpu.memory_space<hbm>>
      %dma_wait3A_65 = tpu.memref_squeeze %dma_wait3A_64 : memref<1x1x80xi32, #tpu.memory_space<hbm>> -> memref<80xi32, #tpu.memory_space<hbm>>
      tpu.wait_dma2 semaphore(%run_scoped3A_54 : memref<!tpu.dma_semaphore, #tpu.memory_space<semaphore_mem>>) src(%dma_wait3A_65 : memref<80xi32, #tpu.memory_space<hbm>>) dst(%arg6 : memref<80xi32, #tpu.memory_space<vmem>>)
      tpu.yield
    }) : () -> ()
    %dma_start3A = arith.constant 0 : i32
    %dma_start3A_40 = arith.constant 0 : i32
    %dma_start3A_41 = tpu.memref_slice %arg4[%dma_start3A, %dma_start3A_40] : memref<10240x128xf32, #tpu.memory_space<hbm>> -> memref<10240x128xf32, #tpu.memory_space<hbm>>
    tpu.enqueue_indirect_dma source(%dma_start3A_41 : memref<10240x128xf32, #tpu.memory_space<hbm>>) target(%arg9 : memref<80x128xf32, #tpu.memory_space<vmem>>) offsets(%arg6 : memref<80xi32, #tpu.memory_space<vmem>>) semaphore(%arg12 : memref<!tpu.dma_semaphore, #tpu.memory_space<semaphore_mem>>)
    %scan3A_42 = arith.constant 0 : i32
    %scan3A_43 = arith.constant 0 : i32
    %scan3A_44 = arith.constant 63 : i32
    %scan3A_45 = arith.addi %scan3A_43, %scan3A_44 : i32
    %scan3A_46 = arith.constant 1 : i32
    %scan3A_47 = scf.for %scan3A_54 = %scan3A_43 to %scan3A_45 step %scan3A_46 iter_args(%scan3A_55 = %scan3A_42) -> (i32)  : i32 {
      %mul3A_56 = arith.constant 2 : i32
      %mul3A_57 = arith.muli %mul3A_56, %scan3A_54 : i32
      %add3A_58 = arith.constant 1 : i32
      %add3A_59 = arith.addi %mul3A_57, %add3A_58 : i32
      %lt3A = arith.constant 125 : i32
      %lt3A_60 = arith.cmpi slt, %add3A_59, %lt3A : i32
      %convert_element_type3A = arith.extui %lt3A_60 : i1 to i32
      %cond3A = arith.constant 0 : i32
      %cond3A_61 = arith.cmpi ne, %convert_element_type3A, %cond3A : i32
      scf.if %cond3A_61 {
        "tpu.region"() ({
          %run_scoped3A_84 = tpu.sem_alloc : memref<!tpu.dma_semaphore, #tpu.memory_space<semaphore_mem>>
          %dma_start3A_85 = arith.constant 0 : i32
          %dma_start3A_86 = tpu.memref_slice %arg2[%add3A, %add3A_59, %dma_start3A_85] : memref<32x125x80xi32, #tpu.memory_space<hbm>> -> memref<1x1x80xi32, #tpu.memory_space<hbm>>
          %dma_start3A_87 = tpu.memref_squeeze %dma_start3A_86 : memref<1x1x80xi32, #tpu.memory_space<hbm>> -> memref<80xi32, #tpu.memory_space<hbm>>
          %dma_start3A_88 = arith.constant 0 : i32
          %dma_start3A_89 = tpu.memref_slice %arg2[%add3A, %add3A_59, %dma_start3A_88] : memref<32x125x80xi32, #tpu.memory_space<hbm>> -> memref<1x1x80xi32, #tpu.memory_space<hbm>>
          %dma_start3A_90 = tpu.memref_squeeze %dma_start3A_89 : memref<1x1x80xi32, #tpu.memory_space<hbm>> -> memref<80xi32, #tpu.memory_space<hbm>>
          tpu.enqueue_dma source(%dma_start3A_90 : memref<80xi32, #tpu.memory_space<hbm>>) target(%arg7 : memref<80xi32, #tpu.memory_space<vmem>>) target_semaphore(%run_scoped3A_84 : memref<!tpu.dma_semaphore, #tpu.memory_space<semaphore_mem>>)
          %dma_wait3A_91 = arith.constant 0 : i32
          %dma_wait3A_92 = tpu.memref_slice %arg2[%add3A, %add3A_59, %dma_wait3A_91] : memref<32x125x80xi32, #tpu.memory_space<hbm>> -> memref<1x1x80xi32, #tpu.memory_space<hbm>>
          %dma_wait3A_93 = tpu.memref_squeeze %dma_wait3A_92 : memref<1x1x80xi32, #tpu.memory_space<hbm>> -> memref<80xi32, #tpu.memory_space<hbm>>
          %dma_wait3A_94 = arith.constant 0 : i32
          %dma_wait3A_95 = tpu.memref_slice %arg2[%add3A, %add3A_59, %dma_wait3A_94] : memref<32x125x80xi32, #tpu.memory_space<hbm>> -> memref<1x1x80xi32, #tpu.memory_space<hbm>>
          %dma_wait3A_96 = tpu.memref_squeeze %dma_wait3A_95 : memref<1x1x80xi32, #tpu.memory_space<hbm>> -> memref<80xi32, #tpu.memory_space<hbm>>
          tpu.wait_dma2 semaphore(%run_scoped3A_84 : memref<!tpu.dma_semaphore, #tpu.memory_space<semaphore_mem>>) src(%dma_wait3A_96 : memref<80xi32, #tpu.memory_space<hbm>>) dst(%arg7 : memref<80xi32, #tpu.memory_space<vmem>>)
          tpu.yield
        }) : () -> ()
        %dma_start3A_81 = arith.constant 0 : i32
        %dma_start3A_82 = arith.constant 0 : i32
        %dma_start3A_83 = tpu.memref_slice %arg4[%dma_start3A_81, %dma_start3A_82] : memref<10240x128xf32, #tpu.memory_space<hbm>> -> memref<10240x128xf32, #tpu.memory_space<hbm>>
        tpu.enqueue_indirect_dma source(%dma_start3A_83 : memref<10240x128xf32, #tpu.memory_space<hbm>>) target(%arg10 : memref<80x128xf32, #tpu.memory_space<vmem>>) offsets(%arg7 : memref<80xi32, #tpu.memory_space<vmem>>) semaphore(%arg13 : memref<!tpu.dma_semaphore, #tpu.memory_space<semaphore_mem>>)
      } else {
      }
      %mul3A_62 = arith.constant 2 : i32
      %mul3A_63 = arith.muli %mul3A_62, %scan3A_54 : i32
      %dma_wait3A = arith.constant 0 : i32
      %dma_wait3A_64 = arith.constant 0 : i32
      %dma_wait3A_65 = tpu.memref_slice %arg4[%dma_wait3A, %dma_wait3A_64] : memref<10240x128xf32, #tpu.memory_space<hbm>> -> memref<10240x128xf32, #tpu.memory_space<hbm>>
      tpu.wait_indirect_dma semaphore(%arg12 : memref<!tpu.dma_semaphore, #tpu.memory_space<semaphore_mem>>) src(%dma_wait3A_65 : memref<10240x128xf32, #tpu.memory_space<hbm>>) dst(%arg9 : memref<80x128xf32, #tpu.memory_space<vmem>>)
      "tpu.region"() ({
        %run_scoped3A_81 = tpu.sem_alloc : memref<!tpu.dma_semaphore, #tpu.memory_space<semaphore_mem>>
        %dma_start3A_82 = arith.constant 0 : i32
        %dma_start3A_83 = tpu.memref_slice %arg8[%mul3A_63, %dma_start3A_82] : memref<125x80xi32, #tpu.memory_space<vmem>> -> memref<1x80xi32, #tpu.memory_space<vmem>>
        %dma_start3A_84 = tpu.memref_squeeze %dma_start3A_83 : memref<1x80xi32, #tpu.memory_space<vmem>> -> memref<80xi32, #tpu.memory_space<vmem>>
        %dma_start3A_85 = arith.constant 0 : i32
        %dma_start3A_86 = arith.constant 0 : i32
        %dma_start3A_87 = tpu.memref_slice %arg11[%dma_start3A_85, %dma_start3A_86] : memref<10240x128xf32, #tpu.memory_space<vmem_shared>> -> memref<10240x128xf32, #tpu.memory_space<vmem_shared>>
        tpu.enqueue_indirect_dma source(%arg9 : memref<80x128xf32, #tpu.memory_space<vmem>>) target(%dma_start3A_87 : memref<10240x128xf32, #tpu.memory_space<vmem_shared>>) offsets(%dma_start3A_84 : memref<80xi32, #tpu.memory_space<vmem>>) semaphore(%run_scoped3A_81 : memref<!tpu.dma_semaphore, #tpu.memory_space<semaphore_mem>>) {add = true}
        %dma_wait3A_88 = arith.constant 0 : i32
        %dma_wait3A_89 = tpu.memref_slice %arg8[%mul3A_63, %dma_wait3A_88] : memref<125x80xi32, #tpu.memory_space<vmem>> -> memref<1x80xi32, #tpu.memory_space<vmem>>
        %dma_wait3A_90 = tpu.memref_squeeze %dma_wait3A_89 : memref<1x80xi32, #tpu.memory_space<vmem>> -> memref<80xi32, #tpu.memory_space<vmem>>
        %dma_wait3A_91 = arith.constant 0 : i32
        %dma_wait3A_92 = arith.constant 0 : i32
        %dma_wait3A_93 = tpu.memref_slice %arg11[%dma_wait3A_91, %dma_wait3A_92] : memref<10240x128xf32, #tpu.memory_space<vmem_shared>> -> memref<10240x128xf32, #tpu.memory_space<vmem_shared>>
        tpu.wait_indirect_dma semaphore(%run_scoped3A_81 : memref<!tpu.dma_semaphore, #tpu.memory_space<semaphore_mem>>) src(%arg9 : memref<80x128xf32, #tpu.memory_space<vmem>>) dst(%dma_wait3A_93 : memref<10240x128xf32, #tpu.memory_space<vmem_shared>>)
        tpu.yield
      }) : () -> ()
      %mul3A_66 = arith.constant 2 : i32
      %mul3A_67 = arith.muli %mul3A_66, %scan3A_54 : i32
      %add3A_68 = arith.constant 2 : i32
      %add3A_69 = arith.addi %mul3A_67, %add3A_68 : i32
      %lt3A_70 = arith.constant 125 : i32
      %lt3A_71 = arith.cmpi slt, %add3A_69, %lt3A_70 : i32
      %convert_element_type3A_72 = arith.extui %lt3A_71 : i1 to i32
      %cond3A_73 = arith.constant 0 : i32
      %cond3A_74 = arith.cmpi ne, %convert_element_type3A_72, %cond3A_73 : i32
      scf.if %cond3A_74 {
        %mul3A_81 = arith.constant 2 : i32
        %mul3A_82 = arith.muli %mul3A_81, %scan3A_54 : i32
        %add3A_83 = arith.constant 2 : i32
        %add3A_84 = arith.addi %mul3A_82, %add3A_83 : i32
        "tpu.region"() ({
          %run_scoped3A_88 = tpu.sem_alloc : memref<!tpu.dma_semaphore, #tpu.memory_space<semaphore_mem>>
          %dma_start3A_89 = arith.constant 0 : i32
          %dma_start3A_90 = tpu.memref_slice %arg2[%add3A, %add3A_84, %dma_start3A_89] : memref<32x125x80xi32, #tpu.memory_space<hbm>> -> memref<1x1x80xi32, #tpu.memory_space<hbm>>
          %dma_start3A_91 = tpu.memref_squeeze %dma_start3A_90 : memref<1x1x80xi32, #tpu.memory_space<hbm>> -> memref<80xi32, #tpu.memory_space<hbm>>
          %dma_start3A_92 = arith.constant 0 : i32
          %dma_start3A_93 = tpu.memref_slice %arg2[%add3A, %add3A_84, %dma_start3A_92] : memref<32x125x80xi32, #tpu.memory_space<hbm>> -> memref<1x1x80xi32, #tpu.memory_space<hbm>>
          %dma_start3A_94 = tpu.memref_squeeze %dma_start3A_93 : memref<1x1x80xi32, #tpu.memory_space<hbm>> -> memref<80xi32, #tpu.memory_space<hbm>>
          tpu.enqueue_dma source(%dma_start3A_94 : memref<80xi32, #tpu.memory_space<hbm>>) target(%arg6 : memref<80xi32, #tpu.memory_space<vmem>>) target_semaphore(%run_scoped3A_88 : memref<!tpu.dma_semaphore, #tpu.memory_space<semaphore_mem>>)
          %dma_wait3A_95 = arith.constant 0 : i32
          %dma_wait3A_96 = tpu.memref_slice %arg2[%add3A, %add3A_84, %dma_wait3A_95] : memref<32x125x80xi32, #tpu.memory_space<hbm>> -> memref<1x1x80xi32, #tpu.memory_space<hbm>>
          %dma_wait3A_97 = tpu.memref_squeeze %dma_wait3A_96 : memref<1x1x80xi32, #tpu.memory_space<hbm>> -> memref<80xi32, #tpu.memory_space<hbm>>
          %dma_wait3A_98 = arith.constant 0 : i32
          %dma_wait3A_99 = tpu.memref_slice %arg2[%add3A, %add3A_84, %dma_wait3A_98] : memref<32x125x80xi32, #tpu.memory_space<hbm>> -> memref<1x1x80xi32, #tpu.memory_space<hbm>>
          %dma_wait3A_100 = tpu.memref_squeeze %dma_wait3A_99 : memref<1x1x80xi32, #tpu.memory_space<hbm>> -> memref<80xi32, #tpu.memory_space<hbm>>
          tpu.wait_dma2 semaphore(%run_scoped3A_88 : memref<!tpu.dma_semaphore, #tpu.memory_space<semaphore_mem>>) src(%dma_wait3A_100 : memref<80xi32, #tpu.memory_space<hbm>>) dst(%arg6 : memref<80xi32, #tpu.memory_space<vmem>>)
          tpu.yield
        }) : () -> ()
        %dma_start3A_85 = arith.constant 0 : i32
        %dma_start3A_86 = arith.constant 0 : i32
        %dma_start3A_87 = tpu.memref_slice %arg4[%dma_start3A_85, %dma_start3A_86] : memref<10240x128xf32, #tpu.memory_space<hbm>> -> memref<10240x128xf32, #tpu.memory_space<hbm>>
        tpu.enqueue_indirect_dma source(%dma_start3A_87 : memref<10240x128xf32, #tpu.memory_space<hbm>>) target(%arg9 : memref<80x128xf32, #tpu.memory_space<vmem>>) offsets(%arg6 : memref<80xi32, #tpu.memory_space<vmem>>) semaphore(%arg12 : memref<!tpu.dma_semaphore, #tpu.memory_space<semaphore_mem>>)
      } else {
      }
      %lt3A_75 = arith.constant 125 : i32
      %lt3A_76 = arith.cmpi slt, %add3A_59, %lt3A_75 : i32
      %convert_element_type3A_77 = arith.extui %lt3A_76 : i1 to i32
      %cond3A_78 = arith.constant 0 : i32
      %cond3A_79 = arith.cmpi ne, %convert_element_type3A_77, %cond3A_78 : i32
      scf.if %cond3A_79 {
        %dma_wait3A_81 = arith.constant 0 : i32
        %dma_wait3A_82 = arith.constant 0 : i32
        %dma_wait3A_83 = tpu.memref_slice %arg4[%dma_wait3A_81, %dma_wait3A_82] : memref<10240x128xf32, #tpu.memory_space<hbm>> -> memref<10240x128xf32, #tpu.memory_space<hbm>>
        tpu.wait_indirect_dma semaphore(%arg13 : memref<!tpu.dma_semaphore, #tpu.memory_space<semaphore_mem>>) src(%dma_wait3A_83 : memref<10240x128xf32, #tpu.memory_space<hbm>>) dst(%arg10 : memref<80x128xf32, #tpu.memory_space<vmem>>)
        "tpu.region"() ({
          %run_scoped3A_84 = tpu.sem_alloc : memref<!tpu.dma_semaphore, #tpu.memory_space<semaphore_mem>>
          %dma_start3A_85 = arith.constant 0 : i32
          %dma_start3A_86 = tpu.memref_slice %arg8[%add3A_59, %dma_start3A_85] : memref<125x80xi32, #tpu.memory_space<vmem>> -> memref<1x80xi32, #tpu.memory_space<vmem>>
          %dma_start3A_87 = tpu.memref_squeeze %dma_start3A_86 : memref<1x80xi32, #tpu.memory_space<vmem>> -> memref<80xi32, #tpu.memory_space<vmem>>
          %dma_start3A_88 = arith.constant 0 : i32
          %dma_start3A_89 = arith.constant 0 : i32
          %dma_start3A_90 = tpu.memref_slice %arg11[%dma_start3A_88, %dma_start3A_89] : memref<10240x128xf32, #tpu.memory_space<vmem_shared>> -> memref<10240x128xf32, #tpu.memory_space<vmem_shared>>
          tpu.enqueue_indirect_dma source(%arg10 : memref<80x128xf32, #tpu.memory_space<vmem>>) target(%dma_start3A_90 : memref<10240x128xf32, #tpu.memory_space<vmem_shared>>) offsets(%dma_start3A_87 : memref<80xi32, #tpu.memory_space<vmem>>) semaphore(%run_scoped3A_84 : memref<!tpu.dma_semaphore, #tpu.memory_space<semaphore_mem>>) {add = true}
          %dma_wait3A_91 = arith.constant 0 : i32
          %dma_wait3A_92 = tpu.memref_slice %arg8[%add3A_59, %dma_wait3A_91] : memref<125x80xi32, #tpu.memory_space<vmem>> -> memref<1x80xi32, #tpu.memory_space<vmem>>
          %dma_wait3A_93 = tpu.memref_squeeze %dma_wait3A_92 : memref<1x80xi32, #tpu.memory_space<vmem>> -> memref<80xi32, #tpu.memory_space<vmem>>
          %dma_wait3A_94 = arith.constant 0 : i32
          %dma_wait3A_95 = arith.constant 0 : i32
          %dma_wait3A_96 = tpu.memref_slice %arg11[%dma_wait3A_94, %dma_wait3A_95] : memref<10240x128xf32, #tpu.memory_space<vmem_shared>> -> memref<10240x128xf32, #tpu.memory_space<vmem_shared>>
          tpu.wait_indirect_dma semaphore(%run_scoped3A_84 : memref<!tpu.dma_semaphore, #tpu.memory_space<semaphore_mem>>) src(%arg10 : memref<80x128xf32, #tpu.memory_space<vmem>>) dst(%dma_wait3A_96 : memref<10240x128xf32, #tpu.memory_space<vmem_shared>>)
          tpu.yield
        }) : () -> ()
      } else {
      }
      %scan3A_80 = arith.constant 0 : i32
      scf.yield %scan3A_80 : i32
    }
    %scan3A_48 = arith.constant 63 : i32
    %barrier3A_49 = arith.constant 0 : index
    tpu.barrier barrier_id(%barrier3A_49)
    %mul3A_50 = arith.constant 640 : i32
    %mul3A_51 = arith.muli %arg1, %mul3A_50 : i32
    %mul3A_52 = arith.constant 640 : i32
    %mul3A_53 = arith.muli %arg1, %mul3A_52 : i32
    "tpu.region"() ({
      %run_scoped3A_54 = tpu.sem_alloc : memref<!tpu.dma_semaphore, #tpu.memory_space<semaphore_mem>>
      %dma_start3A_55 = arith.constant 0 : i32
      %dma_start3A_56 = tpu.memref_slice %arg5[%arg0, %mul3A_53, %dma_start3A_55] : memref<2x10240x128xf32, #tpu.memory_space<hbm>> -> memref<1x640x128xf32, #tpu.memory_space<hbm>>
      %dma_start3A_57 = tpu.memref_squeeze %dma_start3A_56 : memref<1x640x128xf32, #tpu.memory_space<hbm>> -> memref<640x128xf32, #tpu.memory_space<hbm>>
      %dma_start3A_58 = arith.constant 0 : i32
      %dma_start3A_59 = tpu.memref_slice %arg11[%mul3A_51, %dma_start3A_58] : memref<10240x128xf32, #tpu.memory_space<vmem_shared>> -> memref<640x128xf32, #tpu.memory_space<vmem_shared>>
      tpu.enqueue_dma source(%dma_start3A_59 : memref<640x128xf32, #tpu.memory_space<vmem_shared>>) target(%dma_start3A_57 : memref<640x128xf32, #tpu.memory_space<hbm>>) target_semaphore(%run_scoped3A_54 : memref<!tpu.dma_semaphore, #tpu.memory_space<semaphore_mem>>)
      %dma_wait3A = arith.constant 0 : i32
      %dma_wait3A_60 = tpu.memref_slice %arg5[%arg0, %mul3A_53, %dma_wait3A] : memref<2x10240x128xf32, #tpu.memory_space<hbm>> -> memref<1x640x128xf32, #tpu.memory_space<hbm>>
      %dma_wait3A_61 = tpu.memref_squeeze %dma_wait3A_60 : memref<1x640x128xf32, #tpu.memory_space<hbm>> -> memref<640x128xf32, #tpu.memory_space<hbm>>
      %dma_wait3A_62 = arith.constant 0 : i32
      %dma_wait3A_63 = tpu.memref_slice %arg11[%mul3A_51, %dma_wait3A_62] : memref<10240x128xf32, #tpu.memory_space<vmem_shared>> -> memref<640x128xf32, #tpu.memory_space<vmem_shared>>
      tpu.wait_dma2 semaphore(%run_scoped3A_54 : memref<!tpu.dma_semaphore, #tpu.memory_space<semaphore_mem>>) src(%dma_wait3A_63 : memref<640x128xf32, #tpu.memory_space<vmem_shared>>) dst(%dma_wait3A_61 : memref<640x128xf32, #tpu.memory_space<hbm>>)
      tpu.yield
    }) : () -> ()
    return
  }
}

#map = affine_map<(d0, d1) -> (0, 0, 0)>
module attributes {stable_mosaic.version = 14 : i64} {
  func.func @_deg_kernel(%arg0: i32, %arg1: i32, %arg2: memref<32x125x80xi32, #tpu.memory_space<hbm>>, %arg3: memref<2x10240x128xf32, #tpu.memory_space<hbm>>, %arg4: memref<125x80xi32, #tpu.memory_space<vmem>>, %arg5: memref<80x128xf32, #tpu.memory_space<vmem>>, %arg6: memref<10240x128xf32, #tpu.memory_space<vmem_shared>>) attributes {dimension_semantics = [#tpu.dimension_semantics<core_parallel>, #tpu.dimension_semantics<subcore_parallel>], iteration_bounds = array<i64: 2, 16>, scalar_prefetch = 0 : i64, scratch_operands = 3 : i64, tpu.core_type = #tpu.core_type<sc_vector_subcore>, window_params = [{transform_indices = #map}, {transform_indices = #map}]} {
    %mul3A = arith.constant 2 : i32
    %mul3A_0 = arith.muli %arg1, %mul3A : i32
    %add3A = arith.addi %mul3A_0, %arg0 : i32
    %broadcast_in_dim3A = arith.constant 0.000000e+00 : f32
    %broadcast_in_dim3A_1 = vector.broadcast %broadcast_in_dim3A : f32 to vector<16xf32>
    %scan3A = arith.constant 0 : i32
    %scan3A_2 = arith.constant 0 : i32
    %scan3A_3 = arith.constant 640 : i32
    %scan3A_4 = arith.addi %scan3A_2, %scan3A_3 : i32
    %scan3A_5 = arith.constant 1 : i32
    %scan3A_6 = scf.for %scan3A_61 = %scan3A_2 to %scan3A_4 step %scan3A_5 iter_args(%scan3A_62 = %scan3A) -> (i32)  : i32 {
      %jit3A = arith.constant 8 : i32
      %div3A = arith.divsi %scan3A_61, %jit3A : i32
      %sign3A = arith.constant 0 : i32
      %sign3A_63 = arith.cmpi sgt, %scan3A_61, %sign3A : i32
      %sign3A_64 = arith.extui %sign3A_63 : i1 to i32
      %sign3A_65 = arith.constant 0 : i32
      %sign3A_66 = arith.cmpi slt, %scan3A_61, %sign3A_65 : i32
      %sign3A_67 = arith.extui %sign3A_66 : i1 to i32
      %sign3A_68 = arith.subi %sign3A_64, %sign3A_67 : i32
      %sign3A_69 = arith.constant 0 : i32
      %sign3A_70 = arith.cmpi sgt, %jit3A, %sign3A_69 : i32
      %sign3A_71 = arith.extui %sign3A_70 : i1 to i32
      %sign3A_72 = arith.constant 0 : i32
      %sign3A_73 = arith.cmpi slt, %jit3A, %sign3A_72 : i32
      %sign3A_74 = arith.extui %sign3A_73 : i1 to i32
      %sign3A_75 = arith.subi %sign3A_71, %sign3A_74 : i32
      %ne3A = arith.cmpi ne, %sign3A_68, %sign3A_75 : i32
      %rem3A = arith.remsi %scan3A_61, %jit3A : i32
      %ne3A_76 = arith.constant 0 : i32
      %ne3A_77 = arith.cmpi ne, %rem3A, %ne3A_76 : i32
      %and3A = arith.andi %ne3A, %ne3A_77 : i1
      %sub3A = arith.constant 1 : i32
      %sub3A_78 = arith.subi %div3A, %sub3A : i32
      %select_n3A = arith.select %and3A, %sub3A_78, %div3A : i32
      %jit3A_79 = arith.constant 8 : i32
      %eq3A = arith.constant 0 : i32
      %eq3A_80 = arith.cmpi eq, %jit3A_79, %eq3A : i32
      %jit3A_81 = arith.constant 1 : i32
      %select_n3A_82 = arith.select %eq3A_80, %jit3A_81, %jit3A_79 : i32
      %rem3A_83 = arith.remsi %scan3A_61, %select_n3A_82 : i32
      %ne3A_84 = arith.constant 0 : i32
      %ne3A_85 = arith.cmpi ne, %rem3A_83, %ne3A_84 : i32
      %lt3A = arith.constant 0 : i32
      %lt3A_86 = arith.cmpi slt, %rem3A_83, %lt3A : i32
      %lt3A_87 = arith.constant 0 : i32
      %lt3A_88 = arith.cmpi slt, %select_n3A_82, %lt3A_87 : i32
      %ne3A_89 = arith.xori %lt3A_86, %lt3A_88 : i1
      %and3A_90 = arith.andi %ne3A_89, %ne3A_85 : i1
      %add3A_91 = arith.addi %rem3A_83, %select_n3A_82 : i32
      %select_n3A_92 = arith.select %and3A_90, %add3A_91, %rem3A_83 : i32
      %mul3A_93 = arith.constant 16 : i32
      %mul3A_94 = arith.muli %select_n3A_92, %mul3A_93 : i32
      %swap3A = arith.index_cast %select_n3A : i32 to index
      %swap3A_95 = arith.index_cast %mul3A_94 : i32 to index
      %swap3A_96 = tpu.vector_load %arg5[%swap3A, %swap3A_95] {strides = array<i32>} : memref<80x128xf32, #tpu.memory_space<vmem>>, vector<1x16xf32>,
      %swap3A_97 = vector.shape_cast %swap3A_96 : vector<1x16xf32> to vector<16xf32>
      %swap3A_98 = vector.shape_cast %broadcast_in_dim3A_1 : vector<16xf32> to vector<1x16xf32>
      tpu.vector_store %arg5[%swap3A, %swap3A_95], %swap3A_98 {strides = array<i32>} : memref<80x128xf32, #tpu.memory_space<vmem>>, vector<1x16xf32>,
      %scan3A_99 = arith.constant 0 : i32
      scf.yield %scan3A_99 : i32
    }
    %scan3A_7 = arith.constant 640 : i32
    %mul3A_8 = arith.constant 640 : i32
    %mul3A_9 = arith.muli %arg1, %mul3A_8 : i32
    %add3A_10 = arith.constant 0 : i32
    %add3A_11 = arith.addi %mul3A_9, %add3A_10 : i32
    "tpu.region"() ({
      %run_scoped3A = tpu.sem_alloc : memref<!tpu.dma_semaphore, #tpu.memory_space<semaphore_mem>>
      %dma_start3A = arith.constant 0 : i32
      %dma_start3A_61 = tpu.memref_slice %arg6[%add3A_11, %dma_start3A] : memref<10240x128xf32, #tpu.memory_space<vmem_shared>> -> memref<80x128xf32, #tpu.memory_space<vmem_shared>>
      %dma_start3A_62 = arith.constant 0 : i32
      %dma_start3A_63 = tpu.memref_slice %arg6[%add3A_11, %dma_start3A_62] : memref<10240x128xf32, #tpu.memory_space<vmem_shared>> -> memref<80x128xf32, #tpu.memory_space<vmem_shared>>
      tpu.enqueue_dma source(%arg5 : memref<80x128xf32, #tpu.memory_space<vmem>>) target(%dma_start3A_63 : memref<80x128xf32, #tpu.memory_space<vmem_shared>>) target_semaphore(%run_scoped3A : memref<!tpu.dma_semaphore, #tpu.memory_space<semaphore_mem>>)
      %dma_wait3A = arith.constant 0 : i32
      %dma_wait3A_64 = tpu.memref_slice %arg6[%add3A_11, %dma_wait3A] : memref<10240x128xf32, #tpu.memory_space<vmem_shared>> -> memref<80x128xf32, #tpu.memory_space<vmem_shared>>
      %dma_wait3A_65 = arith.constant 0 : i32
      %dma_wait3A_66 = tpu.memref_slice %arg6[%add3A_11, %dma_wait3A_65] : memref<10240x128xf32, #tpu.memory_space<vmem_shared>> -> memref<80x128xf32, #tpu.memory_space<vmem_shared>>
      tpu.wait_dma2 semaphore(%run_scoped3A : memref<!tpu.dma_semaphore, #tpu.memory_space<semaphore_mem>>) src(%arg5 : memref<80x128xf32, #tpu.memory_space<vmem>>) dst(%dma_wait3A_66 : memref<80x128xf32, #tpu.memory_space<vmem_shared>>)
      tpu.yield
    }) : () -> ()
    %mul3A_12 = arith.constant 640 : i32
    %mul3A_13 = arith.muli %arg1, %mul3A_12 : i32
    %add3A_14 = arith.constant 80 : i32
    %add3A_15 = arith.addi %mul3A_13, %add3A_14 : i32
    "tpu.region"() ({
      %run_scoped3A = tpu.sem_alloc : memref<!tpu.dma_semaphore, #tpu.memory_space<semaphore_mem>>
      %dma_start3A = arith.constant 0 : i32
      %dma_start3A_61 = tpu.memref_slice %arg6[%add3A_15, %dma_start3A] : memref<10240x128xf32, #tpu.memory_space<vmem_shared>> -> memref<80x128xf32, #tpu.memory_space<vmem_shared>>
      %dma_start3A_62 = arith.constant 0 : i32
      %dma_start3A_63 = tpu.memref_slice %arg6[%add3A_15, %dma_start3A_62] : memref<10240x128xf32, #tpu.memory_space<vmem_shared>> -> memref<80x128xf32, #tpu.memory_space<vmem_shared>>
      tpu.enqueue_dma source(%arg5 : memref<80x128xf32, #tpu.memory_space<vmem>>) target(%dma_start3A_63 : memref<80x128xf32, #tpu.memory_space<vmem_shared>>) target_semaphore(%run_scoped3A : memref<!tpu.dma_semaphore, #tpu.memory_space<semaphore_mem>>)
      %dma_wait3A = arith.constant 0 : i32
      %dma_wait3A_64 = tpu.memref_slice %arg6[%add3A_15, %dma_wait3A] : memref<10240x128xf32, #tpu.memory_space<vmem_shared>> -> memref<80x128xf32, #tpu.memory_space<vmem_shared>>
      %dma_wait3A_65 = arith.constant 0 : i32
      %dma_wait3A_66 = tpu.memref_slice %arg6[%add3A_15, %dma_wait3A_65] : memref<10240x128xf32, #tpu.memory_space<vmem_shared>> -> memref<80x128xf32, #tpu.memory_space<vmem_shared>>
      tpu.wait_dma2 semaphore(%run_scoped3A : memref<!tpu.dma_semaphore, #tpu.memory_space<semaphore_mem>>) src(%arg5 : memref<80x128xf32, #tpu.memory_space<vmem>>) dst(%dma_wait3A_66 : memref<80x128xf32, #tpu.memory_space<vmem_shared>>)
      tpu.yield
    }) : () -> ()
    %mul3A_16 = arith.constant 640 : i32
    %mul3A_17 = arith.muli %arg1, %mul3A_16 : i32
    %add3A_18 = arith.constant 160 : i32
    %add3A_19 = arith.addi %mul3A_17, %add3A_18 : i32
    "tpu.region"() ({
      %run_scoped3A = tpu.sem_alloc : memref<!tpu.dma_semaphore, #tpu.memory_space<semaphore_mem>>
      %dma_start3A = arith.constant 0 : i32
      %dma_start3A_61 = tpu.memref_slice %arg6[%add3A_19, %dma_start3A] : memref<10240x128xf32, #tpu.memory_space<vmem_shared>> -> memref<80x128xf32, #tpu.memory_space<vmem_shared>>
      %dma_start3A_62 = arith.constant 0 : i32
      %dma_start3A_63 = tpu.memref_slice %arg6[%add3A_19, %dma_start3A_62] : memref<10240x128xf32, #tpu.memory_space<vmem_shared>> -> memref<80x128xf32, #tpu.memory_space<vmem_shared>>
      tpu.enqueue_dma source(%arg5 : memref<80x128xf32, #tpu.memory_space<vmem>>) target(%dma_start3A_63 : memref<80x128xf32, #tpu.memory_space<vmem_shared>>) target_semaphore(%run_scoped3A : memref<!tpu.dma_semaphore, #tpu.memory_space<semaphore_mem>>)
      %dma_wait3A = arith.constant 0 : i32
      %dma_wait3A_64 = tpu.memref_slice %arg6[%add3A_19, %dma_wait3A] : memref<10240x128xf32, #tpu.memory_space<vmem_shared>> -> memref<80x128xf32, #tpu.memory_space<vmem_shared>>
      %dma_wait3A_65 = arith.constant 0 : i32
      %dma_wait3A_66 = tpu.memref_slice %arg6[%add3A_19, %dma_wait3A_65] : memref<10240x128xf32, #tpu.memory_space<vmem_shared>> -> memref<80x128xf32, #tpu.memory_space<vmem_shared>>
      tpu.wait_dma2 semaphore(%run_scoped3A : memref<!tpu.dma_semaphore, #tpu.memory_space<semaphore_mem>>) src(%arg5 : memref<80x128xf32, #tpu.memory_space<vmem>>) dst(%dma_wait3A_66 : memref<80x128xf32, #tpu.memory_space<vmem_shared>>)
      tpu.yield
    }) : () -> ()
    %mul3A_20 = arith.constant 640 : i32
    %mul3A_21 = arith.muli %arg1, %mul3A_20 : i32
    %add3A_22 = arith.constant 240 : i32
    %add3A_23 = arith.addi %mul3A_21, %add3A_22 : i32
    "tpu.region"() ({
      %run_scoped3A = tpu.sem_alloc : memref<!tpu.dma_semaphore, #tpu.memory_space<semaphore_mem>>
      %dma_start3A = arith.constant 0 : i32
      %dma_start3A_61 = tpu.memref_slice %arg6[%add3A_23, %dma_start3A] : memref<10240x128xf32, #tpu.memory_space<vmem_shared>> -> memref<80x128xf32, #tpu.memory_space<vmem_shared>>
      %dma_start3A_62 = arith.constant 0 : i32
      %dma_start3A_63 = tpu.memref_slice %arg6[%add3A_23, %dma_start3A_62] : memref<10240x128xf32, #tpu.memory_space<vmem_shared>> -> memref<80x128xf32, #tpu.memory_space<vmem_shared>>
      tpu.enqueue_dma source(%arg5 : memref<80x128xf32, #tpu.memory_space<vmem>>) target(%dma_start3A_63 : memref<80x128xf32, #tpu.memory_space<vmem_shared>>) target_semaphore(%run_scoped3A : memref<!tpu.dma_semaphore, #tpu.memory_space<semaphore_mem>>)
      %dma_wait3A = arith.constant 0 : i32
      %dma_wait3A_64 = tpu.memref_slice %arg6[%add3A_23, %dma_wait3A] : memref<10240x128xf32, #tpu.memory_space<vmem_shared>> -> memref<80x128xf32, #tpu.memory_space<vmem_shared>>
      %dma_wait3A_65 = arith.constant 0 : i32
      %dma_wait3A_66 = tpu.memref_slice %arg6[%add3A_23, %dma_wait3A_65] : memref<10240x128xf32, #tpu.memory_space<vmem_shared>> -> memref<80x128xf32, #tpu.memory_space<vmem_shared>>
      tpu.wait_dma2 semaphore(%run_scoped3A : memref<!tpu.dma_semaphore, #tpu.memory_space<semaphore_mem>>) src(%arg5 : memref<80x128xf32, #tpu.memory_space<vmem>>) dst(%dma_wait3A_66 : memref<80x128xf32, #tpu.memory_space<vmem_shared>>)
      tpu.yield
    }) : () -> ()
    %mul3A_24 = arith.constant 640 : i32
    %mul3A_25 = arith.muli %arg1, %mul3A_24 : i32
    %add3A_26 = arith.constant 320 : i32
    %add3A_27 = arith.addi %mul3A_25, %add3A_26 : i32
    "tpu.region"() ({
      %run_scoped3A = tpu.sem_alloc : memref<!tpu.dma_semaphore, #tpu.memory_space<semaphore_mem>>
      %dma_start3A = arith.constant 0 : i32
      %dma_start3A_61 = tpu.memref_slice %arg6[%add3A_27, %dma_start3A] : memref<10240x128xf32, #tpu.memory_space<vmem_shared>> -> memref<80x128xf32, #tpu.memory_space<vmem_shared>>
      %dma_start3A_62 = arith.constant 0 : i32
      %dma_start3A_63 = tpu.memref_slice %arg6[%add3A_27, %dma_start3A_62] : memref<10240x128xf32, #tpu.memory_space<vmem_shared>> -> memref<80x128xf32, #tpu.memory_space<vmem_shared>>
      tpu.enqueue_dma source(%arg5 : memref<80x128xf32, #tpu.memory_space<vmem>>) target(%dma_start3A_63 : memref<80x128xf32, #tpu.memory_space<vmem_shared>>) target_semaphore(%run_scoped3A : memref<!tpu.dma_semaphore, #tpu.memory_space<semaphore_mem>>)
      %dma_wait3A = arith.constant 0 : i32
      %dma_wait3A_64 = tpu.memref_slice %arg6[%add3A_27, %dma_wait3A] : memref<10240x128xf32, #tpu.memory_space<vmem_shared>> -> memref<80x128xf32, #tpu.memory_space<vmem_shared>>
      %dma_wait3A_65 = arith.constant 0 : i32
      %dma_wait3A_66 = tpu.memref_slice %arg6[%add3A_27, %dma_wait3A_65] : memref<10240x128xf32, #tpu.memory_space<vmem_shared>> -> memref<80x128xf32, #tpu.memory_space<vmem_shared>>
      tpu.wait_dma2 semaphore(%run_scoped3A : memref<!tpu.dma_semaphore, #tpu.memory_space<semaphore_mem>>) src(%arg5 : memref<80x128xf32, #tpu.memory_space<vmem>>) dst(%dma_wait3A_66 : memref<80x128xf32, #tpu.memory_space<vmem_shared>>)
      tpu.yield
    }) : () -> ()
    %mul3A_28 = arith.constant 640 : i32
    %mul3A_29 = arith.muli %arg1, %mul3A_28 : i32
    %add3A_30 = arith.constant 400 : i32
    %add3A_31 = arith.addi %mul3A_29, %add3A_30 : i32
    "tpu.region"() ({
      %run_scoped3A = tpu.sem_alloc : memref<!tpu.dma_semaphore, #tpu.memory_space<semaphore_mem>>
      %dma_start3A = arith.constant 0 : i32
      %dma_start3A_61 = tpu.memref_slice %arg6[%add3A_31, %dma_start3A] : memref<10240x128xf32, #tpu.memory_space<vmem_shared>> -> memref<80x128xf32, #tpu.memory_space<vmem_shared>>
      %dma_start3A_62 = arith.constant 0 : i32
      %dma_start3A_63 = tpu.memref_slice %arg6[%add3A_31, %dma_start3A_62] : memref<10240x128xf32, #tpu.memory_space<vmem_shared>> -> memref<80x128xf32, #tpu.memory_space<vmem_shared>>
      tpu.enqueue_dma source(%arg5 : memref<80x128xf32, #tpu.memory_space<vmem>>) target(%dma_start3A_63 : memref<80x128xf32, #tpu.memory_space<vmem_shared>>) target_semaphore(%run_scoped3A : memref<!tpu.dma_semaphore, #tpu.memory_space<semaphore_mem>>)
      %dma_wait3A = arith.constant 0 : i32
      %dma_wait3A_64 = tpu.memref_slice %arg6[%add3A_31, %dma_wait3A] : memref<10240x128xf32, #tpu.memory_space<vmem_shared>> -> memref<80x128xf32, #tpu.memory_space<vmem_shared>>
      %dma_wait3A_65 = arith.constant 0 : i32
      %dma_wait3A_66 = tpu.memref_slice %arg6[%add3A_31, %dma_wait3A_65] : memref<10240x128xf32, #tpu.memory_space<vmem_shared>> -> memref<80x128xf32, #tpu.memory_space<vmem_shared>>
      tpu.wait_dma2 semaphore(%run_scoped3A : memref<!tpu.dma_semaphore, #tpu.memory_space<semaphore_mem>>) src(%arg5 : memref<80x128xf32, #tpu.memory_space<vmem>>) dst(%dma_wait3A_66 : memref<80x128xf32, #tpu.memory_space<vmem_shared>>)
      tpu.yield
    }) : () -> ()
    %mul3A_32 = arith.constant 640 : i32
    %mul3A_33 = arith.muli %arg1, %mul3A_32 : i32
    %add3A_34 = arith.constant 480 : i32
    %add3A_35 = arith.addi %mul3A_33, %add3A_34 : i32
    "tpu.region"() ({
      %run_scoped3A = tpu.sem_alloc : memref<!tpu.dma_semaphore, #tpu.memory_space<semaphore_mem>>
      %dma_start3A = arith.constant 0 : i32
      %dma_start3A_61 = tpu.memref_slice %arg6[%add3A_35, %dma_start3A] : memref<10240x128xf32, #tpu.memory_space<vmem_shared>> -> memref<80x128xf32, #tpu.memory_space<vmem_shared>>
      %dma_start3A_62 = arith.constant 0 : i32
      %dma_start3A_63 = tpu.memref_slice %arg6[%add3A_35, %dma_start3A_62] : memref<10240x128xf32, #tpu.memory_space<vmem_shared>> -> memref<80x128xf32, #tpu.memory_space<vmem_shared>>
      tpu.enqueue_dma source(%arg5 : memref<80x128xf32, #tpu.memory_space<vmem>>) target(%dma_start3A_63 : memref<80x128xf32, #tpu.memory_space<vmem_shared>>) target_semaphore(%run_scoped3A : memref<!tpu.dma_semaphore, #tpu.memory_space<semaphore_mem>>)
      %dma_wait3A = arith.constant 0 : i32
      %dma_wait3A_64 = tpu.memref_slice %arg6[%add3A_35, %dma_wait3A] : memref<10240x128xf32, #tpu.memory_space<vmem_shared>> -> memref<80x128xf32, #tpu.memory_space<vmem_shared>>
      %dma_wait3A_65 = arith.constant 0 : i32
      %dma_wait3A_66 = tpu.memref_slice %arg6[%add3A_35, %dma_wait3A_65] : memref<10240x128xf32, #tpu.memory_space<vmem_shared>> -> memref<80x128xf32, #tpu.memory_space<vmem_shared>>
      tpu.wait_dma2 semaphore(%run_scoped3A : memref<!tpu.dma_semaphore, #tpu.memory_space<semaphore_mem>>) src(%arg5 : memref<80x128xf32, #tpu.memory_space<vmem>>) dst(%dma_wait3A_66 : memref<80x128xf32, #tpu.memory_space<vmem_shared>>)
      tpu.yield
    }) : () -> ()
    %mul3A_36 = arith.constant 640 : i32
    %mul3A_37 = arith.muli %arg1, %mul3A_36 : i32
    %add3A_38 = arith.constant 560 : i32
    %add3A_39 = arith.addi %mul3A_37, %add3A_38 : i32
    "tpu.region"() ({
      %run_scoped3A = tpu.sem_alloc : memref<!tpu.dma_semaphore, #tpu.memory_space<semaphore_mem>>
      %dma_start3A = arith.constant 0 : i32
      %dma_start3A_61 = tpu.memref_slice %arg6[%add3A_39, %dma_start3A] : memref<10240x128xf32, #tpu.memory_space<vmem_shared>> -> memref<80x128xf32, #tpu.memory_space<vmem_shared>>
      %dma_start3A_62 = arith.constant 0 : i32
      %dma_start3A_63 = tpu.memref_slice %arg6[%add3A_39, %dma_start3A_62] : memref<10240x128xf32, #tpu.memory_space<vmem_shared>> -> memref<80x128xf32, #tpu.memory_space<vmem_shared>>
      tpu.enqueue_dma source(%arg5 : memref<80x128xf32, #tpu.memory_space<vmem>>) target(%dma_start3A_63 : memref<80x128xf32, #tpu.memory_space<vmem_shared>>) target_semaphore(%run_scoped3A : memref<!tpu.dma_semaphore, #tpu.memory_space<semaphore_mem>>)
      %dma_wait3A = arith.constant 0 : i32
      %dma_wait3A_64 = tpu.memref_slice %arg6[%add3A_39, %dma_wait3A] : memref<10240x128xf32, #tpu.memory_space<vmem_shared>> -> memref<80x128xf32, #tpu.memory_space<vmem_shared>>
      %dma_wait3A_65 = arith.constant 0 : i32
      %dma_wait3A_66 = tpu.memref_slice %arg6[%add3A_39, %dma_wait3A_65] : memref<10240x128xf32, #tpu.memory_space<vmem_shared>> -> memref<80x128xf32, #tpu.memory_space<vmem_shared>>
      tpu.wait_dma2 semaphore(%run_scoped3A : memref<!tpu.dma_semaphore, #tpu.memory_space<semaphore_mem>>) src(%arg5 : memref<80x128xf32, #tpu.memory_space<vmem>>) dst(%dma_wait3A_66 : memref<80x128xf32, #tpu.memory_space<vmem_shared>>)
      tpu.yield
    }) : () -> ()
    %barrier3A = arith.constant 0 : index
    tpu.barrier barrier_id(%barrier3A)
    %broadcast_in_dim3A_40 = arith.constant 1.000000e+00 : f32
    %broadcast_in_dim3A_41 = vector.broadcast %broadcast_in_dim3A_40 : f32 to vector<16xf32>
    %scan3A_42 = arith.constant 0 : i32
    %scan3A_43 = arith.constant 0 : i32
    %scan3A_44 = arith.constant 640 : i32
    %scan3A_45 = arith.addi %scan3A_43, %scan3A_44 : i32
    %scan3A_46 = arith.constant 1 : i32
    %scan3A_47 = scf.for %scan3A_61 = %scan3A_43 to %scan3A_45 step %scan3A_46 iter_args(%scan3A_62 = %scan3A_42) -> (i32)  : i32 {
      %jit3A = arith.constant 8 : i32
      %div3A = arith.divsi %scan3A_61, %jit3A : i32
      %sign3A = arith.constant 0 : i32
      %sign3A_63 = arith.cmpi sgt, %scan3A_61, %sign3A : i32
      %sign3A_64 = arith.extui %sign3A_63 : i1 to i32
      %sign3A_65 = arith.constant 0 : i32
      %sign3A_66 = arith.cmpi slt, %scan3A_61, %sign3A_65 : i32
      %sign3A_67 = arith.extui %sign3A_66 : i1 to i32
      %sign3A_68 = arith.subi %sign3A_64, %sign3A_67 : i32
      %sign3A_69 = arith.constant 0 : i32
      %sign3A_70 = arith.cmpi sgt, %jit3A, %sign3A_69 : i32
      %sign3A_71 = arith.extui %sign3A_70 : i1 to i32
      %sign3A_72 = arith.constant 0 : i32
      %sign3A_73 = arith.cmpi slt, %jit3A, %sign3A_72 : i32
      %sign3A_74 = arith.extui %sign3A_73 : i1 to i32
      %sign3A_75 = arith.subi %sign3A_71, %sign3A_74 : i32
      %ne3A = arith.cmpi ne, %sign3A_68, %sign3A_75 : i32
      %rem3A = arith.remsi %scan3A_61, %jit3A : i32
      %ne3A_76 = arith.constant 0 : i32
      %ne3A_77 = arith.cmpi ne, %rem3A, %ne3A_76 : i32
      %and3A = arith.andi %ne3A, %ne3A_77 : i1
      %sub3A = arith.constant 1 : i32
      %sub3A_78 = arith.subi %div3A, %sub3A : i32
      %select_n3A = arith.select %and3A, %sub3A_78, %div3A : i32
      %jit3A_79 = arith.constant 8 : i32
      %eq3A = arith.constant 0 : i32
      %eq3A_80 = arith.cmpi eq, %jit3A_79, %eq3A : i32
      %jit3A_81 = arith.constant 1 : i32
      %select_n3A_82 = arith.select %eq3A_80, %jit3A_81, %jit3A_79 : i32
      %rem3A_83 = arith.remsi %scan3A_61, %select_n3A_82 : i32
      %ne3A_84 = arith.constant 0 : i32
      %ne3A_85 = arith.cmpi ne, %rem3A_83, %ne3A_84 : i32
      %lt3A = arith.constant 0 : i32
      %lt3A_86 = arith.cmpi slt, %rem3A_83, %lt3A : i32
      %lt3A_87 = arith.constant 0 : i32
      %lt3A_88 = arith.cmpi slt, %select_n3A_82, %lt3A_87 : i32
      %ne3A_89 = arith.xori %lt3A_86, %lt3A_88 : i1
      %and3A_90 = arith.andi %ne3A_89, %ne3A_85 : i1
      %add3A_91 = arith.addi %rem3A_83, %select_n3A_82 : i32
      %select_n3A_92 = arith.select %and3A_90, %add3A_91, %rem3A_83 : i32
      %mul3A_93 = arith.constant 16 : i32
      %mul3A_94 = arith.muli %select_n3A_92, %mul3A_93 : i32
      %swap3A = arith.index_cast %select_n3A : i32 to index
      %swap3A_95 = arith.index_cast %mul3A_94 : i32 to index
      %swap3A_96 = tpu.vector_load %arg5[%swap3A, %swap3A_95] {strides = array<i32>} : memref<80x128xf32, #tpu.memory_space<vmem>>, vector<1x16xf32>,
      %swap3A_97 = vector.shape_cast %swap3A_96 : vector<1x16xf32> to vector<16xf32>
      %swap3A_98 = vector.shape_cast %broadcast_in_dim3A_41 : vector<16xf32> to vector<1x16xf32>
      tpu.vector_store %arg5[%swap3A, %swap3A_95], %swap3A_98 {strides = array<i32>} : memref<80x128xf32, #tpu.memory_space<vmem>>, vector<1x16xf32>,
      %scan3A_99 = arith.constant 0 : i32
      scf.yield %scan3A_99 : i32
    }
    %scan3A_48 = arith.constant 640 : i32
    "tpu.region"() ({
      %run_scoped3A = tpu.sem_alloc : memref<!tpu.dma_semaphore, #tpu.memory_space<semaphore_mem>>
      %dma_start3A = arith.constant 0 : i32
      %dma_start3A_61 = arith.constant 0 : i32
      %dma_start3A_62 = tpu.memref_slice %arg2[%add3A, %dma_start3A, %dma_start3A_61] : memref<32x125x80xi32, #tpu.memory_space<hbm>> -> memref<1x125x80xi32, #tpu.memory_space<hbm>>
      %dma_start3A_63 = tpu.memref_squeeze %dma_start3A_62 : memref<1x125x80xi32, #tpu.memory_space<hbm>> -> memref<125x80xi32, #tpu.memory_space<hbm>>
      %dma_start3A_64 = arith.constant 0 : i32
      %dma_start3A_65 = arith.constant 0 : i32
      %dma_start3A_66 = tpu.memref_slice %arg2[%add3A, %dma_start3A_64, %dma_start3A_65] : memref<32x125x80xi32, #tpu.memory_space<hbm>> -> memref<1x125x80xi32, #tpu.memory_space<hbm>>
      %dma_start3A_67 = tpu.memref_squeeze %dma_start3A_66 : memref<1x125x80xi32, #tpu.memory_space<hbm>> -> memref<125x80xi32, #tpu.memory_space<hbm>>
      tpu.enqueue_dma source(%dma_start3A_67 : memref<125x80xi32, #tpu.memory_space<hbm>>) target(%arg4 : memref<125x80xi32, #tpu.memory_space<vmem>>) target_semaphore(%run_scoped3A : memref<!tpu.dma_semaphore, #tpu.memory_space<semaphore_mem>>)
      %dma_wait3A = arith.constant 0 : i32
      %dma_wait3A_68 = arith.constant 0 : i32
      %dma_wait3A_69 = tpu.memref_slice %arg2[%add3A, %dma_wait3A, %dma_wait3A_68] : memref<32x125x80xi32, #tpu.memory_space<hbm>> -> memref<1x125x80xi32, #tpu.memory_space<hbm>>
      %dma_wait3A_70 = tpu.memref_squeeze %dma_wait3A_69 : memref<1x125x80xi32, #tpu.memory_space<hbm>> -> memref<125x80xi32, #tpu.memory_space<hbm>>
      %dma_wait3A_71 = arith.constant 0 : i32
      %dma_wait3A_72 = arith.constant 0 : i32
      %dma_wait3A_73 = tpu.memref_slice %arg2[%add3A, %dma_wait3A_71, %dma_wait3A_72] : memref<32x125x80xi32, #tpu.memory_space<hbm>> -> memref<1x125x80xi32, #tpu.memory_space<hbm>>
      %dma_wait3A_74 = tpu.memref_squeeze %dma_wait3A_73 : memref<1x125x80xi32, #tpu.memory_space<hbm>> -> memref<125x80xi32, #tpu.memory_space<hbm>>
      tpu.wait_dma2 semaphore(%run_scoped3A : memref<!tpu.dma_semaphore, #tpu.memory_space<semaphore_mem>>) src(%dma_wait3A_74 : memref<125x80xi32, #tpu.memory_space<hbm>>) dst(%arg4 : memref<125x80xi32, #tpu.memory_space<vmem>>)
      tpu.yield
    }) : () -> ()
    %scan3A_49 = arith.constant 0 : i32
    %scan3A_50 = arith.constant 0 : i32
    %scan3A_51 = arith.constant 125 : i32
    %scan3A_52 = arith.addi %scan3A_50, %scan3A_51 : i32
    %scan3A_53 = arith.constant 1 : i32
    %scan3A_54 = scf.for %scan3A_61 = %scan3A_50 to %scan3A_52 step %scan3A_53 iter_args(%scan3A_62 = %scan3A_49) -> (i32)  : i32 {
      "tpu.region"() ({
        %run_scoped3A = tpu.sem_alloc : memref<!tpu.dma_semaphore, #tpu.memory_space<semaphore_mem>>
        %dma_start3A = arith.constant 0 : i32
        %dma_start3A_64 = tpu.memref_slice %arg4[%scan3A_61, %dma_start3A] : memref<125x80xi32, #tpu.memory_space<vmem>> -> memref<1x80xi32, #tpu.memory_space<vmem>>
        %dma_start3A_65 = tpu.memref_squeeze %dma_start3A_64 : memref<1x80xi32, #tpu.memory_space<vmem>> -> memref<80xi32, #tpu.memory_space<vmem>>
        %dma_start3A_66 = arith.constant 0 : i32
        %dma_start3A_67 = arith.constant 0 : i32
        %dma_start3A_68 = tpu.memref_slice %arg6[%dma_start3A_66, %dma_start3A_67] : memref<10240x128xf32, #tpu.memory_space<vmem_shared>> -> memref<10240x128xf32, #tpu.memory_space<vmem_shared>>
        tpu.enqueue_indirect_dma source(%arg5 : memref<80x128xf32, #tpu.memory_space<vmem>>) target(%dma_start3A_68 : memref<10240x128xf32, #tpu.memory_space<vmem_shared>>) offsets(%dma_start3A_65 : memref<80xi32, #tpu.memory_space<vmem>>) semaphore(%run_scoped3A : memref<!tpu.dma_semaphore, #tpu.memory_space<semaphore_mem>>) {add = true}
        %dma_wait3A = arith.constant 0 : i32
        %dma_wait3A_69 = tpu.memref_slice %arg4[%scan3A_61, %dma_wait3A] : memref<125x80xi32, #tpu.memory_space<vmem>> -> memref<1x80xi32, #tpu.memory_space<vmem>>
        %dma_wait3A_70 = tpu.memref_squeeze %dma_wait3A_69 : memref<1x80xi32, #tpu.memory_space<vmem>> -> memref<80xi32, #tpu.memory_space<vmem>>
        %dma_wait3A_71 = arith.constant 0 : i32
        %dma_wait3A_72 = arith.constant 0 : i32
        %dma_wait3A_73 = tpu.memref_slice %arg6[%dma_wait3A_71, %dma_wait3A_72] : memref<10240x128xf32, #tpu.memory_space<vmem_shared>> -> memref<10240x128xf32, #tpu.memory_space<vmem_shared>>
        tpu.wait_indirect_dma semaphore(%run_scoped3A : memref<!tpu.dma_semaphore, #tpu.memory_space<semaphore_mem>>) src(%arg5 : memref<80x128xf32, #tpu.memory_space<vmem>>) dst(%dma_wait3A_73 : memref<10240x128xf32, #tpu.memory_space<vmem_shared>>)
        tpu.yield
      }) : () -> ()
      %scan3A_63 = arith.constant 0 : i32
      scf.yield %scan3A_63 : i32
    }
    %scan3A_55 = arith.constant 125 : i32
    %barrier3A_56 = arith.constant 0 : index
    tpu.barrier barrier_id(%barrier3A_56)
    %mul3A_57 = arith.constant 640 : i32
    %mul3A_58 = arith.muli %arg1, %mul3A_57 : i32
    %mul3A_59 = arith.constant 640 : i32
    %mul3A_60 = arith.muli %arg1, %mul3A_59 : i32
    "tpu.region"() ({
      %run_scoped3A = tpu.sem_alloc : memref<!tpu.dma_semaphore, #tpu.memory_space<semaphore_mem>>
      %dma_start3A = arith.constant 0 : i32
      %dma_start3A_61 = tpu.memref_slice %arg3[%arg0, %mul3A_60, %dma_start3A] : memref<2x10240x128xf32, #tpu.memory_space<hbm>> -> memref<1x640x128xf32, #tpu.memory_space<hbm>>
      %dma_start3A_62 = tpu.memref_squeeze %dma_start3A_61 : memref<1x640x128xf32, #tpu.memory_space<hbm>> -> memref<640x128xf32, #tpu.memory_space<hbm>>
      %dma_start3A_63 = arith.constant 0 : i32
      %dma_start3A_64 = tpu.memref_slice %arg6[%mul3A_58, %dma_start3A_63] : memref<10240x128xf32, #tpu.memory_space<vmem_shared>> -> memref<640x128xf32, #tpu.memory_space<vmem_shared>>
      tpu.enqueue_dma source(%dma_start3A_64 : memref<640x128xf32, #tpu.memory_space<vmem_shared>>) target(%dma_start3A_62 : memref<640x128xf32, #tpu.memory_space<hbm>>) target_semaphore(%run_scoped3A : memref<!tpu.dma_semaphore, #tpu.memory_space<semaphore_mem>>)
      %dma_wait3A = arith.constant 0 : i32
      %dma_wait3A_65 = tpu.memref_slice %arg3[%arg0, %mul3A_60, %dma_wait3A] : memref<2x10240x128xf32, #tpu.memory_space<hbm>> -> memref<1x640x128xf32, #tpu.memory_space<hbm>>
      %dma_wait3A_66 = tpu.memref_squeeze %dma_wait3A_65 : memref<1x640x128xf32, #tpu.memory_space<hbm>> -> memref<640x128xf32, #tpu.memory_space<hbm>>
      %dma_wait3A_67 = arith.constant 0 : i32
      %dma_wait3A_68 = tpu.memref_slice %arg6[%mul3A_58, %dma_wait3A_67] : memref<10240x128xf32, #tpu.memory_space<vmem_shared>> -> memref<640x128xf32, #tpu.memory_space<vmem_shared>>
      tpu.wait_dma2 semaphore(%run_scoped3A : memref<!tpu.dma_semaphore, #tpu.memory_space<semaphore_mem>>) src(%dma_wait3A_68 : memref<640x128xf32, #tpu.memory_space<vmem_shared>>) dst(%dma_wait3A_66 : memref<640x128xf32, #tpu.memory_space<hbm>>)
      tpu.yield
    }) : () -> ()
    return
  }
}

module attributes {stable_mosaic.version = 14 : i64} {
  func.func @_tc1_body(%arg0: i32, %arg1: memref<2x1024x128xf32, #tpu.memory_space<vmem>>, %arg2: memref<1024x128xf32, #tpu.memory_space<vmem>>, %arg3: memref<1024x128xf32, #tpu.memory_space<vmem>>) attributes {dimension_semantics = [#tpu.dimension_semantics<arbitrary>], iteration_bounds = array<i64: 10>, scalar_prefetch = 0 : i64, scratch_operands = 0 : i64, tpu.core_type = #tpu.core_type<tc>, window_params = [{transform_indices = @transform_0, window_bounds = array<i64: 2, 1024, 128>}, {transform_indices = @transform_1, window_bounds = array<i64: 1024, 128>}, {transform_indices = @transform_2, window_bounds = array<i64: 1024, 128>}]} {
    %get3A = arith.constant 0 : index
    %get3A_0 = arith.constant 0 : index
    %get3A_1 = arith.constant 0 : index
    %get3A_2 = vector.load %arg1[%get3A, %get3A_0, %get3A_1] : memref<2x1024x128xf32, #tpu.memory_space<vmem>>, vector<2x1024x128xf32>
    %reduce_sum3A = arith.constant dense<0.000000e+00> : vector<1024x128xf32>
    %reduce_sum3A_3 = vector.multi_reduction <add>, %get3A_2, %reduce_sum3A [0] : vector<2x1024x128xf32> to vector<1024x128xf32>
    %slice3A = vector.extract_strided_slice %reduce_sum3A_3 {offsets = [0, 0], sizes = [1024, 1], strides = [1, 1]} : vector<1024x128xf32> to vector<1024x1xf32>
    %add3A = arith.constant 1.000000e+00 : f32
    %add3A_4 = vector.broadcast %add3A : f32 to vector<1024x1xf32>
    %add3A_5 = arith.addf %add3A_4, %slice3A : vector<1024x1xf32>
    %rsqrt3A = math.rsqrt %add3A_5 : vector<1024x1xf32>
    %mul3A = arith.constant 1024 : i32
    %mul3A_6 = arith.muli %arg0, %mul3A : i32
    %iota3A = tpu.iota {dimensions = array<i32: 0>} : vector<1024x1xi32>
    %add3A_7 = vector.broadcast %mul3A_6 : i32 to vector<1024x1xi32>
    %add3A_8 = arith.addi %add3A_7, %iota3A : vector<1024x1xi32>
    %lt3A = arith.constant 10000 : i32
    %lt3A_9 = vector.broadcast %lt3A : i32 to vector<1024x1xi32>
    %lt3A_10 = arith.cmpi slt, %add3A_8, %lt3A_9 : vector<1024x1xi32>
    %jit3A = arith.constant 0.000000e+00 : f32
    %broadcast_in_dim3A = vector.broadcast %jit3A : f32 to vector<1024x1xf32>
    %select_n3A = arith.select %lt3A_10, %rsqrt3A, %broadcast_in_dim3A : vector<1024x1xi1>, vector<1024x1xf32>
    %get3A_11 = arith.constant 0 : index
    %get3A_12 = arith.constant 0 : index
    %get3A_13 = vector.load %arg2[%get3A_11, %get3A_12] : memref<1024x128xf32, #tpu.memory_space<vmem>>, vector<1024x128xf32>
    %mul3A_14 = vector.broadcast %select_n3A : vector<1024x1xf32> to vector<1024x128xf32>
    %mul3A_15 = arith.mulf %get3A_13, %mul3A_14 : vector<1024x128xf32>
    %swap3A = arith.constant 0 : index
    %swap3A_16 = arith.constant 0 : index
    %swap3A_17 = vector.load %arg3[%swap3A, %swap3A_16] : memref<1024x128xf32, #tpu.memory_space<vmem>>, vector<1024x128xf32>
    tpu.vector_store %arg3[%swap3A, %swap3A_16], %mul3A_15 {strides = array<i32>} : memref<1024x128xf32, #tpu.memory_space<vmem>>, vector<1024x128xf32>,
    return
  }
  func.func @transform_0(%arg0: i32) -> (i32, i32, i32) {
    %c0_i32 = arith.constant 0 : i32
    %c0_i32_0 = arith.constant 0 : i32
    %c0_i32_1 = arith.constant 0 : i32
    return %c0_i32, %arg0, %c0_i32_0 : i32, i32, i32
  }
  func.func @transform_1(%arg0: i32) -> (i32, i32) {
    %c0_i32 = arith.constant 0 : i32
    %c0_i32_0 = arith.constant 0 : i32
    return %arg0, %c0_i32 : i32, i32
  }
  func.func @transform_2(%arg0: i32) -> (i32, i32) {
    %c0_i32 = arith.constant 0 : i32
    %c0_i32_0 = arith.constant 0 : i32
    return %arg0, %c0_i32 : i32, i32
  }
}

module attributes {stable_mosaic.version = 14 : i64} {
  func.func @_tc2_body(%arg0: i32, %arg1: memref<2x1024x128xf32, #tpu.memory_space<vmem>>, %arg2: memref<2x1024x128xf32, #tpu.memory_space<vmem>>, %arg3: memref<1024x128xf32, #tpu.memory_space<vmem>>, %arg4: memref<128x256xf32, #tpu.memory_space<vmem>>, %arg5: memref<1x256xf32, #tpu.memory_space<vmem>>, %arg6: memref<256x128xf32, #tpu.memory_space<vmem>>, %arg7: memref<1024x128xf32, #tpu.memory_space<vmem>>) attributes {dimension_semantics = [#tpu.dimension_semantics<arbitrary>], iteration_bounds = array<i64: 10>, scalar_prefetch = 0 : i64, scratch_operands = 0 : i64, tpu.core_type = #tpu.core_type<tc>, window_params = [{transform_indices = @transform_0, window_bounds = array<i64: 2, 1024, 128>}, {transform_indices = @transform_1, window_bounds = array<i64: 2, 1024, 128>}, {transform_indices = @transform_2, window_bounds = array<i64: 1024, 128>}, {pipeline_mode = #tpu.pipeline_mode<synchronous>, transform_indices = @transform_3, window_bounds = array<i64: 128, 256>}, {pipeline_mode = #tpu.pipeline_mode<synchronous>, transform_indices = @transform_4, window_bounds = array<i64: 1, 256>}, {pipeline_mode = #tpu.pipeline_mode<synchronous>, transform_indices = @transform_5, window_bounds = array<i64: 256, 128>}, {transform_indices = @transform_6, window_bounds = array<i64: 1024, 128>}]} {
    %get3A = arith.constant 0 : index
    %get3A_0 = arith.constant 0 : index
    %get3A_1 = arith.constant 0 : index
    %get3A_2 = vector.load %arg1[%get3A, %get3A_0, %get3A_1] : memref<2x1024x128xf32, #tpu.memory_space<vmem>>, vector<2x1024x128xf32>
    %reduce_sum3A = arith.constant dense<0.000000e+00> : vector<1024x128xf32>
    %reduce_sum3A_3 = vector.multi_reduction <add>, %get3A_2, %reduce_sum3A [0] : vector<2x1024x128xf32> to vector<1024x128xf32>
    %slice3A = vector.extract_strided_slice %reduce_sum3A_3 {offsets = [0, 0], sizes = [1024, 1], strides = [1, 1]} : vector<1024x128xf32> to vector<1024x1xf32>
    %add3A = arith.constant 1.000000e+00 : f32
    %add3A_4 = vector.broadcast %add3A : f32 to vector<1024x1xf32>
    %add3A_5 = arith.addf %add3A_4, %slice3A : vector<1024x1xf32>
    %rsqrt3A = math.rsqrt %add3A_5 : vector<1024x1xf32>
    %mul3A = arith.constant 1024 : i32
    %mul3A_6 = arith.muli %arg0, %mul3A : i32
    %iota3A = tpu.iota {dimensions = array<i32: 0>} : vector<1024x1xi32>
    %add3A_7 = vector.broadcast %mul3A_6 : i32 to vector<1024x1xi32>
    %add3A_8 = arith.addi %add3A_7, %iota3A : vector<1024x1xi32>
    %lt3A = arith.constant 10000 : i32
    %lt3A_9 = vector.broadcast %lt3A : i32 to vector<1024x1xi32>
    %lt3A_10 = arith.cmpi slt, %add3A_8, %lt3A_9 : vector<1024x1xi32>
    %jit3A = arith.constant 0.000000e+00 : f32
    %broadcast_in_dim3A = vector.broadcast %jit3A : f32 to vector<1024x1xf32>
    %select_n3A = arith.select %lt3A_10, %rsqrt3A, %broadcast_in_dim3A : vector<1024x1xi1>, vector<1024x1xf32>
    %get3A_11 = arith.constant 0 : index
    %get3A_12 = arith.constant 0 : index
    %get3A_13 = arith.constant 0 : index
    %get3A_14 = vector.load %arg2[%get3A_11, %get3A_12, %get3A_13] : memref<2x1024x128xf32, #tpu.memory_space<vmem>>, vector<1x1024x128xf32>
    %get3A_15 = vector.shape_cast %get3A_14 : vector<1x1024x128xf32> to vector<1024x128xf32>
    %get3A_16 = arith.constant 1 : index
    %get3A_17 = arith.constant 0 : index
    %get3A_18 = arith.constant 0 : index
    %get3A_19 = vector.load %arg2[%get3A_16, %get3A_17, %get3A_18] : memref<2x1024x128xf32, #tpu.memory_space<vmem>>, vector<1x1024x128xf32>
    %get3A_20 = vector.shape_cast %get3A_19 : vector<1x1024x128xf32> to vector<1024x128xf32>
    %add3A_21 = arith.addf %get3A_15, %get3A_20 : vector<1024x128xf32>
    %get3A_22 = arith.constant 0 : index
    %get3A_23 = arith.constant 0 : index
    %get3A_24 = vector.load %arg3[%get3A_22, %get3A_23] : memref<1024x128xf32, #tpu.memory_space<vmem>>, vector<1024x128xf32>
    %add3A_25 = arith.addf %add3A_21, %get3A_24 : vector<1024x128xf32>
    %mul3A_26 = vector.broadcast %select_n3A : vector<1024x1xf32> to vector<1024x128xf32>
    %mul3A_27 = arith.mulf %add3A_25, %mul3A_26 : vector<1024x128xf32>
    %get3A_28 = arith.constant 0 : index
    %get3A_29 = arith.constant 0 : index
    %get3A_30 = vector.load %arg4[%get3A_28, %get3A_29] : memref<128x256xf32, #tpu.memory_space<vmem>>, vector<128x256xf32>
    %dot_general3A = arith.constant dense<0.000000e+00> : vector<1024x256xf32>
    %dot_general3A_31 = tpu.matmul %mul3A_27, %get3A_30, %dot_general3A {dimension_numbers = #tpu.dot_dimension_numbers<[1], [0], [0], [1], [0, 0, 1, 1], [], []>, transpose_lhs_hint = false} : vector<1024x128xf32>, vector<128x256xf32>, vector<1024x256xf32> -> vector<1024x256xf32>
    %get3A_32 = arith.constant 0 : index
    %get3A_33 = arith.constant 0 : index
    %get3A_34 = vector.load %arg5[%get3A_32, %get3A_33] : memref<1x256xf32, #tpu.memory_space<vmem>>, vector<1x256xf32>
    %add3A_35 = vector.broadcast %get3A_34 : vector<1x256xf32> to vector<1024x256xf32>
    %add3A_36 = arith.addf %dot_general3A_31, %add3A_35 : vector<1024x256xf32>
    %max3A = arith.constant 0.000000e+00 : f32
    %max3A_37 = vector.broadcast %max3A : f32 to vector<1024x256xf32>
    %max3A_38 = arith.maximumf %add3A_36, %max3A_37 : vector<1024x256xf32>
    %get3A_39 = arith.constant 0 : index
    %get3A_40 = arith.constant 0 : index
    %get3A_41 = vector.load %arg6[%get3A_39, %get3A_40] : memref<256x128xf32, #tpu.memory_space<vmem>>, vector<256x128xf32>
    %dot_general3A_42 = arith.constant dense<0.000000e+00> : vector<1024x128xf32>
    %dot_general3A_43 = tpu.matmul %max3A_38, %get3A_41, %dot_general3A_42 {dimension_numbers = #tpu.dot_dimension_numbers<[1], [0], [0], [1], [0, 0, 1, 1], [], []>, transpose_lhs_hint = false} : vector<1024x256xf32>, vector<256x128xf32>, vector<1024x128xf32> -> vector<1024x128xf32>
    %mul3A_44 = vector.broadcast %select_n3A : vector<1024x1xf32> to vector<1024x128xf32>
    %mul3A_45 = arith.mulf %dot_general3A_43, %mul3A_44 : vector<1024x128xf32>
    %swap3A = arith.constant 0 : index
    %swap3A_46 = arith.constant 0 : index
    %swap3A_47 = vector.load %arg7[%swap3A, %swap3A_46] : memref<1024x128xf32, #tpu.memory_space<vmem>>, vector<1024x128xf32>
    tpu.vector_store %arg7[%swap3A, %swap3A_46], %mul3A_45 {strides = array<i32>} : memref<1024x128xf32, #tpu.memory_space<vmem>>, vector<1024x128xf32>,
    return
  }
  func.func @transform_0(%arg0: i32) -> (i32, i32, i32) {
    %c0_i32 = arith.constant 0 : i32
    %c0_i32_0 = arith.constant 0 : i32
    %c0_i32_1 = arith.constant 0 : i32
    return %c0_i32, %arg0, %c0_i32_0 : i32, i32, i32
  }
  func.func @transform_1(%arg0: i32) -> (i32, i32, i32) {
    %c0_i32 = arith.constant 0 : i32
    %c0_i32_0 = arith.constant 0 : i32
    %c0_i32_1 = arith.constant 0 : i32
    return %c0_i32, %arg0, %c0_i32_0 : i32, i32, i32
  }
  func.func @transform_2(%arg0: i32) -> (i32, i32) {
    %c0_i32 = arith.constant 0 : i32
    %c0_i32_0 = arith.constant 0 : i32
    return %arg0, %c0_i32 : i32, i32
  }
  func.func @transform_3(%arg0: i32) -> (i32, i32) {
    %c0_i32 = arith.constant 0 : i32
    %c0_i32_0 = arith.constant 0 : i32
    %c0_i32_1 = arith.constant 0 : i32
    return %c0_i32, %c0_i32_0 : i32, i32
  }
  func.func @transform_4(%arg0: i32) -> (i32, i32) {
    %c0_i32 = arith.constant 0 : i32
    %c0_i32_0 = arith.constant 0 : i32
    %c0_i32_1 = arith.constant 0 : i32
    return %c0_i32, %c0_i32_0 : i32, i32
  }
  func.func @transform_5(%arg0: i32) -> (i32, i32) {
    %c0_i32 = arith.constant 0 : i32
    %c0_i32_0 = arith.constant 0 : i32
    %c0_i32_1 = arith.constant 0 : i32
    return %c0_i32, %c0_i32_0 : i32, i32
  }
  func.func @transform_6(%arg0: i32) -> (i32, i32) {
    %c0_i32 = arith.constant 0 : i32
    %c0_i32_0 = arith.constant 0 : i32
    return %arg0, %c0_i32 : i32, i32
  }
}

module attributes {stable_mosaic.version = 14 : i64} {
  func.func @_tc3_body(%arg0: i32, %arg1: memref<2x1024x128xf32, #tpu.memory_space<vmem>>, %arg2: memref<2x1024x128xf32, #tpu.memory_space<vmem>>, %arg3: memref<1024x128xf32, #tpu.memory_space<vmem>>, %arg4: memref<1024x128xf32, #tpu.memory_space<vmem>>) attributes {dimension_semantics = [#tpu.dimension_semantics<arbitrary>], iteration_bounds = array<i64: 10>, scalar_prefetch = 0 : i64, scratch_operands = 0 : i64, tpu.core_type = #tpu.core_type<tc>, window_params = [{transform_indices = @transform_0, window_bounds = array<i64: 2, 1024, 128>}, {transform_indices = @transform_1, window_bounds = array<i64: 2, 1024, 128>}, {transform_indices = @transform_2, window_bounds = array<i64: 1024, 128>}, {transform_indices = @transform_3, window_bounds = array<i64: 1024, 128>}]} {
    %get3A = arith.constant 0 : index
    %get3A_0 = arith.constant 0 : index
    %get3A_1 = arith.constant 0 : index
    %get3A_2 = vector.load %arg1[%get3A, %get3A_0, %get3A_1] : memref<2x1024x128xf32, #tpu.memory_space<vmem>>, vector<2x1024x128xf32>
    %reduce_sum3A = arith.constant dense<0.000000e+00> : vector<1024x128xf32>
    %reduce_sum3A_3 = vector.multi_reduction <add>, %get3A_2, %reduce_sum3A [0] : vector<2x1024x128xf32> to vector<1024x128xf32>
    %slice3A = vector.extract_strided_slice %reduce_sum3A_3 {offsets = [0, 0], sizes = [1024, 1], strides = [1, 1]} : vector<1024x128xf32> to vector<1024x1xf32>
    %add3A = arith.constant 1.000000e+00 : f32
    %add3A_4 = vector.broadcast %add3A : f32 to vector<1024x1xf32>
    %add3A_5 = arith.addf %add3A_4, %slice3A : vector<1024x1xf32>
    %rsqrt3A = math.rsqrt %add3A_5 : vector<1024x1xf32>
    %mul3A = arith.constant 1024 : i32
    %mul3A_6 = arith.muli %arg0, %mul3A : i32
    %iota3A = tpu.iota {dimensions = array<i32: 0>} : vector<1024x1xi32>
    %add3A_7 = vector.broadcast %mul3A_6 : i32 to vector<1024x1xi32>
    %add3A_8 = arith.addi %add3A_7, %iota3A : vector<1024x1xi32>
    %lt3A = arith.constant 10000 : i32
    %lt3A_9 = vector.broadcast %lt3A : i32 to vector<1024x1xi32>
    %lt3A_10 = arith.cmpi slt, %add3A_8, %lt3A_9 : vector<1024x1xi32>
    %jit3A = arith.constant 0.000000e+00 : f32
    %broadcast_in_dim3A = vector.broadcast %jit3A : f32 to vector<1024x1xf32>
    %select_n3A = arith.select %lt3A_10, %rsqrt3A, %broadcast_in_dim3A : vector<1024x1xi1>, vector<1024x1xf32>
    %get3A_11 = arith.constant 0 : index
    %get3A_12 = arith.constant 0 : index
    %get3A_13 = arith.constant 0 : index
    %get3A_14 = vector.load %arg2[%get3A_11, %get3A_12, %get3A_13] : memref<2x1024x128xf32, #tpu.memory_space<vmem>>, vector<1x1024x128xf32>
    %get3A_15 = vector.shape_cast %get3A_14 : vector<1x1024x128xf32> to vector<1024x128xf32>
    %get3A_16 = arith.constant 1 : index
    %get3A_17 = arith.constant 0 : index
    %get3A_18 = arith.constant 0 : index
    %get3A_19 = vector.load %arg2[%get3A_16, %get3A_17, %get3A_18] : memref<2x1024x128xf32, #tpu.memory_space<vmem>>, vector<1x1024x128xf32>
    %get3A_20 = vector.shape_cast %get3A_19 : vector<1x1024x128xf32> to vector<1024x128xf32>
    %add3A_21 = arith.addf %get3A_15, %get3A_20 : vector<1024x128xf32>
    %get3A_22 = arith.constant 0 : index
    %get3A_23 = arith.constant 0 : index
    %get3A_24 = vector.load %arg3[%get3A_22, %get3A_23] : memref<1024x128xf32, #tpu.memory_space<vmem>>, vector<1024x128xf32>
    %add3A_25 = arith.addf %add3A_21, %get3A_24 : vector<1024x128xf32>
    %mul3A_26 = vector.broadcast %select_n3A : vector<1024x1xf32> to vector<1024x128xf32>
    %mul3A_27 = arith.mulf %add3A_25, %mul3A_26 : vector<1024x128xf32>
    %swap3A = arith.constant 0 : index
    %swap3A_28 = arith.constant 0 : index
    %swap3A_29 = vector.load %arg4[%swap3A, %swap3A_28] : memref<1024x128xf32, #tpu.memory_space<vmem>>, vector<1024x128xf32>
    tpu.vector_store %arg4[%swap3A, %swap3A_28], %mul3A_27 {strides = array<i32>} : memref<1024x128xf32, #tpu.memory_space<vmem>>, vector<1024x128xf32>,
    return
  }
  func.func @transform_0(%arg0: i32) -> (i32, i32, i32) {
    %c0_i32 = arith.constant 0 : i32
    %c0_i32_0 = arith.constant 0 : i32
    %c0_i32_1 = arith.constant 0 : i32
    return %c0_i32, %arg0, %c0_i32_0 : i32, i32, i32
  }
  func.func @transform_1(%arg0: i32) -> (i32, i32, i32) {
    %c0_i32 = arith.constant 0 : i32
    %c0_i32_0 = arith.constant 0 : i32
    %c0_i32_1 = arith.constant 0 : i32
    return %c0_i32, %arg0, %c0_i32_0 : i32, i32, i32
  }
  func.func @transform_2(%arg0: i32) -> (i32, i32) {
    %c0_i32 = arith.constant 0 : i32
    %c0_i32_0 = arith.constant 0 : i32
    return %arg0, %c0_i32 : i32, i32
  }
  func.func @transform_3(%arg0: i32) -> (i32, i32) {
    %c0_i32 = arith.constant 0 : i32
    %c0_i32_0 = arith.constant 0 : i32
    return %arg0, %c0_i32 : i32, i32
  }
}

module attributes {stable_mosaic.version = 14 : i64} {
  func.func @_tc4_body(%arg0: i32, %arg1: memref<1024x128xf32, #tpu.memory_space<vmem>>, %arg2: memref<1x128xf32, #tpu.memory_space<vmem>>, %arg3: memref<128x256xf32, #tpu.memory_space<vmem>>, %arg4: memref<1x256xf32, #tpu.memory_space<vmem>>, %arg5: memref<256x128xf32, #tpu.memory_space<vmem>>, %arg6: memref<1x128xf32, #tpu.memory_space<vmem>>, %arg7: memref<128x128xf32, #tpu.memory_space<vmem>>, %arg8: memref<1x128xf32, #tpu.memory_space<vmem>>, %arg9: memref<1024x128xf32, #tpu.memory_space<vmem>>) attributes {dimension_semantics = [#tpu.dimension_semantics<arbitrary>], iteration_bounds = array<i64: 1>, scalar_prefetch = 0 : i64, scratch_operands = 0 : i64, tpu.core_type = #tpu.core_type<tc>, window_params = [{pipeline_mode = #tpu.pipeline_mode<synchronous>, transform_indices = @transform_0, window_bounds = array<i64: 1024, 128>}, {pipeline_mode = #tpu.pipeline_mode<synchronous>, transform_indices = @transform_1, window_bounds = array<i64: 1, 128>}, {pipeline_mode = #tpu.pipeline_mode<synchronous>, transform_indices = @transform_2, window_bounds = array<i64: 128, 256>}, {pipeline_mode = #tpu.pipeline_mode<synchronous>, transform_indices = @transform_3, window_bounds = array<i64: 1, 256>}, {pipeline_mode = #tpu.pipeline_mode<synchronous>, transform_indices = @transform_4, window_bounds = array<i64: 256, 128>}, {pipeline_mode = #tpu.pipeline_mode<synchronous>, transform_indices = @transform_5, window_bounds = array<i64: 1, 128>}, {pipeline_mode = #tpu.pipeline_mode<synchronous>, transform_indices = @transform_6, window_bounds = array<i64: 128, 128>}, {pipeline_mode = #tpu.pipeline_mode<synchronous>, transform_indices = @transform_7, window_bounds = array<i64: 1, 128>}, {pipeline_mode = #tpu.pipeline_mode<synchronous>, transform_indices = @transform_8, window_bounds = array<i64: 1024, 128>}]} {
    %get3A = arith.constant 0 : index
    %get3A_0 = arith.constant 0 : index
    %get3A_1 = vector.load %arg1[%get3A, %get3A_0] : memref<1024x128xf32, #tpu.memory_space<vmem>>, vector<1024x128xf32>
    %get3A_2 = arith.constant 0 : index
    %get3A_3 = arith.constant 0 : index
    %get3A_4 = vector.load %arg2[%get3A_2, %get3A_3] : memref<1x128xf32, #tpu.memory_space<vmem>>, vector<1x128xf32>
    %mul3A = arith.constant 5.000000e+01 : f32
    %mul3A_5 = vector.broadcast %mul3A : f32 to vector<1x128xf32>
    %mul3A_6 = arith.mulf %mul3A_5, %get3A_4 : vector<1x128xf32>
    %add3A = vector.broadcast %mul3A_6 : vector<1x128xf32> to vector<1024x128xf32>
    %add3A_7 = arith.addf %get3A_1, %add3A : vector<1024x128xf32>
    %get3A_8 = arith.constant 0 : index
    %get3A_9 = arith.constant 0 : index
    %get3A_10 = vector.load %arg3[%get3A_8, %get3A_9] : memref<128x256xf32, #tpu.memory_space<vmem>>, vector<128x256xf32>
    %dot_general3A = arith.constant dense<0.000000e+00> : vector<1024x256xf32>
    %dot_general3A_11 = tpu.matmul %add3A_7, %get3A_10, %dot_general3A {dimension_numbers = #tpu.dot_dimension_numbers<[1], [0], [0], [1], [0, 0, 1, 1], [], []>, transpose_lhs_hint = false} : vector<1024x128xf32>, vector<128x256xf32>, vector<1024x256xf32> -> vector<1024x256xf32>
    %get3A_12 = arith.constant 0 : index
    %get3A_13 = arith.constant 0 : index
    %get3A_14 = vector.load %arg4[%get3A_12, %get3A_13] : memref<1x256xf32, #tpu.memory_space<vmem>>, vector<1x256xf32>
    %add3A_15 = vector.broadcast %get3A_14 : vector<1x256xf32> to vector<1024x256xf32>
    %add3A_16 = arith.addf %dot_general3A_11, %add3A_15 : vector<1024x256xf32>
    %max3A = arith.constant 0.000000e+00 : f32
    %max3A_17 = vector.broadcast %max3A : f32 to vector<1024x256xf32>
    %max3A_18 = arith.maximumf %add3A_16, %max3A_17 : vector<1024x256xf32>
    %get3A_19 = arith.constant 0 : index
    %get3A_20 = arith.constant 0 : index
    %get3A_21 = vector.load %arg5[%get3A_19, %get3A_20] : memref<256x128xf32, #tpu.memory_space<vmem>>, vector<256x128xf32>
    %dot_general3A_22 = arith.constant dense<0.000000e+00> : vector<1024x128xf32>
    %dot_general3A_23 = tpu.matmul %max3A_18, %get3A_21, %dot_general3A_22 {dimension_numbers = #tpu.dot_dimension_numbers<[1], [0], [0], [1], [0, 0, 1, 1], [], []>, transpose_lhs_hint = false} : vector<1024x256xf32>, vector<256x128xf32>, vector<1024x128xf32> -> vector<1024x128xf32>
    %get3A_24 = arith.constant 0 : index
    %get3A_25 = arith.constant 0 : index
    %get3A_26 = vector.load %arg6[%get3A_24, %get3A_25] : memref<1x128xf32, #tpu.memory_space<vmem>>, vector<1x128xf32>
    %add3A_27 = vector.broadcast %get3A_26 : vector<1x128xf32> to vector<1024x128xf32>
    %add3A_28 = arith.addf %dot_general3A_23, %add3A_27 : vector<1024x128xf32>
    %max3A_29 = arith.constant 0.000000e+00 : f32
    %max3A_30 = vector.broadcast %max3A_29 : f32 to vector<1024x128xf32>
    %max3A_31 = arith.maximumf %add3A_28, %max3A_30 : vector<1024x128xf32>
    %get3A_32 = arith.constant 0 : index
    %get3A_33 = arith.constant 0 : index
    %get3A_34 = vector.load %arg7[%get3A_32, %get3A_33] : memref<128x128xf32, #tpu.memory_space<vmem>>, vector<128x128xf32>
    %dot_general3A_35 = arith.constant dense<0.000000e+00> : vector<1024x128xf32>
    %dot_general3A_36 = tpu.matmul %max3A_31, %get3A_34, %dot_general3A_35 {dimension_numbers = #tpu.dot_dimension_numbers<[1], [0], [0], [1], [0, 0, 1, 1], [], []>, transpose_lhs_hint = false} : vector<1024x128xf32>, vector<128x128xf32>, vector<1024x128xf32> -> vector<1024x128xf32>
    %get3A_37 = arith.constant 0 : index
    %get3A_38 = arith.constant 0 : index
    %get3A_39 = vector.load %arg8[%get3A_37, %get3A_38] : memref<1x128xf32, #tpu.memory_space<vmem>>, vector<1x128xf32>
    %add3A_40 = vector.broadcast %get3A_39 : vector<1x128xf32> to vector<1024x128xf32>
    %add3A_41 = arith.addf %dot_general3A_36, %add3A_40 : vector<1024x128xf32>
    %swap3A = arith.constant 0 : index
    %swap3A_42 = arith.constant 0 : index
    %swap3A_43 = vector.load %arg9[%swap3A, %swap3A_42] : memref<1024x128xf32, #tpu.memory_space<vmem>>, vector<1024x128xf32>
    tpu.vector_store %arg9[%swap3A, %swap3A_42], %add3A_41 {strides = array<i32>} : memref<1024x128xf32, #tpu.memory_space<vmem>>, vector<1024x128xf32>,
    return
  }
  func.func @transform_0(%arg0: i32) -> (i32, i32) {
    %c0_i32 = arith.constant 0 : i32
    %c0_i32_0 = arith.constant 0 : i32
    %c0_i32_1 = arith.constant 0 : i32
    return %c0_i32, %c0_i32_0 : i32, i32
  }
  func.func @transform_1(%arg0: i32) -> (i32, i32) {
    %c0_i32 = arith.constant 0 : i32
    %c0_i32_0 = arith.constant 0 : i32
    %c0_i32_1 = arith.constant 0 : i32
    return %c0_i32, %c0_i32_0 : i32, i32
  }
  func.func @transform_2(%arg0: i32) -> (i32, i32) {
    %c0_i32 = arith.constant 0 : i32
    %c0_i32_0 = arith.constant 0 : i32
    %c0_i32_1 = arith.constant 0 : i32
    return %c0_i32, %c0_i32_0 : i32, i32
  }
  func.func @transform_3(%arg0: i32) -> (i32, i32) {
    %c0_i32 = arith.constant 0 : i32
    %c0_i32_0 = arith.constant 0 : i32
    %c0_i32_1 = arith.constant 0 : i32
    return %c0_i32, %c0_i32_0 : i32, i32
  }
  func.func @transform_4(%arg0: i32) -> (i32, i32) {
    %c0_i32 = arith.constant 0 : i32
    %c0_i32_0 = arith.constant 0 : i32
    %c0_i32_1 = arith.constant 0 : i32
    return %c0_i32, %c0_i32_0 : i32, i32
  }
  func.func @transform_5(%arg0: i32) -> (i32, i32) {
    %c0_i32 = arith.constant 0 : i32
    %c0_i32_0 = arith.constant 0 : i32
    %c0_i32_1 = arith.constant 0 : i32
    return %c0_i32, %c0_i32_0 : i32, i32
  }
  func.func @transform_6(%arg0: i32) -> (i32, i32) {
    %c0_i32 = arith.constant 0 : i32
    %c0_i32_0 = arith.constant 0 : i32
    %c0_i32_1 = arith.constant 0 : i32
    return %c0_i32, %c0_i32_0 : i32, i32
  }
  func.func @transform_7(%arg0: i32) -> (i32, i32) {
    %c0_i32 = arith.constant 0 : i32
    %c0_i32_0 = arith.constant 0 : i32
    %c0_i32_1 = arith.constant 0 : i32
    return %c0_i32, %c0_i32_0 : i32, i32
  }
  func.func @transform_8(%arg0: i32) -> (i32, i32) {
    %c0_i32 = arith.constant 0 : i32
    %c0_i32_0 = arith.constant 0 : i32
    %c0_i32_1 = arith.constant 0 : i32
    return %c0_i32, %c0_i32_0 : i32, i32
  }
}

</mosaic_0001>

<sc_bundles>
// kernel: kernel.10.cloned.1.call-start
scs
__scs_entry_jumppad:
0x0: {  	(pc) =	sbr.rel $0x88, $3  }
0x1: {  	(tag) =	ssettag $0x0;
	lr =	simm.s32 $0x1  }
0x2: {  	[smem:$0x3F94] =	sst lr;
	_ =	strace $0xD0000000  }
0x3: {  	_ = 	snop  }
0x4: {  	_ = 	snop  }
0x5: {  	_ = 	snop  }
0x6: {  	_ = 	snop  }
0x7: {  	_ = 	snop  }
__scs_overlays_trampoline_lowered:
0x8: {  	[smem:$0x3FA3] =	sst s0  }
0x9: {  	[smem:$0x3FA4] =	sst s1  }
0xa: {  	[smem:$0x3FA5] =	sst s2  }
0xb: {  	[smem:$0x3FA6] =	sst s3  }
0xc: {  	[smem:$0x3FA7] =	sst s4  }
0xd: {  	[smem:$0x3FA8] =	sst s5  }
0xe: {  	[smem:$0x3FA9] =	sst s6  }
0xf: {  	[smem:$0x3FAA] =	sst s7  }
0x10: {  	[smem:$0x3FAB] =	sst s8  }
0x11: {  	[smem:$0x3FAC] =	sst s9;
	s0 =	simm.s32 @!p0 $0x0  }
0x12: {  	s1 =	sld [smem:$0x3F92];
	s0 =	simm.s32 @p0 $0x1  }
0x13: {  	[smem:$0x3FAD] =	sst s0;
	s0 =	simm.s32 @!p1 $0x0  }
0x14: {  	s2 =	sld [smem:$0x3F91];
	s0 =	simm.s32 @p1 $0x1  }
0x15: {  	[smem:$0x3FAE] =	sst s0;
	s0 =	simm.s32 @!p2 $0x0  }
0x16: {  	s3 =	sld [smem:$0x3FDB];
	s0 =	simm.s32 @p2 $0x1  }
0x17: {  	s4 =	simm.s32 $0x1BF5;
	[smem:$0x3FB0] =	sst s0  }
0x18: {  	s0 =	sld [smem:$0x3F93];
	_ =	swait.ge [sflag:s4], $0x0  }
0x19: {  	s7 =	sld [smem:$0x3F94]  }
0x1a: {  	s8 =	sadd.s32 $0xFFFFE003, lr  }
0x1b: {  	s9 =	sadd.s32 $0xFFFFFEF7, lr;
	s5 =	simm.s32 $0xFFFFFFFF;
	p2 =	slt.u32 s8, $0xFFFFF086  }
0x1c: {  	p1 =	slt.u32 s9, $0xF7A;
	s5 =	simm.s32 @!p2 $0x0  }
0x1d: {  	s5 =	simm.s32 @p1 $0x1;
	p0 =	seq.s32 s7, s2  }
0x1e: {  	s7 =	smul.u32 @!p0 $0xF7A, s2;
	p2 =	seq.s32 @!p0 s5, $0x0  }
0x1f: {  	s9 =	smul.u32 $0xF7A, s1;
	s8 =	simm.s32 @!p0 $0x1BF5;
	p2 =	por !p2, p0  }
0x20: {  	[sflag:s8] =	ssyncset.s32 @!p0 $0xFFFFF086;
	s6 =	sadd.s32 @!p0 s3, s7;
	s7 =	simm.s32 @!p0 $0x108  }
0x21: {  	s3 =	sadd.s32 s3, s9;
	s6 =	sadd.s32 @!p0 $0x88, s6;
	s7 =	simm.s32 @p2 $0x1082  }
0x22: {  	[simem:s7], [sflag:s8] =	dma.local @!p0 [hbm:s6], $0xF7A  }
0x23: {  	s9 =	sor.u32 $0xD0000000, s2;
	s6 =	simm.s32 $0x108;
	_ =	swait.ge @!p0 [sflag:s8], $0x0  }
0x24: {  	s3 =	sadd.s32 $0x88, s3;
	s6 =	simm.s32 @!p1 $0x1082;
	[sflag:s4] =	ssyncset.s32 $0xFFFFF086  }
0x25: {  	[simem:s6], [sflag:s4] =	dma.local [hbm:s3], $0xF7A  }
0x26: {  	[smem:$0x3F94] =	sst s1;
	(tag) =	ssettag s2;
	_ =	strace s9  }
0x27: {  	s1 =	sld [smem:$0x3FA4]  }
0x28: {  	s2 =	sld [smem:$0x3FA5]  }
0x29: {  	s4 =	sld [smem:$0x3FA7]  }
0x2a: {  	p0 =	seq.s32 s5, $0x0;
	s5 =	sld [smem:$0x3FA8]  }
0x2b: {  	s6 =	sld [smem:$0x3FA9]  }
0x2c: {  	s7 =	sld [smem:$0x3FAA]  }
0x2d: {  	s3 =	simm.s32 $0x108;
	s8 =	sld [smem:$0x3FAB]  }
0x2e: {  	s3 =	simm.s32 @!p0 $0x1082;
	s9 =	sld [smem:$0x3FAC]  }
0x2f: {  	lr =	sadd.s32 s0, s3;
	s0 =	sld [smem:$0x3FA3]  }
0x30: {  	s3 =	sld [smem:$0x3FA6]  }
0x31: {  	[smem:$0x3FAF] =	sst s10  }
0x32: {  	s10 =	sld [smem:$0x3FAD];
	_ =	sdelay $0x3  }
0x33: {  	p0 =	seq.s32 s10, $0x1;
	s10 =	sld [smem:$0x3FAF];
	_ =	sdelay $0x3  }
0x34: {  	[smem:$0x3FAF] =	sst s10  }
0x35: {  	s10 =	sld [smem:$0x3FAE];
	_ =	sdelay $0x3  }
0x36: {  	p1 =	seq.s32 s10, $0x1;
	s10 =	sld [smem:$0x3FAF];
	_ =	sdelay $0x3  }
0x37: {  	[smem:$0x3FAF] =	sst s10  }
0x38: {  	s10 =	sld [smem:$0x3FB0]  }
0x39: {  	_ = 	snop;
	(pc) =	sbr.ind lr, $3  }
0x3a: {  	_ = 	snop  }
0x3b: {  	_ = 	snop  }
0x3c: {  	p2 =	seq.s32 s10, $0x1;
	s10 =	sld [smem:$0x3FAF]  }
0x3d: {  	_ =	shalt  }
0x3e: {  	_ =	shalt  }
0x3f: {  	_ =	shalt  }
0x40: {  	_ =	shalt  }
0x41: {  	_ =	shalt  }
0x42: {  	_ =	shalt  }
0x43: {  	_ =	shalt  }
0x44: {  	_ =	shalt  }
0x45: {  	_ =	shalt  }
0x46: {  	_ =	shalt  }
0x47: {  	_ =	shalt  }
0x48: {  	_ =	shalt  }
0x49: {  	_ =	shalt  }
0x4a: {  	_ =	shalt  }
0x4b: {  	_ =	shalt  }
0x4c: {  	_ =	shalt  }
0x4d: {  	_ =	shalt  }
0x4e: {  	_ =	shalt  }
0x4f: {  	_ =	shalt  }
0x50: {  	_ =	shalt  }
0x51: {  	_ =	shalt  }
0x52: {  	_ =	shalt  }
0x53: {  	_ =	shalt  }
0x54: {  	_ =	shalt  }
0x55: {  	_ =	shalt  }
0x56: {  	_ =	shalt  }
0x57: {  	_ =	shalt  }
0x58: {  	_ =	shalt  }
0x59: {  	_ =	shalt  }
0x5a: {  	_ =	shalt  }
0x5b: {  	_ =	shalt  }
0x5c: {  	_ =	shalt  }
0x5d: {  	_ =	shalt  }
0x5e: {  	_ =	shalt  }
0x5f: {  	_ =	shalt  }
0x60: {  	_ =	shalt  }
0x61: {  	_ =	shalt  }
0x62: {  	_ =	shalt  }
0x63: {  	_ =	shalt  }
0x64: {  	_ =	shalt  }
0x65: {  	_ =	shalt  }
0x66: {  	_ =	shalt  }
0x67: {  	_ =	shalt  }
0x68: {  	_ =	shalt  }
0x69: {  	_ =	shalt  }
0x6a: {  	_ =	shalt  }
0x6b: {  	_ =	shalt  }
0x6c: {  	_ =	shalt  }
0x6d: {  	_ =	shalt  }
0x6e: {  	_ =	shalt  }
0x6f: {  	_ =	shalt  }
0x70: {  	_ =	shalt  }
0x71: {  	_ =	shalt  }
0x72: {  	_ =	shalt  }
0x73: {  	_ =	shalt  }
0x74: {  	_ =	shalt  }
0x75: {  	_ =	shalt  }
0x76: {  	_ =	shalt  }
0x77: {  	_ =	shalt  }
0x78: {  	_ =	shalt  }
0x79: {  	_ =	shalt  }
0x7a: {  	_ =	shalt  }
0x7b: {  	_ =	shalt  }
0x7c: {  	_ =	shalt  }
0x7d: {  	_ =	shalt  }
0x7e: {  	_ =	shalt  }
0x7f: {  	_ =	shalt  }
0x80: {  	_ =	shalt  }
0x81: {  	_ =	shalt  }
0x82: {  	_ =	shalt  }
0x83: {  	_ =	shalt  }
0x84: {  	_ =	shalt  }
0x85: {  	_ =	shalt  }
0x86: {  	_ =	shalt  }
0x87: {  	_ =	shalt  }
.Lfunc_end0:
.L_simem_size_0:
called_computation_lowered:
.L_overlay_start_0:
0x88: {  	s2 =	sld [smem:$0x3FD9]  }
0x89: {  	s3 =	sld [smem:$0x3FFE];
	_ =	sdelay $0x1  }
0x8a: {  	s1 =	srdreg.scid  }
0x8b: {  	s0 =	sand.u32 $0x1, s1  }
0x8c: {  	s16 =	sshll.u32 s0, $0xA;
	s2 =	sadd.s32 s3, s2  }
0x8d: {  	s2 =	sadd.s32 s2, s16  }
0x8e: {  	[smem:$0x3FBB] =	sst s2  }
0x8f: {  	_ = 	snop  }
0x90: {  	(tm) =	ssettm $0x1  }
0x91: {  	s17 =	sld [smem:$0x3FFB];
	_ =	sdelay $0x3  }
0x92: {  	_ =	strace s17  }
0x93: {  	s2 =	sld [smem:$0x3FFC];
	_ =	sdelay $0x3  }
0x94: {  	_ =	strace s2  }
0x95: {  	s2 =	sld [smem:$0x3FFD];
	_ =	sdelay $0x3  }
0x96: {  	_ =	strace s2  }
0x97: {  	_ =	strace $0x8FFFFFFF  }
0x98: {  	s18 =	sld [smem:$0x3FDB];
	_ =	sdelay $0x1  }
0x99: {  	s19 =	simm.s32 $_scs_section_size  }
0x9a: {  	s4 =	simm.s32 $_size__tile_overlayer_lowered;
	s5 =	simm.s32 $_tile_overlayer_lowered  }
0x9b: {  	s22 =	simm.s32 $0x1BFF;
	s21 =	sshll.u32 s5, $0x1;
	s2 =	sadd.s32 s19, s18  }
0x9c: {  	s6 =	simm.s32 $0x0;
	s20 =	sshll.u32 s4, $0x1;
	s4 =	sadd.s32 s21, s2  }
0x9d: {  	[timem:s6], [sflag:s22] =	dma.local [hbm:s4], s20  }
0x9e: {  	_ =	swait.ge [sflag:s22], s20  }
0x9f: {  	s3 =	ssub.s32 $0x0, s20;
	[sflag:s22] =	ssyncset.done $0x0  }
0xa0: {  	[sflag:s22] =	ssyncadd.s32 s3;
	_ =	sdelay $0x1  }
0xa1: {  	s23 =	simm.s32 $0x1B8B  }
0xa2: {  	_ =	swait.ge [sflag:s23], $0x1  }
0xa3: {  	[sflag:s23] =	ssyncset.done $0x0  }
0xa4: {  	s25 =	simm.s32 $0x1B8E;
	s24 =	sld [smem:$0x3FFE];
	[sflag:s23] =	ssyncadd.s32 $0xFFFFFFFF  }
0xa5: {  	s26 =	simm.s32 $execute0_lowered;
	[smem:$0x3FD2] =	sst s25  }
0xa6: {  	s4 =	sshll.u32 s26, $0x1;
	_ =	strace $0x80000046;
	[dreg:$0x1] =	wrdreg $0xFFFFFFFF  }
0xa7: {  	s28 =	simm.s32 $_size_execute0_lowered;
	s2 =	sadd.s32 s2, s4;
	[dreg:$0x0] =	wrdreg $0x0  }
0xa8: {  	s4 =	sshll.u32 s28, $0x1;
	[dreg:$0x2] =	wrdreg s2  }
0xa9: {  	[dreg:$0x3] =	wrdreg s4  }
0xaa: {  	[dreg:$0x4] =	wrdreg $0xC0  }
0xab: {  	_ =	task [dreg:s6], $0x5FFFF  }
0xac: {  	[dreg:$0x1] =	wrdreg $0xFFFFFFFF  }
0xad: {  	[dreg:$0x0] =	wrdreg $0x60  }
0xae: {  	[dreg:$0x2] =	wrdreg s24  }
0xaf: {  	[dreg:$0x3] =	wrdreg $0x68000  }
0xb0: {  	[dreg:$0x4] =	wrdreg $0x9  }
0xb1: {  	_ =	task.clear_ibuf [dreg:s6], $0x5FFFF;
	_ =	strace $0x90000046  }
0xb2: {  	s29 =	simm.s32 $0x9;
	_ =	strace $0x80000048  }
0xb3: {  	_ =	swait.ge [sflag:s29], $0x1  }
0xb4: {  	[sflag:s29] =	ssyncadd.s32 $0xFFFFFFFF  }
0xb5: {  	_ =	strace $0x90000048  }
0xb6: {  	_ =	sfence  }
0xb7: {  	s30 =	sld [smem:$0x0];
	_ =	sdelay $0x2  }
0xb8: {  	s31 =	sshll.u32 s1, $0xD;
	s1 =	sshrl.u32 s1, $0x2  }
0xb9: {  	s3 =	sand.u32 $0x4000, s31;
	s1 =	sadd.s32 s1, s30  }
0xba: {  	s0 =	sor.u32 s3, s0;
	s1 =	sshll.u32 s1, $0x11  }
0xbb: {  	s0 =	sor.u32 s1, s0  }
0xbc: {  	s0 =	sadd.s32 $0x8F2B, s0  }
0xbd: {  	[sflag:s0] =	ssyncadd.remote.s32 $0x1  }
0xbe: {  	_ =	sfence.sel $0xFFFF  }
0xbf: {  	[dreg:$0x0] =	wrdreg $0xFFFFFFFF;
	(pc) =	sbr.abs _section_cstart, $3  }
0xc0: {  	[dreg:$0x1] =	wrdreg $0xFFFFFFFF  }
0xc1: {  	_ =	task.clear_ibuf [dreg:s6], $0x2FFFF;
	_ =	strace $0x9FFFFFFF  }
0xc2: {  	(tm) =	ssettm $0x7FFFFFFF  }
0xc3: {  	_ =	shalt  }
tec
execute0_lowered:
.L_overlay_start_1:
0x0: {  	(tag) =	ssettag $0x1  }
0x1: {  	s5 =	rddreg [dreg:$0x0];
	s0 =	srdreg.scid  }
0x2: {  	s2 =	rddreg [dreg:$0x1];
	s1 =	stileid.u32;
	s3 =	simm.s32 $0x0  }
0x3: {  	s15 =	simm.s32 $0x4000;
	s16 =	simm.s32 $0x1;
	s17 =	simm.s32 $0x50  }
0x4: {  	s4 =	sand.u32 $0x1, s0;
	s0 =	rddreg [dreg:$0x2];
	s7 =	smul.u32 $0x14000, s1  }
0x5: {  	s20 =	simm.s32 $0x0;
	[smem:$0x7FF] =	sst s3;
	s9 =	smul.u32 $0x50000, s1  }
0x6: {  	s11 =	sshll.u32 s1, $0xC;
	s18 =	sshll.u32 s1, $0x6;
	s6 =	smul.u32 $0x140000, s4  }
0x7: {  	s8 =	sshll.u32 s4, $0xB;
	_ =	strace $0x80000047;
	s29 =	ssub.s32 $0x2, s4  }
0x8: {  	s18 =	sor.u32 $0x1C01, s18;
	s10 =	sadd.s32 s8, s5;
	s30 =	sshrl.u32 s9, $0x2  }
0x9: {  	s31 =	sshrl.u32 s29, $0x1;
	s6 =	sadd.s32 s7, s6;
	s4 =	sadd.s32 s30, s2  }
0xa: {  	s14 =	ssub.s32 s29, s31;
	s12 =	sadd.s32 s11, s10;
	s6 =	sshrl.u32 s6, $0x3  }
0xb: {  	s7 =	sadd.s32 $0x7800, s4;
	s8 =	sadd.s32 $0xA000, s4;
	s9 =	sadd.s32 $0xC800, s4  }
0xc: {  	s10 =	sadd.s32 $0xF000, s4;
	s11 =	sadd.s32 $0x11800, s4;
	s12 =	sadd.s32 $0x2E00, s12  }
0xd: {  	s14 =	smax.u32 s14, $0x1;
	s19 =	sshrl.u32 s4, $0x3;
	s13 =	sadd.s32 s6, s5  }
0xe: {  	v0 =	vimm.f32 $0.0e+00;
	v1 =	vimm.f32 $1.000000000e+00;
	s5 =	sadd.s32 $0x2800, s4;
	s6 =	sadd.s32 $0x5000, s4;
	s13 =	sadd.s32 $0x12E00, s13  }
.LBB2_1:
0xf: {  	s21 =	sand.u32 $0xFE00, s3  }
0x10: {  	s22 =	sand.u32 $0x70, s3;
	s23 =	sshrl.u32 s21, $0x2  }
0x11: {  	s21 =	simm.s32 $0x40;
	s23 =	sor.u32 s22, s23;
	s22 =	simm.s32 $0x0  }
.LBB2_2:
0x12: {  	p0 =	sne.s32 s21, $0x9FC0  }
0x13: {  	[tilespmem:s23+$0x4000] =	vst v0;
	s22 =	sadd.s32 $0x10, s22;
	s23 =	smov.u32 s21;
	s21 =	sadd.s32 $0x40, s21  }
.Ltmp0:
0x14: {  	(pc) =	sbr.rel @p0 .LBB2_2-.Ltmp0, $4  }
0x15: {  	_ = 	snop  }
0x16: {  	s23 =	sand.u32 $0xFE00, s23  }
0x17: {  	s24 =	sand.u32 $0x70, s22;
	s23 =	sshrl.u32 s23, $0x2  }
0x18: {  	s23 =	sor.u32 s24, s23  }
0x19: {  	[tilespmem:s23+$0x4000] =	vst v0  }
0x1a: {  	[spmem:s4] =	stream.linear.scatter [tilespmem:s15], [sflag:$0x1], $0x2800, $0x38;
	[tilespmem:$0x1A800] =	vst v63  }
0x1b: {  	_ =	swait.ge [sflag:s16], $0x2800  }
0x1c: {  	[sflag:s16] =	ssyncset.done $0x0  }
0x1d: {  	[sflag:s16] =	ssyncadd.s32 $0xFFFFD800  }
0x1e: {  	[spmem:s5] =	stream.linear.scatter [tilespmem:s15], [sflag:$0x1], $0x2800, $0x38;
	[tilespmem:$0x1A800] =	vst v63  }
0x1f: {  	_ =	swait.ge [sflag:s16], $0x2800  }
0x20: {  	[sflag:s16] =	ssyncset.done $0x0  }
0x21: {  	[sflag:s16] =	ssyncadd.s32 $0xFFFFD800  }
0x22: {  	[spmem:s6] =	stream.linear.scatter [tilespmem:s15], [sflag:$0x1], $0x2800, $0x38;
	[tilespmem:$0x1A800] =	vst v63  }
0x23: {  	_ =	swait.ge [sflag:s16], $0x2800  }
0x24: {  	[sflag:s16] =	ssyncset.done $0x0  }
0x25: {  	[sflag:s16] =	ssyncadd.s32 $0xFFFFD800  }
0x26: {  	[spmem:s7] =	stream.linear.scatter [tilespmem:s15], [sflag:$0x1], $0x2800, $0x38;
	[tilespmem:$0x1A800] =	vst v63  }
0x27: {  	_ =	swait.ge [sflag:s16], $0x2800  }
0x28: {  	[sflag:s16] =	ssyncset.done $0x0  }
0x29: {  	[sflag:s16] =	ssyncadd.s32 $0xFFFFD800  }
0x2a: {  	[spmem:s8] =	stream.linear.scatter [tilespmem:s15], [sflag:$0x1], $0x2800, $0x38;
	[tilespmem:$0x1A800] =	vst v63  }
0x2b: {  	_ =	swait.ge [sflag:s16], $0x2800  }
0x2c: {  	[sflag:s16] =	ssyncset.done $0x0  }
0x2d: {  	[sflag:s16] =	ssyncadd.s32 $0xFFFFD800  }
0x2e: {  	[spmem:s9] =	stream.linear.scatter [tilespmem:s15], [sflag:$0x1], $0x2800, $0x38;
	[tilespmem:$0x1A800] =	vst v63  }
0x2f: {  	_ =	swait.ge [sflag:s16], $0x2800  }
0x30: {  	[sflag:s16] =	ssyncset.done $0x0  }
0x31: {  	[sflag:s16] =	ssyncadd.s32 $0xFFFFD800  }
0x32: {  	[spmem:s10] =	stream.linear.scatter [tilespmem:s15], [sflag:$0x1], $0x2800, $0x38;
	[tilespmem:$0x1A800] =	vst v63  }
0x33: {  	_ =	swait.ge [sflag:s16], $0x2800  }
0x34: {  	[sflag:s16] =	ssyncset.done $0x0  }
0x35: {  	[sflag:s16] =	ssyncadd.s32 $0xFFFFD800  }
0x36: {  	[spmem:s11] =	stream.linear.scatter [tilespmem:s15], [sflag:$0x1], $0x2800, $0x38;
	[tilespmem:$0x1A800] =	vst v63  }
0x37: {  	s21 =	simm.s32 $0x0;
	_ =	swait.ge [sflag:s16], $0x2800  }
0x38: {  	s22 =	sand.u32 $0xFE00, s21;
	[sflag:s16] =	ssyncset.done $0x0  }
0x39: {  	s31 =	sand.u32 $0x70, s21;
	s24 =	sshrl.u32 s22, $0x2;
	[sflag:s16] =	ssyncadd.s32 $0xFFFFD800  }
0x3a: {  	s22 =	simm.s32 $0x40;
	s23 =	sor.u32 s31, s24;
	[bflag:$0x0] =	sbarrier.arrive $0xFFFF  }
.LBB2_4:
0x3b: {  	p0 =	sne.s32 s22, $0x9FC0  }
0x3c: {  	[tilespmem:s23+$0x4000] =	vst v1;
	s21 =	sadd.s32 $0x10, s21;
	s23 =	smov.u32 s22;
	s22 =	sadd.s32 $0x40, s22  }
.Ltmp1:
0x3d: {  	(pc) =	sbr.rel @p0 .LBB2_4-.Ltmp1, $4  }
0x3e: {  	_ = 	snop  }
0x3f: {  	s23 =	sand.u32 $0xFE00, s23  }
0x40: {  	s24 =	sand.u32 $0x70, s21;
	s23 =	sshrl.u32 s23, $0x2  }
0x41: {  	s23 =	sor.u32 s24, s23  }
0x42: {  	[tilespmem:s23+$0x4000] =	vst v1;
	s21 =	simm.s32 $0x0  }
0x43: {  	[tilespmem:s21], [sflag:$0x1] =	stream.linear.gather [hbm4b:s12+s21], $0x3E80, $0x38;
	[tilespmem:$0x1A800] =	vst v63  }
0x44: {  	_ =	swait.ge [sflag:s16], $0x3E80  }
0x45: {  	[sflag:s16] =	ssyncset.done $0x0  }
0x46: {  	s31 =	simm.s32 $0x0;
	[sflag:s16] =	ssyncadd.s32 $0xFFFFC180  }
0x47: {  	[spmem:s2] =	stream.indirect.scatter.add.f32 [tilespmem:s15], [sflag:$0x1], $0x80, s31, s17, $0xb8;
	[tilespmem:$0x1A800] =	vst v63  }
0x48: {  	_ =	swait.ge [sflag:s16], $0x2800  }
0x49: {  	s21 =	simm.s32 $0x200;
	[sflag:s16] =	ssyncset.done $0x0  }
.LBB2_6:
0x4a: {  	s22 =	sshra.s32 s21, $0x2;
	[sflag:s16] =	ssyncadd.s32 $0xFFFFD800;
	p0 =	sne.s32 s21, $0xF800  }
0x4b: {  	[spmem:s2] =	stream.indirect.scatter.add.f32 [tilespmem:s15], [sflag:$0x1], $0x80, s22, s17, $0xb8;
	[tilespmem:$0x1A800] =	vst v63  }
.Ltmp2:
0x4c: {  	_ = 	snop;
	(pc) =	sbr.rel @p0 .LBB2_6-.Ltmp2, $4  }
0x4d: {  	_ = 	snop  }
0x4e: {  	s21 =	sadd.s32 $0x200, s21  }
0x4f: {  	_ =	swait.ge [sflag:s16], $0x2800  }
0x50: {  	[sflag:s16] =	ssyncset.done $0x0  }
0x51: {  	s20 =	sadd.s32 $0x1, s20  }
0x52: {  	[sflag:s16] =	ssyncadd.s32 $0xFFFFD800;
	p0 =	sne.s32 s20, s14  }
.Ltmp3:
0x53: {  	[bflag:$0x0] =	sbarrier.arrive $0xFFFF;
	(pc) =	sbr.rel @p0 .LBB2_1-.Ltmp3, $4  }
0x54: {  	[hbm:s13], [sflag:s18] =	dma.local [spmem:s19], $0x2800  }
0x55: {  	_ =	swait.ge [sflag:s16], $0x2800  }
0x56: {  	[sflag:s16] =	ssyncset.done $0x0  }
0x57: {  	[sflag:s16] =	ssyncadd.s32 $0xFFFFD800  }
0x58: {  	_ =	sfence.sel $0x180000  }
0x59: {  	[bflag:$0x0] =	sbarrier.arrive $0xFFFF  }
0x5a: {  	p0 =	sne.s32 s1, $0x0;
	_ =	strace $0x90000047  }
0x5b: {  	s0 =	sadd.s32 @!p0 $0x100000, s0;
	[bflag:$0x2] =	sbarrier.arrive $0xFFFF  }
0x5c: {  	[sflag:s0] =	ssyncadd.tile.s32 @!p0 $0x1;
	_ =	shalt  }
.Lfunc_end2:
_tile_overlayer_lowered:
.L_overlay_start_2:
0x5d: {  	(tag) =	ssettag $0x2  }
0x5e: {  	s0 =	rddreg [dreg:$0x0];
	s2 =	stileid.u32  }
0x5f: {  	s1 =	rddreg [dreg:$0x1];
	p0 =	sne.s32 s2, $0x0  }
0x60: {  	s3 =	rddreg [dreg:$0x2];
	[bflag:$0x3] =	sbarrier.arrive $0xFFFF;
	s2 =	simm.s32 @!p0 $0x1C01  }
0x61: {  	[timem:s3], [sflag:s2] =	dma.local @!p0 [hbm:s0], s1  }
0x62: {  	s0 =	simm.s32 @!p0 $0x1  }
0x63: {  	_ =	swait.ge @!p0 [sflag:s0], s1  }
0x64: {  	s1 =	ssub.s32 @!p0 $0x0, s1;
	[sflag:s0] =	ssyncset.done @!p0 $0x0  }
0x65: {  	[sflag:s0] =	ssyncadd.s32 @!p0 s1  }
0x66: {  	[bflag:$0x3] =	sbarrier.arrive $0xFFFF  }
0x67: {  	_ =	shalt  }

// kernel: kernel.13.cloned.1.call-start
scs
__scs_entry_jumppad:
0x0: {  	(pc) =	sbr.rel $0x88, $3  }
0x1: {  	(tag) =	ssettag $0x0;
	lr =	simm.s32 $0x1  }
0x2: {  	[smem:$0x3F94] =	sst lr;
	_ =	strace $0xD0000000  }
0x3: {  	_ = 	snop  }
0x4: {  	_ = 	snop  }
0x5: {  	_ = 	snop  }
0x6: {  	_ = 	snop  }
0x7: {  	_ = 	snop  }
__scs_overlays_trampoline_lowered:
0x8: {  	[smem:$0x3FA3] =	sst s0  }
0x9: {  	[smem:$0x3FA4] =	sst s1  }
0xa: {  	[smem:$0x3FA5] =	sst s2  }
0xb: {  	[smem:$0x3FA6] =	sst s3  }
0xc: {  	[smem:$0x3FA7] =	sst s4  }
0xd: {  	[smem:$0x3FA8] =	sst s5  }
0xe: {  	[smem:$0x3FA9] =	sst s6  }
0xf: {  	[smem:$0x3FAA] =	sst s7  }
0x10: {  	[smem:$0x3FAB] =	sst s8  }
0x11: {  	[smem:$0x3FAC] =	sst s9;
	s0 =	simm.s32 @!p0 $0x0  }
0x12: {  	s1 =	sld [smem:$0x3F92];
	s0 =	simm.s32 @p0 $0x1  }
0x13: {  	[smem:$0x3FAD] =	sst s0;
	s0 =	simm.s32 @!p1 $0x0  }
0x14: {  	s2 =	sld [smem:$0x3F91];
	s0 =	simm.s32 @p1 $0x1  }
0x15: {  	[smem:$0x3FAE] =	sst s0;
	s0 =	simm.s32 @!p2 $0x0  }
0x16: {  	s3 =	sld [smem:$0x3FDB];
	s0 =	simm.s32 @p2 $0x1  }
0x17: {  	s4 =	simm.s32 $0x1BF5;
	[smem:$0x3FB0] =	sst s0  }
0x18: {  	s0 =	sld [smem:$0x3F93];
	_ =	swait.ge [sflag:s4], $0x0  }
0x19: {  	s7 =	sld [smem:$0x3F94]  }
0x1a: {  	s8 =	sadd.s32 $0xFFFFE003, lr  }
0x1b: {  	s9 =	sadd.s32 $0xFFFFFEF7, lr;
	s5 =	simm.s32 $0xFFFFFFFF;
	p2 =	slt.u32 s8, $0xFFFFF086  }
0x1c: {  	p1 =	slt.u32 s9, $0xF7A;
	s5 =	simm.s32 @!p2 $0x0  }
0x1d: {  	s5 =	simm.s32 @p1 $0x1;
	p0 =	seq.s32 s7, s2  }
0x1e: {  	s7 =	smul.u32 @!p0 $0xF7A, s2;
	p2 =	seq.s32 @!p0 s5, $0x0  }
0x1f: {  	s9 =	smul.u32 $0xF7A, s1;
	s8 =	simm.s32 @!p0 $0x1BF5;
	p2 =	por !p2, p0  }
0x20: {  	[sflag:s8] =	ssyncset.s32 @!p0 $0xFFFFF086;
	s6 =	sadd.s32 @!p0 s3, s7;
	s7 =	simm.s32 @!p0 $0x108  }
0x21: {  	s3 =	sadd.s32 s3, s9;
	s6 =	sadd.s32 @!p0 $0x88, s6;
	s7 =	simm.s32 @p2 $0x1082  }
0x22: {  	[simem:s7], [sflag:s8] =	dma.local @!p0 [hbm:s6], $0xF7A  }
0x23: {  	s9 =	sor.u32 $0xD0000000, s2;
	s6 =	simm.s32 $0x108;
	_ =	swait.ge @!p0 [sflag:s8], $0x0  }
0x24: {  	s3 =	sadd.s32 $0x88, s3;
	s6 =	simm.s32 @!p1 $0x1082;
	[sflag:s4] =	ssyncset.s32 $0xFFFFF086  }
0x25: {  	[simem:s6], [sflag:s4] =	dma.local [hbm:s3], $0xF7A  }
0x26: {  	[smem:$0x3F94] =	sst s1;
	(tag) =	ssettag s2;
	_ =	strace s9  }
0x27: {  	s1 =	sld [smem:$0x3FA4]  }
0x28: {  	s2 =	sld [smem:$0x3FA5]  }
0x29: {  	s4 =	sld [smem:$0x3FA7]  }
0x2a: {  	p0 =	seq.s32 s5, $0x0;
	s5 =	sld [smem:$0x3FA8]  }
0x2b: {  	s6 =	sld [smem:$0x3FA9]  }
0x2c: {  	s7 =	sld [smem:$0x3FAA]  }
0x2d: {  	s3 =	simm.s32 $0x108;
	s8 =	sld [smem:$0x3FAB]  }
0x2e: {  	s3 =	simm.s32 @!p0 $0x1082;
	s9 =	sld [smem:$0x3FAC]  }
0x2f: {  	lr =	sadd.s32 s0, s3;
	s0 =	sld [smem:$0x3FA3]  }
0x30: {  	s3 =	sld [smem:$0x3FA6]  }
0x31: {  	[smem:$0x3FAF] =	sst s10  }
0x32: {  	s10 =	sld [smem:$0x3FAD];
	_ =	sdelay $0x3  }
0x33: {  	p0 =	seq.s32 s10, $0x1;
	s10 =	sld [smem:$0x3FAF];
	_ =	sdelay $0x3  }
0x34: {  	[smem:$0x3FAF] =	sst s10  }
0x35: {  	s10 =	sld [smem:$0x3FAE];
	_ =	sdelay $0x3  }
0x36: {  	p1 =	seq.s32 s10, $0x1;
	s10 =	sld [smem:$0x3FAF];
	_ =	sdelay $0x3  }
0x37: {  	[smem:$0x3FAF] =	sst s10  }
0x38: {  	s10 =	sld [smem:$0x3FB0]  }
0x39: {  	_ = 	snop;
	(pc) =	sbr.ind lr, $3  }
0x3a: {  	_ = 	snop  }
0x3b: {  	_ = 	snop  }
0x3c: {  	p2 =	seq.s32 s10, $0x1;
	s10 =	sld [smem:$0x3FAF]  }
0x3d: {  	_ =	shalt  }
0x3e: {  	_ =	shalt  }
0x3f: {  	_ =	shalt  }
0x40: {  	_ =	shalt  }
0x41: {  	_ =	shalt  }
0x42: {  	_ =	shalt  }
0x43: {  	_ =	shalt  }
0x44: {  	_ =	shalt  }
0x45: {  	_ =	shalt  }
0x46: {  	_ =	shalt  }
0x47: {  	_ =	shalt  }
0x48: {  	_ =	shalt  }
0x49: {  	_ =	shalt  }
0x4a: {  	_ =	shalt  }
0x4b: {  	_ =	shalt  }
0x4c: {  	_ =	shalt  }
0x4d: {  	_ =	shalt  }
0x4e: {  	_ =	shalt  }
0x4f: {  	_ =	shalt  }
0x50: {  	_ =	shalt  }
0x51: {  	_ =	shalt  }
0x52: {  	_ =	shalt  }
0x53: {  	_ =	shalt  }
0x54: {  	_ =	shalt  }
0x55: {  	_ =	shalt  }
0x56: {  	_ =	shalt  }
0x57: {  	_ =	shalt  }
0x58: {  	_ =	shalt  }
0x59: {  	_ =	shalt  }
0x5a: {  	_ =	shalt  }
0x5b: {  	_ =	shalt  }
0x5c: {  	_ =	shalt  }
0x5d: {  	_ =	shalt  }
0x5e: {  	_ =	shalt  }
0x5f: {  	_ =	shalt  }
0x60: {  	_ =	shalt  }
0x61: {  	_ =	shalt  }
0x62: {  	_ =	shalt  }
0x63: {  	_ =	shalt  }
0x64: {  	_ =	shalt  }
0x65: {  	_ =	shalt  }
0x66: {  	_ =	shalt  }
0x67: {  	_ =	shalt  }
0x68: {  	_ =	shalt  }
0x69: {  	_ =	shalt  }
0x6a: {  	_ =	shalt  }
0x6b: {  	_ =	shalt  }
0x6c: {  	_ =	shalt  }
0x6d: {  	_ =	shalt  }
0x6e: {  	_ =	shalt  }
0x6f: {  	_ =	shalt  }
0x70: {  	_ =	shalt  }
0x71: {  	_ =	shalt  }
0x72: {  	_ =	shalt  }
0x73: {  	_ =	shalt  }
0x74: {  	_ =	shalt  }
0x75: {  	_ =	shalt  }
0x76: {  	_ =	shalt  }
0x77: {  	_ =	shalt  }
0x78: {  	_ =	shalt  }
0x79: {  	_ =	shalt  }
0x7a: {  	_ =	shalt  }
0x7b: {  	_ =	shalt  }
0x7c: {  	_ =	shalt  }
0x7d: {  	_ =	shalt  }
0x7e: {  	_ =	shalt  }
0x7f: {  	_ =	shalt  }
0x80: {  	_ =	shalt  }
0x81: {  	_ =	shalt  }
0x82: {  	_ =	shalt  }
0x83: {  	_ =	shalt  }
0x84: {  	_ =	shalt  }
0x85: {  	_ =	shalt  }
0x86: {  	_ =	shalt  }
0x87: {  	_ =	shalt  }
.Lfunc_end0:
.L_simem_size_0:
called_computation.1_lowered:
.L_overlay_start_0:
0x88: {  	s2 =	sld [smem:$0x3FD9]  }
0x89: {  	s3 =	sld [smem:$0x3FFE];
	_ =	sdelay $0x1  }
0x8a: {  	s1 =	srdreg.scid  }
0x8b: {  	s0 =	sand.u32 $0x1, s1  }
0x8c: {  	s16 =	sshll.u32 s0, $0xA;
	s2 =	sadd.s32 s3, s2  }
0x8d: {  	s2 =	sadd.s32 s2, s16  }
0x8e: {  	[smem:$0x3FBB] =	sst s2  }
0x8f: {  	_ = 	snop  }
0x90: {  	(tm) =	ssettm $0x1  }
0x91: {  	s17 =	sld [smem:$0x3FFB];
	_ =	sdelay $0x3  }
0x92: {  	_ =	strace s17  }
0x93: {  	s2 =	sld [smem:$0x3FFC];
	_ =	sdelay $0x3  }
0x94: {  	_ =	strace s2  }
0x95: {  	s2 =	sld [smem:$0x3FFD];
	_ =	sdelay $0x3  }
0x96: {  	_ =	strace s2  }
0x97: {  	_ =	strace $0x8FFFFFFF  }
0x98: {  	s18 =	sld [smem:$0x3FDB];
	_ =	sdelay $0x1  }
0x99: {  	s19 =	simm.s32 $_scs_section_size  }
0x9a: {  	s4 =	simm.s32 $_size__tile_overlayer_lowered;
	s5 =	simm.s32 $_tile_overlayer_lowered  }
0x9b: {  	s22 =	simm.s32 $0x1BFF;
	s21 =	sshll.u32 s5, $0x1;
	s2 =	sadd.s32 s19, s18  }
0x9c: {  	s6 =	simm.s32 $0x0;
	s20 =	sshll.u32 s4, $0x1;
	s4 =	sadd.s32 s21, s2  }
0x9d: {  	[timem:s6], [sflag:s22] =	dma.local [hbm:s4], s20  }
0x9e: {  	_ =	swait.ge [sflag:s22], s20  }
0x9f: {  	s3 =	ssub.s32 $0x0, s20;
	[sflag:s22] =	ssyncset.done $0x0  }
0xa0: {  	[sflag:s22] =	ssyncadd.s32 s3;
	_ =	sdelay $0x1  }
0xa1: {  	s23 =	simm.s32 $0x1B8B  }
0xa2: {  	_ =	swait.ge [sflag:s23], $0x1  }
0xa3: {  	[sflag:s23] =	ssyncset.done $0x0  }
0xa4: {  	s25 =	simm.s32 $0x1B8E;
	s24 =	sld [smem:$0x3FFE];
	[sflag:s23] =	ssyncadd.s32 $0xFFFFFFFF  }
0xa5: {  	s26 =	simm.s32 $execute0_lowered;
	[smem:$0x3FD2] =	sst s25  }
0xa6: {  	s4 =	sshll.u32 s26, $0x1;
	_ =	strace $0x80000049;
	[dreg:$0x1] =	wrdreg $0xFFFFFFFF  }
0xa7: {  	s28 =	simm.s32 $_size_execute0_lowered;
	s2 =	sadd.s32 s2, s4;
	[dreg:$0x0] =	wrdreg $0x0  }
0xa8: {  	s4 =	sshll.u32 s28, $0x1;
	[dreg:$0x2] =	wrdreg s2  }
0xa9: {  	[dreg:$0x3] =	wrdreg s4  }
0xaa: {  	[dreg:$0x4] =	wrdreg $0xC0  }
0xab: {  	_ =	task [dreg:s6], $0x5FFFF  }
0xac: {  	[dreg:$0x1] =	wrdreg $0xFFFFFFFF  }
0xad: {  	[dreg:$0x0] =	wrdreg $0x60  }
0xae: {  	[dreg:$0x2] =	wrdreg s24  }
0xaf: {  	[dreg:$0x3] =	wrdreg $0x91000  }
0xb0: {  	[dreg:$0x4] =	wrdreg $0x9  }
0xb1: {  	_ =	task.clear_ibuf [dreg:s6], $0x5FFFF;
	_ =	strace $0x90000049  }
0xb2: {  	s29 =	simm.s32 $0x9;
	_ =	strace $0x8000004B  }
0xb3: {  	_ =	swait.ge [sflag:s29], $0x1  }
0xb4: {  	[sflag:s29] =	ssyncadd.s32 $0xFFFFFFFF  }
0xb5: {  	_ =	strace $0x9000004B  }
0xb6: {  	_ =	sfence  }
0xb7: {  	s30 =	sld [smem:$0x0];
	_ =	sdelay $0x2  }
0xb8: {  	s31 =	sshll.u32 s1, $0xD;
	s1 =	sshrl.u32 s1, $0x2  }
0xb9: {  	s3 =	sand.u32 $0x4000, s31;
	s1 =	sadd.s32 s1, s30  }
0xba: {  	s0 =	sor.u32 s3, s0;
	s1 =	sshll.u32 s1, $0x11  }
0xbb: {  	s0 =	sor.u32 s1, s0  }
0xbc: {  	s0 =	sadd.s32 $0x8F2B, s0  }
0xbd: {  	[sflag:s0] =	ssyncadd.remote.s32 $0x1  }
0xbe: {  	_ =	sfence.sel $0xFFFF  }
0xbf: {  	[dreg:$0x0] =	wrdreg $0xFFFFFFFF;
	(pc) =	sbr.abs _section_cstart, $3  }
0xc0: {  	[dreg:$0x1] =	wrdreg $0xFFFFFFFF  }
0xc1: {  	_ =	task.clear_ibuf [dreg:s6], $0x2FFFF;
	_ =	strace $0x9FFFFFFF  }
0xc2: {  	(tm) =	ssettm $0x7FFFFFFF  }
0xc3: {  	_ =	shalt  }
tec
execute0_lowered:
.L_overlay_start_1:
0x0: {  	(tag) =	ssettag $0x1  }
0x1: {  	s0 =	rddreg [dreg:$0x0]  }
0x2: {  	s2 =	rddreg [dreg:$0x1];
	s1 =	srdreg.scid  }
0x3: {  	s6 =	stileid.u32;
	s3 =	simm.s32 $0x0;
	s19 =	simm.s32 $0x4100  }
0x4: {  	s20 =	simm.s32 $0x3;
	s21 =	simm.s32 $0x50;
	s22 =	simm.s32 $0x80  }
0x5: {  	s23 =	simm.s32 $0x4;
	s29 =	simm.s32 $0x0;
	s1 =	sand.u32 $0x1, s1  }
0x6: {  	s4 =	sshll.u32 s6, $0xF;
	[smem:$0x7FF] =	sst s3;
	s9 =	smul.u32 $0x14000, s6  }
0x7: {  	s11 =	smul.u32 $0x50000, s6;
	s6 =	sadd.s32 $0x12E00, s0;
	s5 =	sshll.u32 s1, $0xE  }
0x8: {  	s7 =	smul.u32 $0x140000, s1;
	_ =	strace $0x8000004A;
	s1 =	ssub.s32 $0x2, s1  }
0x9: {  	s4 =	sor.u32 s5, s4;
	s5 =	sadd.s32 $0x62E00, s0;
	s24 =	sshrl.u32 s1, $0x1  }
0xa: {  	s11 =	sshrl.u32 s11, $0x2;
	s8 =	sshrl.u32 s4, $0x3;
	s7 =	sadd.s32 s9, s7  }
0xb: {  	s1 =	ssub.s32 s1, s24;
	s24 =	simm.s32 $0x6900;
	s7 =	sshrl.u32 s7, $0x3  }
0xc: {  	s10 =	sadd.s32 s8, s0;
	s0 =	sadd.s32 s7, s0;
	s7 =	sadd.s32 s11, s2  }
0xd: {  	s16 =	sadd.s32 s5, s8;
	s18 =	smax.u32 s1, $0x1;
	s25 =	sadd.s32 $0x2800, s7  }
0xe: {  	s15 =	sadd.s32 $0x2E00, s10;
	s26 =	sadd.s32 $0x5000, s7;
	[dreg:$0x3] =	wrdreg s25  }
0xf: {  	s28 =	sadd.s32 $0x7800, s7;
	s30 =	sadd.s32 $0xA000, s7;
	[dreg:$0x4] =	wrdreg s26  }
0x10: {  	s31 =	sadd.s32 $0xC800, s7;
	s13 =	sadd.s32 $0xF000, s7;
	[dreg:$0x5] =	wrdreg s28  }
0x11: {  	s14 =	sadd.s32 $0x11800, s7;
	s17 =	sadd.s32 $0x72E00, s0;
	[dreg:$0x6] =	wrdreg s30  }
0x12: {  	v0 =	vimm.f32 $0.0e+00;
	[dreg:$0x7] =	wrdreg s31;
	s25 =	simm.s32 $0x1;
	s26 =	simm.s32 $0x2  }
.LBB2_1:
0x13: {  	s0 =	sand.u32 $0xFE00, s3  }
0x14: {  	s1 =	sand.u32 $0x70, s3;
	s8 =	sshrl.u32 s0, $0x2  }
0x15: {  	s0 =	simm.s32 $0x40;
	s8 =	sor.u32 s1, s8;
	s1 =	simm.s32 $0x0  }
.LBB2_2:
0x16: {  	p0 =	sne.s32 s0, $0x9FC0  }
0x17: {  	[tilespmem:s8+$0x4100] =	vst v0;
	s1 =	sadd.s32 $0x10, s1;
	s8 =	smov.u32 s0;
	s0 =	sadd.s32 $0x40, s0  }
.Ltmp0:
0x18: {  	(pc) =	sbr.rel @p0 .LBB2_2-.Ltmp0, $4  }
0x19: {  	_ = 	snop  }
0x1a: {  	s8 =	sand.u32 $0xFE00, s8  }
0x1b: {  	s9 =	sand.u32 $0x70, s1;
	s8 =	sshrl.u32 s8, $0x2  }
0x1c: {  	s8 =	sor.u32 s9, s8  }
0x1d: {  	[tilespmem:s8+$0x4100] =	vst v0  }
0x1e: {  	[spmem:s7] =	stream.linear.scatter [tilespmem:s19], [sflag:$0x3], $0x2800, $0x38;
	[tilespmem:$0x1D100] =	vst v63  }
0x1f: {  	_ =	swait.ge [sflag:s20], $0x2800  }
0x20: {  	[sflag:s20] =	ssyncset.done $0x0  }
0x21: {  	s0 =	rddreg [dreg:$0x3];
	[sflag:s20] =	ssyncadd.s32 $0xFFFFD800  }
0x22: {  	[spmem:s0] =	stream.linear.scatter [tilespmem:s19], [sflag:$0x3], $0x2800, $0x38;
	[tilespmem:$0x1D100] =	vst v63  }
0x23: {  	_ =	swait.ge [sflag:s20], $0x2800  }
0x24: {  	[sflag:s20] =	ssyncset.done $0x0  }
0x25: {  	s8 =	rddreg [dreg:$0x4];
	[sflag:s20] =	ssyncadd.s32 $0xFFFFD800  }
0x26: {  	[spmem:s8] =	stream.linear.scatter [tilespmem:s19], [sflag:$0x3], $0x2800, $0x38;
	[tilespmem:$0x1D100] =	vst v63  }
0x27: {  	_ =	swait.ge [sflag:s20], $0x2800  }
0x28: {  	[sflag:s20] =	ssyncset.done $0x0  }
0x29: {  	s9 =	rddreg [dreg:$0x5];
	[sflag:s20] =	ssyncadd.s32 $0xFFFFD800  }
0x2a: {  	[spmem:s9] =	stream.linear.scatter [tilespmem:s19], [sflag:$0x3], $0x2800, $0x38;
	[tilespmem:$0x1D100] =	vst v63  }
0x2b: {  	_ =	swait.ge [sflag:s20], $0x2800  }
0x2c: {  	[sflag:s20] =	ssyncset.done $0x0  }
0x2d: {  	s10 =	rddreg [dreg:$0x6];
	[sflag:s20] =	ssyncadd.s32 $0xFFFFD800  }
0x2e: {  	[spmem:s10] =	stream.linear.scatter [tilespmem:s19], [sflag:$0x3], $0x2800, $0x38;
	[tilespmem:$0x1D100] =	vst v63  }
0x2f: {  	_ =	swait.ge [sflag:s20], $0x2800  }
0x30: {  	[sflag:s20] =	ssyncset.done $0x0  }
0x31: {  	s11 =	rddreg [dreg:$0x7];
	[sflag:s20] =	ssyncadd.s32 $0xFFFFD800  }
0x32: {  	[spmem:s11] =	stream.linear.scatter [tilespmem:s19], [sflag:$0x3], $0x2800, $0x38;
	[tilespmem:$0x1D100] =	vst v63  }
0x33: {  	_ =	swait.ge [sflag:s20], $0x2800  }
0x34: {  	[sflag:s20] =	ssyncset.done $0x0  }
0x35: {  	[sflag:s20] =	ssyncadd.s32 $0xFFFFD800  }
0x36: {  	[spmem:s13] =	stream.linear.scatter [tilespmem:s19], [sflag:$0x3], $0x2800, $0x38;
	[tilespmem:$0x1D100] =	vst v63  }
0x37: {  	_ =	swait.ge [sflag:s20], $0x2800  }
0x38: {  	[sflag:s20] =	ssyncset.done $0x0  }
0x39: {  	[sflag:s20] =	ssyncadd.s32 $0xFFFFD800  }
0x3a: {  	[spmem:s14] =	stream.linear.scatter [tilespmem:s19], [sflag:$0x3], $0x2800, $0x38;
	[tilespmem:$0x1D100] =	vst v63  }
0x3b: {  	_ =	swait.ge [sflag:s20], $0x2800  }
0x3c: {  	[sflag:s20] =	ssyncset.done $0x0  }
0x3d: {  	[sflag:s20] =	ssyncadd.s32 $0xFFFFD800  }
0x3e: {  	s12 =	simm.s32 $0x100;
	[bflag:$0x0] =	sbarrier.arrive $0xFFFF  }
0x3f: {  	[tilespmem:s12], [sflag:$0x3] =	stream.linear.gather [hbm4b:s15+s3], $0x3E80, $0x38;
	[tilespmem:$0x1D100] =	vst v63  }
0x40: {  	_ =	swait.ge [sflag:s20], $0x3E80  }
0x41: {  	s1 =	simm.s32 $0x80;
	s9 =	simm.s32 $0x0;
	[sflag:s20] =	ssyncset.done $0x0  }
0x42: {  	s1 =	sand.u32 $0x380, s1;
	s8 =	sand.u32 $0x3C00, s9;
	[sflag:s20] =	ssyncadd.s32 $0xFFFFC180  }
0x43: {  	[tilespmem:s3], [sflag:$0x3] =	stream.linear.gather [hbm4b:s16+s3], $0x80, $0x38;
	[tilespmem:$0x1D100] =	vst v63  }
0x44: {  	s1 =	sor.u32 s1, s8;
	_ =	swait.ge [sflag:s20], $0x80  }
0x45: {  	s1 =	sor.u32 s4, s1;
	[sflag:s20] =	ssyncset.done $0x0  }
0x46: {  	s1 =	sshrl.u32 s1, $0x3;
	[sflag:s20] =	ssyncadd.s32 $0xFFFFFF80  }
0x47: {  	[tilespmem:s19], [sflag:$0x1] =	stream.indirect.gather [hbm4b:s6+s21], $0x80, s3, s21, $0xb8;
	[tilespmem:$0x1D100] =	vst v63  }
0x48: {  	s1 =	sadd.s32 s5, s1  }
0x49: {  	[tilespmem:s22], [sflag:$0x4] =	stream.linear.gather [hbm4b:s1+s3], $0x80, $0x38;
	[tilespmem:$0x1D100] =	vst v63  }
0x4a: {  	_ =	swait.ge [sflag:s23], $0x80  }
0x4b: {  	[sflag:s23] =	ssyncset.done $0x0  }
0x4c: {  	[sflag:s23] =	ssyncadd.s32 $0xFFFFFF80  }
0x4d: {  	[tilespmem:s24], [sflag:$0x2] =	stream.indirect.gather [hbm4b:s6+s21], $0x80, s22, s21, $0xb8;
	[tilespmem:$0x1D100] =	vst v63  }
0x4e: {  	_ =	swait.ge [sflag:s25], $0x2800  }
0x4f: {  	s10 =	sand.u32 $0x7C00, s12;
	[sflag:s25] =	ssyncset.done $0x0  }
0x50: {  	s0 =	sand.u32 $0x300, s12;
	s1 =	sadd.s32 s4, s10;
	[sflag:s25] =	ssyncadd.s32 $0xFFFFD800  }
0x51: {  	[spmem:s2] =	stream.indirect.scatter.add.f32 [tilespmem:s19], [sflag:$0x4], $0x80, s12, s21, $0xb8;
	[tilespmem:$0x1D100] =	vst v63  }
0x52: {  	s0 =	sor.u32 s0, s1;
	_ =	swait.ge [sflag:s23], $0x2800  }
0x53: {  	s31 =	simm.s32 $0x200;
	s0 =	sshrl.u32 s0, $0x3;
	[sflag:s23] =	ssyncset.done $0x0  }
0x54: {  	s30 =	simm.s32 $0x280;
	s0 =	sadd.s32 s5, s0;
	[sflag:s23] =	ssyncadd.s32 $0xFFFFD800  }
0x55: {  	[tilespmem:s3], [sflag:$0x4] =	stream.linear.gather [hbm4b:s0+s3], $0x80, $0x38;
	[tilespmem:$0x1D100] =	vst v63  }
0x56: {  	s28 =	simm.s32 $0x300;
	s8 =	simm.s32 $0x300;
	_ =	swait.ge [sflag:s23], $0x80  }
0x57: {  	s11 =	simm.s32 $0x180;
	s12 =	simm.s32 $0x100;
	[sflag:s23] =	ssyncset.done $0x0  }
0x58: {  	s9 =	sand.u32 $0x3C00, s12;
	s0 =	sand.u32 $0x380, s11;
	[sflag:s23] =	ssyncadd.s32 $0xFFFFFF80  }
0x59: {  	[tilespmem:s19], [sflag:$0x1] =	stream.indirect.gather [hbm4b:s6+s21], $0x80, s3, s21, $0xb8;
	[tilespmem:$0x1D100] =	vst v63  }
0x5a: {  	s1 =	simm.s32 $0x180;
	s0 =	sor.u32 s0, s9;
	_ =	swait.ge [sflag:s26], $0x2800  }
0x5b: {  	s10 =	sor.u32 s4, s0;
	s0 =	simm.s32 $0x200;
	[sflag:s26] =	ssyncset.done $0x0  }
.LBB2_4:
0x5c: {  	s10 =	sshrl.u32 s10, $0x3  }
0x5d: {  	[sflag:s26] =	ssyncadd.s32 $0xFFFFD800;
	s11 =	smov.u32 s8;
	s9 =	sadd.s32 $0x100, s8  }
0x5e: {  	[spmem:s2] =	stream.indirect.scatter.add.f32 [tilespmem:s24], [sflag:$0x3], $0x80, s1, s21, $0xb8;
	[tilespmem:$0x1D100] =	vst v63  }
0x5f: {  	s12 =	sadd.s32 $0x80, s28;
	p0 =	sne.s32 s8, $0x3E00;
	_ =	swait.ge [sflag:s20], $0x2800  }
0x60: {  	s1 =	smov.u32 s30;
	s30 =	smov.u32 s12;
	[sflag:s20] =	ssyncset.done $0x0  }
0x61: {  	s8 =	sadd.s32 s5, s10;
	[sflag:s20] =	ssyncadd.s32 $0xFFFFD800  }
0x62: {  	[tilespmem:s22], [sflag:$0x4] =	stream.linear.gather [hbm4b:s8+s3], $0x80, $0x38;
	[tilespmem:$0x1D100] =	vst v63  }
0x63: {  	_ =	swait.ge [sflag:s23], $0x80  }
0x64: {  	[sflag:s23] =	ssyncset.done $0x0  }
0x65: {  	[sflag:s23] =	ssyncadd.s32 $0xFFFFFF80  }
0x66: {  	[tilespmem:s24], [sflag:$0x2] =	stream.indirect.gather [hbm4b:s6+s21], $0x80, s22, s21, $0xb8;
	[tilespmem:$0x1D100] =	vst v63  }
0x67: {  	_ =	swait.ge [sflag:s25], $0x2800  }
0x68: {  	[sflag:s25] =	ssyncset.done $0x0  }
0x69: {  	s8 =	sand.u32 $0x7C00, s31;
	[sflag:s25] =	ssyncadd.s32 $0xFFFFD800  }
0x6a: {  	[spmem:s2] =	stream.indirect.scatter.add.f32 [tilespmem:s19], [sflag:$0x4], $0x80, s0, s21, $0xb8;
	[tilespmem:$0x1D100] =	vst v63  }
0x6b: {  	s0 =	sadd.s32 s4, s8;
	s8 =	sand.u32 $0x300, s31;
	_ =	swait.ge [sflag:s23], $0x2800  }
0x6c: {  	s31 =	smov.u32 s11;
	s0 =	sor.u32 s8, s0;
	[sflag:s23] =	ssyncset.done $0x0  }
0x6d: {  	s8 =	sshrl.u32 s0, $0x3;
	s0 =	smov.u32 s28;
	[sflag:s23] =	ssyncadd.s32 $0xFFFFD800  }
0x6e: {  	s8 =	sadd.s32 s5, s8  }
0x6f: {  	[tilespmem:s3], [sflag:$0x4] =	stream.linear.gather [hbm4b:s8+s3], $0x80, $0x38;
	[tilespmem:$0x1D100] =	vst v63  }
0x70: {  	s10 =	sadd.s32 $0xFFFFFF00, s31;
	_ =	swait.ge [sflag:s23], $0x80  }
.Ltmp1:
0x71: {  	s8 =	sadd.s32 $0xFFFFFF80, s31;
	[sflag:s23] =	ssyncset.done $0x0;
	(pc) =	sbr.rel @p0 .LBB2_4-.Ltmp1, $4  }
0x72: {  	s10 =	sand.u32 $0x3C00, s10;
	s8 =	sand.u32 $0x380, s8;
	[sflag:s23] =	ssyncadd.s32 $0xFFFFFF80  }
0x73: {  	[tilespmem:s19], [sflag:$0x1] =	stream.indirect.gather [hbm4b:s6+s21], $0x80, s3, s21, $0xb8;
	[tilespmem:$0x1D100] =	vst v63  }
0x74: {  	s28 =	sadd.s32 $0x100, s28;
	s8 =	sor.u32 s8, s10;
	_ =	swait.ge [sflag:s26], $0x2800  }
0x75: {  	s10 =	sor.u32 s4, s8;
	s8 =	smov.u32 s9;
	[sflag:s26] =	ssyncset.done $0x0  }
0x76: {  	[sflag:s26] =	ssyncadd.s32 $0xFFFFD800  }
0x77: {  	[spmem:s2] =	stream.indirect.scatter.add.f32 [tilespmem:s24], [sflag:$0x3], $0x80, s1, s21, $0xb8;
	[tilespmem:$0x1D100] =	vst v63  }
0x78: {  	_ =	swait.ge [sflag:s20], $0x2800  }
0x79: {  	s9 =	sshrl.u32 s10, $0x3;
	[sflag:s20] =	ssyncset.done $0x0  }
0x7a: {  	s1 =	sadd.s32 s5, s9;
	[sflag:s20] =	ssyncadd.s32 $0xFFFFD800  }
0x7b: {  	[tilespmem:s22], [sflag:$0x4] =	stream.linear.gather [hbm4b:s1+s3], $0x80, $0x38;
	[tilespmem:$0x1D100] =	vst v63  }
0x7c: {  	_ =	swait.ge [sflag:s23], $0x80  }
0x7d: {  	[sflag:s23] =	ssyncset.done $0x0  }
0x7e: {  	[sflag:s23] =	ssyncadd.s32 $0xFFFFFF80  }
0x7f: {  	[tilespmem:s24], [sflag:$0x2] =	stream.indirect.gather [hbm4b:s6+s21], $0x80, s22, s21, $0xb8;
	[tilespmem:$0x1D100] =	vst v63  }
0x80: {  	_ =	swait.ge [sflag:s25], $0x2800  }
0x81: {  	s10 =	sand.u32 $0x7C00, s31;
	[sflag:s25] =	ssyncset.done $0x0  }
0x82: {  	s12 =	sand.u32 $0x300, s31;
	s11 =	sadd.s32 s4, s10;
	[sflag:s25] =	ssyncadd.s32 $0xFFFFD800  }
0x83: {  	[spmem:s2] =	stream.indirect.scatter.add.f32 [tilespmem:s19], [sflag:$0x4], $0x80, s0, s21, $0xb8;
	[tilespmem:$0x1D100] =	vst v63  }
0x84: {  	s0 =	sor.u32 s12, s11;
	_ =	swait.ge [sflag:s23], $0x2800  }
0x85: {  	s0 =	sshrl.u32 s0, $0x3;
	[sflag:s23] =	ssyncset.done $0x0  }
0x86: {  	s0 =	sadd.s32 s5, s0;
	[sflag:s23] =	ssyncadd.s32 $0xFFFFD800  }
0x87: {  	[tilespmem:s3], [sflag:$0x4] =	stream.linear.gather [hbm4b:s0+s3], $0x80, $0x38;
	[tilespmem:$0x1D100] =	vst v63  }
0x88: {  	_ =	swait.ge [sflag:s23], $0x80  }
0x89: {  	[sflag:s23] =	ssyncset.done $0x0  }
0x8a: {  	[sflag:s23] =	ssyncadd.s32 $0xFFFFFF80  }
0x8b: {  	[tilespmem:s19], [sflag:$0x1] =	stream.indirect.gather [hbm4b:s6+s21], $0x80, s3, s21, $0xb8;
	[tilespmem:$0x1D100] =	vst v63  }
0x8c: {  	_ =	swait.ge [sflag:s26], $0x2800  }
0x8d: {  	[sflag:s26] =	ssyncset.done $0x0  }
0x8e: {  	[sflag:s26] =	ssyncadd.s32 $0xFFFFD800  }
0x8f: {  	[spmem:s2] =	stream.indirect.scatter.add.f32 [tilespmem:s24], [sflag:$0x3], $0x80, s30, s21, $0xb8;
	[tilespmem:$0x1D100] =	vst v63  }
0x90: {  	_ =	swait.ge [sflag:s20], $0x2800  }
0x91: {  	[sflag:s20] =	ssyncset.done $0x0  }
0x92: {  	[sflag:s20] =	ssyncadd.s32 $0xFFFFD800  }
0x93: {  	_ =	swait.ge [sflag:s25], $0x2800  }
0x94: {  	[sflag:s25] =	ssyncset.done $0x0  }
0x95: {  	s28 =	simm.s32 $0x3F00;
	[sflag:s25] =	ssyncadd.s32 $0xFFFFD800  }
0x96: {  	[spmem:s2] =	stream.indirect.scatter.add.f32 [tilespmem:s19], [sflag:$0x4], $0x80, s28, s21, $0xb8;
	[tilespmem:$0x1D100] =	vst v63  }
0x97: {  	s31 =	sshrl.u32 s7, $0x3;
	_ =	swait.ge [sflag:s23], $0x2800  }
0x98: {  	s29 =	sadd.s32 $0x1, s29;
	s30 =	stileid.u32;
	[sflag:s23] =	ssyncset.done $0x0  }
0x99: {  	p0 =	sne.s32 s29, s18;
	s0 =	sshll.u32 s30, $0x6;
	[sflag:s23] =	ssyncadd.s32 $0xFFFFD800  }
.Ltmp2:
0x9a: {  	s0 =	sor.u32 $0x1C03, s0;
	[bflag:$0x0] =	sbarrier.arrive $0xFFFF;
	(pc) =	sbr.rel @p0 .LBB2_1-.Ltmp2, $4  }
0x9b: {  	[hbm:s17], [sflag:s0] =	dma.local [spmem:s31], $0x2800  }
0x9c: {  	_ =	swait.ge [sflag:s20], $0x2800  }
0x9d: {  	[sflag:s20] =	ssyncset.done $0x0  }
0x9e: {  	[sflag:s20] =	ssyncadd.s32 $0xFFFFD800  }
0x9f: {  	_ =	sfence.sel $0x180000  }
0xa0: {  	[bflag:$0x0] =	sbarrier.arrive $0xFFFF  }
0xa1: {  	_ =	strace $0x9000004A  }
0xa2: {  	s0 =	stileid.u32;
	[bflag:$0x2] =	sbarrier.arrive $0xFFFF  }
0xa3: {  	p0 =	sne.s32 s0, $0x0;
	s0 =	rddreg [dreg:$0x2]  }
0xa4: {  	s0 =	sadd.s32 @!p0 $0x100000, s0  }
0xa5: {  	[sflag:s0] =	ssyncadd.tile.s32 @!p0 $0x1;
	_ =	shalt  }
.Lfunc_end2:
_tile_overlayer_lowered:
.L_overlay_start_2:
0xa6: {  	(tag) =	ssettag $0x2  }
0xa7: {  	s0 =	rddreg [dreg:$0x0];
	s2 =	stileid.u32  }
0xa8: {  	s1 =	rddreg [dreg:$0x1];
	p0 =	sne.s32 s2, $0x0  }
0xa9: {  	s3 =	rddreg [dreg:$0x2];
	[bflag:$0x3] =	sbarrier.arrive $0xFFFF;
	s2 =	simm.s32 @!p0 $0x1C03  }
0xaa: {  	[timem:s3], [sflag:s2] =	dma.local @!p0 [hbm:s0], s1  }
0xab: {  	s0 =	simm.s32 @!p0 $0x3  }
0xac: {  	_ =	swait.ge @!p0 [sflag:s0], s1  }
0xad: {  	s1 =	ssub.s32 @!p0 $0x0, s1;
	[sflag:s0] =	ssyncset.done @!p0 $0x0  }
0xae: {  	[sflag:s0] =	ssyncadd.s32 @!p0 s1  }
0xaf: {  	[bflag:$0x3] =	sbarrier.arrive $0xFFFF  }
0xb0: {  	_ =	shalt  }

// kernel: kernel.16.cloned.1.call-start
scs
__scs_entry_jumppad:
0x0: {  	(pc) =	sbr.rel $0x88, $3  }
0x1: {  	(tag) =	ssettag $0x0;
	lr =	simm.s32 $0x1  }
0x2: {  	[smem:$0x3F94] =	sst lr;
	_ =	strace $0xD0000000  }
0x3: {  	_ = 	snop  }
0x4: {  	_ = 	snop  }
0x5: {  	_ = 	snop  }
0x6: {  	_ = 	snop  }
0x7: {  	_ = 	snop  }
__scs_overlays_trampoline_lowered:
0x8: {  	[smem:$0x3FA3] =	sst s0  }
0x9: {  	[smem:$0x3FA4] =	sst s1  }
0xa: {  	[smem:$0x3FA5] =	sst s2  }
0xb: {  	[smem:$0x3FA6] =	sst s3  }
0xc: {  	[smem:$0x3FA7] =	sst s4  }
0xd: {  	[smem:$0x3FA8] =	sst s5  }
0xe: {  	[smem:$0x3FA9] =	sst s6  }
0xf: {  	[smem:$0x3FAA] =	sst s7  }
0x10: {  	[smem:$0x3FAB] =	sst s8  }
0x11: {  	[smem:$0x3FAC] =	sst s9;
	s0 =	simm.s32 @!p0 $0x0  }
0x12: {  	s1 =	sld [smem:$0x3F92];
	s0 =	simm.s32 @p0 $0x1  }
0x13: {  	[smem:$0x3FAD] =	sst s0;
	s0 =	simm.s32 @!p1 $0x0  }
0x14: {  	s2 =	sld [smem:$0x3F91];
	s0 =	simm.s32 @p1 $0x1  }
0x15: {  	[smem:$0x3FAE] =	sst s0;
	s0 =	simm.s32 @!p2 $0x0  }
0x16: {  	s3 =	sld [smem:$0x3FDB];
	s0 =	simm.s32 @p2 $0x1  }
0x17: {  	s4 =	simm.s32 $0x1BF5;
	[smem:$0x3FB0] =	sst s0  }
0x18: {  	s0 =	sld [smem:$0x3F93];
	_ =	swait.ge [sflag:s4], $0x0  }
0x19: {  	s7 =	sld [smem:$0x3F94]  }
0x1a: {  	s8 =	sadd.s32 $0xFFFFE003, lr  }
0x1b: {  	s9 =	sadd.s32 $0xFFFFFEF7, lr;
	s5 =	simm.s32 $0xFFFFFFFF;
	p2 =	slt.u32 s8, $0xFFFFF086  }
0x1c: {  	p1 =	slt.u32 s9, $0xF7A;
	s5 =	simm.s32 @!p2 $0x0  }
0x1d: {  	s5 =	simm.s32 @p1 $0x1;
	p0 =	seq.s32 s7, s2  }
0x1e: {  	s7 =	smul.u32 @!p0 $0xF7A, s2;
	p2 =	seq.s32 @!p0 s5, $0x0  }
0x1f: {  	s9 =	smul.u32 $0xF7A, s1;
	s8 =	simm.s32 @!p0 $0x1BF5;
	p2 =	por !p2, p0  }
0x20: {  	[sflag:s8] =	ssyncset.s32 @!p0 $0xFFFFF086;
	s6 =	sadd.s32 @!p0 s3, s7;
	s7 =	simm.s32 @!p0 $0x108  }
0x21: {  	s3 =	sadd.s32 s3, s9;
	s6 =	sadd.s32 @!p0 $0x88, s6;
	s7 =	simm.s32 @p2 $0x1082  }
0x22: {  	[simem:s7], [sflag:s8] =	dma.local @!p0 [hbm:s6], $0xF7A  }
0x23: {  	s9 =	sor.u32 $0xD0000000, s2;
	s6 =	simm.s32 $0x108;
	_ =	swait.ge @!p0 [sflag:s8], $0x0  }
0x24: {  	s3 =	sadd.s32 $0x88, s3;
	s6 =	simm.s32 @!p1 $0x1082;
	[sflag:s4] =	ssyncset.s32 $0xFFFFF086  }
0x25: {  	[simem:s6], [sflag:s4] =	dma.local [hbm:s3], $0xF7A  }
0x26: {  	[smem:$0x3F94] =	sst s1;
	(tag) =	ssettag s2;
	_ =	strace s9  }
0x27: {  	s1 =	sld [smem:$0x3FA4]  }
0x28: {  	s2 =	sld [smem:$0x3FA5]  }
0x29: {  	s4 =	sld [smem:$0x3FA7]  }
0x2a: {  	p0 =	seq.s32 s5, $0x0;
	s5 =	sld [smem:$0x3FA8]  }
0x2b: {  	s6 =	sld [smem:$0x3FA9]  }
0x2c: {  	s7 =	sld [smem:$0x3FAA]  }
0x2d: {  	s3 =	simm.s32 $0x108;
	s8 =	sld [smem:$0x3FAB]  }
0x2e: {  	s3 =	simm.s32 @!p0 $0x1082;
	s9 =	sld [smem:$0x3FAC]  }
0x2f: {  	lr =	sadd.s32 s0, s3;
	s0 =	sld [smem:$0x3FA3]  }
0x30: {  	s3 =	sld [smem:$0x3FA6]  }
0x31: {  	[smem:$0x3FAF] =	sst s10  }
0x32: {  	s10 =	sld [smem:$0x3FAD];
	_ =	sdelay $0x3  }
0x33: {  	p0 =	seq.s32 s10, $0x1;
	s10 =	sld [smem:$0x3FAF];
	_ =	sdelay $0x3  }
0x34: {  	[smem:$0x3FAF] =	sst s10  }
0x35: {  	s10 =	sld [smem:$0x3FAE];
	_ =	sdelay $0x3  }
0x36: {  	p1 =	seq.s32 s10, $0x1;
	s10 =	sld [smem:$0x3FAF];
	_ =	sdelay $0x3  }
0x37: {  	[smem:$0x3FAF] =	sst s10  }
0x38: {  	s10 =	sld [smem:$0x3FB0]  }
0x39: {  	_ = 	snop;
	(pc) =	sbr.ind lr, $3  }
0x3a: {  	_ = 	snop  }
0x3b: {  	_ = 	snop  }
0x3c: {  	p2 =	seq.s32 s10, $0x1;
	s10 =	sld [smem:$0x3FAF]  }
0x3d: {  	_ =	shalt  }
0x3e: {  	_ =	shalt  }
0x3f: {  	_ =	shalt  }
0x40: {  	_ =	shalt  }
0x41: {  	_ =	shalt  }
0x42: {  	_ =	shalt  }
0x43: {  	_ =	shalt  }
0x44: {  	_ =	shalt  }
0x45: {  	_ =	shalt  }
0x46: {  	_ =	shalt  }
0x47: {  	_ =	shalt  }
0x48: {  	_ =	shalt  }
0x49: {  	_ =	shalt  }
0x4a: {  	_ =	shalt  }
0x4b: {  	_ =	shalt  }
0x4c: {  	_ =	shalt  }
0x4d: {  	_ =	shalt  }
0x4e: {  	_ =	shalt  }
0x4f: {  	_ =	shalt  }
0x50: {  	_ =	shalt  }
0x51: {  	_ =	shalt  }
0x52: {  	_ =	shalt  }
0x53: {  	_ =	shalt  }
0x54: {  	_ =	shalt  }
0x55: {  	_ =	shalt  }
0x56: {  	_ =	shalt  }
0x57: {  	_ =	shalt  }
0x58: {  	_ =	shalt  }
0x59: {  	_ =	shalt  }
0x5a: {  	_ =	shalt  }
0x5b: {  	_ =	shalt  }
0x5c: {  	_ =	shalt  }
0x5d: {  	_ =	shalt  }
0x5e: {  	_ =	shalt  }
0x5f: {  	_ =	shalt  }
0x60: {  	_ =	shalt  }
0x61: {  	_ =	shalt  }
0x62: {  	_ =	shalt  }
0x63: {  	_ =	shalt  }
0x64: {  	_ =	shalt  }
0x65: {  	_ =	shalt  }
0x66: {  	_ =	shalt  }
0x67: {  	_ =	shalt  }
0x68: {  	_ =	shalt  }
0x69: {  	_ =	shalt  }
0x6a: {  	_ =	shalt  }
0x6b: {  	_ =	shalt  }
0x6c: {  	_ =	shalt  }
0x6d: {  	_ =	shalt  }
0x6e: {  	_ =	shalt  }
0x6f: {  	_ =	shalt  }
0x70: {  	_ =	shalt  }
0x71: {  	_ =	shalt  }
0x72: {  	_ =	shalt  }
0x73: {  	_ =	shalt  }
0x74: {  	_ =	shalt  }
0x75: {  	_ =	shalt  }
0x76: {  	_ =	shalt  }
0x77: {  	_ =	shalt  }
0x78: {  	_ =	shalt  }
0x79: {  	_ =	shalt  }
0x7a: {  	_ =	shalt  }
0x7b: {  	_ =	shalt  }
0x7c: {  	_ =	shalt  }
0x7d: {  	_ =	shalt  }
0x7e: {  	_ =	shalt  }
0x7f: {  	_ =	shalt  }
0x80: {  	_ =	shalt  }
0x81: {  	_ =	shalt  }
0x82: {  	_ =	shalt  }
0x83: {  	_ =	shalt  }
0x84: {  	_ =	shalt  }
0x85: {  	_ =	shalt  }
0x86: {  	_ =	shalt  }
0x87: {  	_ =	shalt  }
.Lfunc_end0:
.L_simem_size_0:
called_computation.2_lowered:
.L_overlay_start_0:
0x88: {  	s2 =	sld [smem:$0x3FD9]  }
0x89: {  	s3 =	sld [smem:$0x3FFE];
	_ =	sdelay $0x1  }
0x8a: {  	s1 =	srdreg.scid  }
0x8b: {  	s0 =	sand.u32 $0x1, s1  }
0x8c: {  	s16 =	sshll.u32 s0, $0xA;
	s2 =	sadd.s32 s3, s2  }
0x8d: {  	s2 =	sadd.s32 s2, s16  }
0x8e: {  	[smem:$0x3FBB] =	sst s2  }
0x8f: {  	_ = 	snop  }
0x90: {  	(tm) =	ssettm $0x1  }
0x91: {  	s17 =	sld [smem:$0x3FFB];
	_ =	sdelay $0x3  }
0x92: {  	_ =	strace s17  }
0x93: {  	s2 =	sld [smem:$0x3FFC];
	_ =	sdelay $0x3  }
0x94: {  	_ =	strace s2  }
0x95: {  	s2 =	sld [smem:$0x3FFD];
	_ =	sdelay $0x3  }
0x96: {  	_ =	strace s2  }
0x97: {  	_ =	strace $0x8FFFFFFF  }
0x98: {  	s18 =	sld [smem:$0x3FDB];
	_ =	sdelay $0x1  }
0x99: {  	s19 =	simm.s32 $_scs_section_size  }
0x9a: {  	s4 =	simm.s32 $_size__tile_overlayer_lowered;
	s5 =	simm.s32 $_tile_overlayer_lowered  }
0x9b: {  	s22 =	simm.s32 $0x1BFF;
	s21 =	sshll.u32 s5, $0x1;
	s2 =	sadd.s32 s19, s18  }
0x9c: {  	s6 =	simm.s32 $0x0;
	s20 =	sshll.u32 s4, $0x1;
	s4 =	sadd.s32 s21, s2  }
0x9d: {  	[timem:s6], [sflag:s22] =	dma.local [hbm:s4], s20  }
0x9e: {  	_ =	swait.ge [sflag:s22], s20  }
0x9f: {  	s3 =	ssub.s32 $0x0, s20;
	[sflag:s22] =	ssyncset.done $0x0  }
0xa0: {  	[sflag:s22] =	ssyncadd.s32 s3;
	_ =	sdelay $0x1  }
0xa1: {  	s23 =	simm.s32 $0x1B8B  }
0xa2: {  	_ =	swait.ge [sflag:s23], $0x1  }
0xa3: {  	[sflag:s23] =	ssyncset.done $0x0  }
0xa4: {  	s25 =	simm.s32 $0x1B8E;
	s24 =	sld [smem:$0x3FFE];
	[sflag:s23] =	ssyncadd.s32 $0xFFFFFFFF  }
0xa5: {  	s26 =	simm.s32 $execute0_lowered;
	[smem:$0x3FD2] =	sst s25  }
0xa6: {  	s4 =	sshll.u32 s26, $0x1;
	_ =	strace $0x8000004C;
	[dreg:$0x1] =	wrdreg $0xFFFFFFFF  }
0xa7: {  	s28 =	simm.s32 $_size_execute0_lowered;
	s2 =	sadd.s32 s2, s4;
	[dreg:$0x0] =	wrdreg $0x0  }
0xa8: {  	s4 =	sshll.u32 s28, $0x1;
	[dreg:$0x2] =	wrdreg s2  }
0xa9: {  	[dreg:$0x3] =	wrdreg s4  }
0xaa: {  	[dreg:$0x4] =	wrdreg $0xC0  }
0xab: {  	_ =	task [dreg:s6], $0x5FFFF  }
0xac: {  	[dreg:$0x1] =	wrdreg $0xFFFFFFFF  }
0xad: {  	[dreg:$0x0] =	wrdreg $0x60  }
0xae: {  	[dreg:$0x2] =	wrdreg s24  }
0xaf: {  	[dreg:$0x3] =	wrdreg $0x91000  }
0xb0: {  	[dreg:$0x4] =	wrdreg $0x9  }
0xb1: {  	_ =	task.clear_ibuf [dreg:s6], $0x5FFFF;
	_ =	strace $0x9000004C  }
0xb2: {  	s29 =	simm.s32 $0x9;
	_ =	strace $0x8000004E  }
0xb3: {  	_ =	swait.ge [sflag:s29], $0x1  }
0xb4: {  	[sflag:s29] =	ssyncadd.s32 $0xFFFFFFFF  }
0xb5: {  	_ =	strace $0x9000004E  }
0xb6: {  	_ =	sfence  }
0xb7: {  	s30 =	sld [smem:$0x0];
	_ =	sdelay $0x2  }
0xb8: {  	s31 =	sshll.u32 s1, $0xD;
	s1 =	sshrl.u32 s1, $0x2  }
0xb9: {  	s3 =	sand.u32 $0x4000, s31;
	s1 =	sadd.s32 s1, s30  }
0xba: {  	s0 =	sor.u32 s3, s0;
	s1 =	sshll.u32 s1, $0x11  }
0xbb: {  	s0 =	sor.u32 s1, s0  }
0xbc: {  	s0 =	sadd.s32 $0x8F2B, s0  }
0xbd: {  	[sflag:s0] =	ssyncadd.remote.s32 $0x1  }
0xbe: {  	_ =	sfence.sel $0xFFFF  }
0xbf: {  	[dreg:$0x0] =	wrdreg $0xFFFFFFFF;
	(pc) =	sbr.abs _section_cstart, $3  }
0xc0: {  	[dreg:$0x1] =	wrdreg $0xFFFFFFFF  }
0xc1: {  	_ =	task.clear_ibuf [dreg:s6], $0x2FFFF;
	_ =	strace $0x9FFFFFFF  }
0xc2: {  	(tm) =	ssettm $0x7FFFFFFF  }
0xc3: {  	_ =	shalt  }
tec
execute0_lowered:
.L_overlay_start_1:
0x0: {  	(tag) =	ssettag $0x1  }
0x1: {  	s0 =	rddreg [dreg:$0x0]  }
0x2: {  	s2 =	rddreg [dreg:$0x1];
	s1 =	srdreg.scid  }
0x3: {  	s6 =	stileid.u32;
	s3 =	simm.s32 $0x0;
	s19 =	simm.s32 $0x4100  }
0x4: {  	s20 =	simm.s32 $0x3;
	s21 =	simm.s32 $0x50;
	s22 =	simm.s32 $0x80  }
0x5: {  	s23 =	simm.s32 $0x4;
	s29 =	simm.s32 $0x0;
	s1 =	sand.u32 $0x1, s1  }
0x6: {  	s4 =	sshll.u32 s6, $0xF;
	[smem:$0x7FF] =	sst s3;
	s9 =	smul.u32 $0x14000, s6  }
0x7: {  	s11 =	smul.u32 $0x50000, s6;
	s6 =	sadd.s32 $0x12E00, s0;
	s5 =	sshll.u32 s1, $0xE  }
0x8: {  	s7 =	smul.u32 $0x140000, s1;
	_ =	strace $0x8000004D;
	s1 =	ssub.s32 $0x2, s1  }
0x9: {  	s4 =	sor.u32 s5, s4;
	s5 =	sadd.s32 $0x62E00, s0;
	s24 =	sshrl.u32 s1, $0x1  }
0xa: {  	s11 =	sshrl.u32 s11, $0x2;
	s8 =	sshrl.u32 s4, $0x3;
	s7 =	sadd.s32 s9, s7  }
0xb: {  	s1 =	ssub.s32 s1, s24;
	s24 =	simm.s32 $0x6900;
	s7 =	sshrl.u32 s7, $0x3  }
0xc: {  	s10 =	sadd.s32 s8, s0;
	s0 =	sadd.s32 s7, s0;
	s7 =	sadd.s32 s11, s2  }
0xd: {  	s16 =	sadd.s32 s5, s8;
	s18 =	smax.u32 s1, $0x1;
	s25 =	sadd.s32 $0x2800, s7  }
0xe: {  	s15 =	sadd.s32 $0x2E00, s10;
	s26 =	sadd.s32 $0x5000, s7;
	[dreg:$0x3] =	wrdreg s25  }
0xf: {  	s28 =	sadd.s32 $0x7800, s7;
	s30 =	sadd.s32 $0xA000, s7;
	[dreg:$0x4] =	wrdreg s26  }
0x10: {  	s31 =	sadd.s32 $0xC800, s7;
	s13 =	sadd.s32 $0xF000, s7;
	[dreg:$0x5] =	wrdreg s28  }
0x11: {  	s14 =	sadd.s32 $0x11800, s7;
	s17 =	sadd.s32 $0x72E00, s0;
	[dreg:$0x6] =	wrdreg s30  }
0x12: {  	v0 =	vimm.f32 $0.0e+00;
	[dreg:$0x7] =	wrdreg s31;
	s25 =	simm.s32 $0x1;
	s26 =	simm.s32 $0x2  }
.LBB2_1:
0x13: {  	s0 =	sand.u32 $0xFE00, s3  }
0x14: {  	s1 =	sand.u32 $0x70, s3;
	s8 =	sshrl.u32 s0, $0x2  }
0x15: {  	s0 =	simm.s32 $0x40;
	s8 =	sor.u32 s1, s8;
	s1 =	simm.s32 $0x0  }
.LBB2_2:
0x16: {  	p0 =	sne.s32 s0, $0x9FC0  }
0x17: {  	[tilespmem:s8+$0x4100] =	vst v0;
	s1 =	sadd.s32 $0x10, s1;
	s8 =	smov.u32 s0;
	s0 =	sadd.s32 $0x40, s0  }
.Ltmp0:
0x18: {  	(pc) =	sbr.rel @p0 .LBB2_2-.Ltmp0, $4  }
0x19: {  	_ = 	snop  }
0x1a: {  	s8 =	sand.u32 $0xFE00, s8  }
0x1b: {  	s9 =	sand.u32 $0x70, s1;
	s8 =	sshrl.u32 s8, $0x2  }
0x1c: {  	s8 =	sor.u32 s9, s8  }
0x1d: {  	[tilespmem:s8+$0x4100] =	vst v0  }
0x1e: {  	[spmem:s7] =	stream.linear.scatter [tilespmem:s19], [sflag:$0x3], $0x2800, $0x38;
	[tilespmem:$0x1D100] =	vst v63  }
0x1f: {  	_ =	swait.ge [sflag:s20], $0x2800  }
0x20: {  	[sflag:s20] =	ssyncset.done $0x0  }
0x21: {  	s0 =	rddreg [dreg:$0x3];
	[sflag:s20] =	ssyncadd.s32 $0xFFFFD800  }
0x22: {  	[spmem:s0] =	stream.linear.scatter [tilespmem:s19], [sflag:$0x3], $0x2800, $0x38;
	[tilespmem:$0x1D100] =	vst v63  }
0x23: {  	_ =	swait.ge [sflag:s20], $0x2800  }
0x24: {  	[sflag:s20] =	ssyncset.done $0x0  }
0x25: {  	s8 =	rddreg [dreg:$0x4];
	[sflag:s20] =	ssyncadd.s32 $0xFFFFD800  }
0x26: {  	[spmem:s8] =	stream.linear.scatter [tilespmem:s19], [sflag:$0x3], $0x2800, $0x38;
	[tilespmem:$0x1D100] =	vst v63  }
0x27: {  	_ =	swait.ge [sflag:s20], $0x2800  }
0x28: {  	[sflag:s20] =	ssyncset.done $0x0  }
0x29: {  	s9 =	rddreg [dreg:$0x5];
	[sflag:s20] =	ssyncadd.s32 $0xFFFFD800  }
0x2a: {  	[spmem:s9] =	stream.linear.scatter [tilespmem:s19], [sflag:$0x3], $0x2800, $0x38;
	[tilespmem:$0x1D100] =	vst v63  }
0x2b: {  	_ =	swait.ge [sflag:s20], $0x2800  }
0x2c: {  	[sflag:s20] =	ssyncset.done $0x0  }
0x2d: {  	s10 =	rddreg [dreg:$0x6];
	[sflag:s20] =	ssyncadd.s32 $0xFFFFD800  }
0x2e: {  	[spmem:s10] =	stream.linear.scatter [tilespmem:s19], [sflag:$0x3], $0x2800, $0x38;
	[tilespmem:$0x1D100] =	vst v63  }
0x2f: {  	_ =	swait.ge [sflag:s20], $0x2800  }
0x30: {  	[sflag:s20] =	ssyncset.done $0x0  }
0x31: {  	s11 =	rddreg [dreg:$0x7];
	[sflag:s20] =	ssyncadd.s32 $0xFFFFD800  }
0x32: {  	[spmem:s11] =	stream.linear.scatter [tilespmem:s19], [sflag:$0x3], $0x2800, $0x38;
	[tilespmem:$0x1D100] =	vst v63  }
0x33: {  	_ =	swait.ge [sflag:s20], $0x2800  }
0x34: {  	[sflag:s20] =	ssyncset.done $0x0  }
0x35: {  	[sflag:s20] =	ssyncadd.s32 $0xFFFFD800  }
0x36: {  	[spmem:s13] =	stream.linear.scatter [tilespmem:s19], [sflag:$0x3], $0x2800, $0x38;
	[tilespmem:$0x1D100] =	vst v63  }
0x37: {  	_ =	swait.ge [sflag:s20], $0x2800  }
0x38: {  	[sflag:s20] =	ssyncset.done $0x0  }
0x39: {  	[sflag:s20] =	ssyncadd.s32 $0xFFFFD800  }
0x3a: {  	[spmem:s14] =	stream.linear.scatter [tilespmem:s19], [sflag:$0x3], $0x2800, $0x38;
	[tilespmem:$0x1D100] =	vst v63  }
0x3b: {  	_ =	swait.ge [sflag:s20], $0x2800  }
0x3c: {  	[sflag:s20] =	ssyncset.done $0x0  }
0x3d: {  	[sflag:s20] =	ssyncadd.s32 $0xFFFFD800  }
0x3e: {  	s12 =	simm.s32 $0x100;
	[bflag:$0x0] =	sbarrier.arrive $0xFFFF  }
0x3f: {  	[tilespmem:s12], [sflag:$0x3] =	stream.linear.gather [hbm4b:s15+s3], $0x3E80, $0x38;
	[tilespmem:$0x1D100] =	vst v63  }
0x40: {  	_ =	swait.ge [sflag:s20], $0x3E80  }
0x41: {  	s1 =	simm.s32 $0x80;
	s9 =	simm.s32 $0x0;
	[sflag:s20] =	ssyncset.done $0x0  }
0x42: {  	s1 =	sand.u32 $0x380, s1;
	s8 =	sand.u32 $0x3C00, s9;
	[sflag:s20] =	ssyncadd.s32 $0xFFFFC180  }
0x43: {  	[tilespmem:s3], [sflag:$0x3] =	stream.linear.gather [hbm4b:s16+s3], $0x80, $0x38;
	[tilespmem:$0x1D100] =	vst v63  }
0x44: {  	s1 =	sor.u32 s1, s8;
	_ =	swait.ge [sflag:s20], $0x80  }
0x45: {  	s1 =	sor.u32 s4, s1;
	[sflag:s20] =	ssyncset.done $0x0  }
0x46: {  	s1 =	sshrl.u32 s1, $0x3;
	[sflag:s20] =	ssyncadd.s32 $0xFFFFFF80  }
0x47: {  	[tilespmem:s19], [sflag:$0x1] =	stream.indirect.gather [hbm4b:s6+s21], $0x80, s3, s21, $0xb8;
	[tilespmem:$0x1D100] =	vst v63  }
0x48: {  	s1 =	sadd.s32 s5, s1  }
0x49: {  	[tilespmem:s22], [sflag:$0x4] =	stream.linear.gather [hbm4b:s1+s3], $0x80, $0x38;
	[tilespmem:$0x1D100] =	vst v63  }
0x4a: {  	_ =	swait.ge [sflag:s23], $0x80  }
0x4b: {  	[sflag:s23] =	ssyncset.done $0x0  }
0x4c: {  	[sflag:s23] =	ssyncadd.s32 $0xFFFFFF80  }
0x4d: {  	[tilespmem:s24], [sflag:$0x2] =	stream.indirect.gather [hbm4b:s6+s21], $0x80, s22, s21, $0xb8;
	[tilespmem:$0x1D100] =	vst v63  }
0x4e: {  	_ =	swait.ge [sflag:s25], $0x2800  }
0x4f: {  	s10 =	sand.u32 $0x7C00, s12;
	[sflag:s25] =	ssyncset.done $0x0  }
0x50: {  	s0 =	sand.u32 $0x300, s12;
	s1 =	sadd.s32 s4, s10;
	[sflag:s25] =	ssyncadd.s32 $0xFFFFD800  }
0x51: {  	[spmem:s2] =	stream.indirect.scatter.add.f32 [tilespmem:s19], [sflag:$0x4], $0x80, s12, s21, $0xb8;
	[tilespmem:$0x1D100] =	vst v63  }
0x52: {  	s0 =	sor.u32 s0, s1;
	_ =	swait.ge [sflag:s23], $0x2800  }
0x53: {  	s31 =	simm.s32 $0x200;
	s0 =	sshrl.u32 s0, $0x3;
	[sflag:s23] =	ssyncset.done $0x0  }
0x54: {  	s30 =	simm.s32 $0x280;
	s0 =	sadd.s32 s5, s0;
	[sflag:s23] =	ssyncadd.s32 $0xFFFFD800  }
0x55: {  	[tilespmem:s3], [sflag:$0x4] =	stream.linear.gather [hbm4b:s0+s3], $0x80, $0x38;
	[tilespmem:$0x1D100] =	vst v63  }
0x56: {  	s28 =	simm.s32 $0x300;
	s8 =	simm.s32 $0x300;
	_ =	swait.ge [sflag:s23], $0x80  }
0x57: {  	s11 =	simm.s32 $0x180;
	s12 =	simm.s32 $0x100;
	[sflag:s23] =	ssyncset.done $0x0  }
0x58: {  	s9 =	sand.u32 $0x3C00, s12;
	s0 =	sand.u32 $0x380, s11;
	[sflag:s23] =	ssyncadd.s32 $0xFFFFFF80  }
0x59: {  	[tilespmem:s19], [sflag:$0x1] =	stream.indirect.gather [hbm4b:s6+s21], $0x80, s3, s21, $0xb8;
	[tilespmem:$0x1D100] =	vst v63  }
0x5a: {  	s1 =	simm.s32 $0x180;
	s0 =	sor.u32 s0, s9;
	_ =	swait.ge [sflag:s26], $0x2800  }
0x5b: {  	s10 =	sor.u32 s4, s0;
	s0 =	simm.s32 $0x200;
	[sflag:s26] =	ssyncset.done $0x0  }
.LBB2_4:
0x5c: {  	s10 =	sshrl.u32 s10, $0x3  }
0x5d: {  	[sflag:s26] =	ssyncadd.s32 $0xFFFFD800;
	s11 =	smov.u32 s8;
	s9 =	sadd.s32 $0x100, s8  }
0x5e: {  	[spmem:s2] =	stream.indirect.scatter.add.f32 [tilespmem:s24], [sflag:$0x3], $0x80, s1, s21, $0xb8;
	[tilespmem:$0x1D100] =	vst v63  }
0x5f: {  	s12 =	sadd.s32 $0x80, s28;
	p0 =	sne.s32 s8, $0x3E00;
	_ =	swait.ge [sflag:s20], $0x2800  }
0x60: {  	s1 =	smov.u32 s30;
	s30 =	smov.u32 s12;
	[sflag:s20] =	ssyncset.done $0x0  }
0x61: {  	s8 =	sadd.s32 s5, s10;
	[sflag:s20] =	ssyncadd.s32 $0xFFFFD800  }
0x62: {  	[tilespmem:s22], [sflag:$0x4] =	stream.linear.gather [hbm4b:s8+s3], $0x80, $0x38;
	[tilespmem:$0x1D100] =	vst v63  }
0x63: {  	_ =	swait.ge [sflag:s23], $0x80  }
0x64: {  	[sflag:s23] =	ssyncset.done $0x0  }
0x65: {  	[sflag:s23] =	ssyncadd.s32 $0xFFFFFF80  }
0x66: {  	[tilespmem:s24], [sflag:$0x2] =	stream.indirect.gather [hbm4b:s6+s21], $0x80, s22, s21, $0xb8;
	[tilespmem:$0x1D100] =	vst v63  }
0x67: {  	_ =	swait.ge [sflag:s25], $0x2800  }
0x68: {  	[sflag:s25] =	ssyncset.done $0x0  }
0x69: {  	s8 =	sand.u32 $0x7C00, s31;
	[sflag:s25] =	ssyncadd.s32 $0xFFFFD800  }
0x6a: {  	[spmem:s2] =	stream.indirect.scatter.add.f32 [tilespmem:s19], [sflag:$0x4], $0x80, s0, s21, $0xb8;
	[tilespmem:$0x1D100] =	vst v63  }
0x6b: {  	s0 =	sadd.s32 s4, s8;
	s8 =	sand.u32 $0x300, s31;
	_ =	swait.ge [sflag:s23], $0x2800  }
0x6c: {  	s31 =	smov.u32 s11;
	s0 =	sor.u32 s8, s0;
	[sflag:s23] =	ssyncset.done $0x0  }
0x6d: {  	s8 =	sshrl.u32 s0, $0x3;
	s0 =	smov.u32 s28;
	[sflag:s23] =	ssyncadd.s32 $0xFFFFD800  }
0x6e: {  	s8 =	sadd.s32 s5, s8  }
0x6f: {  	[tilespmem:s3], [sflag:$0x4] =	stream.linear.gather [hbm4b:s8+s3], $0x80, $0x38;
	[tilespmem:$0x1D100] =	vst v63  }
0x70: {  	s10 =	sadd.s32 $0xFFFFFF00, s31;
	_ =	swait.ge [sflag:s23], $0x80  }
.Ltmp1:
0x71: {  	s8 =	sadd.s32 $0xFFFFFF80, s31;
	[sflag:s23] =	ssyncset.done $0x0;
	(pc) =	sbr.rel @p0 .LBB2_4-.Ltmp1, $4  }
0x72: {  	s10 =	sand.u32 $0x3C00, s10;
	s8 =	sand.u32 $0x380, s8;
	[sflag:s23] =	ssyncadd.s32 $0xFFFFFF80  }
0x73: {  	[tilespmem:s19], [sflag:$0x1] =	stream.indirect.gather [hbm4b:s6+s21], $0x80, s3, s21, $0xb8;
	[tilespmem:$0x1D100] =	vst v63  }
0x74: {  	s28 =	sadd.s32 $0x100, s28;
	s8 =	sor.u32 s8, s10;
	_ =	swait.ge [sflag:s26], $0x2800  }
0x75: {  	s10 =	sor.u32 s4, s8;
	s8 =	smov.u32 s9;
	[sflag:s26] =	ssyncset.done $0x0  }
0x76: {  	[sflag:s26] =	ssyncadd.s32 $0xFFFFD800  }
0x77: {  	[spmem:s2] =	stream.indirect.scatter.add.f32 [tilespmem:s24], [sflag:$0x3], $0x80, s1, s21, $0xb8;
	[tilespmem:$0x1D100] =	vst v63  }
0x78: {  	_ =	swait.ge [sflag:s20], $0x2800  }
0x79: {  	s9 =	sshrl.u32 s10, $0x3;
	[sflag:s20] =	ssyncset.done $0x0  }
0x7a: {  	s1 =	sadd.s32 s5, s9;
	[sflag:s20] =	ssyncadd.s32 $0xFFFFD800  }
0x7b: {  	[tilespmem:s22], [sflag:$0x4] =	stream.linear.gather [hbm4b:s1+s3], $0x80, $0x38;
	[tilespmem:$0x1D100] =	vst v63  }
0x7c: {  	_ =	swait.ge [sflag:s23], $0x80  }
0x7d: {  	[sflag:s23] =	ssyncset.done $0x0  }
0x7e: {  	[sflag:s23] =	ssyncadd.s32 $0xFFFFFF80  }
0x7f: {  	[tilespmem:s24], [sflag:$0x2] =	stream.indirect.gather [hbm4b:s6+s21], $0x80, s22, s21, $0xb8;
	[tilespmem:$0x1D100] =	vst v63  }
0x80: {  	_ =	swait.ge [sflag:s25], $0x2800  }
0x81: {  	s10 =	sand.u32 $0x7C00, s31;
	[sflag:s25] =	ssyncset.done $0x0  }
0x82: {  	s12 =	sand.u32 $0x300, s31;
	s11 =	sadd.s32 s4, s10;
	[sflag:s25] =	ssyncadd.s32 $0xFFFFD800  }
0x83: {  	[spmem:s2] =	stream.indirect.scatter.add.f32 [tilespmem:s19], [sflag:$0x4], $0x80, s0, s21, $0xb8;
	[tilespmem:$0x1D100] =	vst v63  }
0x84: {  	s0 =	sor.u32 s12, s11;
	_ =	swait.ge [sflag:s23], $0x2800  }
0x85: {  	s0 =	sshrl.u32 s0, $0x3;
	[sflag:s23] =	ssyncset.done $0x0  }
0x86: {  	s0 =	sadd.s32 s5, s0;
	[sflag:s23] =	ssyncadd.s32 $0xFFFFD800  }
0x87: {  	[tilespmem:s3], [sflag:$0x4] =	stream.linear.gather [hbm4b:s0+s3], $0x80, $0x38;
	[tilespmem:$0x1D100] =	vst v63  }
0x88: {  	_ =	swait.ge [sflag:s23], $0x80  }
0x89: {  	[sflag:s23] =	ssyncset.done $0x0  }
0x8a: {  	[sflag:s23] =	ssyncadd.s32 $0xFFFFFF80  }
0x8b: {  	[tilespmem:s19], [sflag:$0x1] =	stream.indirect.gather [hbm4b:s6+s21], $0x80, s3, s21, $0xb8;
	[tilespmem:$0x1D100] =	vst v63  }
0x8c: {  	_ =	swait.ge [sflag:s26], $0x2800  }
0x8d: {  	[sflag:s26] =	ssyncset.done $0x0  }
0x8e: {  	[sflag:s26] =	ssyncadd.s32 $0xFFFFD800  }
0x8f: {  	[spmem:s2] =	stream.indirect.scatter.add.f32 [tilespmem:s24], [sflag:$0x3], $0x80, s30, s21, $0xb8;
	[tilespmem:$0x1D100] =	vst v63  }
0x90: {  	_ =	swait.ge [sflag:s20], $0x2800  }
0x91: {  	[sflag:s20] =	ssyncset.done $0x0  }
0x92: {  	[sflag:s20] =	ssyncadd.s32 $0xFFFFD800  }
0x93: {  	_ =	swait.ge [sflag:s25], $0x2800  }
0x94: {  	[sflag:s25] =	ssyncset.done $0x0  }
0x95: {  	s28 =	simm.s32 $0x3F00;
	[sflag:s25] =	ssyncadd.s32 $0xFFFFD800  }
0x96: {  	[spmem:s2] =	stream.indirect.scatter.add.f32 [tilespmem:s19], [sflag:$0x4], $0x80, s28, s21, $0xb8;
	[tilespmem:$0x1D100] =	vst v63  }
0x97: {  	s31 =	sshrl.u32 s7, $0x3;
	_ =	swait.ge [sflag:s23], $0x2800  }
0x98: {  	s29 =	sadd.s32 $0x1, s29;
	s30 =	stileid.u32;
	[sflag:s23] =	ssyncset.done $0x0  }
0x99: {  	p0 =	sne.s32 s29, s18;
	s0 =	sshll.u32 s30, $0x6;
	[sflag:s23] =	ssyncadd.s32 $0xFFFFD800  }
.Ltmp2:
0x9a: {  	s0 =	sor.u32 $0x1C03, s0;
	[bflag:$0x0] =	sbarrier.arrive $0xFFFF;
	(pc) =	sbr.rel @p0 .LBB2_1-.Ltmp2, $4  }
0x9b: {  	[hbm:s17], [sflag:s0] =	dma.local [spmem:s31], $0x2800  }
0x9c: {  	_ =	swait.ge [sflag:s20], $0x2800  }
0x9d: {  	[sflag:s20] =	ssyncset.done $0x0  }
0x9e: {  	[sflag:s20] =	ssyncadd.s32 $0xFFFFD800  }
0x9f: {  	_ =	sfence.sel $0x180000  }
0xa0: {  	[bflag:$0x0] =	sbarrier.arrive $0xFFFF  }
0xa1: {  	_ =	strace $0x9000004D  }
0xa2: {  	s0 =	stileid.u32;
	[bflag:$0x2] =	sbarrier.arrive $0xFFFF  }
0xa3: {  	p0 =	sne.s32 s0, $0x0;
	s0 =	rddreg [dreg:$0x2]  }
0xa4: {  	s0 =	sadd.s32 @!p0 $0x100000, s0  }
0xa5: {  	[sflag:s0] =	ssyncadd.tile.s32 @!p0 $0x1;
	_ =	shalt  }
.Lfunc_end2:
_tile_overlayer_lowered:
.L_overlay_start_2:
0xa6: {  	(tag) =	ssettag $0x2  }
0xa7: {  	s0 =	rddreg [dreg:$0x0];
	s2 =	stileid.u32  }
0xa8: {  	s1 =	rddreg [dreg:$0x1];
	p0 =	sne.s32 s2, $0x0  }
0xa9: {  	s3 =	rddreg [dreg:$0x2];
	[bflag:$0x3] =	sbarrier.arrive $0xFFFF;
	s2 =	simm.s32 @!p0 $0x1C03  }
0xaa: {  	[timem:s3], [sflag:s2] =	dma.local @!p0 [hbm:s0], s1  }
0xab: {  	s0 =	simm.s32 @!p0 $0x3  }
0xac: {  	_ =	swait.ge @!p0 [sflag:s0], s1  }
0xad: {  	s1 =	ssub.s32 @!p0 $0x0, s1;
	[sflag:s0] =	ssyncset.done @!p0 $0x0  }
0xae: {  	[sflag:s0] =	ssyncadd.s32 @!p0 s1  }
0xaf: {  	[bflag:$0x3] =	sbarrier.arrive $0xFFFF  }
0xb0: {  	_ =	shalt  }

// kernel: kernel.19.cloned.1.call-start
scs
__scs_entry_jumppad:
0x0: {  	(pc) =	sbr.rel $0x88, $3  }
0x1: {  	(tag) =	ssettag $0x0;
	lr =	simm.s32 $0x1  }
0x2: {  	[smem:$0x3F94] =	sst lr;
	_ =	strace $0xD0000000  }
0x3: {  	_ = 	snop  }
0x4: {  	_ = 	snop  }
0x5: {  	_ = 	snop  }
0x6: {  	_ = 	snop  }
0x7: {  	_ = 	snop  }
__scs_overlays_trampoline_lowered:
0x8: {  	[smem:$0x3FA3] =	sst s0  }
0x9: {  	[smem:$0x3FA4] =	sst s1  }
0xa: {  	[smem:$0x3FA5] =	sst s2  }
0xb: {  	[smem:$0x3FA6] =	sst s3  }
0xc: {  	[smem:$0x3FA7] =	sst s4  }
0xd: {  	[smem:$0x3FA8] =	sst s5  }
0xe: {  	[smem:$0x3FA9] =	sst s6  }
0xf: {  	[smem:$0x3FAA] =	sst s7  }
0x10: {  	[smem:$0x3FAB] =	sst s8  }
0x11: {  	[smem:$0x3FAC] =	sst s9;
	s0 =	simm.s32 @!p0 $0x0  }
0x12: {  	s1 =	sld [smem:$0x3F92];
	s0 =	simm.s32 @p0 $0x1  }
0x13: {  	[smem:$0x3FAD] =	sst s0;
	s0 =	simm.s32 @!p1 $0x0  }
0x14: {  	s2 =	sld [smem:$0x3F91];
	s0 =	simm.s32 @p1 $0x1  }
0x15: {  	[smem:$0x3FAE] =	sst s0;
	s0 =	simm.s32 @!p2 $0x0  }
0x16: {  	s3 =	sld [smem:$0x3FDB];
	s0 =	simm.s32 @p2 $0x1  }
0x17: {  	s4 =	simm.s32 $0x1BF5;
	[smem:$0x3FB0] =	sst s0  }
0x18: {  	s0 =	sld [smem:$0x3F93];
	_ =	swait.ge [sflag:s4], $0x0  }
0x19: {  	s7 =	sld [smem:$0x3F94]  }
0x1a: {  	s8 =	sadd.s32 $0xFFFFE003, lr  }
0x1b: {  	s9 =	sadd.s32 $0xFFFFFEF7, lr;
	s5 =	simm.s32 $0xFFFFFFFF;
	p2 =	slt.u32 s8, $0xFFFFF086  }
0x1c: {  	p1 =	slt.u32 s9, $0xF7A;
	s5 =	simm.s32 @!p2 $0x0  }
0x1d: {  	s5 =	simm.s32 @p1 $0x1;
	p0 =	seq.s32 s7, s2  }
0x1e: {  	s7 =	smul.u32 @!p0 $0xF7A, s2;
	p2 =	seq.s32 @!p0 s5, $0x0  }
0x1f: {  	s9 =	smul.u32 $0xF7A, s1;
	s8 =	simm.s32 @!p0 $0x1BF5;
	p2 =	por !p2, p0  }
0x20: {  	[sflag:s8] =	ssyncset.s32 @!p0 $0xFFFFF086;
	s6 =	sadd.s32 @!p0 s3, s7;
	s7 =	simm.s32 @!p0 $0x108  }
0x21: {  	s3 =	sadd.s32 s3, s9;
	s6 =	sadd.s32 @!p0 $0x88, s6;
	s7 =	simm.s32 @p2 $0x1082  }
0x22: {  	[simem:s7], [sflag:s8] =	dma.local @!p0 [hbm:s6], $0xF7A  }
0x23: {  	s9 =	sor.u32 $0xD0000000, s2;
	s6 =	simm.s32 $0x108;
	_ =	swait.ge @!p0 [sflag:s8], $0x0  }
0x24: {  	s3 =	sadd.s32 $0x88, s3;
	s6 =	simm.s32 @!p1 $0x1082;
	[sflag:s4] =	ssyncset.s32 $0xFFFFF086  }
0x25: {  	[simem:s6], [sflag:s4] =	dma.local [hbm:s3], $0xF7A  }
0x26: {  	[smem:$0x3F94] =	sst s1;
	(tag) =	ssettag s2;
	_ =	strace s9  }
0x27: {  	s1 =	sld [smem:$0x3FA4]  }
0x28: {  	s2 =	sld [smem:$0x3FA5]  }
0x29: {  	s4 =	sld [smem:$0x3FA7]  }
0x2a: {  	p0 =	seq.s32 s5, $0x0;
	s5 =	sld [smem:$0x3FA8]  }
0x2b: {  	s6 =	sld [smem:$0x3FA9]  }
0x2c: {  	s7 =	sld [smem:$0x3FAA]  }
0x2d: {  	s3 =	simm.s32 $0x108;
	s8 =	sld [smem:$0x3FAB]  }
0x2e: {  	s3 =	simm.s32 @!p0 $0x1082;
	s9 =	sld [smem:$0x3FAC]  }
0x2f: {  	lr =	sadd.s32 s0, s3;
	s0 =	sld [smem:$0x3FA3]  }
0x30: {  	s3 =	sld [smem:$0x3FA6]  }
0x31: {  	[smem:$0x3FAF] =	sst s10  }
0x32: {  	s10 =	sld [smem:$0x3FAD];
	_ =	sdelay $0x3  }
0x33: {  	p0 =	seq.s32 s10, $0x1;
	s10 =	sld [smem:$0x3FAF];
	_ =	sdelay $0x3  }
0x34: {  	[smem:$0x3FAF] =	sst s10  }
0x35: {  	s10 =	sld [smem:$0x3FAE];
	_ =	sdelay $0x3  }
0x36: {  	p1 =	seq.s32 s10, $0x1;
	s10 =	sld [smem:$0x3FAF];
	_ =	sdelay $0x3  }
0x37: {  	[smem:$0x3FAF] =	sst s10  }
0x38: {  	s10 =	sld [smem:$0x3FB0]  }
0x39: {  	_ = 	snop;
	(pc) =	sbr.ind lr, $3  }
0x3a: {  	_ = 	snop  }
0x3b: {  	_ = 	snop  }
0x3c: {  	p2 =	seq.s32 s10, $0x1;
	s10 =	sld [smem:$0x3FAF]  }
0x3d: {  	_ =	shalt  }
0x3e: {  	_ =	shalt  }
0x3f: {  	_ =	shalt  }
0x40: {  	_ =	shalt  }
0x41: {  	_ =	shalt  }
0x42: {  	_ =	shalt  }
0x43: {  	_ =	shalt  }
0x44: {  	_ =	shalt  }
0x45: {  	_ =	shalt  }
0x46: {  	_ =	shalt  }
0x47: {  	_ =	shalt  }
0x48: {  	_ =	shalt  }
0x49: {  	_ =	shalt  }
0x4a: {  	_ =	shalt  }
0x4b: {  	_ =	shalt  }
0x4c: {  	_ =	shalt  }
0x4d: {  	_ =	shalt  }
0x4e: {  	_ =	shalt  }
0x4f: {  	_ =	shalt  }
0x50: {  	_ =	shalt  }
0x51: {  	_ =	shalt  }
0x52: {  	_ =	shalt  }
0x53: {  	_ =	shalt  }
0x54: {  	_ =	shalt  }
0x55: {  	_ =	shalt  }
0x56: {  	_ =	shalt  }
0x57: {  	_ =	shalt  }
0x58: {  	_ =	shalt  }
0x59: {  	_ =	shalt  }
0x5a: {  	_ =	shalt  }
0x5b: {  	_ =	shalt  }
0x5c: {  	_ =	shalt  }
0x5d: {  	_ =	shalt  }
0x5e: {  	_ =	shalt  }
0x5f: {  	_ =	shalt  }
0x60: {  	_ =	shalt  }
0x61: {  	_ =	shalt  }
0x62: {  	_ =	shalt  }
0x63: {  	_ =	shalt  }
0x64: {  	_ =	shalt  }
0x65: {  	_ =	shalt  }
0x66: {  	_ =	shalt  }
0x67: {  	_ =	shalt  }
0x68: {  	_ =	shalt  }
0x69: {  	_ =	shalt  }
0x6a: {  	_ =	shalt  }
0x6b: {  	_ =	shalt  }
0x6c: {  	_ =	shalt  }
0x6d: {  	_ =	shalt  }
0x6e: {  	_ =	shalt  }
0x6f: {  	_ =	shalt  }
0x70: {  	_ =	shalt  }
0x71: {  	_ =	shalt  }
0x72: {  	_ =	shalt  }
0x73: {  	_ =	shalt  }
0x74: {  	_ =	shalt  }
0x75: {  	_ =	shalt  }
0x76: {  	_ =	shalt  }
0x77: {  	_ =	shalt  }
0x78: {  	_ =	shalt  }
0x79: {  	_ =	shalt  }
0x7a: {  	_ =	shalt  }
0x7b: {  	_ =	shalt  }
0x7c: {  	_ =	shalt  }
0x7d: {  	_ =	shalt  }
0x7e: {  	_ =	shalt  }
0x7f: {  	_ =	shalt  }
0x80: {  	_ =	shalt  }
0x81: {  	_ =	shalt  }
0x82: {  	_ =	shalt  }
0x83: {  	_ =	shalt  }
0x84: {  	_ =	shalt  }
0x85: {  	_ =	shalt  }
0x86: {  	_ =	shalt  }
0x87: {  	_ =	shalt  }
.Lfunc_end0:
.L_simem_size_0:
called_computation.3_lowered:
.L_overlay_start_0:
0x88: {  	s2 =	sld [smem:$0x3FD9]  }
0x89: {  	s3 =	sld [smem:$0x3FFE];
	_ =	sdelay $0x1  }
0x8a: {  	s1 =	srdreg.scid  }
0x8b: {  	s0 =	sand.u32 $0x1, s1  }
0x8c: {  	s16 =	sshll.u32 s0, $0xA;
	s2 =	sadd.s32 s3, s2  }
0x8d: {  	s2 =	sadd.s32 s2, s16  }
0x8e: {  	[smem:$0x3FBB] =	sst s2  }
0x8f: {  	_ = 	snop  }
0x90: {  	(tm) =	ssettm $0x1  }
0x91: {  	s17 =	sld [smem:$0x3FFB];
	_ =	sdelay $0x3  }
0x92: {  	_ =	strace s17  }
0x93: {  	s2 =	sld [smem:$0x3FFC];
	_ =	sdelay $0x3  }
0x94: {  	_ =	strace s2  }
0x95: {  	s2 =	sld [smem:$0x3FFD];
	_ =	sdelay $0x3  }
0x96: {  	_ =	strace s2  }
0x97: {  	_ =	strace $0x8FFFFFFF  }
0x98: {  	s18 =	sld [smem:$0x3FDB];
	_ =	sdelay $0x1  }
0x99: {  	s19 =	simm.s32 $_scs_section_size  }
0x9a: {  	s4 =	simm.s32 $_size__tile_overlayer_lowered;
	s5 =	simm.s32 $_tile_overlayer_lowered  }
0x9b: {  	s22 =	simm.s32 $0x1BFF;
	s21 =	sshll.u32 s5, $0x1;
	s2 =	sadd.s32 s19, s18  }
0x9c: {  	s6 =	simm.s32 $0x0;
	s20 =	sshll.u32 s4, $0x1;
	s4 =	sadd.s32 s21, s2  }
0x9d: {  	[timem:s6], [sflag:s22] =	dma.local [hbm:s4], s20  }
0x9e: {  	_ =	swait.ge [sflag:s22], s20  }
0x9f: {  	s3 =	ssub.s32 $0x0, s20;
	[sflag:s22] =	ssyncset.done $0x0  }
0xa0: {  	[sflag:s22] =	ssyncadd.s32 s3;
	_ =	sdelay $0x1  }
0xa1: {  	s23 =	simm.s32 $0x1B8B  }
0xa2: {  	_ =	swait.ge [sflag:s23], $0x1  }
0xa3: {  	[sflag:s23] =	ssyncset.done $0x0  }
0xa4: {  	s25 =	simm.s32 $0x1B8E;
	s24 =	sld [smem:$0x3FFE];
	[sflag:s23] =	ssyncadd.s32 $0xFFFFFFFF  }
0xa5: {  	s26 =	simm.s32 $execute0_lowered;
	[smem:$0x3FD2] =	sst s25  }
0xa6: {  	s4 =	sshll.u32 s26, $0x1;
	_ =	strace $0x8000004F;
	[dreg:$0x1] =	wrdreg $0xFFFFFFFF  }
0xa7: {  	s28 =	simm.s32 $_size_execute0_lowered;
	s2 =	sadd.s32 s2, s4;
	[dreg:$0x0] =	wrdreg $0x0  }
0xa8: {  	s4 =	sshll.u32 s28, $0x1;
	[dreg:$0x2] =	wrdreg s2  }
0xa9: {  	[dreg:$0x3] =	wrdreg s4  }
0xaa: {  	[dreg:$0x4] =	wrdreg $0xC0  }
0xab: {  	_ =	task [dreg:s6], $0x5FFFF  }
0xac: {  	[dreg:$0x1] =	wrdreg $0xFFFFFFFF  }
0xad: {  	[dreg:$0x0] =	wrdreg $0x60  }
0xae: {  	[dreg:$0x2] =	wrdreg s24  }
0xaf: {  	[dreg:$0x3] =	wrdreg $0x9  }
0xb0: {  	_ =	task.clear_ibuf [dreg:s6], $0x4FFFF;
	_ =	strace $0x9000004F  }
0xb1: {  	s29 =	simm.s32 $0x9;
	_ =	strace $0x80000051  }
0xb2: {  	_ =	swait.ge [sflag:s29], $0x1  }
0xb3: {  	[sflag:s29] =	ssyncadd.s32 $0xFFFFFFFF  }
0xb4: {  	_ =	strace $0x90000051  }
0xb5: {  	_ =	sfence  }
0xb6: {  	s30 =	sld [smem:$0x0];
	_ =	sdelay $0x2  }
0xb7: {  	s31 =	sshll.u32 s1, $0xD;
	s1 =	sshrl.u32 s1, $0x2  }
0xb8: {  	s3 =	sand.u32 $0x4000, s31;
	s1 =	sadd.s32 s1, s30  }
0xb9: {  	s0 =	sor.u32 s3, s0;
	s1 =	sshll.u32 s1, $0x11  }
0xba: {  	s0 =	sor.u32 s1, s0  }
0xbb: {  	s0 =	sadd.s32 $0x8F2B, s0  }
0xbc: {  	[sflag:s0] =	ssyncadd.remote.s32 $0x1  }
0xbd: {  	_ =	sfence.sel $0xFFFF  }
0xbe: {  	[dreg:$0x0] =	wrdreg $0xFFFFFFFF;
	(pc) =	sbr.abs _section_cstart, $3  }
0xbf: {  	[dreg:$0x1] =	wrdreg $0xFFFFFFFF  }
0xc0: {  	_ =	task.clear_ibuf [dreg:s6], $0x2FFFF;
	_ =	strace $0x9FFFFFFF  }
0xc1: {  	(tm) =	ssettm $0x7FFFFFFF  }
tec
execute0_lowered:
.L_overlay_start_1:
0x0: {  	(tag) =	ssettag $0x1  }
0x1: {  	s4 =	rddreg [dreg:$0x0]  }
0x2: {  	s0 =	rddreg [dreg:$0x1];
	s3 =	srdreg.scid  }
0x3: {  	s1 =	stileid.u32;
	s2 =	simm.s32 $0x0;
	s8 =	simm.s32 $0x70  }
0x4: {  	s9 =	simm.s32 $0x800;
	s10 =	simm.s32 $0x4000;
	s11 =	simm.s32 $0x1  }
0x5: {  	s12 =	simm.s32 $0x2;
	s13 =	simm.s32 $0x7800;
	s14 =	simm.s32 $0x0  }
0x6: {  	s3 =	sand.u32 $0x1, s3;
	s5 =	sshll.u32 s1, $0x1;
	[smem:$0x7FF] =	sst s2  }
0x7: {  	s20 =	simm.s32 $0x0;
	s5 =	sor.u32 s3, s5;
	_ =	strace $0x80000050  }
0x8: {  	s7 =	ssub.s32 $0x2, s3;
	s3 =	sadd.s32 $0x2E00, s4;
	s6 =	sshll.u32 s5, $0x8  }
0x9: {  	s5 =	sshll.u32 s5, $0x9;
	s31 =	sshrl.u32 s7, $0x1;
	s6 =	sadd.s32 s6, s4  }
0xa: {  	s5 =	sadd.s32 s5, s4;
	s7 =	ssub.s32 s7, s31;
	s4 =	sadd.s32 $0x3AE00, s6  }
0xb: {  	s5 =	sadd.s32 $0x2AE00, s5;
	s6 =	smax.u32 s7, $0x1;
	s7 =	simm.s32 $0x3  }
.LBB2_1:
0xc: {  	[tilespmem:s2], [sflag:$0x3] =	stream.linear.gather [hbm4b:s4+s2], $0x800, $0x38;
	[tilespmem:$0x8800] =	vst v63  }
0xd: {  	_ =	swait.ge [sflag:s7], $0x800  }
0xe: {  	[sflag:s7] =	ssyncset.done $0x0  }
0xf: {  	s15 =	simm.s32 $0x0;
	[sflag:s7] =	ssyncadd.s32 $0xFFFFF800  }
0x10: {  	[tilespmem:s9], [sflag:$0x1] =	stream.indirect.gather [hbm4b:s3+s8], $0x80, s2, s8, $0xb8;
	[tilespmem:$0x8800] =	vst v63  }
.LBB2_2:
0x11: {  	s16 =	sshllo.u32 s15, $0x1  }
0x12: {  	s17 =	sshll.u32 s16, $0x7  }
0x13: {  	s17 =	sand.u32 $0x3FFFFF80, s17  }
0x14: {  	[tilespmem:s10], [sflag:$0x2] =	stream.indirect.gather [hbm4b:s3+s8], $0x80, s17, s8, $0xb8;
	[tilespmem:$0x8800] =	vst v63  }
0x15: {  	_ =	swait.ge [sflag:s11], $0x3800  }
0x16: {  	[sflag:s11] =	ssyncset.done $0x0  }
0x17: {  	s19 =	simm.s32 $0x0;
	[sflag:s11] =	ssyncadd.s32 $0xFFFFC800  }
0x18: {  	v0 =	vld [tilespmem:s19+$0x870]  }
0x19: {  	v1 =	vld [tilespmem:s19+$0x800]  }
0x1a: {  	v3 =	vld [tilespmem:s19+$0x810]  }
0x1b: {  	v12 =	vld [tilespmem:s19+$0x820]  }
0x1c: {  	v10 =	vld [tilespmem:s19+$0x830]  }
0x1d: {  	v2 =	vimm.f32 $0.0e+00;
	v6 =	vimm.f32 $0.0e+00;
	v5 =	vld [tilespmem:s19+$0x840]  }
0x1e: {  	v7 =	vimm.f32 $0.0e+00;
	v8 =	vld [tilespmem:s19+$0x850];
	v0 =	vadd.f32 v0, v2;
	v9 =	vadd.f32 v1, v2  }
0x1f: {  	s18 =	simm.s32 $0x400;
	s17 =	simm.s32 $0x80;
	v11 =	vld [tilespmem:s19+$0x860];
	v4 =	vadd.f32 v3, v2;
	v3 =	vimm.f32 $0.0e+00;
	v1 =	vimm.f32 $0.0e+00  }
.LBB2_3:
0x20: {  	p0 =	sne.s32 s18, $0x6200;
	v13 =	vld [tilespmem:s17+$0x870];
	v2 =	vadd.f32 v12, v2  }
0x21: {  	v14 =	vld [tilespmem:s17+$0x800];
	v6 =	vadd.f32 v10, v6  }
0x22: {  	v15 =	vld [tilespmem:s17+$0x810];
	v7 =	vadd.f32 v5, v7  }
.Ltmp0:
0x23: {  	v12 =	vld [tilespmem:s17+$0x820];
	v3 =	vadd.f32 v8, v3;
	(pc) =	sbr.rel @p0 .LBB2_3-.Ltmp0, $4  }
0x24: {  	v10 =	vld [tilespmem:s17+$0x830];
	v1 =	vadd.f32 v11, v1  }
0x25: {  	v5 =	vld [tilespmem:s17+$0x840];
	v0 =	vadd.f32 v13, v0  }
0x26: {  	v9 =	vadd.f32 v14, v9;
	v8 =	vld [tilespmem:s17+$0x850]  }
0x27: {  	v4 =	vadd.f32 v15, v4;
	v11 =	vld [tilespmem:s17+$0x860];
	s17 =	sshra.s32 s18, $0x2;
	s18 =	sadd.s32 $0x200, s18  }
0x28: {  	v13 =	vld [tilespmem:s17+$0x870]  }
0x29: {  	v14 =	vld [tilespmem:s17+$0x800]  }
0x2a: {  	v15 =	vld [tilespmem:s17+$0x810]  }
0x2b: {  	v16 =	vld [tilespmem:s17+$0x820]  }
0x2c: {  	v17 =	vld [tilespmem:s17+$0x830]  }
0x2d: {  	v18 =	vld [tilespmem:s17+$0x840];
	v2 =	vadd.f32 v12, v2  }
0x2e: {  	s18 =	sshll.u32 s15, $0x9;
	v6 =	vadd.f32 v10, v6;
	v10 =	vld [tilespmem:s17+$0x860];
	v9 =	vadd.f32 v14, v9  }
0x2f: {  	v12 =	vld [tilespmem:s17+$0x850];
	s17 =	sand.u32 $0x3FFFFE00, s18;
	v4 =	vadd.f32 v15, v4  }
0x30: {  	v2 =	vadd.f32 v16, v2;
	[tilespmem:s17+$0x7800] =	vst v9  }
0x31: {  	v1 =	vadd.f32 v11, v1;
	v6 =	vadd.f32 v17, v6;
	[tilespmem:s17+$0x7810] =	vst v4  }
0x32: {  	v5 =	vadd.f32 v5, v7;
	v0 =	vadd.f32 v13, v0;
	[tilespmem:s17+$0x7820] =	vst v2  }
0x33: {  	v3 =	vadd.f32 v8, v3;
	v1 =	vadd.f32 v10, v1;
	[tilespmem:s17+$0x7830] =	vst v6  }
0x34: {  	v4 =	vadd.f32 v18, v5;
	[tilespmem:s17+$0x7870] =	vst v0  }
0x35: {  	v2 =	vadd.f32 v12, v3;
	[tilespmem:s17+$0x7860] =	vst v1  }
0x36: {  	[tilespmem:s17+$0x7840] =	vst v4  }
0x37: {  	[tilespmem:s17+$0x7850] =	vst v2  }
0x38: {  	v0 =	vld [tilespmem:s20+$0x2470]  }
0x39: {  	v2 =	vld [tilespmem:s20+$0x2400]  }
0x3a: {  	v3 =	vld [tilespmem:s20+$0x2410]  }
0x3b: {  	v11 =	vld [tilespmem:s20+$0x2420]  }
0x3c: {  	v10 =	vld [tilespmem:s20+$0x2430]  }
0x3d: {  	v8 =	vimm.f32 $0.0e+00;
	v1 =	vimm.f32 $0.0e+00;
	v7 =	vld [tilespmem:s20+$0x2440]  }
0x3e: {  	v6 =	vimm.f32 $0.0e+00;
	v4 =	vimm.f32 $0.0e+00;
	v9 =	vld [tilespmem:s20+$0x2450];
	v0 =	vadd.f32 v0, v1  }
0x3f: {  	s19 =	simm.s32 $0x400;
	s18 =	simm.s32 $0x80;
	v12 =	vld [tilespmem:s20+$0x2460];
	v5 =	vadd.f32 v2, v1;
	v3 =	vadd.f32 v3, v1;
	v2 =	vimm.f32 $0.0e+00  }
.LBB2_5:
0x40: {  	p0 =	sne.s32 s19, $0x6200;
	v13 =	vld [tilespmem:s18+$0x2470];
	v1 =	vadd.f32 v11, v1  }
0x41: {  	v14 =	vld [tilespmem:s18+$0x2400];
	v6 =	vadd.f32 v10, v6  }
0x42: {  	v15 =	vld [tilespmem:s18+$0x2410];
	v8 =	vadd.f32 v7, v8  }
.Ltmp1:
0x43: {  	v11 =	vld [tilespmem:s18+$0x2420];
	v4 =	vadd.f32 v9, v4;
	(pc) =	sbr.rel @p0 .LBB2_5-.Ltmp1, $4  }
0x44: {  	v10 =	vld [tilespmem:s18+$0x2430];
	v2 =	vadd.f32 v12, v2  }
0x45: {  	v7 =	vld [tilespmem:s18+$0x2440];
	v0 =	vadd.f32 v13, v0  }
0x46: {  	v5 =	vadd.f32 v14, v5;
	v9 =	vld [tilespmem:s18+$0x2450]  }
0x47: {  	v3 =	vadd.f32 v15, v3;
	v12 =	vld [tilespmem:s18+$0x2460];
	s18 =	sshra.s32 s19, $0x2;
	s19 =	sadd.s32 $0x200, s19  }
0x48: {  	v14 =	vld [tilespmem:s18+$0x2400]  }
0x49: {  	v15 =	vld [tilespmem:s18+$0x2410]  }
0x4a: {  	v16 =	vld [tilespmem:s18+$0x2420]  }
0x4b: {  	v13 =	vld [tilespmem:s18+$0x2470]  }
0x4c: {  	v6 =	vadd.f32 v10, v6;
	v10 =	vld [tilespmem:s18+$0x2460]  }
0x4d: {  	v17 =	vld [tilespmem:s18+$0x2430];
	v1 =	vadd.f32 v11, v1;
	v5 =	vadd.f32 v14, v5  }
0x4e: {  	v18 =	vld [tilespmem:s18+$0x2440];
	v3 =	vadd.f32 v15, v3  }
0x4f: {  	v11 =	vld [tilespmem:s18+$0x2450];
	v2 =	vadd.f32 v12, v2;
	v1 =	vadd.f32 v16, v1;
	[tilespmem:s17+$0x7880] =	vst v5  }
0x50: {  	v0 =	vadd.f32 v13, v0;
	[tilespmem:s17+$0x7890] =	vst v3  }
0x51: {  	v7 =	vadd.f32 v7, v8;
	v2 =	vadd.f32 v10, v2;
	[tilespmem:s17+$0x78A0] =	vst v1  }
0x52: {  	v4 =	vadd.f32 v9, v4;
	v5 =	vadd.f32 v17, v6;
	[tilespmem:s17+$0x78F0] =	vst v0  }
0x53: {  	p0 =	seq.s32 s15, $0x7;
	v3 =	vadd.f32 v18, v7;
	[tilespmem:s17+$0x78E0] =	vst v2  }
0x54: {  	s18 =	sshll.u32 @!p0 s15, $0x8;
	v1 =	vadd.f32 v11, v4;
	[tilespmem:s17+$0x78B0] =	vst v5  }
0x55: {  	s18 =	sand.u32 @!p0 $0x3FFFFF00, s18;
	[tilespmem:s17+$0x78C0] =	vst v3  }
0x56: {  	s19 =	simm.s32 @!p0 $0x800;
	[tilespmem:s17+$0x78D0] =	vst v1;
	s17 =	sadd.s32 @!p0 $0x100, s18;
	s18 =	simm.s32 @!p0 $0x70  }
0x57: {  	[tilespmem:s19], [sflag:$0x1] =	stream.indirect.gather @!p0 [hbm4b:s3+s18], $0x80, s17, s18, $0xb8;
	[tilespmem:$0x8800] =	vst v63  }
0x58: {  	_ =	swait.ge [sflag:s12], $0x3800  }
0x59: {  	[sflag:s12] =	ssyncset.done $0x0  }
0x5a: {  	s31 =	simm.s32 $0x0;
	[sflag:s12] =	ssyncadd.s32 $0xFFFFC800  }
0x5b: {  	v0 =	vld [tilespmem:s31+$0x4070]  }
0x5c: {  	v1 =	vld [tilespmem:s31+$0x4000]  }
0x5d: {  	v3 =	vld [tilespmem:s31+$0x4010]  }
0x5e: {  	v12 =	vld [tilespmem:s31+$0x4020]  }
0x5f: {  	v10 =	vld [tilespmem:s31+$0x4030]  }
0x60: {  	v6 =	vimm.f32 $0.0e+00;
	v2 =	vimm.f32 $0.0e+00;
	v5 =	vld [tilespmem:s31+$0x4040]  }
0x61: {  	v7 =	vimm.f32 $0.0e+00;
	v8 =	vld [tilespmem:s31+$0x4050];
	v0 =	vadd.f32 v0, v2;
	v9 =	vadd.f32 v1, v2  }
0x62: {  	s17 =	simm.s32 $0x80;
	s18 =	simm.s32 $0x400;
	v11 =	vld [tilespmem:s31+$0x4060];
	v4 =	vadd.f32 v3, v2;
	v3 =	vimm.f32 $0.0e+00;
	v1 =	vimm.f32 $0.0e+00  }
.LBB2_7:
0x63: {  	p0 =	sne.s32 s18, $0x6200;
	v13 =	vld [tilespmem:s17+$0x4070];
	v2 =	vadd.f32 v12, v2  }
0x64: {  	v14 =	vld [tilespmem:s17+$0x4000];
	v6 =	vadd.f32 v10, v6  }
0x65: {  	v15 =	vld [tilespmem:s17+$0x4010];
	v7 =	vadd.f32 v5, v7  }
.Ltmp2:
0x66: {  	v12 =	vld [tilespmem:s17+$0x4020];
	v3 =	vadd.f32 v8, v3;
	(pc) =	sbr.rel @p0 .LBB2_7-.Ltmp2, $4  }
0x67: {  	v10 =	vld [tilespmem:s17+$0x4030];
	v1 =	vadd.f32 v11, v1  }
0x68: {  	v5 =	vld [tilespmem:s17+$0x4040];
	v0 =	vadd.f32 v13, v0  }
0x69: {  	v9 =	vadd.f32 v14, v9;
	v8 =	vld [tilespmem:s17+$0x4050]  }
0x6a: {  	v4 =	vadd.f32 v15, v4;
	v11 =	vld [tilespmem:s17+$0x4060];
	s17 =	sshra.s32 s18, $0x2;
	s18 =	sadd.s32 $0x200, s18  }
0x6b: {  	v14 =	vld [tilespmem:s17+$0x4000]  }
0x6c: {  	v15 =	vld [tilespmem:s17+$0x4010]  }
0x6d: {  	v16 =	vld [tilespmem:s17+$0x4020]  }
0x6e: {  	v17 =	vld [tilespmem:s17+$0x4030]  }
0x6f: {  	v13 =	vld [tilespmem:s17+$0x4070];
	v2 =	vadd.f32 v12, v2  }
0x70: {  	s16 =	sshll.u32 s16, $0x8;
	v6 =	vadd.f32 v10, v6;
	v10 =	vld [tilespmem:s17+$0x4060];
	v9 =	vadd.f32 v14, v9  }
0x71: {  	v18 =	vld [tilespmem:s17+$0x4040];
	s16 =	sand.u32 $0x3FFFFF00, s16;
	v4 =	vadd.f32 v15, v4  }
0x72: {  	v12 =	vld [tilespmem:s17+$0x4050];
	v2 =	vadd.f32 v16, v2;
	[tilespmem:s16+$0x7800] =	vst v9  }
0x73: {  	v1 =	vadd.f32 v11, v1;
	v6 =	vadd.f32 v17, v6;
	[tilespmem:s16+$0x7810] =	vst v4  }
0x74: {  	v5 =	vadd.f32 v5, v7;
	v0 =	vadd.f32 v13, v0;
	[tilespmem:s16+$0x7820] =	vst v2  }
0x75: {  	v3 =	vadd.f32 v8, v3;
	v1 =	vadd.f32 v10, v1;
	[tilespmem:s16+$0x7830] =	vst v6  }
0x76: {  	v4 =	vadd.f32 v18, v5;
	[tilespmem:s16+$0x7870] =	vst v0  }
0x77: {  	v2 =	vadd.f32 v12, v3;
	[tilespmem:s16+$0x7860] =	vst v1  }
0x78: {  	[tilespmem:s16+$0x7840] =	vst v4  }
0x79: {  	s19 =	simm.s32 $0x0;
	[tilespmem:s16+$0x7850] =	vst v2  }
0x7a: {  	v0 =	vld [tilespmem:s19+$0x5C70]  }
0x7b: {  	v2 =	vld [tilespmem:s19+$0x5C00]  }
0x7c: {  	v3 =	vld [tilespmem:s19+$0x5C10]  }
0x7d: {  	v11 =	vld [tilespmem:s19+$0x5C20]  }
0x7e: {  	v10 =	vld [tilespmem:s19+$0x5C30]  }
0x7f: {  	v8 =	vimm.f32 $0.0e+00;
	v1 =	vimm.f32 $0.0e+00;
	v7 =	vld [tilespmem:s19+$0x5C40]  }
0x80: {  	v6 =	vimm.f32 $0.0e+00;
	v4 =	vimm.f32 $0.0e+00;
	v9 =	vld [tilespmem:s19+$0x5C50];
	v0 =	vadd.f32 v0, v1  }
0x81: {  	s18 =	simm.s32 $0x400;
	s17 =	simm.s32 $0x80;
	v12 =	vld [tilespmem:s19+$0x5C60];
	v5 =	vadd.f32 v2, v1;
	v3 =	vadd.f32 v3, v1;
	v2 =	vimm.f32 $0.0e+00  }
.LBB2_9:
0x82: {  	p0 =	sne.s32 s18, $0x6200;
	v13 =	vld [tilespmem:s17+$0x5C70];
	v1 =	vadd.f32 v11, v1  }
0x83: {  	v14 =	vld [tilespmem:s17+$0x5C00];
	v6 =	vadd.f32 v10, v6  }
0x84: {  	v15 =	vld [tilespmem:s17+$0x5C10];
	v8 =	vadd.f32 v7, v8  }
.Ltmp3:
0x85: {  	v11 =	vld [tilespmem:s17+$0x5C20];
	v4 =	vadd.f32 v9, v4;
	(pc) =	sbr.rel @p0 .LBB2_9-.Ltmp3, $4  }
0x86: {  	v10 =	vld [tilespmem:s17+$0x5C30];
	v2 =	vadd.f32 v12, v2  }
0x87: {  	v7 =	vld [tilespmem:s17+$0x5C40];
	v0 =	vadd.f32 v13, v0  }
0x88: {  	v5 =	vadd.f32 v14, v5;
	v9 =	vld [tilespmem:s17+$0x5C50]  }
0x89: {  	v3 =	vadd.f32 v15, v3;
	v12 =	vld [tilespmem:s17+$0x5C60];
	s17 =	sshra.s32 s18, $0x2;
	s18 =	sadd.s32 $0x200, s18  }
0x8a: {  	v14 =	vld [tilespmem:s17+$0x5C00]  }
0x8b: {  	v15 =	vld [tilespmem:s17+$0x5C10]  }
0x8c: {  	v16 =	vld [tilespmem:s17+$0x5C20]  }
0x8d: {  	v17 =	vld [tilespmem:s17+$0x5C30]  }
0x8e: {  	v18 =	vld [tilespmem:s17+$0x5C40]  }
0x8f: {  	v1 =	vadd.f32 v11, v1;
	v59 =	vld [tilespmem:s17+$0x5C50];
	v5 =	vadd.f32 v14, v5  }
0x90: {  	v13 =	vld [tilespmem:s17+$0x5C70];
	v6 =	vadd.f32 v10, v6;
	v3 =	vadd.f32 v15, v3  }
0x91: {  	v60 =	vld [tilespmem:s17+$0x5C60];
	v7 =	vadd.f32 v7, v8;
	v1 =	vadd.f32 v16, v1;
	[tilespmem:s16+$0x7880] =	vst v5  }
0x92: {  	s15 =	sadd.s32 $0x1, s15;
	v4 =	vadd.f32 v9, v4;
	v61 =	vadd.f32 v17, v6;
	[tilespmem:s16+$0x7890] =	vst v3  }
0x93: {  	p0 =	sne.s32 s15, $0x8;
	v62 =	vadd.f32 v18, v7;
	[tilespmem:s16+$0x78A0] =	vst v1  }
.Ltmp4:
0x94: {  	v2 =	vadd.f32 v12, v2;
	v63 =	vadd.f32 v59, v4;
	[tilespmem:s16+$0x78B0] =	vst v61;
	(pc) =	sbr.rel @p0 .LBB2_2-.Ltmp4, $4  }
0x95: {  	v0 =	vadd.f32 v13, v0;
	[tilespmem:s16+$0x78C0] =	vst v62  }
0x96: {  	v2 =	vadd.f32 v60, v2;
	[tilespmem:s16+$0x78D0] =	vst v63  }
0x97: {  	[tilespmem:s16+$0x78F0] =	vst v0  }
0x98: {  	[tilespmem:s16+$0x78E0] =	vst v2  }
0x99: {  	s14 =	sadd.s32 $0x1, s14  }
0x9a: {  	p0 =	sne.s32 s14, s6  }
.Ltmp5:
0x9b: {  	_ = 	snop;
	(pc) =	sbr.rel @p0 .LBB2_1-.Ltmp5, $4  }
0x9c: {  	[hbm4b:s5+s2] =	stream.linear.scatter [tilespmem:s13], [sflag:$0x3], $0x1000, $0x38;
	[tilespmem:$0x8800] =	vst v63  }
0x9d: {  	_ =	swait.ge [sflag:s7], $0x1000  }
0x9e: {  	[sflag:s7] =	ssyncset.done $0x0  }
0x9f: {  	[sflag:s7] =	ssyncadd.s32 $0xFFFFF000  }
0xa0: {  	_ =	sfence.sel $0x180000  }
0xa1: {  	[bflag:$0x0] =	sbarrier.arrive $0xFFFF  }
0xa2: {  	p0 =	sne.s32 s1, $0x0;
	_ =	strace $0x90000050  }
0xa3: {  	s0 =	sadd.s32 @!p0 $0x100000, s0;
	[bflag:$0x2] =	sbarrier.arrive $0xFFFF  }
0xa4: {  	[sflag:s0] =	ssyncadd.tile.s32 @!p0 $0x1;
	_ =	shalt  }
.Lfunc_end2:
_tile_overlayer_lowered:
.L_overlay_start_2:
0xa5: {  	(tag) =	ssettag $0x2  }
0xa6: {  	s0 =	rddreg [dreg:$0x0];
	s2 =	stileid.u32  }
0xa7: {  	s1 =	rddreg [dreg:$0x1];
	p0 =	sne.s32 s2, $0x0  }
0xa8: {  	s3 =	rddreg [dreg:$0x2];
	[bflag:$0x3] =	sbarrier.arrive $0xFFFF;
	s2 =	simm.s32 @!p0 $0x1C03  }
0xa9: {  	[timem:s3], [sflag:s2] =	dma.local @!p0 [hbm:s0], s1  }
0xaa: {  	s0 =	simm.s32 @!p0 $0x3  }
0xab: {  	_ =	swait.ge @!p0 [sflag:s0], s1  }
0xac: {  	s1 =	ssub.s32 @!p0 $0x0, s1;
	[sflag:s0] =	ssyncset.done @!p0 $0x0  }
0xad: {  	[sflag:s0] =	ssyncadd.s32 @!p0 s1  }
0xae: {  	[bflag:$0x3] =	sbarrier.arrive $0xFFFF  }
0xaf: {  	_ =	shalt  }

</sc_bundles>
